<compile_context>
chip_gen: v7x
topology: tpu7x:2x2x1
jax: 0.10.2.dev20260603
libtpu: 0.0.44.dev20260713+nightly
codegen_flags: <defaults>
</compile_context>

<pallas_src>
import functools

import jax
import jax.numpy as jnp
from jax import lax
from jax.experimental import pallas as pl
from jax.experimental.pallas import tpu as pltpu
from jax.experimental.pallas import tpu_sc as plsc

_T = 8192
_D = 1024
_B = 4
_NW = 32
_CH = 16
_TPW = _T // _NW
_NCH = _TPW // _CH

_SC_SCRATCH = [
    pltpu.VMEM((_CH, _D), jnp.float32),
    pltpu.VMEM((_CH, _D), jnp.float32),
    pltpu.VMEM((_CH, _D), jnp.float32),
    pltpu.VMEM((_CH, _D), jnp.float32),
    pltpu.VMEM((_CH, _D), jnp.float32),
    pltpu.VMEM((_CH, _D), jnp.float32),
    pltpu.SemaphoreType.DMA,
    pltpu.SemaphoreType.DMA,
    pltpu.SemaphoreType.DMA,
    pltpu.SemaphoreType.DMA,
    pltpu.SemaphoreType.DMA,
    pltpu.SemaphoreType.DMA,
    pltpu.SemaphoreType.DMA,
    pltpu.SemaphoreType.DMA,
    pltpu.SemaphoreType.DMA,
    pltpu.SemaphoreType.DMA,
]


def _vadd_chunk(xb, pb):
    @plsc.parallel_loop(0, _D, step=16)
    def vloop(o):
        for r in range(_CH):
            plsc.addupdate(xb.at[r, pl.ds(o, 16)], pb[r, pl.ds(o, 16)])


def _sc_body(batches, x_hbm, pe_hbm, out_hbm,
             xb0, xb1, xb2, xb3, pb0, pb1,
             sx0, sx1, sx2, sx3, sp0, sp1, so0, so1, so2, so3):
    xbufs = (xb0, xb1, xb2, xb3)
    pbufs = (pb0, pb1)
    sxs = (sx0, sx1, sx2, sx3)
    sps = (sp0, sp1)
    sos = (so0, so1, so2, so3)

    c = lax.axis_index("c")
    s = lax.axis_index("s")
    wid = s * 2 + c
    row0 = wid * _TPW

    steps = [(i, b) for i in range(_NCH) for b in batches]
    n = len(steps)
    x_desc = [None] * n
    o_desc = [None] * n
    p_desc = [None] * _NCH

    def x_slab(k):
        i, b = steps[k]
        return x_hbm.at[pl.ds(b * _T + row0 + i * _CH, _CH)]

    def o_slab(k):
        i, b = steps[k]
        bo = batches.index(b)
        return out_hbm.at[pl.ds(bo * _T + row0 + i * _CH, _CH)]

    def load_x(k):
        x_desc[k] = pltpu.async_copy(x_slab(k), xbufs[k % 4], sxs[k % 4])

    def load_pe(i):
        p_desc[i] = pltpu.async_copy(
            pe_hbm.at[pl.ds(row0 + i * _CH, _CH)], pbufs[i % 2], sps[i % 2])

    load_pe(0)
    if _NCH > 1:
        load_pe(1)
    load_x(0)
    if n > 1:
        load_x(1)

    for k, (i, b) in enumerate(steps):
        x_desc[k].wait()
        if b == batches[0]:
            p_desc[i].wait()
        _vadd_chunk(xbufs[k % 4], pbufs[i % 2])
        o_desc[k] = pltpu.async_copy(xbufs[k % 4], o_slab(k), sos[k % 4])
        if k + 2 < n:
            if k - 2 >= 0:
                o_desc[k - 2].wait()
            load_x(k + 2)
        if b == batches[-1] and i + 2 < _NCH:
            load_pe(i + 2)

    for k in range(max(0, n - 4), n):
        o_desc[k].wait()


def _sc_body_full(x_hbm, pe_hbm, out_hbm,
                  xb0, xb1, xb2, xb3, pb0, pb1,
                  sx0, sx1, sx2, sx3, sp0, sp1, so0, so1, so2, so3):
    xbufs = (xb0, xb1, xb2, xb3)
    pbufs = (pb0, pb1)
    sxs = (sx0, sx1, sx2, sx3)
    sps = (sp0, sp1)
    sos = (so0, so1, so2, so3)

    c = lax.axis_index("c")
    s = lax.axis_index("s")
    wid = s * 2 + c
    row0 = wid * _TPW

    def pe_row(i):
        return row0 + i * _CH

    def start_load_x(i, b, bi):
        pltpu.async_copy(
            x_hbm.at[pl.ds(b * _T + pe_row(i), _CH)], xbufs[bi], sxs[bi])

    def start_load_pe(i, bi):
        pltpu.async_copy(pe_hbm.at[pl.ds(pe_row(i), _CH)], pbufs[bi], sps[bi])

    def wait_load_x(bi):
        pltpu.make_async_copy(
            x_hbm.at[pl.ds(row0, _CH)], xbufs[bi], sxs[bi]).wait()

    def wait_load_pe(bi):
        pltpu.make_async_copy(
            pe_hbm.at[pl.ds(row0, _CH)], pbufs[bi], sps[bi]).wait()

    def wait_store(bi):
        pltpu.make_async_copy(
            xbufs[bi], out_hbm.at[pl.ds(row0, _CH)], sos[bi]).wait()

    start_load_pe(0, 0)
    start_load_pe(1, 1)
    start_load_x(0, 0, 0)
    start_load_x(0, 1, 1)

    @pl.loop(0, _NCH, step=2)
    def chunk_body(iv):
        for ii in range(2):
            i = iv + ii
            for b in range(_B):
                wait_load_x(b)
                if b == 0:
                    wait_load_pe(ii)

                b2 = (b + 2) % _B
                i2 = i + (1 if b >= 2 else 0)
                if ii == 0 and b <= 1:
                    @pl.when(iv >= 1)
                    def _():
                        wait_store(b2)
                else:
                    wait_store(b2)

                @pl.when(i2 < _NCH)
                def _():
                    start_load_x(i2, b2, b2)

                _vadd_chunk(xbufs[b], pbufs[ii])
                pltpu.async_copy(
                    xbufs[b], out_hbm.at[pl.ds(b * _T + pe_row(i), _CH)],
                    sos[b])
                if b == _B - 1:
                    @pl.when(i + 2 < _NCH)
                    def _():
                        start_load_pe(i + 2, ii)

    wait_store(2)
    wait_store(3)


def _sc_add(xf, pe, batches):
    if batches == (0, 1, 2, 3):
        body = _sc_body_full
    else:
        body = functools.partial(_sc_body, batches)
    return pl.kernel(
        body,
        out_type=jax.ShapeDtypeStruct((len(batches) * _T, _D), jnp.float32),
        mesh=plsc.VectorSubcoreMesh(core_axis_name="c", subcore_axis_name="s"),
        compiler_params=pltpu.CompilerParams(use_tc_tiling_on_sc=True),
        scratch_types=_SC_SCRATCH,
    )(xf, pe)


_BS = 2048


def _tc_block_body(x_ref, pe_ref, o_ref):
    o_ref[...] = x_ref[...] + pe_ref[...][None]


def _tc_add(x, pe, nb):
    T, D = pe.shape
    return pl.pallas_call(
        _tc_block_body,
        grid=(T // _BS, nb),
        in_specs=[
            pl.BlockSpec((1, _BS, D), lambda s, b: (b, s, 0)),
            pl.BlockSpec((_BS, D), lambda s, b: (s, 0)),
        ],
        out_specs=pl.BlockSpec((1, _BS, D), lambda s, b: (b, s, 0)),
        out_shape=jax.ShapeDtypeStruct((nb, T, D), x.dtype),
    )(x, pe)


def kernel(x, pe):
    B, T, D = x.shape
    out = _sc_add(x.reshape(B * T, D), pe, (0, 1, 2, 3))
    return out.reshape(B, T, D)

# --- scband reference (transcript-rebuilt; emitter-appended) ---
"""Pipeline reference for scband-positional-encoding-learned-72739566125818 (READ-ONLY COPY).

The authoritative reference and input builder live on the scoring server;
editing this copy changes nothing except your own understanding.
"""

import jax, jax.numpy as jnp
import numpy as np

D_MODEL = 1024
MAX_LEN = 8192

def setup_inputs(seed: int = 0) -> dict:
    key = jax.random.key(seed)
    k_x, k_pe = jax.random.split(key)
    x = jax.random.normal(k_x, (4, 8192, D_MODEL), dtype=jnp.float32)
    pe = 0.02 * jax.random.normal(k_pe, (MAX_LEN, D_MODEL), dtype=jnp.float32)
    return {"x": x, "pe": pe}

def reference(x, pe):
    T = x.shape[1]
    pos = jnp.arange(T)
    pos_emb = jnp.take(pe, pos, axis=0)  # [T, d_model] gather from embedding table
    return x + pos_emb[None, :, :]

if __name__ == "__main__":
    import jax
    _d = setup_inputs()
    print(jax.jit(kernel)(*tuple(_d.values())))

</pallas_src>

<mosaic_0001>
#map = affine_map<(d0, d1) -> (0, 0)>
module attributes {stable_mosaic.version = 14 : i64} {
  func.func @_sc_body_full(%arg0: i32, %arg1: i32, %arg2: memref<32768x1024xf32, #tpu.memory_space<hbm>>, %arg3: memref<8192x1024xf32, #tpu.memory_space<hbm>>, %arg4: memref<32768x1024xf32, #tpu.memory_space<hbm>>, %arg5: memref<16x1024xf32, #tpu.memory_space<vmem>>, %arg6: memref<16x1024xf32, #tpu.memory_space<vmem>>, %arg7: memref<16x1024xf32, #tpu.memory_space<vmem>>, %arg8: memref<16x1024xf32, #tpu.memory_space<vmem>>, %arg9: memref<16x1024xf32, #tpu.memory_space<vmem>>, %arg10: memref<16x1024xf32, #tpu.memory_space<vmem>>, %arg11: memref<!tpu.dma_semaphore, #tpu.memory_space<semaphore_mem>>, %arg12: memref<!tpu.dma_semaphore, #tpu.memory_space<semaphore_mem>>, %arg13: memref<!tpu.dma_semaphore, #tpu.memory_space<semaphore_mem>>, %arg14: memref<!tpu.dma_semaphore, #tpu.memory_space<semaphore_mem>>, %arg15: memref<!tpu.dma_semaphore, #tpu.memory_space<semaphore_mem>>, %arg16: memref<!tpu.dma_semaphore, #tpu.memory_space<semaphore_mem>>, %arg17: memref<!tpu.dma_semaphore, #tpu.memory_space<semaphore_mem>>, %arg18: memref<!tpu.dma_semaphore, #tpu.memory_space<semaphore_mem>>, %arg19: memref<!tpu.dma_semaphore, #tpu.memory_space<semaphore_mem>>, %arg20: memref<!tpu.dma_semaphore, #tpu.memory_space<semaphore_mem>>) attributes {dimension_semantics = [#tpu.dimension_semantics<core_parallel>, #tpu.dimension_semantics<subcore_parallel>], iteration_bounds = array<i64: 2, 16>, scalar_prefetch = 0 : i64, scratch_operands = 16 : i64, tpu.core_type = #tpu.core_type<sc_vector_subcore>, window_params = [{transform_indices = #map}, {transform_indices = #map}, {transform_indices = #map}]} {
    %mul3A = arith.constant 2 : i32
    %mul3A_0 = arith.muli %arg1, %mul3A : i32
    %add3A = arith.addi %mul3A_0, %arg0 : i32
    %mul3A_1 = arith.constant 256 : i32
    %mul3A_2 = arith.muli %add3A, %mul3A_1 : i32
    %add3A_3 = arith.constant 0 : i32
    %add3A_4 = arith.addi %mul3A_2, %add3A_3 : i32
    %dma_start3A = arith.constant 0 : i32
    %dma_start3A_5 = tpu.memref_slice %arg3[%add3A_4, %dma_start3A] : memref<8192x1024xf32, #tpu.memory_space<hbm>> -> memref<16x1024xf32, #tpu.memory_space<hbm>>
    %dma_start3A_6 = arith.constant 0 : i32
    %dma_start3A_7 = tpu.memref_slice %arg3[%add3A_4, %dma_start3A_6] : memref<8192x1024xf32, #tpu.memory_space<hbm>> -> memref<16x1024xf32, #tpu.memory_space<hbm>>
    tpu.enqueue_dma source(%dma_start3A_7 : memref<16x1024xf32, #tpu.memory_space<hbm>>) target(%arg9 : memref<16x1024xf32, #tpu.memory_space<vmem>>) target_semaphore(%arg15 : memref<!tpu.dma_semaphore, #tpu.memory_space<semaphore_mem>>)
    %add3A_8 = arith.constant 16 : i32
    %add3A_9 = arith.addi %mul3A_2, %add3A_8 : i32
    %dma_start3A_10 = arith.constant 0 : i32
    %dma_start3A_11 = tpu.memref_slice %arg3[%add3A_9, %dma_start3A_10] : memref<8192x1024xf32, #tpu.memory_space<hbm>> -> memref<16x1024xf32, #tpu.memory_space<hbm>>
    %dma_start3A_12 = arith.constant 0 : i32
    %dma_start3A_13 = tpu.memref_slice %arg3[%add3A_9, %dma_start3A_12] : memref<8192x1024xf32, #tpu.memory_space<hbm>> -> memref<16x1024xf32, #tpu.memory_space<hbm>>
    tpu.enqueue_dma source(%dma_start3A_13 : memref<16x1024xf32, #tpu.memory_space<hbm>>) target(%arg10 : memref<16x1024xf32, #tpu.memory_space<vmem>>) target_semaphore(%arg16 : memref<!tpu.dma_semaphore, #tpu.memory_space<semaphore_mem>>)
    %add3A_14 = arith.constant 0 : i32
    %add3A_15 = arith.addi %mul3A_2, %add3A_14 : i32
    %add3A_16 = arith.constant 0 : i32
    %add3A_17 = arith.addi %add3A_16, %add3A_15 : i32
    %dma_start3A_18 = arith.constant 0 : i32
    %dma_start3A_19 = tpu.memref_slice %arg2[%add3A_17, %dma_start3A_18] : memref<32768x1024xf32, #tpu.memory_space<hbm>> -> memref<16x1024xf32, #tpu.memory_space<hbm>>
    %dma_start3A_20 = arith.constant 0 : i32
    %dma_start3A_21 = tpu.memref_slice %arg2[%add3A_17, %dma_start3A_20] : memref<32768x1024xf32, #tpu.memory_space<hbm>> -> memref<16x1024xf32, #tpu.memory_space<hbm>>
    tpu.enqueue_dma source(%dma_start3A_21 : memref<16x1024xf32, #tpu.memory_space<hbm>>) target(%arg5 : memref<16x1024xf32, #tpu.memory_space<vmem>>) target_semaphore(%arg11 : memref<!tpu.dma_semaphore, #tpu.memory_space<semaphore_mem>>)
    %add3A_22 = arith.constant 0 : i32
    %add3A_23 = arith.addi %mul3A_2, %add3A_22 : i32
    %add3A_24 = arith.constant 8192 : i32
    %add3A_25 = arith.addi %add3A_24, %add3A_23 : i32
    %dma_start3A_26 = arith.constant 0 : i32
    %dma_start3A_27 = tpu.memref_slice %arg2[%add3A_25, %dma_start3A_26] : memref<32768x1024xf32, #tpu.memory_space<hbm>> -> memref<16x1024xf32, #tpu.memory_space<hbm>>
    %dma_start3A_28 = arith.constant 0 : i32
    %dma_start3A_29 = tpu.memref_slice %arg2[%add3A_25, %dma_start3A_28] : memref<32768x1024xf32, #tpu.memory_space<hbm>> -> memref<16x1024xf32, #tpu.memory_space<hbm>>
    tpu.enqueue_dma source(%dma_start3A_29 : memref<16x1024xf32, #tpu.memory_space<hbm>>) target(%arg6 : memref<16x1024xf32, #tpu.memory_space<vmem>>) target_semaphore(%arg12 : memref<!tpu.dma_semaphore, #tpu.memory_space<semaphore_mem>>)
    %scan3A = arith.constant 0 : i32
    %scan3A_30 = arith.constant 8 : i32
    %scan3A_31 = arith.addi %scan3A, %scan3A_30 : i32
    %scan3A_32 = arith.constant 1 : i32
    scf.for %scan3A_41 = %scan3A to %scan3A_31 step %scan3A_32  : i32 {
      %mul3A_42 = arith.constant 2 : i32
      %mul3A_43 = arith.muli %scan3A_41, %mul3A_42 : i32
      %add3A_44 = arith.constant 0 : i32
      %add3A_45 = arith.addi %add3A_44, %mul3A_43 : i32
      %add3A_46 = arith.constant 0 : i32
      %add3A_47 = arith.addi %add3A_45, %add3A_46 : i32
      %dma_wait3A_48 = arith.constant 0 : i32
      %dma_wait3A_49 = tpu.memref_slice %arg2[%mul3A_2, %dma_wait3A_48] : memref<32768x1024xf32, #tpu.memory_space<hbm>> -> memref<16x1024xf32, #tpu.memory_space<hbm>>
      %dma_wait3A_50 = arith.constant 0 : i32
      %dma_wait3A_51 = tpu.memref_slice %arg2[%mul3A_2, %dma_wait3A_50] : memref<32768x1024xf32, #tpu.memory_space<hbm>> -> memref<16x1024xf32, #tpu.memory_space<hbm>>
      tpu.wait_dma2 semaphore(%arg11 : memref<!tpu.dma_semaphore, #tpu.memory_space<semaphore_mem>>) src(%dma_wait3A_51 : memref<16x1024xf32, #tpu.memory_space<hbm>>) dst(%arg5 : memref<16x1024xf32, #tpu.memory_space<vmem>>)
      %dma_wait3A_52 = arith.constant 0 : i32
      %dma_wait3A_53 = tpu.memref_slice %arg3[%mul3A_2, %dma_wait3A_52] : memref<8192x1024xf32, #tpu.memory_space<hbm>> -> memref<16x1024xf32, #tpu.memory_space<hbm>>
      %dma_wait3A_54 = arith.constant 0 : i32
      %dma_wait3A_55 = tpu.memref_slice %arg3[%mul3A_2, %dma_wait3A_54] : memref<8192x1024xf32, #tpu.memory_space<hbm>> -> memref<16x1024xf32, #tpu.memory_space<hbm>>
      tpu.wait_dma2 semaphore(%arg15 : memref<!tpu.dma_semaphore, #tpu.memory_space<semaphore_mem>>) src(%dma_wait3A_55 : memref<16x1024xf32, #tpu.memory_space<hbm>>) dst(%arg9 : memref<16x1024xf32, #tpu.memory_space<vmem>>)
      %add3A_56 = arith.constant 0 : i32
      %add3A_57 = arith.addi %add3A_47, %add3A_56 : i32
      %ge3A = arith.constant 1 : i32
      %ge3A_58 = arith.cmpi sge, %add3A_45, %ge3A : i32
      %convert_element_type3A = arith.extui %ge3A_58 : i1 to i32
      %cond3A = arith.constant 0 : i32
      %cond3A_59 = arith.cmpi ne, %convert_element_type3A, %cond3A : i32
      scf.if %cond3A_59 {
        %dma_wait3A_285 = arith.constant 0 : i32
        %dma_wait3A_286 = tpu.memref_slice %arg4[%mul3A_2, %dma_wait3A_285] : memref<32768x1024xf32, #tpu.memory_space<hbm>> -> memref<16x1024xf32, #tpu.memory_space<hbm>>
        %dma_wait3A_287 = arith.constant 0 : i32
        %dma_wait3A_288 = tpu.memref_slice %arg4[%mul3A_2, %dma_wait3A_287] : memref<32768x1024xf32, #tpu.memory_space<hbm>> -> memref<16x1024xf32, #tpu.memory_space<hbm>>
        tpu.wait_dma2 semaphore(%arg19 : memref<!tpu.dma_semaphore, #tpu.memory_space<semaphore_mem>>) src(%arg7 : memref<16x1024xf32, #tpu.memory_space<vmem>>) dst(%dma_wait3A_288 : memref<16x1024xf32, #tpu.memory_space<hbm>>)
      } else {
      }
      %lt3A = arith.constant 16 : i32
      %lt3A_60 = arith.cmpi slt, %add3A_57, %lt3A : i32
      %convert_element_type3A_61 = arith.extui %lt3A_60 : i1 to i32
      %cond3A_62 = arith.constant 0 : i32
      %cond3A_63 = arith.cmpi ne, %convert_element_type3A_61, %cond3A_62 : i32
      scf.if %cond3A_63 {
        %mul3A_285 = arith.constant 16 : i32
        %mul3A_286 = arith.muli %add3A_57, %mul3A_285 : i32
        %add3A_287 = arith.addi %mul3A_2, %mul3A_286 : i32
        %add3A_288 = arith.constant 16384 : i32
        %add3A_289 = arith.addi %add3A_288, %add3A_287 : i32
        %dma_start3A_290 = arith.constant 0 : i32
        %dma_start3A_291 = tpu.memref_slice %arg2[%add3A_289, %dma_start3A_290] : memref<32768x1024xf32, #tpu.memory_space<hbm>> -> memref<16x1024xf32, #tpu.memory_space<hbm>>
        %dma_start3A_292 = arith.constant 0 : i32
        %dma_start3A_293 = tpu.memref_slice %arg2[%add3A_289, %dma_start3A_292] : memref<32768x1024xf32, #tpu.memory_space<hbm>> -> memref<16x1024xf32, #tpu.memory_space<hbm>>
        tpu.enqueue_dma source(%dma_start3A_293 : memref<16x1024xf32, #tpu.memory_space<hbm>>) target(%arg7 : memref<16x1024xf32, #tpu.memory_space<vmem>>) target_semaphore(%arg13 : memref<!tpu.dma_semaphore, #tpu.memory_space<semaphore_mem>>)
      } else {
      }
      %parallel_loop3A = arith.constant 0 : i32
      %parallel_loop3A_64 = arith.constant 1024 : i32
      %parallel_loop3A_65 = arith.constant 16 : i32
      scf.for %parallel_loop3A_285 = %parallel_loop3A to %parallel_loop3A_64 step %parallel_loop3A_65  : i32 {
        %parallel_loop3A_286 = arith.constant 0 : i32
        %parallel_loop3A_287 = arith.index_cast %parallel_loop3A_286 : i32 to index
        %parallel_loop3A_288 = arith.index_cast %parallel_loop3A_285 : i32 to index
        %parallel_loop3A_289 = tpu.vector_load %arg9[%parallel_loop3A_287, %parallel_loop3A_288] {strides = array<i32>} : memref<16x1024xf32, #tpu.memory_space<vmem>>, vector<1x16xf32>,
        %parallel_loop3A_290 = vector.shape_cast %parallel_loop3A_289 : vector<1x16xf32> to vector<16xf32>
        %parallel_loop3A_291 = arith.constant 0 : i32
        %parallel_loop3A_292 = arith.index_cast %parallel_loop3A_291 : i32 to index
        %parallel_loop3A_293 = arith.index_cast %parallel_loop3A_285 : i32 to index
        %parallel_loop3A_294 = tpu.vector_load %arg5[%parallel_loop3A_292, %parallel_loop3A_293] {strides = array<i32>} : memref<16x1024xf32, #tpu.memory_space<vmem>>, vector<1x16xf32>,
        %parallel_loop3A_295 = vector.shape_cast %parallel_loop3A_294 : vector<1x16xf32> to vector<16xf32>
        %parallel_loop3A_296 = vector.shape_cast %parallel_loop3A_290 : vector<16xf32> to vector<1x16xf32>
        tpu.vector_store %arg5[%parallel_loop3A_292, %parallel_loop3A_293], %parallel_loop3A_296 {add = true, strides = array<i32>} : memref<16x1024xf32, #tpu.memory_space<vmem>>, vector<1x16xf32>,
        %parallel_loop3A_297 = arith.constant 1 : i32
        %parallel_loop3A_298 = arith.index_cast %parallel_loop3A_297 : i32 to index
        %parallel_loop3A_299 = arith.index_cast %parallel_loop3A_285 : i32 to index
        %parallel_loop3A_300 = tpu.vector_load %arg9[%parallel_loop3A_298, %parallel_loop3A_299] {strides = array<i32>} : memref<16x1024xf32, #tpu.memory_space<vmem>>, vector<1x16xf32>,
        %parallel_loop3A_301 = vector.shape_cast %parallel_loop3A_300 : vector<1x16xf32> to vector<16xf32>
        %parallel_loop3A_302 = arith.constant 1 : i32
        %parallel_loop3A_303 = arith.index_cast %parallel_loop3A_302 : i32 to index
        %parallel_loop3A_304 = arith.index_cast %parallel_loop3A_285 : i32 to index
        %parallel_loop3A_305 = tpu.vector_load %arg5[%parallel_loop3A_303, %parallel_loop3A_304] {strides = array<i32>} : memref<16x1024xf32, #tpu.memory_space<vmem>>, vector<1x16xf32>,
        %parallel_loop3A_306 = vector.shape_cast %parallel_loop3A_305 : vector<1x16xf32> to vector<16xf32>
        %parallel_loop3A_307 = vector.shape_cast %parallel_loop3A_301 : vector<16xf32> to vector<1x16xf32>
        tpu.vector_store %arg5[%parallel_loop3A_303, %parallel_loop3A_304], %parallel_loop3A_307 {add = true, strides = array<i32>} : memref<16x1024xf32, #tpu.memory_space<vmem>>, vector<1x16xf32>,
        %parallel_loop3A_308 = arith.constant 2 : i32
        %parallel_loop3A_309 = arith.index_cast %parallel_loop3A_308 : i32 to index
        %parallel_loop3A_310 = arith.index_cast %parallel_loop3A_285 : i32 to index
        %parallel_loop3A_311 = tpu.vector_load %arg9[%parallel_loop3A_309, %parallel_loop3A_310] {strides = array<i32>} : memref<16x1024xf32, #tpu.memory_space<vmem>>, vector<1x16xf32>,
        %parallel_loop3A_312 = vector.shape_cast %parallel_loop3A_311 : vector<1x16xf32> to vector<16xf32>
        %parallel_loop3A_313 = arith.constant 2 : i32
        %parallel_loop3A_314 = arith.index_cast %parallel_loop3A_313 : i32 to index
        %parallel_loop3A_315 = arith.index_cast %parallel_loop3A_285 : i32 to index
        %parallel_loop3A_316 = tpu.vector_load %arg5[%parallel_loop3A_314, %parallel_loop3A_315] {strides = array<i32>} : memref<16x1024xf32, #tpu.memory_space<vmem>>, vector<1x16xf32>,
        %parallel_loop3A_317 = vector.shape_cast %parallel_loop3A_316 : vector<1x16xf32> to vector<16xf32>
        %parallel_loop3A_318 = vector.shape_cast %parallel_loop3A_312 : vector<16xf32> to vector<1x16xf32>
        tpu.vector_store %arg5[%parallel_loop3A_314, %parallel_loop3A_315], %parallel_loop3A_318 {add = true, strides = array<i32>} : memref<16x1024xf32, #tpu.memory_space<vmem>>, vector<1x16xf32>,
        %parallel_loop3A_319 = arith.constant 3 : i32
        %parallel_loop3A_320 = arith.index_cast %parallel_loop3A_319 : i32 to index
        %parallel_loop3A_321 = arith.index_cast %parallel_loop3A_285 : i32 to index
        %parallel_loop3A_322 = tpu.vector_load %arg9[%parallel_loop3A_320, %parallel_loop3A_321] {strides = array<i32>} : memref<16x1024xf32, #tpu.memory_space<vmem>>, vector<1x16xf32>,
        %parallel_loop3A_323 = vector.shape_cast %parallel_loop3A_322 : vector<1x16xf32> to vector<16xf32>
        %parallel_loop3A_324 = arith.constant 3 : i32
        %parallel_loop3A_325 = arith.index_cast %parallel_loop3A_324 : i32 to index
        %parallel_loop3A_326 = arith.index_cast %parallel_loop3A_285 : i32 to index
        %parallel_loop3A_327 = tpu.vector_load %arg5[%parallel_loop3A_325, %parallel_loop3A_326] {strides = array<i32>} : memref<16x1024xf32, #tpu.memory_space<vmem>>, vector<1x16xf32>,
        %parallel_loop3A_328 = vector.shape_cast %parallel_loop3A_327 : vector<1x16xf32> to vector<16xf32>
        %parallel_loop3A_329 = vector.shape_cast %parallel_loop3A_323 : vector<16xf32> to vector<1x16xf32>
        tpu.vector_store %arg5[%parallel_loop3A_325, %parallel_loop3A_326], %parallel_loop3A_329 {add = true, strides = array<i32>} : memref<16x1024xf32, #tpu.memory_space<vmem>>, vector<1x16xf32>,
        %parallel_loop3A_330 = arith.constant 4 : i32
        %parallel_loop3A_331 = arith.index_cast %parallel_loop3A_330 : i32 to index
        %parallel_loop3A_332 = arith.index_cast %parallel_loop3A_285 : i32 to index
        %parallel_loop3A_333 = tpu.vector_load %arg9[%parallel_loop3A_331, %parallel_loop3A_332] {strides = array<i32>} : memref<16x1024xf32, #tpu.memory_space<vmem>>, vector<1x16xf32>,
        %parallel_loop3A_334 = vector.shape_cast %parallel_loop3A_333 : vector<1x16xf32> to vector<16xf32>
        %parallel_loop3A_335 = arith.constant 4 : i32
        %parallel_loop3A_336 = arith.index_cast %parallel_loop3A_335 : i32 to index
        %parallel_loop3A_337 = arith.index_cast %parallel_loop3A_285 : i32 to index
        %parallel_loop3A_338 = tpu.vector_load %arg5[%parallel_loop3A_336, %parallel_loop3A_337] {strides = array<i32>} : memref<16x1024xf32, #tpu.memory_space<vmem>>, vector<1x16xf32>,
        %parallel_loop3A_339 = vector.shape_cast %parallel_loop3A_338 : vector<1x16xf32> to vector<16xf32>
        %parallel_loop3A_340 = vector.shape_cast %parallel_loop3A_334 : vector<16xf32> to vector<1x16xf32>
        tpu.vector_store %arg5[%parallel_loop3A_336, %parallel_loop3A_337], %parallel_loop3A_340 {add = true, strides = array<i32>} : memref<16x1024xf32, #tpu.memory_space<vmem>>, vector<1x16xf32>,
        %parallel_loop3A_341 = arith.constant 5 : i32
        %parallel_loop3A_342 = arith.index_cast %parallel_loop3A_341 : i32 to index
        %parallel_loop3A_343 = arith.index_cast %parallel_loop3A_285 : i32 to index
        %parallel_loop3A_344 = tpu.vector_load %arg9[%parallel_loop3A_342, %parallel_loop3A_343] {strides = array<i32>} : memref<16x1024xf32, #tpu.memory_space<vmem>>, vector<1x16xf32>,
        %parallel_loop3A_345 = vector.shape_cast %parallel_loop3A_344 : vector<1x16xf32> to vector<16xf32>
        %parallel_loop3A_346 = arith.constant 5 : i32
        %parallel_loop3A_347 = arith.index_cast %parallel_loop3A_346 : i32 to index
        %parallel_loop3A_348 = arith.index_cast %parallel_loop3A_285 : i32 to index
        %parallel_loop3A_349 = tpu.vector_load %arg5[%parallel_loop3A_347, %parallel_loop3A_348] {strides = array<i32>} : memref<16x1024xf32, #tpu.memory_space<vmem>>, vector<1x16xf32>,
        %parallel_loop3A_350 = vector.shape_cast %parallel_loop3A_349 : vector<1x16xf32> to vector<16xf32>
        %parallel_loop3A_351 = vector.shape_cast %parallel_loop3A_345 : vector<16xf32> to vector<1x16xf32>
        tpu.vector_store %arg5[%parallel_loop3A_347, %parallel_loop3A_348], %parallel_loop3A_351 {add = true, strides = array<i32>} : memref<16x1024xf32, #tpu.memory_space<vmem>>, vector<1x16xf32>,
        %parallel_loop3A_352 = arith.constant 6 : i32
        %parallel_loop3A_353 = arith.index_cast %parallel_loop3A_352 : i32 to index
        %parallel_loop3A_354 = arith.index_cast %parallel_loop3A_285 : i32 to index
        %parallel_loop3A_355 = tpu.vector_load %arg9[%parallel_loop3A_353, %parallel_loop3A_354] {strides = array<i32>} : memref<16x1024xf32, #tpu.memory_space<vmem>>, vector<1x16xf32>,
        %parallel_loop3A_356 = vector.shape_cast %parallel_loop3A_355 : vector<1x16xf32> to vector<16xf32>
        %parallel_loop3A_357 = arith.constant 6 : i32
        %parallel_loop3A_358 = arith.index_cast %parallel_loop3A_357 : i32 to index
        %parallel_loop3A_359 = arith.index_cast %parallel_loop3A_285 : i32 to index
        %parallel_loop3A_360 = tpu.vector_load %arg5[%parallel_loop3A_358, %parallel_loop3A_359] {strides = array<i32>} : memref<16x1024xf32, #tpu.memory_space<vmem>>, vector<1x16xf32>,
        %parallel_loop3A_361 = vector.shape_cast %parallel_loop3A_360 : vector<1x16xf32> to vector<16xf32>
        %parallel_loop3A_362 = vector.shape_cast %parallel_loop3A_356 : vector<16xf32> to vector<1x16xf32>
        tpu.vector_store %arg5[%parallel_loop3A_358, %parallel_loop3A_359], %parallel_loop3A_362 {add = true, strides = array<i32>} : memref<16x1024xf32, #tpu.memory_space<vmem>>, vector<1x16xf32>,
        %parallel_loop3A_363 = arith.constant 7 : i32
        %parallel_loop3A_364 = arith.index_cast %parallel_loop3A_363 : i32 to index
        %parallel_loop3A_365 = arith.index_cast %parallel_loop3A_285 : i32 to index
        %parallel_loop3A_366 = tpu.vector_load %arg9[%parallel_loop3A_364, %parallel_loop3A_365] {strides = array<i32>} : memref<16x1024xf32, #tpu.memory_space<vmem>>, vector<1x16xf32>,
        %parallel_loop3A_367 = vector.shape_cast %parallel_loop3A_366 : vector<1x16xf32> to vector<16xf32>
        %parallel_loop3A_368 = arith.constant 7 : i32
        %parallel_loop3A_369 = arith.index_cast %parallel_loop3A_368 : i32 to index
        %parallel_loop3A_370 = arith.index_cast %parallel_loop3A_285 : i32 to index
        %parallel_loop3A_371 = tpu.vector_load %arg5[%parallel_loop3A_369, %parallel_loop3A_370] {strides = array<i32>} : memref<16x1024xf32, #tpu.memory_space<vmem>>, vector<1x16xf32>,
        %parallel_loop3A_372 = vector.shape_cast %parallel_loop3A_371 : vector<1x16xf32> to vector<16xf32>
        %parallel_loop3A_373 = vector.shape_cast %parallel_loop3A_367 : vector<16xf32> to vector<1x16xf32>
        tpu.vector_store %arg5[%parallel_loop3A_369, %parallel_loop3A_370], %parallel_loop3A_373 {add = true, strides = array<i32>} : memref<16x1024xf32, #tpu.memory_space<vmem>>, vector<1x16xf32>,
        %parallel_loop3A_374 = arith.constant 8 : i32
        %parallel_loop3A_375 = arith.index_cast %parallel_loop3A_374 : i32 to index
        %parallel_loop3A_376 = arith.index_cast %parallel_loop3A_285 : i32 to index
        %parallel_loop3A_377 = tpu.vector_load %arg9[%parallel_loop3A_375, %parallel_loop3A_376] {strides = array<i32>} : memref<16x1024xf32, #tpu.memory_space<vmem>>, vector<1x16xf32>,
        %parallel_loop3A_378 = vector.shape_cast %parallel_loop3A_377 : vector<1x16xf32> to vector<16xf32>
        %parallel_loop3A_379 = arith.constant 8 : i32
        %parallel_loop3A_380 = arith.index_cast %parallel_loop3A_379 : i32 to index
        %parallel_loop3A_381 = arith.index_cast %parallel_loop3A_285 : i32 to index
        %parallel_loop3A_382 = tpu.vector_load %arg5[%parallel_loop3A_380, %parallel_loop3A_381] {strides = array<i32>} : memref<16x1024xf32, #tpu.memory_space<vmem>>, vector<1x16xf32>,
        %parallel_loop3A_383 = vector.shape_cast %parallel_loop3A_382 : vector<1x16xf32> to vector<16xf32>
        %parallel_loop3A_384 = vector.shape_cast %parallel_loop3A_378 : vector<16xf32> to vector<1x16xf32>
        tpu.vector_store %arg5[%parallel_loop3A_380, %parallel_loop3A_381], %parallel_loop3A_384 {add = true, strides = array<i32>} : memref<16x1024xf32, #tpu.memory_space<vmem>>, vector<1x16xf32>,
        %parallel_loop3A_385 = arith.constant 9 : i32
        %parallel_loop3A_386 = arith.index_cast %parallel_loop3A_385 : i32 to index
        %parallel_loop3A_387 = arith.index_cast %parallel_loop3A_285 : i32 to index
        %parallel_loop3A_388 = tpu.vector_load %arg9[%parallel_loop3A_386, %parallel_loop3A_387] {strides = array<i32>} : memref<16x1024xf32, #tpu.memory_space<vmem>>, vector<1x16xf32>,
        %parallel_loop3A_389 = vector.shape_cast %parallel_loop3A_388 : vector<1x16xf32> to vector<16xf32>
        %parallel_loop3A_390 = arith.constant 9 : i32
        %parallel_loop3A_391 = arith.index_cast %parallel_loop3A_390 : i32 to index
        %parallel_loop3A_392 = arith.index_cast %parallel_loop3A_285 : i32 to index
        %parallel_loop3A_393 = tpu.vector_load %arg5[%parallel_loop3A_391, %parallel_loop3A_392] {strides = array<i32>} : memref<16x1024xf32, #tpu.memory_space<vmem>>, vector<1x16xf32>,
        %parallel_loop3A_394 = vector.shape_cast %parallel_loop3A_393 : vector<1x16xf32> to vector<16xf32>
        %parallel_loop3A_395 = vector.shape_cast %parallel_loop3A_389 : vector<16xf32> to vector<1x16xf32>
        tpu.vector_store %arg5[%parallel_loop3A_391, %parallel_loop3A_392], %parallel_loop3A_395 {add = true, strides = array<i32>} : memref<16x1024xf32, #tpu.memory_space<vmem>>, vector<1x16xf32>,
        %parallel_loop3A_396 = arith.constant 10 : i32
        %parallel_loop3A_397 = arith.index_cast %parallel_loop3A_396 : i32 to index
        %parallel_loop3A_398 = arith.index_cast %parallel_loop3A_285 : i32 to index
        %parallel_loop3A_399 = tpu.vector_load %arg9[%parallel_loop3A_397, %parallel_loop3A_398] {strides = array<i32>} : memref<16x1024xf32, #tpu.memory_space<vmem>>, vector<1x16xf32>,
        %parallel_loop3A_400 = vector.shape_cast %parallel_loop3A_399 : vector<1x16xf32> to vector<16xf32>
        %parallel_loop3A_401 = arith.constant 10 : i32
        %parallel_loop3A_402 = arith.index_cast %parallel_loop3A_401 : i32 to index
        %parallel_loop3A_403 = arith.index_cast %parallel_loop3A_285 : i32 to index
        %parallel_loop3A_404 = tpu.vector_load %arg5[%parallel_loop3A_402, %parallel_loop3A_403] {strides = array<i32>} : memref<16x1024xf32, #tpu.memory_space<vmem>>, vector<1x16xf32>,
        %parallel_loop3A_405 = vector.shape_cast %parallel_loop3A_404 : vector<1x16xf32> to vector<16xf32>
        %parallel_loop3A_406 = vector.shape_cast %parallel_loop3A_400 : vector<16xf32> to vector<1x16xf32>
        tpu.vector_store %arg5[%parallel_loop3A_402, %parallel_loop3A_403], %parallel_loop3A_406 {add = true, strides = array<i32>} : memref<16x1024xf32, #tpu.memory_space<vmem>>, vector<1x16xf32>,
        %parallel_loop3A_407 = arith.constant 11 : i32
        %parallel_loop3A_408 = arith.index_cast %parallel_loop3A_407 : i32 to index
        %parallel_loop3A_409 = arith.index_cast %parallel_loop3A_285 : i32 to index
        %parallel_loop3A_410 = tpu.vector_load %arg9[%parallel_loop3A_408, %parallel_loop3A_409] {strides = array<i32>} : memref<16x1024xf32, #tpu.memory_space<vmem>>, vector<1x16xf32>,
        %parallel_loop3A_411 = vector.shape_cast %parallel_loop3A_410 : vector<1x16xf32> to vector<16xf32>
        %parallel_loop3A_412 = arith.constant 11 : i32
        %parallel_loop3A_413 = arith.index_cast %parallel_loop3A_412 : i32 to index
        %parallel_loop3A_414 = arith.index_cast %parallel_loop3A_285 : i32 to index
        %parallel_loop3A_415 = tpu.vector_load %arg5[%parallel_loop3A_413, %parallel_loop3A_414] {strides = array<i32>} : memref<16x1024xf32, #tpu.memory_space<vmem>>, vector<1x16xf32>,
        %parallel_loop3A_416 = vector.shape_cast %parallel_loop3A_415 : vector<1x16xf32> to vector<16xf32>
        %parallel_loop3A_417 = vector.shape_cast %parallel_loop3A_411 : vector<16xf32> to vector<1x16xf32>
        tpu.vector_store %arg5[%parallel_loop3A_413, %parallel_loop3A_414], %parallel_loop3A_417 {add = true, strides = array<i32>} : memref<16x1024xf32, #tpu.memory_space<vmem>>, vector<1x16xf32>,
        %parallel_loop3A_418 = arith.constant 12 : i32
        %parallel_loop3A_419 = arith.index_cast %parallel_loop3A_418 : i32 to index
        %parallel_loop3A_420 = arith.index_cast %parallel_loop3A_285 : i32 to index
        %parallel_loop3A_421 = tpu.vector_load %arg9[%parallel_loop3A_419, %parallel_loop3A_420] {strides = array<i32>} : memref<16x1024xf32, #tpu.memory_space<vmem>>, vector<1x16xf32>,
        %parallel_loop3A_422 = vector.shape_cast %parallel_loop3A_421 : vector<1x16xf32> to vector<16xf32>
        %parallel_loop3A_423 = arith.constant 12 : i32
        %parallel_loop3A_424 = arith.index_cast %parallel_loop3A_423 : i32 to index
        %parallel_loop3A_425 = arith.index_cast %parallel_loop3A_285 : i32 to index
        %parallel_loop3A_426 = tpu.vector_load %arg5[%parallel_loop3A_424, %parallel_loop3A_425] {strides = array<i32>} : memref<16x1024xf32, #tpu.memory_space<vmem>>, vector<1x16xf32>,
        %parallel_loop3A_427 = vector.shape_cast %parallel_loop3A_426 : vector<1x16xf32> to vector<16xf32>
        %parallel_loop3A_428 = vector.shape_cast %parallel_loop3A_422 : vector<16xf32> to vector<1x16xf32>
        tpu.vector_store %arg5[%parallel_loop3A_424, %parallel_loop3A_425], %parallel_loop3A_428 {add = true, strides = array<i32>} : memref<16x1024xf32, #tpu.memory_space<vmem>>, vector<1x16xf32>,
        %parallel_loop3A_429 = arith.constant 13 : i32
        %parallel_loop3A_430 = arith.index_cast %parallel_loop3A_429 : i32 to index
        %parallel_loop3A_431 = arith.index_cast %parallel_loop3A_285 : i32 to index
        %parallel_loop3A_432 = tpu.vector_load %arg9[%parallel_loop3A_430, %parallel_loop3A_431] {strides = array<i32>} : memref<16x1024xf32, #tpu.memory_space<vmem>>, vector<1x16xf32>,
        %parallel_loop3A_433 = vector.shape_cast %parallel_loop3A_432 : vector<1x16xf32> to vector<16xf32>
        %parallel_loop3A_434 = arith.constant 13 : i32
        %parallel_loop3A_435 = arith.index_cast %parallel_loop3A_434 : i32 to index
        %parallel_loop3A_436 = arith.index_cast %parallel_loop3A_285 : i32 to index
        %parallel_loop3A_437 = tpu.vector_load %arg5[%parallel_loop3A_435, %parallel_loop3A_436] {strides = array<i32>} : memref<16x1024xf32, #tpu.memory_space<vmem>>, vector<1x16xf32>,
        %parallel_loop3A_438 = vector.shape_cast %parallel_loop3A_437 : vector<1x16xf32> to vector<16xf32>
        %parallel_loop3A_439 = vector.shape_cast %parallel_loop3A_433 : vector<16xf32> to vector<1x16xf32>
        tpu.vector_store %arg5[%parallel_loop3A_435, %parallel_loop3A_436], %parallel_loop3A_439 {add = true, strides = array<i32>} : memref<16x1024xf32, #tpu.memory_space<vmem>>, vector<1x16xf32>,
        %parallel_loop3A_440 = arith.constant 14 : i32
        %parallel_loop3A_441 = arith.index_cast %parallel_loop3A_440 : i32 to index
        %parallel_loop3A_442 = arith.index_cast %parallel_loop3A_285 : i32 to index
        %parallel_loop3A_443 = tpu.vector_load %arg9[%parallel_loop3A_441, %parallel_loop3A_442] {strides = array<i32>} : memref<16x1024xf32, #tpu.memory_space<vmem>>, vector<1x16xf32>,
        %parallel_loop3A_444 = vector.shape_cast %parallel_loop3A_443 : vector<1x16xf32> to vector<16xf32>
        %parallel_loop3A_445 = arith.constant 14 : i32
        %parallel_loop3A_446 = arith.index_cast %parallel_loop3A_445 : i32 to index
        %parallel_loop3A_447 = arith.index_cast %parallel_loop3A_285 : i32 to index
        %parallel_loop3A_448 = tpu.vector_load %arg5[%parallel_loop3A_446, %parallel_loop3A_447] {strides = array<i32>} : memref<16x1024xf32, #tpu.memory_space<vmem>>, vector<1x16xf32>,
        %parallel_loop3A_449 = vector.shape_cast %parallel_loop3A_448 : vector<1x16xf32> to vector<16xf32>
        %parallel_loop3A_450 = vector.shape_cast %parallel_loop3A_444 : vector<16xf32> to vector<1x16xf32>
        tpu.vector_store %arg5[%parallel_loop3A_446, %parallel_loop3A_447], %parallel_loop3A_450 {add = true, strides = array<i32>} : memref<16x1024xf32, #tpu.memory_space<vmem>>, vector<1x16xf32>,
        %parallel_loop3A_451 = arith.constant 15 : i32
        %parallel_loop3A_452 = arith.index_cast %parallel_loop3A_451 : i32 to index
        %parallel_loop3A_453 = arith.index_cast %parallel_loop3A_285 : i32 to index
        %parallel_loop3A_454 = tpu.vector_load %arg9[%parallel_loop3A_452, %parallel_loop3A_453] {strides = array<i32>} : memref<16x1024xf32, #tpu.memory_space<vmem>>, vector<1x16xf32>,
        %parallel_loop3A_455 = vector.shape_cast %parallel_loop3A_454 : vector<1x16xf32> to vector<16xf32>
        %parallel_loop3A_456 = arith.constant 15 : i32
        %parallel_loop3A_457 = arith.index_cast %parallel_loop3A_456 : i32 to index
        %parallel_loop3A_458 = arith.index_cast %parallel_loop3A_285 : i32 to index
        %parallel_loop3A_459 = tpu.vector_load %arg5[%parallel_loop3A_457, %parallel_loop3A_458] {strides = array<i32>} : memref<16x1024xf32, #tpu.memory_space<vmem>>, vector<1x16xf32>,
        %parallel_loop3A_460 = vector.shape_cast %parallel_loop3A_459 : vector<1x16xf32> to vector<16xf32>
        %parallel_loop3A_461 = vector.shape_cast %parallel_loop3A_455 : vector<16xf32> to vector<1x16xf32>
        tpu.vector_store %arg5[%parallel_loop3A_457, %parallel_loop3A_458], %parallel_loop3A_461 {add = true, strides = array<i32>} : memref<16x1024xf32, #tpu.memory_space<vmem>>, vector<1x16xf32>,
      } {sc.loop_unroll_factor = 1 : i64, sc.parallel_access}
      %mul3A_66 = arith.constant 16 : i32
      %mul3A_67 = arith.muli %add3A_47, %mul3A_66 : i32
      %add3A_68 = arith.addi %mul3A_2, %mul3A_67 : i32
      %add3A_69 = arith.constant 0 : i32
      %add3A_70 = arith.addi %add3A_69, %add3A_68 : i32
      %dma_start3A_71 = arith.constant 0 : i32
      %dma_start3A_72 = tpu.memref_slice %arg4[%add3A_70, %dma_start3A_71] : memref<32768x1024xf32, #tpu.memory_space<hbm>> -> memref<16x1024xf32, #tpu.memory_space<hbm>>
      %dma_start3A_73 = arith.constant 0 : i32
      %dma_start3A_74 = tpu.memref_slice %arg4[%add3A_70, %dma_start3A_73] : memref<32768x1024xf32, #tpu.memory_space<hbm>> -> memref<16x1024xf32, #tpu.memory_space<hbm>>
      tpu.enqueue_dma source(%arg5 : memref<16x1024xf32, #tpu.memory_space<vmem>>) target(%dma_start3A_74 : memref<16x1024xf32, #tpu.memory_space<hbm>>) target_semaphore(%arg17 : memref<!tpu.dma_semaphore, #tpu.memory_space<semaphore_mem>>)
      %dma_wait3A_75 = arith.constant 0 : i32
      %dma_wait3A_76 = tpu.memref_slice %arg2[%mul3A_2, %dma_wait3A_75] : memref<32768x1024xf32, #tpu.memory_space<hbm>> -> memref<16x1024xf32, #tpu.memory_space<hbm>>
      %dma_wait3A_77 = arith.constant 0 : i32
      %dma_wait3A_78 = tpu.memref_slice %arg2[%mul3A_2, %dma_wait3A_77] : memref<32768x1024xf32, #tpu.memory_space<hbm>> -> memref<16x1024xf32, #tpu.memory_space<hbm>>
      tpu.wait_dma2 semaphore(%arg12 : memref<!tpu.dma_semaphore, #tpu.memory_space<semaphore_mem>>) src(%dma_wait3A_78 : memref<16x1024xf32, #tpu.memory_space<hbm>>) dst(%arg6 : memref<16x1024xf32, #tpu.memory_space<vmem>>)
      %add3A_79 = arith.constant 0 : i32
      %add3A_80 = arith.addi %add3A_47, %add3A_79 : i32
      %ge3A_81 = arith.constant 1 : i32
      %ge3A_82 = arith.cmpi sge, %add3A_45, %ge3A_81 : i32
      %convert_element_type3A_83 = arith.extui %ge3A_82 : i1 to i32
      %cond3A_84 = arith.constant 0 : i32
      %cond3A_85 = arith.cmpi ne, %convert_element_type3A_83, %cond3A_84 : i32
      scf.if %cond3A_85 {
        %dma_wait3A_285 = arith.constant 0 : i32
        %dma_wait3A_286 = tpu.memref_slice %arg4[%mul3A_2, %dma_wait3A_285] : memref<32768x1024xf32, #tpu.memory_space<hbm>> -> memref<16x1024xf32, #tpu.memory_space<hbm>>
        %dma_wait3A_287 = arith.constant 0 : i32
        %dma_wait3A_288 = tpu.memref_slice %arg4[%mul3A_2, %dma_wait3A_287] : memref<32768x1024xf32, #tpu.memory_space<hbm>> -> memref<16x1024xf32, #tpu.memory_space<hbm>>
        tpu.wait_dma2 semaphore(%arg20 : memref<!tpu.dma_semaphore, #tpu.memory_space<semaphore_mem>>) src(%arg8 : memref<16x1024xf32, #tpu.memory_space<vmem>>) dst(%dma_wait3A_288 : memref<16x1024xf32, #tpu.memory_space<hbm>>)
      } else {
      }
      %lt3A_86 = arith.constant 16 : i32
      %lt3A_87 = arith.cmpi slt, %add3A_80, %lt3A_86 : i32
      %convert_element_type3A_88 = arith.extui %lt3A_87 : i1 to i32
      %cond3A_89 = arith.constant 0 : i32
      %cond3A_90 = arith.cmpi ne, %convert_element_type3A_88, %cond3A_89 : i32
      scf.if %cond3A_90 {
        %mul3A_285 = arith.constant 16 : i32
        %mul3A_286 = arith.muli %add3A_80, %mul3A_285 : i32
        %add3A_287 = arith.addi %mul3A_2, %mul3A_286 : i32
        %add3A_288 = arith.constant 24576 : i32
        %add3A_289 = arith.addi %add3A_288, %add3A_287 : i32
        %dma_start3A_290 = arith.constant 0 : i32
        %dma_start3A_291 = tpu.memref_slice %arg2[%add3A_289, %dma_start3A_290] : memref<32768x1024xf32, #tpu.memory_space<hbm>> -> memref<16x1024xf32, #tpu.memory_space<hbm>>
        %dma_start3A_292 = arith.constant 0 : i32
        %dma_start3A_293 = tpu.memref_slice %arg2[%add3A_289, %dma_start3A_292] : memref<32768x1024xf32, #tpu.memory_space<hbm>> -> memref<16x1024xf32, #tpu.memory_space<hbm>>
        tpu.enqueue_dma source(%dma_start3A_293 : memref<16x1024xf32, #tpu.memory_space<hbm>>) target(%arg8 : memref<16x1024xf32, #tpu.memory_space<vmem>>) target_semaphore(%arg14 : memref<!tpu.dma_semaphore, #tpu.memory_space<semaphore_mem>>)
      } else {
      }
      %parallel_loop3A_91 = arith.constant 0 : i32
      %parallel_loop3A_92 = arith.constant 1024 : i32
      %parallel_loop3A_93 = arith.constant 16 : i32
      scf.for %parallel_loop3A_285 = %parallel_loop3A_91 to %parallel_loop3A_92 step %parallel_loop3A_93  : i32 {
        %parallel_loop3A_286 = arith.constant 0 : i32
        %parallel_loop3A_287 = arith.index_cast %parallel_loop3A_286 : i32 to index
        %parallel_loop3A_288 = arith.index_cast %parallel_loop3A_285 : i32 to index
        %parallel_loop3A_289 = tpu.vector_load %arg9[%parallel_loop3A_287, %parallel_loop3A_288] {strides = array<i32>} : memref<16x1024xf32, #tpu.memory_space<vmem>>, vector<1x16xf32>,
        %parallel_loop3A_290 = vector.shape_cast %parallel_loop3A_289 : vector<1x16xf32> to vector<16xf32>
        %parallel_loop3A_291 = arith.constant 0 : i32
        %parallel_loop3A_292 = arith.index_cast %parallel_loop3A_291 : i32 to index
        %parallel_loop3A_293 = arith.index_cast %parallel_loop3A_285 : i32 to index
        %parallel_loop3A_294 = tpu.vector_load %arg6[%parallel_loop3A_292, %parallel_loop3A_293] {strides = array<i32>} : memref<16x1024xf32, #tpu.memory_space<vmem>>, vector<1x16xf32>,
        %parallel_loop3A_295 = vector.shape_cast %parallel_loop3A_294 : vector<1x16xf32> to vector<16xf32>
        %parallel_loop3A_296 = vector.shape_cast %parallel_loop3A_290 : vector<16xf32> to vector<1x16xf32>
        tpu.vector_store %arg6[%parallel_loop3A_292, %parallel_loop3A_293], %parallel_loop3A_296 {add = true, strides = array<i32>} : memref<16x1024xf32, #tpu.memory_space<vmem>>, vector<1x16xf32>,
        %parallel_loop3A_297 = arith.constant 1 : i32
        %parallel_loop3A_298 = arith.index_cast %parallel_loop3A_297 : i32 to index
        %parallel_loop3A_299 = arith.index_cast %parallel_loop3A_285 : i32 to index
        %parallel_loop3A_300 = tpu.vector_load %arg9[%parallel_loop3A_298, %parallel_loop3A_299] {strides = array<i32>} : memref<16x1024xf32, #tpu.memory_space<vmem>>, vector<1x16xf32>,
        %parallel_loop3A_301 = vector.shape_cast %parallel_loop3A_300 : vector<1x16xf32> to vector<16xf32>
        %parallel_loop3A_302 = arith.constant 1 : i32
        %parallel_loop3A_303 = arith.index_cast %parallel_loop3A_302 : i32 to index
        %parallel_loop3A_304 = arith.index_cast %parallel_loop3A_285 : i32 to index
        %parallel_loop3A_305 = tpu.vector_load %arg6[%parallel_loop3A_303, %parallel_loop3A_304] {strides = array<i32>} : memref<16x1024xf32, #tpu.memory_space<vmem>>, vector<1x16xf32>,
        %parallel_loop3A_306 = vector.shape_cast %parallel_loop3A_305 : vector<1x16xf32> to vector<16xf32>
        %parallel_loop3A_307 = vector.shape_cast %parallel_loop3A_301 : vector<16xf32> to vector<1x16xf32>
        tpu.vector_store %arg6[%parallel_loop3A_303, %parallel_loop3A_304], %parallel_loop3A_307 {add = true, strides = array<i32>} : memref<16x1024xf32, #tpu.memory_space<vmem>>, vector<1x16xf32>,
        %parallel_loop3A_308 = arith.constant 2 : i32
        %parallel_loop3A_309 = arith.index_cast %parallel_loop3A_308 : i32 to index
        %parallel_loop3A_310 = arith.index_cast %parallel_loop3A_285 : i32 to index
        %parallel_loop3A_311 = tpu.vector_load %arg9[%parallel_loop3A_309, %parallel_loop3A_310] {strides = array<i32>} : memref<16x1024xf32, #tpu.memory_space<vmem>>, vector<1x16xf32>,
        %parallel_loop3A_312 = vector.shape_cast %parallel_loop3A_311 : vector<1x16xf32> to vector<16xf32>
        %parallel_loop3A_313 = arith.constant 2 : i32
        %parallel_loop3A_314 = arith.index_cast %parallel_loop3A_313 : i32 to index
        %parallel_loop3A_315 = arith.index_cast %parallel_loop3A_285 : i32 to index
        %parallel_loop3A_316 = tpu.vector_load %arg6[%parallel_loop3A_314, %parallel_loop3A_315] {strides = array<i32>} : memref<16x1024xf32, #tpu.memory_space<vmem>>, vector<1x16xf32>,
        %parallel_loop3A_317 = vector.shape_cast %parallel_loop3A_316 : vector<1x16xf32> to vector<16xf32>
        %parallel_loop3A_318 = vector.shape_cast %parallel_loop3A_312 : vector<16xf32> to vector<1x16xf32>
        tpu.vector_store %arg6[%parallel_loop3A_314, %parallel_loop3A_315], %parallel_loop3A_318 {add = true, strides = array<i32>} : memref<16x1024xf32, #tpu.memory_space<vmem>>, vector<1x16xf32>,
        %parallel_loop3A_319 = arith.constant 3 : i32
        %parallel_loop3A_320 = arith.index_cast %parallel_loop3A_319 : i32 to index
        %parallel_loop3A_321 = arith.index_cast %parallel_loop3A_285 : i32 to index
        %parallel_loop3A_322 = tpu.vector_load %arg9[%parallel_loop3A_320, %parallel_loop3A_321] {strides = array<i32>} : memref<16x1024xf32, #tpu.memory_space<vmem>>, vector<1x16xf32>,
        %parallel_loop3A_323 = vector.shape_cast %parallel_loop3A_322 : vector<1x16xf32> to vector<16xf32>
        %parallel_loop3A_324 = arith.constant 3 : i32
        %parallel_loop3A_325 = arith.index_cast %parallel_loop3A_324 : i32 to index
        %parallel_loop3A_326 = arith.index_cast %parallel_loop3A_285 : i32 to index
        %parallel_loop3A_327 = tpu.vector_load %arg6[%parallel_loop3A_325, %parallel_loop3A_326] {strides = array<i32>} : memref<16x1024xf32, #tpu.memory_space<vmem>>, vector<1x16xf32>,
        %parallel_loop3A_328 = vector.shape_cast %parallel_loop3A_327 : vector<1x16xf32> to vector<16xf32>
        %parallel_loop3A_329 = vector.shape_cast %parallel_loop3A_323 : vector<16xf32> to vector<1x16xf32>
        tpu.vector_store %arg6[%parallel_loop3A_325, %parallel_loop3A_326], %parallel_loop3A_329 {add = true, strides = array<i32>} : memref<16x1024xf32, #tpu.memory_space<vmem>>, vector<1x16xf32>,
        %parallel_loop3A_330 = arith.constant 4 : i32
        %parallel_loop3A_331 = arith.index_cast %parallel_loop3A_330 : i32 to index
        %parallel_loop3A_332 = arith.index_cast %parallel_loop3A_285 : i32 to index
        %parallel_loop3A_333 = tpu.vector_load %arg9[%parallel_loop3A_331, %parallel_loop3A_332] {strides = array<i32>} : memref<16x1024xf32, #tpu.memory_space<vmem>>, vector<1x16xf32>,
        %parallel_loop3A_334 = vector.shape_cast %parallel_loop3A_333 : vector<1x16xf32> to vector<16xf32>
        %parallel_loop3A_335 = arith.constant 4 : i32
        %parallel_loop3A_336 = arith.index_cast %parallel_loop3A_335 : i32 to index
        %parallel_loop3A_337 = arith.index_cast %parallel_loop3A_285 : i32 to index
        %parallel_loop3A_338 = tpu.vector_load %arg6[%parallel_loop3A_336, %parallel_loop3A_337] {strides = array<i32>} : memref<16x1024xf32, #tpu.memory_space<vmem>>, vector<1x16xf32>,
        %parallel_loop3A_339 = vector.shape_cast %parallel_loop3A_338 : vector<1x16xf32> to vector<16xf32>
        %parallel_loop3A_340 = vector.shape_cast %parallel_loop3A_334 : vector<16xf32> to vector<1x16xf32>
        tpu.vector_store %arg6[%parallel_loop3A_336, %parallel_loop3A_337], %parallel_loop3A_340 {add = true, strides = array<i32>} : memref<16x1024xf32, #tpu.memory_space<vmem>>, vector<1x16xf32>,
        %parallel_loop3A_341 = arith.constant 5 : i32
        %parallel_loop3A_342 = arith.index_cast %parallel_loop3A_341 : i32 to index
        %parallel_loop3A_343 = arith.index_cast %parallel_loop3A_285 : i32 to index
        %parallel_loop3A_344 = tpu.vector_load %arg9[%parallel_loop3A_342, %parallel_loop3A_343] {strides = array<i32>} : memref<16x1024xf32, #tpu.memory_space<vmem>>, vector<1x16xf32>,
        %parallel_loop3A_345 = vector.shape_cast %parallel_loop3A_344 : vector<1x16xf32> to vector<16xf32>
        %parallel_loop3A_346 = arith.constant 5 : i32
        %parallel_loop3A_347 = arith.index_cast %parallel_loop3A_346 : i32 to index
        %parallel_loop3A_348 = arith.index_cast %parallel_loop3A_285 : i32 to index
        %parallel_loop3A_349 = tpu.vector_load %arg6[%parallel_loop3A_347, %parallel_loop3A_348] {strides = array<i32>} : memref<16x1024xf32, #tpu.memory_space<vmem>>, vector<1x16xf32>,
        %parallel_loop3A_350 = vector.shape_cast %parallel_loop3A_349 : vector<1x16xf32> to vector<16xf32>
        %parallel_loop3A_351 = vector.shape_cast %parallel_loop3A_345 : vector<16xf32> to vector<1x16xf32>
        tpu.vector_store %arg6[%parallel_loop3A_347, %parallel_loop3A_348], %parallel_loop3A_351 {add = true, strides = array<i32>} : memref<16x1024xf32, #tpu.memory_space<vmem>>, vector<1x16xf32>,
        %parallel_loop3A_352 = arith.constant 6 : i32
        %parallel_loop3A_353 = arith.index_cast %parallel_loop3A_352 : i32 to index
        %parallel_loop3A_354 = arith.index_cast %parallel_loop3A_285 : i32 to index
        %parallel_loop3A_355 = tpu.vector_load %arg9[%parallel_loop3A_353, %parallel_loop3A_354] {strides = array<i32>} : memref<16x1024xf32, #tpu.memory_space<vmem>>, vector<1x16xf32>,
        %parallel_loop3A_356 = vector.shape_cast %parallel_loop3A_355 : vector<1x16xf32> to vector<16xf32>
        %parallel_loop3A_357 = arith.constant 6 : i32
        %parallel_loop3A_358 = arith.index_cast %parallel_loop3A_357 : i32 to index
        %parallel_loop3A_359 = arith.index_cast %parallel_loop3A_285 : i32 to index
        %parallel_loop3A_360 = tpu.vector_load %arg6[%parallel_loop3A_358, %parallel_loop3A_359] {strides = array<i32>} : memref<16x1024xf32, #tpu.memory_space<vmem>>, vector<1x16xf32>,
        %parallel_loop3A_361 = vector.shape_cast %parallel_loop3A_360 : vector<1x16xf32> to vector<16xf32>
        %parallel_loop3A_362 = vector.shape_cast %parallel_loop3A_356 : vector<16xf32> to vector<1x16xf32>
        tpu.vector_store %arg6[%parallel_loop3A_358, %parallel_loop3A_359], %parallel_loop3A_362 {add = true, strides = array<i32>} : memref<16x1024xf32, #tpu.memory_space<vmem>>, vector<1x16xf32>,
        %parallel_loop3A_363 = arith.constant 7 : i32
        %parallel_loop3A_364 = arith.index_cast %parallel_loop3A_363 : i32 to index
        %parallel_loop3A_365 = arith.index_cast %parallel_loop3A_285 : i32 to index
        %parallel_loop3A_366 = tpu.vector_load %arg9[%parallel_loop3A_364, %parallel_loop3A_365] {strides = array<i32>} : memref<16x1024xf32, #tpu.memory_space<vmem>>, vector<1x16xf32>,
        %parallel_loop3A_367 = vector.shape_cast %parallel_loop3A_366 : vector<1x16xf32> to vector<16xf32>
        %parallel_loop3A_368 = arith.constant 7 : i32
        %parallel_loop3A_369 = arith.index_cast %parallel_loop3A_368 : i32 to index
        %parallel_loop3A_370 = arith.index_cast %parallel_loop3A_285 : i32 to index
        %parallel_loop3A_371 = tpu.vector_load %arg6[%parallel_loop3A_369, %parallel_loop3A_370] {strides = array<i32>} : memref<16x1024xf32, #tpu.memory_space<vmem>>, vector<1x16xf32>,
        %parallel_loop3A_372 = vector.shape_cast %parallel_loop3A_371 : vector<1x16xf32> to vector<16xf32>
        %parallel_loop3A_373 = vector.shape_cast %parallel_loop3A_367 : vector<16xf32> to vector<1x16xf32>
        tpu.vector_store %arg6[%parallel_loop3A_369, %parallel_loop3A_370], %parallel_loop3A_373 {add = true, strides = array<i32>} : memref<16x1024xf32, #tpu.memory_space<vmem>>, vector<1x16xf32>,
        %parallel_loop3A_374 = arith.constant 8 : i32
        %parallel_loop3A_375 = arith.index_cast %parallel_loop3A_374 : i32 to index
        %parallel_loop3A_376 = arith.index_cast %parallel_loop3A_285 : i32 to index
        %parallel_loop3A_377 = tpu.vector_load %arg9[%parallel_loop3A_375, %parallel_loop3A_376] {strides = array<i32>} : memref<16x1024xf32, #tpu.memory_space<vmem>>, vector<1x16xf32>,
        %parallel_loop3A_378 = vector.shape_cast %parallel_loop3A_377 : vector<1x16xf32> to vector<16xf32>
        %parallel_loop3A_379 = arith.constant 8 : i32
        %parallel_loop3A_380 = arith.index_cast %parallel_loop3A_379 : i32 to index
        %parallel_loop3A_381 = arith.index_cast %parallel_loop3A_285 : i32 to index
        %parallel_loop3A_382 = tpu.vector_load %arg6[%parallel_loop3A_380, %parallel_loop3A_381] {strides = array<i32>} : memref<16x1024xf32, #tpu.memory_space<vmem>>, vector<1x16xf32>,
        %parallel_loop3A_383 = vector.shape_cast %parallel_loop3A_382 : vector<1x16xf32> to vector<16xf32>
        %parallel_loop3A_384 = vector.shape_cast %parallel_loop3A_378 : vector<16xf32> to vector<1x16xf32>
        tpu.vector_store %arg6[%parallel_loop3A_380, %parallel_loop3A_381], %parallel_loop3A_384 {add = true, strides = array<i32>} : memref<16x1024xf32, #tpu.memory_space<vmem>>, vector<1x16xf32>,
        %parallel_loop3A_385 = arith.constant 9 : i32
        %parallel_loop3A_386 = arith.index_cast %parallel_loop3A_385 : i32 to index
        %parallel_loop3A_387 = arith.index_cast %parallel_loop3A_285 : i32 to index
        %parallel_loop3A_388 = tpu.vector_load %arg9[%parallel_loop3A_386, %parallel_loop3A_387] {strides = array<i32>} : memref<16x1024xf32, #tpu.memory_space<vmem>>, vector<1x16xf32>,
        %parallel_loop3A_389 = vector.shape_cast %parallel_loop3A_388 : vector<1x16xf32> to vector<16xf32>
        %parallel_loop3A_390 = arith.constant 9 : i32
        %parallel_loop3A_391 = arith.index_cast %parallel_loop3A_390 : i32 to index
        %parallel_loop3A_392 = arith.index_cast %parallel_loop3A_285 : i32 to index
        %parallel_loop3A_393 = tpu.vector_load %arg6[%parallel_loop3A_391, %parallel_loop3A_392] {strides = array<i32>} : memref<16x1024xf32, #tpu.memory_space<vmem>>, vector<1x16xf32>,
        %parallel_loop3A_394 = vector.shape_cast %parallel_loop3A_393 : vector<1x16xf32> to vector<16xf32>
        %parallel_loop3A_395 = vector.shape_cast %parallel_loop3A_389 : vector<16xf32> to vector<1x16xf32>
        tpu.vector_store %arg6[%parallel_loop3A_391, %parallel_loop3A_392], %parallel_loop3A_395 {add = true, strides = array<i32>} : memref<16x1024xf32, #tpu.memory_space<vmem>>, vector<1x16xf32>,
        %parallel_loop3A_396 = arith.constant 10 : i32
        %parallel_loop3A_397 = arith.index_cast %parallel_loop3A_396 : i32 to index
        %parallel_loop3A_398 = arith.index_cast %parallel_loop3A_285 : i32 to index
        %parallel_loop3A_399 = tpu.vector_load %arg9[%parallel_loop3A_397, %parallel_loop3A_398] {strides = array<i32>} : memref<16x1024xf32, #tpu.memory_space<vmem>>, vector<1x16xf32>,
        %parallel_loop3A_400 = vector.shape_cast %parallel_loop3A_399 : vector<1x16xf32> to vector<16xf32>
        %parallel_loop3A_401 = arith.constant 10 : i32
        %parallel_loop3A_402 = arith.index_cast %parallel_loop3A_401 : i32 to index
        %parallel_loop3A_403 = arith.index_cast %parallel_loop3A_285 : i32 to index
        %parallel_loop3A_404 = tpu.vector_load %arg6[%parallel_loop3A_402, %parallel_loop3A_403] {strides = array<i32>} : memref<16x1024xf32, #tpu.memory_space<vmem>>, vector<1x16xf32>,
        %parallel_loop3A_405 = vector.shape_cast %parallel_loop3A_404 : vector<1x16xf32> to vector<16xf32>
        %parallel_loop3A_406 = vector.shape_cast %parallel_loop3A_400 : vector<16xf32> to vector<1x16xf32>
        tpu.vector_store %arg6[%parallel_loop3A_402, %parallel_loop3A_403], %parallel_loop3A_406 {add = true, strides = array<i32>} : memref<16x1024xf32, #tpu.memory_space<vmem>>, vector<1x16xf32>,
        %parallel_loop3A_407 = arith.constant 11 : i32
        %parallel_loop3A_408 = arith.index_cast %parallel_loop3A_407 : i32 to index
        %parallel_loop3A_409 = arith.index_cast %parallel_loop3A_285 : i32 to index
        %parallel_loop3A_410 = tpu.vector_load %arg9[%parallel_loop3A_408, %parallel_loop3A_409] {strides = array<i32>} : memref<16x1024xf32, #tpu.memory_space<vmem>>, vector<1x16xf32>,
        %parallel_loop3A_411 = vector.shape_cast %parallel_loop3A_410 : vector<1x16xf32> to vector<16xf32>
        %parallel_loop3A_412 = arith.constant 11 : i32
        %parallel_loop3A_413 = arith.index_cast %parallel_loop3A_412 : i32 to index
        %parallel_loop3A_414 = arith.index_cast %parallel_loop3A_285 : i32 to index
        %parallel_loop3A_415 = tpu.vector_load %arg6[%parallel_loop3A_413, %parallel_loop3A_414] {strides = array<i32>} : memref<16x1024xf32, #tpu.memory_space<vmem>>, vector<1x16xf32>,
        %parallel_loop3A_416 = vector.shape_cast %parallel_loop3A_415 : vector<1x16xf32> to vector<16xf32>
        %parallel_loop3A_417 = vector.shape_cast %parallel_loop3A_411 : vector<16xf32> to vector<1x16xf32>
        tpu.vector_store %arg6[%parallel_loop3A_413, %parallel_loop3A_414], %parallel_loop3A_417 {add = true, strides = array<i32>} : memref<16x1024xf32, #tpu.memory_space<vmem>>, vector<1x16xf32>,
        %parallel_loop3A_418 = arith.constant 12 : i32
        %parallel_loop3A_419 = arith.index_cast %parallel_loop3A_418 : i32 to index
        %parallel_loop3A_420 = arith.index_cast %parallel_loop3A_285 : i32 to index
        %parallel_loop3A_421 = tpu.vector_load %arg9[%parallel_loop3A_419, %parallel_loop3A_420] {strides = array<i32>} : memref<16x1024xf32, #tpu.memory_space<vmem>>, vector<1x16xf32>,
        %parallel_loop3A_422 = vector.shape_cast %parallel_loop3A_421 : vector<1x16xf32> to vector<16xf32>
        %parallel_loop3A_423 = arith.constant 12 : i32
        %parallel_loop3A_424 = arith.index_cast %parallel_loop3A_423 : i32 to index
        %parallel_loop3A_425 = arith.index_cast %parallel_loop3A_285 : i32 to index
        %parallel_loop3A_426 = tpu.vector_load %arg6[%parallel_loop3A_424, %parallel_loop3A_425] {strides = array<i32>} : memref<16x1024xf32, #tpu.memory_space<vmem>>, vector<1x16xf32>,
        %parallel_loop3A_427 = vector.shape_cast %parallel_loop3A_426 : vector<1x16xf32> to vector<16xf32>
        %parallel_loop3A_428 = vector.shape_cast %parallel_loop3A_422 : vector<16xf32> to vector<1x16xf32>
        tpu.vector_store %arg6[%parallel_loop3A_424, %parallel_loop3A_425], %parallel_loop3A_428 {add = true, strides = array<i32>} : memref<16x1024xf32, #tpu.memory_space<vmem>>, vector<1x16xf32>,
        %parallel_loop3A_429 = arith.constant 13 : i32
        %parallel_loop3A_430 = arith.index_cast %parallel_loop3A_429 : i32 to index
        %parallel_loop3A_431 = arith.index_cast %parallel_loop3A_285 : i32 to index
        %parallel_loop3A_432 = tpu.vector_load %arg9[%parallel_loop3A_430, %parallel_loop3A_431] {strides = array<i32>} : memref<16x1024xf32, #tpu.memory_space<vmem>>, vector<1x16xf32>,
        %parallel_loop3A_433 = vector.shape_cast %parallel_loop3A_432 : vector<1x16xf32> to vector<16xf32>
        %parallel_loop3A_434 = arith.constant 13 : i32
        %parallel_loop3A_435 = arith.index_cast %parallel_loop3A_434 : i32 to index
        %parallel_loop3A_436 = arith.index_cast %parallel_loop3A_285 : i32 to index
        %parallel_loop3A_437 = tpu.vector_load %arg6[%parallel_loop3A_435, %parallel_loop3A_436] {strides = array<i32>} : memref<16x1024xf32, #tpu.memory_space<vmem>>, vector<1x16xf32>,
        %parallel_loop3A_438 = vector.shape_cast %parallel_loop3A_437 : vector<1x16xf32> to vector<16xf32>
        %parallel_loop3A_439 = vector.shape_cast %parallel_loop3A_433 : vector<16xf32> to vector<1x16xf32>
        tpu.vector_store %arg6[%parallel_loop3A_435, %parallel_loop3A_436], %parallel_loop3A_439 {add = true, strides = array<i32>} : memref<16x1024xf32, #tpu.memory_space<vmem>>, vector<1x16xf32>,
        %parallel_loop3A_440 = arith.constant 14 : i32
        %parallel_loop3A_441 = arith.index_cast %parallel_loop3A_440 : i32 to index
        %parallel_loop3A_442 = arith.index_cast %parallel_loop3A_285 : i32 to index
        %parallel_loop3A_443 = tpu.vector_load %arg9[%parallel_loop3A_441, %parallel_loop3A_442] {strides = array<i32>} : memref<16x1024xf32, #tpu.memory_space<vmem>>, vector<1x16xf32>,
        %parallel_loop3A_444 = vector.shape_cast %parallel_loop3A_443 : vector<1x16xf32> to vector<16xf32>
        %parallel_loop3A_445 = arith.constant 14 : i32
        %parallel_loop3A_446 = arith.index_cast %parallel_loop3A_445 : i32 to index
        %parallel_loop3A_447 = arith.index_cast %parallel_loop3A_285 : i32 to index
        %parallel_loop3A_448 = tpu.vector_load %arg6[%parallel_loop3A_446, %parallel_loop3A_447] {strides = array<i32>} : memref<16x1024xf32, #tpu.memory_space<vmem>>, vector<1x16xf32>,
        %parallel_loop3A_449 = vector.shape_cast %parallel_loop3A_448 : vector<1x16xf32> to vector<16xf32>
        %parallel_loop3A_450 = vector.shape_cast %parallel_loop3A_444 : vector<16xf32> to vector<1x16xf32>
        tpu.vector_store %arg6[%parallel_loop3A_446, %parallel_loop3A_447], %parallel_loop3A_450 {add = true, strides = array<i32>} : memref<16x1024xf32, #tpu.memory_space<vmem>>, vector<1x16xf32>,
        %parallel_loop3A_451 = arith.constant 15 : i32
        %parallel_loop3A_452 = arith.index_cast %parallel_loop3A_451 : i32 to index
        %parallel_loop3A_453 = arith.index_cast %parallel_loop3A_285 : i32 to index
        %parallel_loop3A_454 = tpu.vector_load %arg9[%parallel_loop3A_452, %parallel_loop3A_453] {strides = array<i32>} : memref<16x1024xf32, #tpu.memory_space<vmem>>, vector<1x16xf32>,
        %parallel_loop3A_455 = vector.shape_cast %parallel_loop3A_454 : vector<1x16xf32> to vector<16xf32>
        %parallel_loop3A_456 = arith.constant 15 : i32
        %parallel_loop3A_457 = arith.index_cast %parallel_loop3A_456 : i32 to index
        %parallel_loop3A_458 = arith.index_cast %parallel_loop3A_285 : i32 to index
        %parallel_loop3A_459 = tpu.vector_load %arg6[%parallel_loop3A_457, %parallel_loop3A_458] {strides = array<i32>} : memref<16x1024xf32, #tpu.memory_space<vmem>>, vector<1x16xf32>,
        %parallel_loop3A_460 = vector.shape_cast %parallel_loop3A_459 : vector<1x16xf32> to vector<16xf32>
        %parallel_loop3A_461 = vector.shape_cast %parallel_loop3A_455 : vector<16xf32> to vector<1x16xf32>
        tpu.vector_store %arg6[%parallel_loop3A_457, %parallel_loop3A_458], %parallel_loop3A_461 {add = true, strides = array<i32>} : memref<16x1024xf32, #tpu.memory_space<vmem>>, vector<1x16xf32>,
      } {sc.loop_unroll_factor = 1 : i64, sc.parallel_access}
      %mul3A_94 = arith.constant 16 : i32
      %mul3A_95 = arith.muli %add3A_47, %mul3A_94 : i32
      %add3A_96 = arith.addi %mul3A_2, %mul3A_95 : i32
      %add3A_97 = arith.constant 8192 : i32
      %add3A_98 = arith.addi %add3A_97, %add3A_96 : i32
      %dma_start3A_99 = arith.constant 0 : i32
      %dma_start3A_100 = tpu.memref_slice %arg4[%add3A_98, %dma_start3A_99] : memref<32768x1024xf32, #tpu.memory_space<hbm>> -> memref<16x1024xf32, #tpu.memory_space<hbm>>
      %dma_start3A_101 = arith.constant 0 : i32
      %dma_start3A_102 = tpu.memref_slice %arg4[%add3A_98, %dma_start3A_101] : memref<32768x1024xf32, #tpu.memory_space<hbm>> -> memref<16x1024xf32, #tpu.memory_space<hbm>>
      tpu.enqueue_dma source(%arg6 : memref<16x1024xf32, #tpu.memory_space<vmem>>) target(%dma_start3A_102 : memref<16x1024xf32, #tpu.memory_space<hbm>>) target_semaphore(%arg18 : memref<!tpu.dma_semaphore, #tpu.memory_space<semaphore_mem>>)
      %dma_wait3A_103 = arith.constant 0 : i32
      %dma_wait3A_104 = tpu.memref_slice %arg2[%mul3A_2, %dma_wait3A_103] : memref<32768x1024xf32, #tpu.memory_space<hbm>> -> memref<16x1024xf32, #tpu.memory_space<hbm>>
      %dma_wait3A_105 = arith.constant 0 : i32
      %dma_wait3A_106 = tpu.memref_slice %arg2[%mul3A_2, %dma_wait3A_105] : memref<32768x1024xf32, #tpu.memory_space<hbm>> -> memref<16x1024xf32, #tpu.memory_space<hbm>>
      tpu.wait_dma2 semaphore(%arg13 : memref<!tpu.dma_semaphore, #tpu.memory_space<semaphore_mem>>) src(%dma_wait3A_106 : memref<16x1024xf32, #tpu.memory_space<hbm>>) dst(%arg7 : memref<16x1024xf32, #tpu.memory_space<vmem>>)
      %add3A_107 = arith.constant 1 : i32
      %add3A_108 = arith.addi %add3A_47, %add3A_107 : i32
      %dma_wait3A_109 = arith.constant 0 : i32
      %dma_wait3A_110 = tpu.memref_slice %arg4[%mul3A_2, %dma_wait3A_109] : memref<32768x1024xf32, #tpu.memory_space<hbm>> -> memref<16x1024xf32, #tpu.memory_space<hbm>>
      %dma_wait3A_111 = arith.constant 0 : i32
      %dma_wait3A_112 = tpu.memref_slice %arg4[%mul3A_2, %dma_wait3A_111] : memref<32768x1024xf32, #tpu.memory_space<hbm>> -> memref<16x1024xf32, #tpu.memory_space<hbm>>
      tpu.wait_dma2 semaphore(%arg17 : memref<!tpu.dma_semaphore, #tpu.memory_space<semaphore_mem>>) src(%arg5 : memref<16x1024xf32, #tpu.memory_space<vmem>>) dst(%dma_wait3A_112 : memref<16x1024xf32, #tpu.memory_space<hbm>>)
      %lt3A_113 = arith.constant 16 : i32
      %lt3A_114 = arith.cmpi slt, %add3A_108, %lt3A_113 : i32
      %convert_element_type3A_115 = arith.extui %lt3A_114 : i1 to i32
      %cond3A_116 = arith.constant 0 : i32
      %cond3A_117 = arith.cmpi ne, %convert_element_type3A_115, %cond3A_116 : i32
      scf.if %cond3A_117 {
        %mul3A_285 = arith.constant 16 : i32
        %mul3A_286 = arith.muli %add3A_108, %mul3A_285 : i32
        %add3A_287 = arith.addi %mul3A_2, %mul3A_286 : i32
        %add3A_288 = arith.constant 0 : i32
        %add3A_289 = arith.addi %add3A_288, %add3A_287 : i32
        %dma_start3A_290 = arith.constant 0 : i32
        %dma_start3A_291 = tpu.memref_slice %arg2[%add3A_289, %dma_start3A_290] : memref<32768x1024xf32, #tpu.memory_space<hbm>> -> memref<16x1024xf32, #tpu.memory_space<hbm>>
        %dma_start3A_292 = arith.constant 0 : i32
        %dma_start3A_293 = tpu.memref_slice %arg2[%add3A_289, %dma_start3A_292] : memref<32768x1024xf32, #tpu.memory_space<hbm>> -> memref<16x1024xf32, #tpu.memory_space<hbm>>
        tpu.enqueue_dma source(%dma_start3A_293 : memref<16x1024xf32, #tpu.memory_space<hbm>>) target(%arg5 : memref<16x1024xf32, #tpu.memory_space<vmem>>) target_semaphore(%arg11 : memref<!tpu.dma_semaphore, #tpu.memory_space<semaphore_mem>>)
      } else {
      }
      %parallel_loop3A_118 = arith.constant 0 : i32
      %parallel_loop3A_119 = arith.constant 1024 : i32
      %parallel_loop3A_120 = arith.constant 16 : i32
      scf.for %parallel_loop3A_285 = %parallel_loop3A_118 to %parallel_loop3A_119 step %parallel_loop3A_120  : i32 {
        %parallel_loop3A_286 = arith.constant 0 : i32
        %parallel_loop3A_287 = arith.index_cast %parallel_loop3A_286 : i32 to index
        %parallel_loop3A_288 = arith.index_cast %parallel_loop3A_285 : i32 to index
        %parallel_loop3A_289 = tpu.vector_load %arg9[%parallel_loop3A_287, %parallel_loop3A_288] {strides = array<i32>} : memref<16x1024xf32, #tpu.memory_space<vmem>>, vector<1x16xf32>,
        %parallel_loop3A_290 = vector.shape_cast %parallel_loop3A_289 : vector<1x16xf32> to vector<16xf32>
        %parallel_loop3A_291 = arith.constant 0 : i32
        %parallel_loop3A_292 = arith.index_cast %parallel_loop3A_291 : i32 to index
        %parallel_loop3A_293 = arith.index_cast %parallel_loop3A_285 : i32 to index
        %parallel_loop3A_294 = tpu.vector_load %arg7[%parallel_loop3A_292, %parallel_loop3A_293] {strides = array<i32>} : memref<16x1024xf32, #tpu.memory_space<vmem>>, vector<1x16xf32>,
        %parallel_loop3A_295 = vector.shape_cast %parallel_loop3A_294 : vector<1x16xf32> to vector<16xf32>
        %parallel_loop3A_296 = vector.shape_cast %parallel_loop3A_290 : vector<16xf32> to vector<1x16xf32>
        tpu.vector_store %arg7[%parallel_loop3A_292, %parallel_loop3A_293], %parallel_loop3A_296 {add = true, strides = array<i32>} : memref<16x1024xf32, #tpu.memory_space<vmem>>, vector<1x16xf32>,
        %parallel_loop3A_297 = arith.constant 1 : i32
        %parallel_loop3A_298 = arith.index_cast %parallel_loop3A_297 : i32 to index
        %parallel_loop3A_299 = arith.index_cast %parallel_loop3A_285 : i32 to index
        %parallel_loop3A_300 = tpu.vector_load %arg9[%parallel_loop3A_298, %parallel_loop3A_299] {strides = array<i32>} : memref<16x1024xf32, #tpu.memory_space<vmem>>, vector<1x16xf32>,
        %parallel_loop3A_301 = vector.shape_cast %parallel_loop3A_300 : vector<1x16xf32> to vector<16xf32>
        %parallel_loop3A_302 = arith.constant 1 : i32
        %parallel_loop3A_303 = arith.index_cast %parallel_loop3A_302 : i32 to index
        %parallel_loop3A_304 = arith.index_cast %parallel_loop3A_285 : i32 to index
        %parallel_loop3A_305 = tpu.vector_load %arg7[%parallel_loop3A_303, %parallel_loop3A_304] {strides = array<i32>} : memref<16x1024xf32, #tpu.memory_space<vmem>>, vector<1x16xf32>,
        %parallel_loop3A_306 = vector.shape_cast %parallel_loop3A_305 : vector<1x16xf32> to vector<16xf32>
        %parallel_loop3A_307 = vector.shape_cast %parallel_loop3A_301 : vector<16xf32> to vector<1x16xf32>
        tpu.vector_store %arg7[%parallel_loop3A_303, %parallel_loop3A_304], %parallel_loop3A_307 {add = true, strides = array<i32>} : memref<16x1024xf32, #tpu.memory_space<vmem>>, vector<1x16xf32>,
        %parallel_loop3A_308 = arith.constant 2 : i32
        %parallel_loop3A_309 = arith.index_cast %parallel_loop3A_308 : i32 to index
        %parallel_loop3A_310 = arith.index_cast %parallel_loop3A_285 : i32 to index
        %parallel_loop3A_311 = tpu.vector_load %arg9[%parallel_loop3A_309, %parallel_loop3A_310] {strides = array<i32>} : memref<16x1024xf32, #tpu.memory_space<vmem>>, vector<1x16xf32>,
        %parallel_loop3A_312 = vector.shape_cast %parallel_loop3A_311 : vector<1x16xf32> to vector<16xf32>
        %parallel_loop3A_313 = arith.constant 2 : i32
        %parallel_loop3A_314 = arith.index_cast %parallel_loop3A_313 : i32 to index
        %parallel_loop3A_315 = arith.index_cast %parallel_loop3A_285 : i32 to index
        %parallel_loop3A_316 = tpu.vector_load %arg7[%parallel_loop3A_314, %parallel_loop3A_315] {strides = array<i32>} : memref<16x1024xf32, #tpu.memory_space<vmem>>, vector<1x16xf32>,
        %parallel_loop3A_317 = vector.shape_cast %parallel_loop3A_316 : vector<1x16xf32> to vector<16xf32>
        %parallel_loop3A_318 = vector.shape_cast %parallel_loop3A_312 : vector<16xf32> to vector<1x16xf32>
        tpu.vector_store %arg7[%parallel_loop3A_314, %parallel_loop3A_315], %parallel_loop3A_318 {add = true, strides = array<i32>} : memref<16x1024xf32, #tpu.memory_space<vmem>>, vector<1x16xf32>,
        %parallel_loop3A_319 = arith.constant 3 : i32
        %parallel_loop3A_320 = arith.index_cast %parallel_loop3A_319 : i32 to index
        %parallel_loop3A_321 = arith.index_cast %parallel_loop3A_285 : i32 to index
        %parallel_loop3A_322 = tpu.vector_load %arg9[%parallel_loop3A_320, %parallel_loop3A_321] {strides = array<i32>} : memref<16x1024xf32, #tpu.memory_space<vmem>>, vector<1x16xf32>,
        %parallel_loop3A_323 = vector.shape_cast %parallel_loop3A_322 : vector<1x16xf32> to vector<16xf32>
        %parallel_loop3A_324 = arith.constant 3 : i32
        %parallel_loop3A_325 = arith.index_cast %parallel_loop3A_324 : i32 to index
        %parallel_loop3A_326 = arith.index_cast %parallel_loop3A_285 : i32 to index
        %parallel_loop3A_327 = tpu.vector_load %arg7[%parallel_loop3A_325, %parallel_loop3A_326] {strides = array<i32>} : memref<16x1024xf32, #tpu.memory_space<vmem>>, vector<1x16xf32>,
        %parallel_loop3A_328 = vector.shape_cast %parallel_loop3A_327 : vector<1x16xf32> to vector<16xf32>
        %parallel_loop3A_329 = vector.shape_cast %parallel_loop3A_323 : vector<16xf32> to vector<1x16xf32>
        tpu.vector_store %arg7[%parallel_loop3A_325, %parallel_loop3A_326], %parallel_loop3A_329 {add = true, strides = array<i32>} : memref<16x1024xf32, #tpu.memory_space<vmem>>, vector<1x16xf32>,
        %parallel_loop3A_330 = arith.constant 4 : i32
        %parallel_loop3A_331 = arith.index_cast %parallel_loop3A_330 : i32 to index
        %parallel_loop3A_332 = arith.index_cast %parallel_loop3A_285 : i32 to index
        %parallel_loop3A_333 = tpu.vector_load %arg9[%parallel_loop3A_331, %parallel_loop3A_332] {strides = array<i32>} : memref<16x1024xf32, #tpu.memory_space<vmem>>, vector<1x16xf32>,
        %parallel_loop3A_334 = vector.shape_cast %parallel_loop3A_333 : vector<1x16xf32> to vector<16xf32>
        %parallel_loop3A_335 = arith.constant 4 : i32
        %parallel_loop3A_336 = arith.index_cast %parallel_loop3A_335 : i32 to index
        %parallel_loop3A_337 = arith.index_cast %parallel_loop3A_285 : i32 to index
        %parallel_loop3A_338 = tpu.vector_load %arg7[%parallel_loop3A_336, %parallel_loop3A_337] {strides = array<i32>} : memref<16x1024xf32, #tpu.memory_space<vmem>>, vector<1x16xf32>,
        %parallel_loop3A_339 = vector.shape_cast %parallel_loop3A_338 : vector<1x16xf32> to vector<16xf32>
        %parallel_loop3A_340 = vector.shape_cast %parallel_loop3A_334 : vector<16xf32> to vector<1x16xf32>
        tpu.vector_store %arg7[%parallel_loop3A_336, %parallel_loop3A_337], %parallel_loop3A_340 {add = true, strides = array<i32>} : memref<16x1024xf32, #tpu.memory_space<vmem>>, vector<1x16xf32>,
        %parallel_loop3A_341 = arith.constant 5 : i32
        %parallel_loop3A_342 = arith.index_cast %parallel_loop3A_341 : i32 to index
        %parallel_loop3A_343 = arith.index_cast %parallel_loop3A_285 : i32 to index
        %parallel_loop3A_344 = tpu.vector_load %arg9[%parallel_loop3A_342, %parallel_loop3A_343] {strides = array<i32>} : memref<16x1024xf32, #tpu.memory_space<vmem>>, vector<1x16xf32>,
        %parallel_loop3A_345 = vector.shape_cast %parallel_loop3A_344 : vector<1x16xf32> to vector<16xf32>
        %parallel_loop3A_346 = arith.constant 5 : i32
        %parallel_loop3A_347 = arith.index_cast %parallel_loop3A_346 : i32 to index
        %parallel_loop3A_348 = arith.index_cast %parallel_loop3A_285 : i32 to index
        %parallel_loop3A_349 = tpu.vector_load %arg7[%parallel_loop3A_347, %parallel_loop3A_348] {strides = array<i32>} : memref<16x1024xf32, #tpu.memory_space<vmem>>, vector<1x16xf32>,
        %parallel_loop3A_350 = vector.shape_cast %parallel_loop3A_349 : vector<1x16xf32> to vector<16xf32>
        %parallel_loop3A_351 = vector.shape_cast %parallel_loop3A_345 : vector<16xf32> to vector<1x16xf32>
        tpu.vector_store %arg7[%parallel_loop3A_347, %parallel_loop3A_348], %parallel_loop3A_351 {add = true, strides = array<i32>} : memref<16x1024xf32, #tpu.memory_space<vmem>>, vector<1x16xf32>,
        %parallel_loop3A_352 = arith.constant 6 : i32
        %parallel_loop3A_353 = arith.index_cast %parallel_loop3A_352 : i32 to index
        %parallel_loop3A_354 = arith.index_cast %parallel_loop3A_285 : i32 to index
        %parallel_loop3A_355 = tpu.vector_load %arg9[%parallel_loop3A_353, %parallel_loop3A_354] {strides = array<i32>} : memref<16x1024xf32, #tpu.memory_space<vmem>>, vector<1x16xf32>,
        %parallel_loop3A_356 = vector.shape_cast %parallel_loop3A_355 : vector<1x16xf32> to vector<16xf32>
        %parallel_loop3A_357 = arith.constant 6 : i32
        %parallel_loop3A_358 = arith.index_cast %parallel_loop3A_357 : i32 to index
        %parallel_loop3A_359 = arith.index_cast %parallel_loop3A_285 : i32 to index
        %parallel_loop3A_360 = tpu.vector_load %arg7[%parallel_loop3A_358, %parallel_loop3A_359] {strides = array<i32>} : memref<16x1024xf32, #tpu.memory_space<vmem>>, vector<1x16xf32>,
        %parallel_loop3A_361 = vector.shape_cast %parallel_loop3A_360 : vector<1x16xf32> to vector<16xf32>
        %parallel_loop3A_362 = vector.shape_cast %parallel_loop3A_356 : vector<16xf32> to vector<1x16xf32>
        tpu.vector_store %arg7[%parallel_loop3A_358, %parallel_loop3A_359], %parallel_loop3A_362 {add = true, strides = array<i32>} : memref<16x1024xf32, #tpu.memory_space<vmem>>, vector<1x16xf32>,
        %parallel_loop3A_363 = arith.constant 7 : i32
        %parallel_loop3A_364 = arith.index_cast %parallel_loop3A_363 : i32 to index
        %parallel_loop3A_365 = arith.index_cast %parallel_loop3A_285 : i32 to index
        %parallel_loop3A_366 = tpu.vector_load %arg9[%parallel_loop3A_364, %parallel_loop3A_365] {strides = array<i32>} : memref<16x1024xf32, #tpu.memory_space<vmem>>, vector<1x16xf32>,
        %parallel_loop3A_367 = vector.shape_cast %parallel_loop3A_366 : vector<1x16xf32> to vector<16xf32>
        %parallel_loop3A_368 = arith.constant 7 : i32
        %parallel_loop3A_369 = arith.index_cast %parallel_loop3A_368 : i32 to index
        %parallel_loop3A_370 = arith.index_cast %parallel_loop3A_285 : i32 to index
        %parallel_loop3A_371 = tpu.vector_load %arg7[%parallel_loop3A_369, %parallel_loop3A_370] {strides = array<i32>} : memref<16x1024xf32, #tpu.memory_space<vmem>>, vector<1x16xf32>,
        %parallel_loop3A_372 = vector.shape_cast %parallel_loop3A_371 : vector<1x16xf32> to vector<16xf32>
        %parallel_loop3A_373 = vector.shape_cast %parallel_loop3A_367 : vector<16xf32> to vector<1x16xf32>
        tpu.vector_store %arg7[%parallel_loop3A_369, %parallel_loop3A_370], %parallel_loop3A_373 {add = true, strides = array<i32>} : memref<16x1024xf32, #tpu.memory_space<vmem>>, vector<1x16xf32>,
        %parallel_loop3A_374 = arith.constant 8 : i32
        %parallel_loop3A_375 = arith.index_cast %parallel_loop3A_374 : i32 to index
        %parallel_loop3A_376 = arith.index_cast %parallel_loop3A_285 : i32 to index
        %parallel_loop3A_377 = tpu.vector_load %arg9[%parallel_loop3A_375, %parallel_loop3A_376] {strides = array<i32>} : memref<16x1024xf32, #tpu.memory_space<vmem>>, vector<1x16xf32>,
        %parallel_loop3A_378 = vector.shape_cast %parallel_loop3A_377 : vector<1x16xf32> to vector<16xf32>
        %parallel_loop3A_379 = arith.constant 8 : i32
        %parallel_loop3A_380 = arith.index_cast %parallel_loop3A_379 : i32 to index
        %parallel_loop3A_381 = arith.index_cast %parallel_loop3A_285 : i32 to index
        %parallel_loop3A_382 = tpu.vector_load %arg7[%parallel_loop3A_380, %parallel_loop3A_381] {strides = array<i32>} : memref<16x1024xf32, #tpu.memory_space<vmem>>, vector<1x16xf32>,
        %parallel_loop3A_383 = vector.shape_cast %parallel_loop3A_382 : vector<1x16xf32> to vector<16xf32>
        %parallel_loop3A_384 = vector.shape_cast %parallel_loop3A_378 : vector<16xf32> to vector<1x16xf32>
        tpu.vector_store %arg7[%parallel_loop3A_380, %parallel_loop3A_381], %parallel_loop3A_384 {add = true, strides = array<i32>} : memref<16x1024xf32, #tpu.memory_space<vmem>>, vector<1x16xf32>,
        %parallel_loop3A_385 = arith.constant 9 : i32
        %parallel_loop3A_386 = arith.index_cast %parallel_loop3A_385 : i32 to index
        %parallel_loop3A_387 = arith.index_cast %parallel_loop3A_285 : i32 to index
        %parallel_loop3A_388 = tpu.vector_load %arg9[%parallel_loop3A_386, %parallel_loop3A_387] {strides = array<i32>} : memref<16x1024xf32, #tpu.memory_space<vmem>>, vector<1x16xf32>,
        %parallel_loop3A_389 = vector.shape_cast %parallel_loop3A_388 : vector<1x16xf32> to vector<16xf32>
        %parallel_loop3A_390 = arith.constant 9 : i32
        %parallel_loop3A_391 = arith.index_cast %parallel_loop3A_390 : i32 to index
        %parallel_loop3A_392 = arith.index_cast %parallel_loop3A_285 : i32 to index
        %parallel_loop3A_393 = tpu.vector_load %arg7[%parallel_loop3A_391, %parallel_loop3A_392] {strides = array<i32>} : memref<16x1024xf32, #tpu.memory_space<vmem>>, vector<1x16xf32>,
        %parallel_loop3A_394 = vector.shape_cast %parallel_loop3A_393 : vector<1x16xf32> to vector<16xf32>
        %parallel_loop3A_395 = vector.shape_cast %parallel_loop3A_389 : vector<16xf32> to vector<1x16xf32>
        tpu.vector_store %arg7[%parallel_loop3A_391, %parallel_loop3A_392], %parallel_loop3A_395 {add = true, strides = array<i32>} : memref<16x1024xf32, #tpu.memory_space<vmem>>, vector<1x16xf32>,
        %parallel_loop3A_396 = arith.constant 10 : i32
        %parallel_loop3A_397 = arith.index_cast %parallel_loop3A_396 : i32 to index
        %parallel_loop3A_398 = arith.index_cast %parallel_loop3A_285 : i32 to index
        %parallel_loop3A_399 = tpu.vector_load %arg9[%parallel_loop3A_397, %parallel_loop3A_398] {strides = array<i32>} : memref<16x1024xf32, #tpu.memory_space<vmem>>, vector<1x16xf32>,
        %parallel_loop3A_400 = vector.shape_cast %parallel_loop3A_399 : vector<1x16xf32> to vector<16xf32>
        %parallel_loop3A_401 = arith.constant 10 : i32
        %parallel_loop3A_402 = arith.index_cast %parallel_loop3A_401 : i32 to index
        %parallel_loop3A_403 = arith.index_cast %parallel_loop3A_285 : i32 to index
        %parallel_loop3A_404 = tpu.vector_load %arg7[%parallel_loop3A_402, %parallel_loop3A_403] {strides = array<i32>} : memref<16x1024xf32, #tpu.memory_space<vmem>>, vector<1x16xf32>,
        %parallel_loop3A_405 = vector.shape_cast %parallel_loop3A_404 : vector<1x16xf32> to vector<16xf32>
        %parallel_loop3A_406 = vector.shape_cast %parallel_loop3A_400 : vector<16xf32> to vector<1x16xf32>
        tpu.vector_store %arg7[%parallel_loop3A_402, %parallel_loop3A_403], %parallel_loop3A_406 {add = true, strides = array<i32>} : memref<16x1024xf32, #tpu.memory_space<vmem>>, vector<1x16xf32>,
        %parallel_loop3A_407 = arith.constant 11 : i32
        %parallel_loop3A_408 = arith.index_cast %parallel_loop3A_407 : i32 to index
        %parallel_loop3A_409 = arith.index_cast %parallel_loop3A_285 : i32 to index
        %parallel_loop3A_410 = tpu.vector_load %arg9[%parallel_loop3A_408, %parallel_loop3A_409] {strides = array<i32>} : memref<16x1024xf32, #tpu.memory_space<vmem>>, vector<1x16xf32>,
        %parallel_loop3A_411 = vector.shape_cast %parallel_loop3A_410 : vector<1x16xf32> to vector<16xf32>
        %parallel_loop3A_412 = arith.constant 11 : i32
        %parallel_loop3A_413 = arith.index_cast %parallel_loop3A_412 : i32 to index
        %parallel_loop3A_414 = arith.index_cast %parallel_loop3A_285 : i32 to index
        %parallel_loop3A_415 = tpu.vector_load %arg7[%parallel_loop3A_413, %parallel_loop3A_414] {strides = array<i32>} : memref<16x1024xf32, #tpu.memory_space<vmem>>, vector<1x16xf32>,
        %parallel_loop3A_416 = vector.shape_cast %parallel_loop3A_415 : vector<1x16xf32> to vector<16xf32>
        %parallel_loop3A_417 = vector.shape_cast %parallel_loop3A_411 : vector<16xf32> to vector<1x16xf32>
        tpu.vector_store %arg7[%parallel_loop3A_413, %parallel_loop3A_414], %parallel_loop3A_417 {add = true, strides = array<i32>} : memref<16x1024xf32, #tpu.memory_space<vmem>>, vector<1x16xf32>,
        %parallel_loop3A_418 = arith.constant 12 : i32
        %parallel_loop3A_419 = arith.index_cast %parallel_loop3A_418 : i32 to index
        %parallel_loop3A_420 = arith.index_cast %parallel_loop3A_285 : i32 to index
        %parallel_loop3A_421 = tpu.vector_load %arg9[%parallel_loop3A_419, %parallel_loop3A_420] {strides = array<i32>} : memref<16x1024xf32, #tpu.memory_space<vmem>>, vector<1x16xf32>,
        %parallel_loop3A_422 = vector.shape_cast %parallel_loop3A_421 : vector<1x16xf32> to vector<16xf32>
        %parallel_loop3A_423 = arith.constant 12 : i32
        %parallel_loop3A_424 = arith.index_cast %parallel_loop3A_423 : i32 to index
        %parallel_loop3A_425 = arith.index_cast %parallel_loop3A_285 : i32 to index
        %parallel_loop3A_426 = tpu.vector_load %arg7[%parallel_loop3A_424, %parallel_loop3A_425] {strides = array<i32>} : memref<16x1024xf32, #tpu.memory_space<vmem>>, vector<1x16xf32>,
        %parallel_loop3A_427 = vector.shape_cast %parallel_loop3A_426 : vector<1x16xf32> to vector<16xf32>
        %parallel_loop3A_428 = vector.shape_cast %parallel_loop3A_422 : vector<16xf32> to vector<1x16xf32>
        tpu.vector_store %arg7[%parallel_loop3A_424, %parallel_loop3A_425], %parallel_loop3A_428 {add = true, strides = array<i32>} : memref<16x1024xf32, #tpu.memory_space<vmem>>, vector<1x16xf32>,
        %parallel_loop3A_429 = arith.constant 13 : i32
        %parallel_loop3A_430 = arith.index_cast %parallel_loop3A_429 : i32 to index
        %parallel_loop3A_431 = arith.index_cast %parallel_loop3A_285 : i32 to index
        %parallel_loop3A_432 = tpu.vector_load %arg9[%parallel_loop3A_430, %parallel_loop3A_431] {strides = array<i32>} : memref<16x1024xf32, #tpu.memory_space<vmem>>, vector<1x16xf32>,
        %parallel_loop3A_433 = vector.shape_cast %parallel_loop3A_432 : vector<1x16xf32> to vector<16xf32>
        %parallel_loop3A_434 = arith.constant 13 : i32
        %parallel_loop3A_435 = arith.index_cast %parallel_loop3A_434 : i32 to index
        %parallel_loop3A_436 = arith.index_cast %parallel_loop3A_285 : i32 to index
        %parallel_loop3A_437 = tpu.vector_load %arg7[%parallel_loop3A_435, %parallel_loop3A_436] {strides = array<i32>} : memref<16x1024xf32, #tpu.memory_space<vmem>>, vector<1x16xf32>,
        %parallel_loop3A_438 = vector.shape_cast %parallel_loop3A_437 : vector<1x16xf32> to vector<16xf32>
        %parallel_loop3A_439 = vector.shape_cast %parallel_loop3A_433 : vector<16xf32> to vector<1x16xf32>
        tpu.vector_store %arg7[%parallel_loop3A_435, %parallel_loop3A_436], %parallel_loop3A_439 {add = true, strides = array<i32>} : memref<16x1024xf32, #tpu.memory_space<vmem>>, vector<1x16xf32>,
        %parallel_loop3A_440 = arith.constant 14 : i32
        %parallel_loop3A_441 = arith.index_cast %parallel_loop3A_440 : i32 to index
        %parallel_loop3A_442 = arith.index_cast %parallel_loop3A_285 : i32 to index
        %parallel_loop3A_443 = tpu.vector_load %arg9[%parallel_loop3A_441, %parallel_loop3A_442] {strides = array<i32>} : memref<16x1024xf32, #tpu.memory_space<vmem>>, vector<1x16xf32>,
        %parallel_loop3A_444 = vector.shape_cast %parallel_loop3A_443 : vector<1x16xf32> to vector<16xf32>
        %parallel_loop3A_445 = arith.constant 14 : i32
        %parallel_loop3A_446 = arith.index_cast %parallel_loop3A_445 : i32 to index
        %parallel_loop3A_447 = arith.index_cast %parallel_loop3A_285 : i32 to index
        %parallel_loop3A_448 = tpu.vector_load %arg7[%parallel_loop3A_446, %parallel_loop3A_447] {strides = array<i32>} : memref<16x1024xf32, #tpu.memory_space<vmem>>, vector<1x16xf32>,
        %parallel_loop3A_449 = vector.shape_cast %parallel_loop3A_448 : vector<1x16xf32> to vector<16xf32>
        %parallel_loop3A_450 = vector.shape_cast %parallel_loop3A_444 : vector<16xf32> to vector<1x16xf32>
        tpu.vector_store %arg7[%parallel_loop3A_446, %parallel_loop3A_447], %parallel_loop3A_450 {add = true, strides = array<i32>} : memref<16x1024xf32, #tpu.memory_space<vmem>>, vector<1x16xf32>,
        %parallel_loop3A_451 = arith.constant 15 : i32
        %parallel_loop3A_452 = arith.index_cast %parallel_loop3A_451 : i32 to index
        %parallel_loop3A_453 = arith.index_cast %parallel_loop3A_285 : i32 to index
        %parallel_loop3A_454 = tpu.vector_load %arg9[%parallel_loop3A_452, %parallel_loop3A_453] {strides = array<i32>} : memref<16x1024xf32, #tpu.memory_space<vmem>>, vector<1x16xf32>,
        %parallel_loop3A_455 = vector.shape_cast %parallel_loop3A_454 : vector<1x16xf32> to vector<16xf32>
        %parallel_loop3A_456 = arith.constant 15 : i32
        %parallel_loop3A_457 = arith.index_cast %parallel_loop3A_456 : i32 to index
        %parallel_loop3A_458 = arith.index_cast %parallel_loop3A_285 : i32 to index
        %parallel_loop3A_459 = tpu.vector_load %arg7[%parallel_loop3A_457, %parallel_loop3A_458] {strides = array<i32>} : memref<16x1024xf32, #tpu.memory_space<vmem>>, vector<1x16xf32>,
        %parallel_loop3A_460 = vector.shape_cast %parallel_loop3A_459 : vector<1x16xf32> to vector<16xf32>
        %parallel_loop3A_461 = vector.shape_cast %parallel_loop3A_455 : vector<16xf32> to vector<1x16xf32>
        tpu.vector_store %arg7[%parallel_loop3A_457, %parallel_loop3A_458], %parallel_loop3A_461 {add = true, strides = array<i32>} : memref<16x1024xf32, #tpu.memory_space<vmem>>, vector<1x16xf32>,
      } {sc.loop_unroll_factor = 1 : i64, sc.parallel_access}
      %mul3A_121 = arith.constant 16 : i32
      %mul3A_122 = arith.muli %add3A_47, %mul3A_121 : i32
      %add3A_123 = arith.addi %mul3A_2, %mul3A_122 : i32
      %add3A_124 = arith.constant 16384 : i32
      %add3A_125 = arith.addi %add3A_124, %add3A_123 : i32
      %dma_start3A_126 = arith.constant 0 : i32
      %dma_start3A_127 = tpu.memref_slice %arg4[%add3A_125, %dma_start3A_126] : memref<32768x1024xf32, #tpu.memory_space<hbm>> -> memref<16x1024xf32, #tpu.memory_space<hbm>>
      %dma_start3A_128 = arith.constant 0 : i32
      %dma_start3A_129 = tpu.memref_slice %arg4[%add3A_125, %dma_start3A_128] : memref<32768x1024xf32, #tpu.memory_space<hbm>> -> memref<16x1024xf32, #tpu.memory_space<hbm>>
      tpu.enqueue_dma source(%arg7 : memref<16x1024xf32, #tpu.memory_space<vmem>>) target(%dma_start3A_129 : memref<16x1024xf32, #tpu.memory_space<hbm>>) target_semaphore(%arg19 : memref<!tpu.dma_semaphore, #tpu.memory_space<semaphore_mem>>)
      %dma_wait3A_130 = arith.constant 0 : i32
      %dma_wait3A_131 = tpu.memref_slice %arg2[%mul3A_2, %dma_wait3A_130] : memref<32768x1024xf32, #tpu.memory_space<hbm>> -> memref<16x1024xf32, #tpu.memory_space<hbm>>
      %dma_wait3A_132 = arith.constant 0 : i32
      %dma_wait3A_133 = tpu.memref_slice %arg2[%mul3A_2, %dma_wait3A_132] : memref<32768x1024xf32, #tpu.memory_space<hbm>> -> memref<16x1024xf32, #tpu.memory_space<hbm>>
      tpu.wait_dma2 semaphore(%arg14 : memref<!tpu.dma_semaphore, #tpu.memory_space<semaphore_mem>>) src(%dma_wait3A_133 : memref<16x1024xf32, #tpu.memory_space<hbm>>) dst(%arg8 : memref<16x1024xf32, #tpu.memory_space<vmem>>)
      %add3A_134 = arith.constant 1 : i32
      %add3A_135 = arith.addi %add3A_47, %add3A_134 : i32
      %dma_wait3A_136 = arith.constant 0 : i32
      %dma_wait3A_137 = tpu.memref_slice %arg4[%mul3A_2, %dma_wait3A_136] : memref<32768x1024xf32, #tpu.memory_space<hbm>> -> memref<16x1024xf32, #tpu.memory_space<hbm>>
      %dma_wait3A_138 = arith.constant 0 : i32
      %dma_wait3A_139 = tpu.memref_slice %arg4[%mul3A_2, %dma_wait3A_138] : memref<32768x1024xf32, #tpu.memory_space<hbm>> -> memref<16x1024xf32, #tpu.memory_space<hbm>>
      tpu.wait_dma2 semaphore(%arg18 : memref<!tpu.dma_semaphore, #tpu.memory_space<semaphore_mem>>) src(%arg6 : memref<16x1024xf32, #tpu.memory_space<vmem>>) dst(%dma_wait3A_139 : memref<16x1024xf32, #tpu.memory_space<hbm>>)
      %lt3A_140 = arith.constant 16 : i32
      %lt3A_141 = arith.cmpi slt, %add3A_135, %lt3A_140 : i32
      %convert_element_type3A_142 = arith.extui %lt3A_141 : i1 to i32
      %cond3A_143 = arith.constant 0 : i32
      %cond3A_144 = arith.cmpi ne, %convert_element_type3A_142, %cond3A_143 : i32
      scf.if %cond3A_144 {
        %mul3A_285 = arith.constant 16 : i32
        %mul3A_286 = arith.muli %add3A_135, %mul3A_285 : i32
        %add3A_287 = arith.addi %mul3A_2, %mul3A_286 : i32
        %add3A_288 = arith.constant 8192 : i32
        %add3A_289 = arith.addi %add3A_288, %add3A_287 : i32
        %dma_start3A_290 = arith.constant 0 : i32
        %dma_start3A_291 = tpu.memref_slice %arg2[%add3A_289, %dma_start3A_290] : memref<32768x1024xf32, #tpu.memory_space<hbm>> -> memref<16x1024xf32, #tpu.memory_space<hbm>>
        %dma_start3A_292 = arith.constant 0 : i32
        %dma_start3A_293 = tpu.memref_slice %arg2[%add3A_289, %dma_start3A_292] : memref<32768x1024xf32, #tpu.memory_space<hbm>> -> memref<16x1024xf32, #tpu.memory_space<hbm>>
        tpu.enqueue_dma source(%dma_start3A_293 : memref<16x1024xf32, #tpu.memory_space<hbm>>) target(%arg6 : memref<16x1024xf32, #tpu.memory_space<vmem>>) target_semaphore(%arg12 : memref<!tpu.dma_semaphore, #tpu.memory_space<semaphore_mem>>)
      } else {
      }
      %parallel_loop3A_145 = arith.constant 0 : i32
      %parallel_loop3A_146 = arith.constant 1024 : i32
      %parallel_loop3A_147 = arith.constant 16 : i32
      scf.for %parallel_loop3A_285 = %parallel_loop3A_145 to %parallel_loop3A_146 step %parallel_loop3A_147  : i32 {
        %parallel_loop3A_286 = arith.constant 0 : i32
        %parallel_loop3A_287 = arith.index_cast %parallel_loop3A_286 : i32 to index
        %parallel_loop3A_288 = arith.index_cast %parallel_loop3A_285 : i32 to index
        %parallel_loop3A_289 = tpu.vector_load %arg9[%parallel_loop3A_287, %parallel_loop3A_288] {strides = array<i32>} : memref<16x1024xf32, #tpu.memory_space<vmem>>, vector<1x16xf32>,
        %parallel_loop3A_290 = vector.shape_cast %parallel_loop3A_289 : vector<1x16xf32> to vector<16xf32>
        %parallel_loop3A_291 = arith.constant 0 : i32
        %parallel_loop3A_292 = arith.index_cast %parallel_loop3A_291 : i32 to index
        %parallel_loop3A_293 = arith.index_cast %parallel_loop3A_285 : i32 to index
        %parallel_loop3A_294 = tpu.vector_load %arg8[%parallel_loop3A_292, %parallel_loop3A_293] {strides = array<i32>} : memref<16x1024xf32, #tpu.memory_space<vmem>>, vector<1x16xf32>,
        %parallel_loop3A_295 = vector.shape_cast %parallel_loop3A_294 : vector<1x16xf32> to vector<16xf32>
        %parallel_loop3A_296 = vector.shape_cast %parallel_loop3A_290 : vector<16xf32> to vector<1x16xf32>
        tpu.vector_store %arg8[%parallel_loop3A_292, %parallel_loop3A_293], %parallel_loop3A_296 {add = true, strides = array<i32>} : memref<16x1024xf32, #tpu.memory_space<vmem>>, vector<1x16xf32>,
        %parallel_loop3A_297 = arith.constant 1 : i32
        %parallel_loop3A_298 = arith.index_cast %parallel_loop3A_297 : i32 to index
        %parallel_loop3A_299 = arith.index_cast %parallel_loop3A_285 : i32 to index
        %parallel_loop3A_300 = tpu.vector_load %arg9[%parallel_loop3A_298, %parallel_loop3A_299] {strides = array<i32>} : memref<16x1024xf32, #tpu.memory_space<vmem>>, vector<1x16xf32>,
        %parallel_loop3A_301 = vector.shape_cast %parallel_loop3A_300 : vector<1x16xf32> to vector<16xf32>
        %parallel_loop3A_302 = arith.constant 1 : i32
        %parallel_loop3A_303 = arith.index_cast %parallel_loop3A_302 : i32 to index
        %parallel_loop3A_304 = arith.index_cast %parallel_loop3A_285 : i32 to index
        %parallel_loop3A_305 = tpu.vector_load %arg8[%parallel_loop3A_303, %parallel_loop3A_304] {strides = array<i32>} : memref<16x1024xf32, #tpu.memory_space<vmem>>, vector<1x16xf32>,
        %parallel_loop3A_306 = vector.shape_cast %parallel_loop3A_305 : vector<1x16xf32> to vector<16xf32>
        %parallel_loop3A_307 = vector.shape_cast %parallel_loop3A_301 : vector<16xf32> to vector<1x16xf32>
        tpu.vector_store %arg8[%parallel_loop3A_303, %parallel_loop3A_304], %parallel_loop3A_307 {add = true, strides = array<i32>} : memref<16x1024xf32, #tpu.memory_space<vmem>>, vector<1x16xf32>,
        %parallel_loop3A_308 = arith.constant 2 : i32
        %parallel_loop3A_309 = arith.index_cast %parallel_loop3A_308 : i32 to index
        %parallel_loop3A_310 = arith.index_cast %parallel_loop3A_285 : i32 to index
        %parallel_loop3A_311 = tpu.vector_load %arg9[%parallel_loop3A_309, %parallel_loop3A_310] {strides = array<i32>} : memref<16x1024xf32, #tpu.memory_space<vmem>>, vector<1x16xf32>,
        %parallel_loop3A_312 = vector.shape_cast %parallel_loop3A_311 : vector<1x16xf32> to vector<16xf32>
        %parallel_loop3A_313 = arith.constant 2 : i32
        %parallel_loop3A_314 = arith.index_cast %parallel_loop3A_313 : i32 to index
        %parallel_loop3A_315 = arith.index_cast %parallel_loop3A_285 : i32 to index
        %parallel_loop3A_316 = tpu.vector_load %arg8[%parallel_loop3A_314, %parallel_loop3A_315] {strides = array<i32>} : memref<16x1024xf32, #tpu.memory_space<vmem>>, vector<1x16xf32>,
        %parallel_loop3A_317 = vector.shape_cast %parallel_loop3A_316 : vector<1x16xf32> to vector<16xf32>
        %parallel_loop3A_318 = vector.shape_cast %parallel_loop3A_312 : vector<16xf32> to vector<1x16xf32>
        tpu.vector_store %arg8[%parallel_loop3A_314, %parallel_loop3A_315], %parallel_loop3A_318 {add = true, strides = array<i32>} : memref<16x1024xf32, #tpu.memory_space<vmem>>, vector<1x16xf32>,
        %parallel_loop3A_319 = arith.constant 3 : i32
        %parallel_loop3A_320 = arith.index_cast %parallel_loop3A_319 : i32 to index
        %parallel_loop3A_321 = arith.index_cast %parallel_loop3A_285 : i32 to index
        %parallel_loop3A_322 = tpu.vector_load %arg9[%parallel_loop3A_320, %parallel_loop3A_321] {strides = array<i32>} : memref<16x1024xf32, #tpu.memory_space<vmem>>, vector<1x16xf32>,
        %parallel_loop3A_323 = vector.shape_cast %parallel_loop3A_322 : vector<1x16xf32> to vector<16xf32>
        %parallel_loop3A_324 = arith.constant 3 : i32
        %parallel_loop3A_325 = arith.index_cast %parallel_loop3A_324 : i32 to index
        %parallel_loop3A_326 = arith.index_cast %parallel_loop3A_285 : i32 to index
        %parallel_loop3A_327 = tpu.vector_load %arg8[%parallel_loop3A_325, %parallel_loop3A_326] {strides = array<i32>} : memref<16x1024xf32, #tpu.memory_space<vmem>>, vector<1x16xf32>,
        %parallel_loop3A_328 = vector.shape_cast %parallel_loop3A_327 : vector<1x16xf32> to vector<16xf32>
        %parallel_loop3A_329 = vector.shape_cast %parallel_loop3A_323 : vector<16xf32> to vector<1x16xf32>
        tpu.vector_store %arg8[%parallel_loop3A_325, %parallel_loop3A_326], %parallel_loop3A_329 {add = true, strides = array<i32>} : memref<16x1024xf32, #tpu.memory_space<vmem>>, vector<1x16xf32>,
        %parallel_loop3A_330 = arith.constant 4 : i32
        %parallel_loop3A_331 = arith.index_cast %parallel_loop3A_330 : i32 to index
        %parallel_loop3A_332 = arith.index_cast %parallel_loop3A_285 : i32 to index
        %parallel_loop3A_333 = tpu.vector_load %arg9[%parallel_loop3A_331, %parallel_loop3A_332] {strides = array<i32>} : memref<16x1024xf32, #tpu.memory_space<vmem>>, vector<1x16xf32>,
        %parallel_loop3A_334 = vector.shape_cast %parallel_loop3A_333 : vector<1x16xf32> to vector<16xf32>
        %parallel_loop3A_335 = arith.constant 4 : i32
        %parallel_loop3A_336 = arith.index_cast %parallel_loop3A_335 : i32 to index
        %parallel_loop3A_337 = arith.index_cast %parallel_loop3A_285 : i32 to index
        %parallel_loop3A_338 = tpu.vector_load %arg8[%parallel_loop3A_336, %parallel_loop3A_337] {strides = array<i32>} : memref<16x1024xf32, #tpu.memory_space<vmem>>, vector<1x16xf32>,
        %parallel_loop3A_339 = vector.shape_cast %parallel_loop3A_338 : vector<1x16xf32> to vector<16xf32>
        %parallel_loop3A_340 = vector.shape_cast %parallel_loop3A_334 : vector<16xf32> to vector<1x16xf32>
        tpu.vector_store %arg8[%parallel_loop3A_336, %parallel_loop3A_337], %parallel_loop3A_340 {add = true, strides = array<i32>} : memref<16x1024xf32, #tpu.memory_space<vmem>>, vector<1x16xf32>,
        %parallel_loop3A_341 = arith.constant 5 : i32
        %parallel_loop3A_342 = arith.index_cast %parallel_loop3A_341 : i32 to index
        %parallel_loop3A_343 = arith.index_cast %parallel_loop3A_285 : i32 to index
        %parallel_loop3A_344 = tpu.vector_load %arg9[%parallel_loop3A_342, %parallel_loop3A_343] {strides = array<i32>} : memref<16x1024xf32, #tpu.memory_space<vmem>>, vector<1x16xf32>,
        %parallel_loop3A_345 = vector.shape_cast %parallel_loop3A_344 : vector<1x16xf32> to vector<16xf32>
        %parallel_loop3A_346 = arith.constant 5 : i32
        %parallel_loop3A_347 = arith.index_cast %parallel_loop3A_346 : i32 to index
        %parallel_loop3A_348 = arith.index_cast %parallel_loop3A_285 : i32 to index
        %parallel_loop3A_349 = tpu.vector_load %arg8[%parallel_loop3A_347, %parallel_loop3A_348] {strides = array<i32>} : memref<16x1024xf32, #tpu.memory_space<vmem>>, vector<1x16xf32>,
        %parallel_loop3A_350 = vector.shape_cast %parallel_loop3A_349 : vector<1x16xf32> to vector<16xf32>
        %parallel_loop3A_351 = vector.shape_cast %parallel_loop3A_345 : vector<16xf32> to vector<1x16xf32>
        tpu.vector_store %arg8[%parallel_loop3A_347, %parallel_loop3A_348], %parallel_loop3A_351 {add = true, strides = array<i32>} : memref<16x1024xf32, #tpu.memory_space<vmem>>, vector<1x16xf32>,
        %parallel_loop3A_352 = arith.constant 6 : i32
        %parallel_loop3A_353 = arith.index_cast %parallel_loop3A_352 : i32 to index
        %parallel_loop3A_354 = arith.index_cast %parallel_loop3A_285 : i32 to index
        %parallel_loop3A_355 = tpu.vector_load %arg9[%parallel_loop3A_353, %parallel_loop3A_354] {strides = array<i32>} : memref<16x1024xf32, #tpu.memory_space<vmem>>, vector<1x16xf32>,
        %parallel_loop3A_356 = vector.shape_cast %parallel_loop3A_355 : vector<1x16xf32> to vector<16xf32>
        %parallel_loop3A_357 = arith.constant 6 : i32
        %parallel_loop3A_358 = arith.index_cast %parallel_loop3A_357 : i32 to index
        %parallel_loop3A_359 = arith.index_cast %parallel_loop3A_285 : i32 to index
        %parallel_loop3A_360 = tpu.vector_load %arg8[%parallel_loop3A_358, %parallel_loop3A_359] {strides = array<i32>} : memref<16x1024xf32, #tpu.memory_space<vmem>>, vector<1x16xf32>,
        %parallel_loop3A_361 = vector.shape_cast %parallel_loop3A_360 : vector<1x16xf32> to vector<16xf32>
        %parallel_loop3A_362 = vector.shape_cast %parallel_loop3A_356 : vector<16xf32> to vector<1x16xf32>
        tpu.vector_store %arg8[%parallel_loop3A_358, %parallel_loop3A_359], %parallel_loop3A_362 {add = true, strides = array<i32>} : memref<16x1024xf32, #tpu.memory_space<vmem>>, vector<1x16xf32>,
        %parallel_loop3A_363 = arith.constant 7 : i32
        %parallel_loop3A_364 = arith.index_cast %parallel_loop3A_363 : i32 to index
        %parallel_loop3A_365 = arith.index_cast %parallel_loop3A_285 : i32 to index
        %parallel_loop3A_366 = tpu.vector_load %arg9[%parallel_loop3A_364, %parallel_loop3A_365] {strides = array<i32>} : memref<16x1024xf32, #tpu.memory_space<vmem>>, vector<1x16xf32>,
        %parallel_loop3A_367 = vector.shape_cast %parallel_loop3A_366 : vector<1x16xf32> to vector<16xf32>
        %parallel_loop3A_368 = arith.constant 7 : i32
        %parallel_loop3A_369 = arith.index_cast %parallel_loop3A_368 : i32 to index
        %parallel_loop3A_370 = arith.index_cast %parallel_loop3A_285 : i32 to index
        %parallel_loop3A_371 = tpu.vector_load %arg8[%parallel_loop3A_369, %parallel_loop3A_370] {strides = array<i32>} : memref<16x1024xf32, #tpu.memory_space<vmem>>, vector<1x16xf32>,
        %parallel_loop3A_372 = vector.shape_cast %parallel_loop3A_371 : vector<1x16xf32> to vector<16xf32>
        %parallel_loop3A_373 = vector.shape_cast %parallel_loop3A_367 : vector<16xf32> to vector<1x16xf32>
        tpu.vector_store %arg8[%parallel_loop3A_369, %parallel_loop3A_370], %parallel_loop3A_373 {add = true, strides = array<i32>} : memref<16x1024xf32, #tpu.memory_space<vmem>>, vector<1x16xf32>,
        %parallel_loop3A_374 = arith.constant 8 : i32
        %parallel_loop3A_375 = arith.index_cast %parallel_loop3A_374 : i32 to index
        %parallel_loop3A_376 = arith.index_cast %parallel_loop3A_285 : i32 to index
        %parallel_loop3A_377 = tpu.vector_load %arg9[%parallel_loop3A_375, %parallel_loop3A_376] {strides = array<i32>} : memref<16x1024xf32, #tpu.memory_space<vmem>>, vector<1x16xf32>,
        %parallel_loop3A_378 = vector.shape_cast %parallel_loop3A_377 : vector<1x16xf32> to vector<16xf32>
        %parallel_loop3A_379 = arith.constant 8 : i32
        %parallel_loop3A_380 = arith.index_cast %parallel_loop3A_379 : i32 to index
        %parallel_loop3A_381 = arith.index_cast %parallel_loop3A_285 : i32 to index
        %parallel_loop3A_382 = tpu.vector_load %arg8[%parallel_loop3A_380, %parallel_loop3A_381] {strides = array<i32>} : memref<16x1024xf32, #tpu.memory_space<vmem>>, vector<1x16xf32>,
        %parallel_loop3A_383 = vector.shape_cast %parallel_loop3A_382 : vector<1x16xf32> to vector<16xf32>
        %parallel_loop3A_384 = vector.shape_cast %parallel_loop3A_378 : vector<16xf32> to vector<1x16xf32>
        tpu.vector_store %arg8[%parallel_loop3A_380, %parallel_loop3A_381], %parallel_loop3A_384 {add = true, strides = array<i32>} : memref<16x1024xf32, #tpu.memory_space<vmem>>, vector<1x16xf32>,
        %parallel_loop3A_385 = arith.constant 9 : i32
        %parallel_loop3A_386 = arith.index_cast %parallel_loop3A_385 : i32 to index
        %parallel_loop3A_387 = arith.index_cast %parallel_loop3A_285 : i32 to index
        %parallel_loop3A_388 = tpu.vector_load %arg9[%parallel_loop3A_386, %parallel_loop3A_387] {strides = array<i32>} : memref<16x1024xf32, #tpu.memory_space<vmem>>, vector<1x16xf32>,
        %parallel_loop3A_389 = vector.shape_cast %parallel_loop3A_388 : vector<1x16xf32> to vector<16xf32>
        %parallel_loop3A_390 = arith.constant 9 : i32
        %parallel_loop3A_391 = arith.index_cast %parallel_loop3A_390 : i32 to index
        %parallel_loop3A_392 = arith.index_cast %parallel_loop3A_285 : i32 to index
        %parallel_loop3A_393 = tpu.vector_load %arg8[%parallel_loop3A_391, %parallel_loop3A_392] {strides = array<i32>} : memref<16x1024xf32, #tpu.memory_space<vmem>>, vector<1x16xf32>,
        %parallel_loop3A_394 = vector.shape_cast %parallel_loop3A_393 : vector<1x16xf32> to vector<16xf32>
        %parallel_loop3A_395 = vector.shape_cast %parallel_loop3A_389 : vector<16xf32> to vector<1x16xf32>
        tpu.vector_store %arg8[%parallel_loop3A_391, %parallel_loop3A_392], %parallel_loop3A_395 {add = true, strides = array<i32>} : memref<16x1024xf32, #tpu.memory_space<vmem>>, vector<1x16xf32>,
        %parallel_loop3A_396 = arith.constant 10 : i32
        %parallel_loop3A_397 = arith.index_cast %parallel_loop3A_396 : i32 to index
        %parallel_loop3A_398 = arith.index_cast %parallel_loop3A_285 : i32 to index
        %parallel_loop3A_399 = tpu.vector_load %arg9[%parallel_loop3A_397, %parallel_loop3A_398] {strides = array<i32>} : memref<16x1024xf32, #tpu.memory_space<vmem>>, vector<1x16xf32>,
        %parallel_loop3A_400 = vector.shape_cast %parallel_loop3A_399 : vector<1x16xf32> to vector<16xf32>
        %parallel_loop3A_401 = arith.constant 10 : i32
        %parallel_loop3A_402 = arith.index_cast %parallel_loop3A_401 : i32 to index
        %parallel_loop3A_403 = arith.index_cast %parallel_loop3A_285 : i32 to index
        %parallel_loop3A_404 = tpu.vector_load %arg8[%parallel_loop3A_402, %parallel_loop3A_403] {strides = array<i32>} : memref<16x1024xf32, #tpu.memory_space<vmem>>, vector<1x16xf32>,
        %parallel_loop3A_405 = vector.shape_cast %parallel_loop3A_404 : vector<1x16xf32> to vector<16xf32>
        %parallel_loop3A_406 = vector.shape_cast %parallel_loop3A_400 : vector<16xf32> to vector<1x16xf32>
        tpu.vector_store %arg8[%parallel_loop3A_402, %parallel_loop3A_403], %parallel_loop3A_406 {add = true, strides = array<i32>} : memref<16x1024xf32, #tpu.memory_space<vmem>>, vector<1x16xf32>,
        %parallel_loop3A_407 = arith.constant 11 : i32
        %parallel_loop3A_408 = arith.index_cast %parallel_loop3A_407 : i32 to index
        %parallel_loop3A_409 = arith.index_cast %parallel_loop3A_285 : i32 to index
        %parallel_loop3A_410 = tpu.vector_load %arg9[%parallel_loop3A_408, %parallel_loop3A_409] {strides = array<i32>} : memref<16x1024xf32, #tpu.memory_space<vmem>>, vector<1x16xf32>,
        %parallel_loop3A_411 = vector.shape_cast %parallel_loop3A_410 : vector<1x16xf32> to vector<16xf32>
        %parallel_loop3A_412 = arith.constant 11 : i32
        %parallel_loop3A_413 = arith.index_cast %parallel_loop3A_412 : i32 to index
        %parallel_loop3A_414 = arith.index_cast %parallel_loop3A_285 : i32 to index
        %parallel_loop3A_415 = tpu.vector_load %arg8[%parallel_loop3A_413, %parallel_loop3A_414] {strides = array<i32>} : memref<16x1024xf32, #tpu.memory_space<vmem>>, vector<1x16xf32>,
        %parallel_loop3A_416 = vector.shape_cast %parallel_loop3A_415 : vector<1x16xf32> to vector<16xf32>
        %parallel_loop3A_417 = vector.shape_cast %parallel_loop3A_411 : vector<16xf32> to vector<1x16xf32>
        tpu.vector_store %arg8[%parallel_loop3A_413, %parallel_loop3A_414], %parallel_loop3A_417 {add = true, strides = array<i32>} : memref<16x1024xf32, #tpu.memory_space<vmem>>, vector<1x16xf32>,
        %parallel_loop3A_418 = arith.constant 12 : i32
        %parallel_loop3A_419 = arith.index_cast %parallel_loop3A_418 : i32 to index
        %parallel_loop3A_420 = arith.index_cast %parallel_loop3A_285 : i32 to index
        %parallel_loop3A_421 = tpu.vector_load %arg9[%parallel_loop3A_419, %parallel_loop3A_420] {strides = array<i32>} : memref<16x1024xf32, #tpu.memory_space<vmem>>, vector<1x16xf32>,
        %parallel_loop3A_422 = vector.shape_cast %parallel_loop3A_421 : vector<1x16xf32> to vector<16xf32>
        %parallel_loop3A_423 = arith.constant 12 : i32
        %parallel_loop3A_424 = arith.index_cast %parallel_loop3A_423 : i32 to index
        %parallel_loop3A_425 = arith.index_cast %parallel_loop3A_285 : i32 to index
        %parallel_loop3A_426 = tpu.vector_load %arg8[%parallel_loop3A_424, %parallel_loop3A_425] {strides = array<i32>} : memref<16x1024xf32, #tpu.memory_space<vmem>>, vector<1x16xf32>,
        %parallel_loop3A_427 = vector.shape_cast %parallel_loop3A_426 : vector<1x16xf32> to vector<16xf32>
        %parallel_loop3A_428 = vector.shape_cast %parallel_loop3A_422 : vector<16xf32> to vector<1x16xf32>
        tpu.vector_store %arg8[%parallel_loop3A_424, %parallel_loop3A_425], %parallel_loop3A_428 {add = true, strides = array<i32>} : memref<16x1024xf32, #tpu.memory_space<vmem>>, vector<1x16xf32>,
        %parallel_loop3A_429 = arith.constant 13 : i32
        %parallel_loop3A_430 = arith.index_cast %parallel_loop3A_429 : i32 to index
        %parallel_loop3A_431 = arith.index_cast %parallel_loop3A_285 : i32 to index
        %parallel_loop3A_432 = tpu.vector_load %arg9[%parallel_loop3A_430, %parallel_loop3A_431] {strides = array<i32>} : memref<16x1024xf32, #tpu.memory_space<vmem>>, vector<1x16xf32>,
        %parallel_loop3A_433 = vector.shape_cast %parallel_loop3A_432 : vector<1x16xf32> to vector<16xf32>
        %parallel_loop3A_434 = arith.constant 13 : i32
        %parallel_loop3A_435 = arith.index_cast %parallel_loop3A_434 : i32 to index
        %parallel_loop3A_436 = arith.index_cast %parallel_loop3A_285 : i32 to index
        %parallel_loop3A_437 = tpu.vector_load %arg8[%parallel_loop3A_435, %parallel_loop3A_436] {strides = array<i32>} : memref<16x1024xf32, #tpu.memory_space<vmem>>, vector<1x16xf32>,
        %parallel_loop3A_438 = vector.shape_cast %parallel_loop3A_437 : vector<1x16xf32> to vector<16xf32>
        %parallel_loop3A_439 = vector.shape_cast %parallel_loop3A_433 : vector<16xf32> to vector<1x16xf32>
        tpu.vector_store %arg8[%parallel_loop3A_435, %parallel_loop3A_436], %parallel_loop3A_439 {add = true, strides = array<i32>} : memref<16x1024xf32, #tpu.memory_space<vmem>>, vector<1x16xf32>,
        %parallel_loop3A_440 = arith.constant 14 : i32
        %parallel_loop3A_441 = arith.index_cast %parallel_loop3A_440 : i32 to index
        %parallel_loop3A_442 = arith.index_cast %parallel_loop3A_285 : i32 to index
        %parallel_loop3A_443 = tpu.vector_load %arg9[%parallel_loop3A_441, %parallel_loop3A_442] {strides = array<i32>} : memref<16x1024xf32, #tpu.memory_space<vmem>>, vector<1x16xf32>,
        %parallel_loop3A_444 = vector.shape_cast %parallel_loop3A_443 : vector<1x16xf32> to vector<16xf32>
        %parallel_loop3A_445 = arith.constant 14 : i32
        %parallel_loop3A_446 = arith.index_cast %parallel_loop3A_445 : i32 to index
        %parallel_loop3A_447 = arith.index_cast %parallel_loop3A_285 : i32 to index
        %parallel_loop3A_448 = tpu.vector_load %arg8[%parallel_loop3A_446, %parallel_loop3A_447] {strides = array<i32>} : memref<16x1024xf32, #tpu.memory_space<vmem>>, vector<1x16xf32>,
        %parallel_loop3A_449 = vector.shape_cast %parallel_loop3A_448 : vector<1x16xf32> to vector<16xf32>
        %parallel_loop3A_450 = vector.shape_cast %parallel_loop3A_444 : vector<16xf32> to vector<1x16xf32>
        tpu.vector_store %arg8[%parallel_loop3A_446, %parallel_loop3A_447], %parallel_loop3A_450 {add = true, strides = array<i32>} : memref<16x1024xf32, #tpu.memory_space<vmem>>, vector<1x16xf32>,
        %parallel_loop3A_451 = arith.constant 15 : i32
        %parallel_loop3A_452 = arith.index_cast %parallel_loop3A_451 : i32 to index
        %parallel_loop3A_453 = arith.index_cast %parallel_loop3A_285 : i32 to index
        %parallel_loop3A_454 = tpu.vector_load %arg9[%parallel_loop3A_452, %parallel_loop3A_453] {strides = array<i32>} : memref<16x1024xf32, #tpu.memory_space<vmem>>, vector<1x16xf32>,
        %parallel_loop3A_455 = vector.shape_cast %parallel_loop3A_454 : vector<1x16xf32> to vector<16xf32>
        %parallel_loop3A_456 = arith.constant 15 : i32
        %parallel_loop3A_457 = arith.index_cast %parallel_loop3A_456 : i32 to index
        %parallel_loop3A_458 = arith.index_cast %parallel_loop3A_285 : i32 to index
        %parallel_loop3A_459 = tpu.vector_load %arg8[%parallel_loop3A_457, %parallel_loop3A_458] {strides = array<i32>} : memref<16x1024xf32, #tpu.memory_space<vmem>>, vector<1x16xf32>,
        %parallel_loop3A_460 = vector.shape_cast %parallel_loop3A_459 : vector<1x16xf32> to vector<16xf32>
        %parallel_loop3A_461 = vector.shape_cast %parallel_loop3A_455 : vector<16xf32> to vector<1x16xf32>
        tpu.vector_store %arg8[%parallel_loop3A_457, %parallel_loop3A_458], %parallel_loop3A_461 {add = true, strides = array<i32>} : memref<16x1024xf32, #tpu.memory_space<vmem>>, vector<1x16xf32>,
      } {sc.loop_unroll_factor = 1 : i64, sc.parallel_access}
      %mul3A_148 = arith.constant 16 : i32
      %mul3A_149 = arith.muli %add3A_47, %mul3A_148 : i32
      %add3A_150 = arith.addi %mul3A_2, %mul3A_149 : i32
      %add3A_151 = arith.constant 24576 : i32
      %add3A_152 = arith.addi %add3A_151, %add3A_150 : i32
      %dma_start3A_153 = arith.constant 0 : i32
      %dma_start3A_154 = tpu.memref_slice %arg4[%add3A_152, %dma_start3A_153] : memref<32768x1024xf32, #tpu.memory_space<hbm>> -> memref<16x1024xf32, #tpu.memory_space<hbm>>
      %dma_start3A_155 = arith.constant 0 : i32
      %dma_start3A_156 = tpu.memref_slice %arg4[%add3A_152, %dma_start3A_155] : memref<32768x1024xf32, #tpu.memory_space<hbm>> -> memref<16x1024xf32, #tpu.memory_space<hbm>>
      tpu.enqueue_dma source(%arg8 : memref<16x1024xf32, #tpu.memory_space<vmem>>) target(%dma_start3A_156 : memref<16x1024xf32, #tpu.memory_space<hbm>>) target_semaphore(%arg20 : memref<!tpu.dma_semaphore, #tpu.memory_space<semaphore_mem>>)
      %add3A_157 = arith.constant 2 : i32
      %add3A_158 = arith.addi %add3A_47, %add3A_157 : i32
      %lt3A_159 = arith.constant 16 : i32
      %lt3A_160 = arith.cmpi slt, %add3A_158, %lt3A_159 : i32
      %convert_element_type3A_161 = arith.extui %lt3A_160 : i1 to i32
      %cond3A_162 = arith.constant 0 : i32
      %cond3A_163 = arith.cmpi ne, %convert_element_type3A_161, %cond3A_162 : i32
      scf.if %cond3A_163 {
        %add3A_285 = arith.constant 2 : i32
        %add3A_286 = arith.addi %add3A_47, %add3A_285 : i32
        %mul3A_287 = arith.constant 16 : i32
        %mul3A_288 = arith.muli %add3A_286, %mul3A_287 : i32
        %add3A_289 = arith.addi %mul3A_2, %mul3A_288 : i32
        %dma_start3A_290 = arith.constant 0 : i32
        %dma_start3A_291 = tpu.memref_slice %arg3[%add3A_289, %dma_start3A_290] : memref<8192x1024xf32, #tpu.memory_space<hbm>> -> memref<16x1024xf32, #tpu.memory_space<hbm>>
        %dma_start3A_292 = arith.constant 0 : i32
        %dma_start3A_293 = tpu.memref_slice %arg3[%add3A_289, %dma_start3A_292] : memref<8192x1024xf32, #tpu.memory_space<hbm>> -> memref<16x1024xf32, #tpu.memory_space<hbm>>
        tpu.enqueue_dma source(%dma_start3A_293 : memref<16x1024xf32, #tpu.memory_space<hbm>>) target(%arg9 : memref<16x1024xf32, #tpu.memory_space<vmem>>) target_semaphore(%arg15 : memref<!tpu.dma_semaphore, #tpu.memory_space<semaphore_mem>>)
      } else {
      }
      %add3A_164 = arith.constant 1 : i32
      %add3A_165 = arith.addi %add3A_45, %add3A_164 : i32
      %dma_wait3A_166 = arith.constant 0 : i32
      %dma_wait3A_167 = tpu.memref_slice %arg2[%mul3A_2, %dma_wait3A_166] : memref<32768x1024xf32, #tpu.memory_space<hbm>> -> memref<16x1024xf32, #tpu.memory_space<hbm>>
      %dma_wait3A_168 = arith.constant 0 : i32
      %dma_wait3A_169 = tpu.memref_slice %arg2[%mul3A_2, %dma_wait3A_168] : memref<32768x1024xf32, #tpu.memory_space<hbm>> -> memref<16x1024xf32, #tpu.memory_space<hbm>>
      tpu.wait_dma2 semaphore(%arg11 : memref<!tpu.dma_semaphore, #tpu.memory_space<semaphore_mem>>) src(%dma_wait3A_169 : memref<16x1024xf32, #tpu.memory_space<hbm>>) dst(%arg5 : memref<16x1024xf32, #tpu.memory_space<vmem>>)
      %dma_wait3A_170 = arith.constant 0 : i32
      %dma_wait3A_171 = tpu.memref_slice %arg3[%mul3A_2, %dma_wait3A_170] : memref<8192x1024xf32, #tpu.memory_space<hbm>> -> memref<16x1024xf32, #tpu.memory_space<hbm>>
      %dma_wait3A_172 = arith.constant 0 : i32
      %dma_wait3A_173 = tpu.memref_slice %arg3[%mul3A_2, %dma_wait3A_172] : memref<8192x1024xf32, #tpu.memory_space<hbm>> -> memref<16x1024xf32, #tpu.memory_space<hbm>>
      tpu.wait_dma2 semaphore(%arg16 : memref<!tpu.dma_semaphore, #tpu.memory_space<semaphore_mem>>) src(%dma_wait3A_173 : memref<16x1024xf32, #tpu.memory_space<hbm>>) dst(%arg10 : memref<16x1024xf32, #tpu.memory_space<vmem>>)
      %add3A_174 = arith.constant 0 : i32
      %add3A_175 = arith.addi %add3A_165, %add3A_174 : i32
      %dma_wait3A_176 = arith.constant 0 : i32
      %dma_wait3A_177 = tpu.memref_slice %arg4[%mul3A_2, %dma_wait3A_176] : memref<32768x1024xf32, #tpu.memory_space<hbm>> -> memref<16x1024xf32, #tpu.memory_space<hbm>>
      %dma_wait3A_178 = arith.constant 0 : i32
      %dma_wait3A_179 = tpu.memref_slice %arg4[%mul3A_2, %dma_wait3A_178] : memref<32768x1024xf32, #tpu.memory_space<hbm>> -> memref<16x1024xf32, #tpu.memory_space<hbm>>
      tpu.wait_dma2 semaphore(%arg19 : memref<!tpu.dma_semaphore, #tpu.memory_space<semaphore_mem>>) src(%arg7 : memref<16x1024xf32, #tpu.memory_space<vmem>>) dst(%dma_wait3A_179 : memref<16x1024xf32, #tpu.memory_space<hbm>>)
      %lt3A_180 = arith.constant 16 : i32
      %lt3A_181 = arith.cmpi slt, %add3A_175, %lt3A_180 : i32
      %convert_element_type3A_182 = arith.extui %lt3A_181 : i1 to i32
      %cond3A_183 = arith.constant 0 : i32
      %cond3A_184 = arith.cmpi ne, %convert_element_type3A_182, %cond3A_183 : i32
      scf.if %cond3A_184 {
        %mul3A_285 = arith.constant 16 : i32
        %mul3A_286 = arith.muli %add3A_175, %mul3A_285 : i32
        %add3A_287 = arith.addi %mul3A_2, %mul3A_286 : i32
        %add3A_288 = arith.constant 16384 : i32
        %add3A_289 = arith.addi %add3A_288, %add3A_287 : i32
        %dma_start3A_290 = arith.constant 0 : i32
        %dma_start3A_291 = tpu.memref_slice %arg2[%add3A_289, %dma_start3A_290] : memref<32768x1024xf32, #tpu.memory_space<hbm>> -> memref<16x1024xf32, #tpu.memory_space<hbm>>
        %dma_start3A_292 = arith.constant 0 : i32
        %dma_start3A_293 = tpu.memref_slice %arg2[%add3A_289, %dma_start3A_292] : memref<32768x1024xf32, #tpu.memory_space<hbm>> -> memref<16x1024xf32, #tpu.memory_space<hbm>>
        tpu.enqueue_dma source(%dma_start3A_293 : memref<16x1024xf32, #tpu.memory_space<hbm>>) target(%arg7 : memref<16x1024xf32, #tpu.memory_space<vmem>>) target_semaphore(%arg13 : memref<!tpu.dma_semaphore, #tpu.memory_space<semaphore_mem>>)
      } else {
      }
      %parallel_loop3A_185 = arith.constant 0 : i32
      %parallel_loop3A_186 = arith.constant 1024 : i32
      %parallel_loop3A_187 = arith.constant 16 : i32
      scf.for %parallel_loop3A_285 = %parallel_loop3A_185 to %parallel_loop3A_186 step %parallel_loop3A_187  : i32 {
        %parallel_loop3A_286 = arith.constant 0 : i32
        %parallel_loop3A_287 = arith.index_cast %parallel_loop3A_286 : i32 to index
        %parallel_loop3A_288 = arith.index_cast %parallel_loop3A_285 : i32 to index
        %parallel_loop3A_289 = tpu.vector_load %arg10[%parallel_loop3A_287, %parallel_loop3A_288] {strides = array<i32>} : memref<16x1024xf32, #tpu.memory_space<vmem>>, vector<1x16xf32>,
        %parallel_loop3A_290 = vector.shape_cast %parallel_loop3A_289 : vector<1x16xf32> to vector<16xf32>
        %parallel_loop3A_291 = arith.constant 0 : i32
        %parallel_loop3A_292 = arith.index_cast %parallel_loop3A_291 : i32 to index
        %parallel_loop3A_293 = arith.index_cast %parallel_loop3A_285 : i32 to index
        %parallel_loop3A_294 = tpu.vector_load %arg5[%parallel_loop3A_292, %parallel_loop3A_293] {strides = array<i32>} : memref<16x1024xf32, #tpu.memory_space<vmem>>, vector<1x16xf32>,
        %parallel_loop3A_295 = vector.shape_cast %parallel_loop3A_294 : vector<1x16xf32> to vector<16xf32>
        %parallel_loop3A_296 = vector.shape_cast %parallel_loop3A_290 : vector<16xf32> to vector<1x16xf32>
        tpu.vector_store %arg5[%parallel_loop3A_292, %parallel_loop3A_293], %parallel_loop3A_296 {add = true, strides = array<i32>} : memref<16x1024xf32, #tpu.memory_space<vmem>>, vector<1x16xf32>,
        %parallel_loop3A_297 = arith.constant 1 : i32
        %parallel_loop3A_298 = arith.index_cast %parallel_loop3A_297 : i32 to index
        %parallel_loop3A_299 = arith.index_cast %parallel_loop3A_285 : i32 to index
        %parallel_loop3A_300 = tpu.vector_load %arg10[%parallel_loop3A_298, %parallel_loop3A_299] {strides = array<i32>} : memref<16x1024xf32, #tpu.memory_space<vmem>>, vector<1x16xf32>,
        %parallel_loop3A_301 = vector.shape_cast %parallel_loop3A_300 : vector<1x16xf32> to vector<16xf32>
        %parallel_loop3A_302 = arith.constant 1 : i32
        %parallel_loop3A_303 = arith.index_cast %parallel_loop3A_302 : i32 to index
        %parallel_loop3A_304 = arith.index_cast %parallel_loop3A_285 : i32 to index
        %parallel_loop3A_305 = tpu.vector_load %arg5[%parallel_loop3A_303, %parallel_loop3A_304] {strides = array<i32>} : memref<16x1024xf32, #tpu.memory_space<vmem>>, vector<1x16xf32>,
        %parallel_loop3A_306 = vector.shape_cast %parallel_loop3A_305 : vector<1x16xf32> to vector<16xf32>
        %parallel_loop3A_307 = vector.shape_cast %parallel_loop3A_301 : vector<16xf32> to vector<1x16xf32>
        tpu.vector_store %arg5[%parallel_loop3A_303, %parallel_loop3A_304], %parallel_loop3A_307 {add = true, strides = array<i32>} : memref<16x1024xf32, #tpu.memory_space<vmem>>, vector<1x16xf32>,
        %parallel_loop3A_308 = arith.constant 2 : i32
        %parallel_loop3A_309 = arith.index_cast %parallel_loop3A_308 : i32 to index
        %parallel_loop3A_310 = arith.index_cast %parallel_loop3A_285 : i32 to index
        %parallel_loop3A_311 = tpu.vector_load %arg10[%parallel_loop3A_309, %parallel_loop3A_310] {strides = array<i32>} : memref<16x1024xf32, #tpu.memory_space<vmem>>, vector<1x16xf32>,
        %parallel_loop3A_312 = vector.shape_cast %parallel_loop3A_311 : vector<1x16xf32> to vector<16xf32>
        %parallel_loop3A_313 = arith.constant 2 : i32
        %parallel_loop3A_314 = arith.index_cast %parallel_loop3A_313 : i32 to index
        %parallel_loop3A_315 = arith.index_cast %parallel_loop3A_285 : i32 to index
        %parallel_loop3A_316 = tpu.vector_load %arg5[%parallel_loop3A_314, %parallel_loop3A_315] {strides = array<i32>} : memref<16x1024xf32, #tpu.memory_space<vmem>>, vector<1x16xf32>,
        %parallel_loop3A_317 = vector.shape_cast %parallel_loop3A_316 : vector<1x16xf32> to vector<16xf32>
        %parallel_loop3A_318 = vector.shape_cast %parallel_loop3A_312 : vector<16xf32> to vector<1x16xf32>
        tpu.vector_store %arg5[%parallel_loop3A_314, %parallel_loop3A_315], %parallel_loop3A_318 {add = true, strides = array<i32>} : memref<16x1024xf32, #tpu.memory_space<vmem>>, vector<1x16xf32>,
        %parallel_loop3A_319 = arith.constant 3 : i32
        %parallel_loop3A_320 = arith.index_cast %parallel_loop3A_319 : i32 to index
        %parallel_loop3A_321 = arith.index_cast %parallel_loop3A_285 : i32 to index
        %parallel_loop3A_322 = tpu.vector_load %arg10[%parallel_loop3A_320, %parallel_loop3A_321] {strides = array<i32>} : memref<16x1024xf32, #tpu.memory_space<vmem>>, vector<1x16xf32>,
        %parallel_loop3A_323 = vector.shape_cast %parallel_loop3A_322 : vector<1x16xf32> to vector<16xf32>
        %parallel_loop3A_324 = arith.constant 3 : i32
        %parallel_loop3A_325 = arith.index_cast %parallel_loop3A_324 : i32 to index
        %parallel_loop3A_326 = arith.index_cast %parallel_loop3A_285 : i32 to index
        %parallel_loop3A_327 = tpu.vector_load %arg5[%parallel_loop3A_325, %parallel_loop3A_326] {strides = array<i32>} : memref<16x1024xf32, #tpu.memory_space<vmem>>, vector<1x16xf32>,
        %parallel_loop3A_328 = vector.shape_cast %parallel_loop3A_327 : vector<1x16xf32> to vector<16xf32>
        %parallel_loop3A_329 = vector.shape_cast %parallel_loop3A_323 : vector<16xf32> to vector<1x16xf32>
        tpu.vector_store %arg5[%parallel_loop3A_325, %parallel_loop3A_326], %parallel_loop3A_329 {add = true, strides = array<i32>} : memref<16x1024xf32, #tpu.memory_space<vmem>>, vector<1x16xf32>,
        %parallel_loop3A_330 = arith.constant 4 : i32
        %parallel_loop3A_331 = arith.index_cast %parallel_loop3A_330 : i32 to index
        %parallel_loop3A_332 = arith.index_cast %parallel_loop3A_285 : i32 to index
        %parallel_loop3A_333 = tpu.vector_load %arg10[%parallel_loop3A_331, %parallel_loop3A_332] {strides = array<i32>} : memref<16x1024xf32, #tpu.memory_space<vmem>>, vector<1x16xf32>,
        %parallel_loop3A_334 = vector.shape_cast %parallel_loop3A_333 : vector<1x16xf32> to vector<16xf32>
        %parallel_loop3A_335 = arith.constant 4 : i32
        %parallel_loop3A_336 = arith.index_cast %parallel_loop3A_335 : i32 to index
        %parallel_loop3A_337 = arith.index_cast %parallel_loop3A_285 : i32 to index
        %parallel_loop3A_338 = tpu.vector_load %arg5[%parallel_loop3A_336, %parallel_loop3A_337] {strides = array<i32>} : memref<16x1024xf32, #tpu.memory_space<vmem>>, vector<1x16xf32>,
        %parallel_loop3A_339 = vector.shape_cast %parallel_loop3A_338 : vector<1x16xf32> to vector<16xf32>
        %parallel_loop3A_340 = vector.shape_cast %parallel_loop3A_334 : vector<16xf32> to vector<1x16xf32>
        tpu.vector_store %arg5[%parallel_loop3A_336, %parallel_loop3A_337], %parallel_loop3A_340 {add = true, strides = array<i32>} : memref<16x1024xf32, #tpu.memory_space<vmem>>, vector<1x16xf32>,
        %parallel_loop3A_341 = arith.constant 5 : i32
        %parallel_loop3A_342 = arith.index_cast %parallel_loop3A_341 : i32 to index
        %parallel_loop3A_343 = arith.index_cast %parallel_loop3A_285 : i32 to index
        %parallel_loop3A_344 = tpu.vector_load %arg10[%parallel_loop3A_342, %parallel_loop3A_343] {strides = array<i32>} : memref<16x1024xf32, #tpu.memory_space<vmem>>, vector<1x16xf32>,
        %parallel_loop3A_345 = vector.shape_cast %parallel_loop3A_344 : vector<1x16xf32> to vector<16xf32>
        %parallel_loop3A_346 = arith.constant 5 : i32
        %parallel_loop3A_347 = arith.index_cast %parallel_loop3A_346 : i32 to index
        %parallel_loop3A_348 = arith.index_cast %parallel_loop3A_285 : i32 to index
        %parallel_loop3A_349 = tpu.vector_load %arg5[%parallel_loop3A_347, %parallel_loop3A_348] {strides = array<i32>} : memref<16x1024xf32, #tpu.memory_space<vmem>>, vector<1x16xf32>,
        %parallel_loop3A_350 = vector.shape_cast %parallel_loop3A_349 : vector<1x16xf32> to vector<16xf32>
        %parallel_loop3A_351 = vector.shape_cast %parallel_loop3A_345 : vector<16xf32> to vector<1x16xf32>
        tpu.vector_store %arg5[%parallel_loop3A_347, %parallel_loop3A_348], %parallel_loop3A_351 {add = true, strides = array<i32>} : memref<16x1024xf32, #tpu.memory_space<vmem>>, vector<1x16xf32>,
        %parallel_loop3A_352 = arith.constant 6 : i32
        %parallel_loop3A_353 = arith.index_cast %parallel_loop3A_352 : i32 to index
        %parallel_loop3A_354 = arith.index_cast %parallel_loop3A_285 : i32 to index
        %parallel_loop3A_355 = tpu.vector_load %arg10[%parallel_loop3A_353, %parallel_loop3A_354] {strides = array<i32>} : memref<16x1024xf32, #tpu.memory_space<vmem>>, vector<1x16xf32>,
        %parallel_loop3A_356 = vector.shape_cast %parallel_loop3A_355 : vector<1x16xf32> to vector<16xf32>
        %parallel_loop3A_357 = arith.constant 6 : i32
        %parallel_loop3A_358 = arith.index_cast %parallel_loop3A_357 : i32 to index
        %parallel_loop3A_359 = arith.index_cast %parallel_loop3A_285 : i32 to index
        %parallel_loop3A_360 = tpu.vector_load %arg5[%parallel_loop3A_358, %parallel_loop3A_359] {strides = array<i32>} : memref<16x1024xf32, #tpu.memory_space<vmem>>, vector<1x16xf32>,
        %parallel_loop3A_361 = vector.shape_cast %parallel_loop3A_360 : vector<1x16xf32> to vector<16xf32>
        %parallel_loop3A_362 = vector.shape_cast %parallel_loop3A_356 : vector<16xf32> to vector<1x16xf32>
        tpu.vector_store %arg5[%parallel_loop3A_358, %parallel_loop3A_359], %parallel_loop3A_362 {add = true, strides = array<i32>} : memref<16x1024xf32, #tpu.memory_space<vmem>>, vector<1x16xf32>,
        %parallel_loop3A_363 = arith.constant 7 : i32
        %parallel_loop3A_364 = arith.index_cast %parallel_loop3A_363 : i32 to index
        %parallel_loop3A_365 = arith.index_cast %parallel_loop3A_285 : i32 to index
        %parallel_loop3A_366 = tpu.vector_load %arg10[%parallel_loop3A_364, %parallel_loop3A_365] {strides = array<i32>} : memref<16x1024xf32, #tpu.memory_space<vmem>>, vector<1x16xf32>,
        %parallel_loop3A_367 = vector.shape_cast %parallel_loop3A_366 : vector<1x16xf32> to vector<16xf32>
        %parallel_loop3A_368 = arith.constant 7 : i32
        %parallel_loop3A_369 = arith.index_cast %parallel_loop3A_368 : i32 to index
        %parallel_loop3A_370 = arith.index_cast %parallel_loop3A_285 : i32 to index
        %parallel_loop3A_371 = tpu.vector_load %arg5[%parallel_loop3A_369, %parallel_loop3A_370] {strides = array<i32>} : memref<16x1024xf32, #tpu.memory_space<vmem>>, vector<1x16xf32>,
        %parallel_loop3A_372 = vector.shape_cast %parallel_loop3A_371 : vector<1x16xf32> to vector<16xf32>
        %parallel_loop3A_373 = vector.shape_cast %parallel_loop3A_367 : vector<16xf32> to vector<1x16xf32>
        tpu.vector_store %arg5[%parallel_loop3A_369, %parallel_loop3A_370], %parallel_loop3A_373 {add = true, strides = array<i32>} : memref<16x1024xf32, #tpu.memory_space<vmem>>, vector<1x16xf32>,
        %parallel_loop3A_374 = arith.constant 8 : i32
        %parallel_loop3A_375 = arith.index_cast %parallel_loop3A_374 : i32 to index
        %parallel_loop3A_376 = arith.index_cast %parallel_loop3A_285 : i32 to index
        %parallel_loop3A_377 = tpu.vector_load %arg10[%parallel_loop3A_375, %parallel_loop3A_376] {strides = array<i32>} : memref<16x1024xf32, #tpu.memory_space<vmem>>, vector<1x16xf32>,
        %parallel_loop3A_378 = vector.shape_cast %parallel_loop3A_377 : vector<1x16xf32> to vector<16xf32>
        %parallel_loop3A_379 = arith.constant 8 : i32
        %parallel_loop3A_380 = arith.index_cast %parallel_loop3A_379 : i32 to index
        %parallel_loop3A_381 = arith.index_cast %parallel_loop3A_285 : i32 to index
        %parallel_loop3A_382 = tpu.vector_load %arg5[%parallel_loop3A_380, %parallel_loop3A_381] {strides = array<i32>} : memref<16x1024xf32, #tpu.memory_space<vmem>>, vector<1x16xf32>,
        %parallel_loop3A_383 = vector.shape_cast %parallel_loop3A_382 : vector<1x16xf32> to vector<16xf32>
        %parallel_loop3A_384 = vector.shape_cast %parallel_loop3A_378 : vector<16xf32> to vector<1x16xf32>
        tpu.vector_store %arg5[%parallel_loop3A_380, %parallel_loop3A_381], %parallel_loop3A_384 {add = true, strides = array<i32>} : memref<16x1024xf32, #tpu.memory_space<vmem>>, vector<1x16xf32>,
        %parallel_loop3A_385 = arith.constant 9 : i32
        %parallel_loop3A_386 = arith.index_cast %parallel_loop3A_385 : i32 to index
        %parallel_loop3A_387 = arith.index_cast %parallel_loop3A_285 : i32 to index
        %parallel_loop3A_388 = tpu.vector_load %arg10[%parallel_loop3A_386, %parallel_loop3A_387] {strides = array<i32>} : memref<16x1024xf32, #tpu.memory_space<vmem>>, vector<1x16xf32>,
        %parallel_loop3A_389 = vector.shape_cast %parallel_loop3A_388 : vector<1x16xf32> to vector<16xf32>
        %parallel_loop3A_390 = arith.constant 9 : i32
        %parallel_loop3A_391 = arith.index_cast %parallel_loop3A_390 : i32 to index
        %parallel_loop3A_392 = arith.index_cast %parallel_loop3A_285 : i32 to index
        %parallel_loop3A_393 = tpu.vector_load %arg5[%parallel_loop3A_391, %parallel_loop3A_392] {strides = array<i32>} : memref<16x1024xf32, #tpu.memory_space<vmem>>, vector<1x16xf32>,
        %parallel_loop3A_394 = vector.shape_cast %parallel_loop3A_393 : vector<1x16xf32> to vector<16xf32>
        %parallel_loop3A_395 = vector.shape_cast %parallel_loop3A_389 : vector<16xf32> to vector<1x16xf32>
        tpu.vector_store %arg5[%parallel_loop3A_391, %parallel_loop3A_392], %parallel_loop3A_395 {add = true, strides = array<i32>} : memref<16x1024xf32, #tpu.memory_space<vmem>>, vector<1x16xf32>,
        %parallel_loop3A_396 = arith.constant 10 : i32
        %parallel_loop3A_397 = arith.index_cast %parallel_loop3A_396 : i32 to index
        %parallel_loop3A_398 = arith.index_cast %parallel_loop3A_285 : i32 to index
        %parallel_loop3A_399 = tpu.vector_load %arg10[%parallel_loop3A_397, %parallel_loop3A_398] {strides = array<i32>} : memref<16x1024xf32, #tpu.memory_space<vmem>>, vector<1x16xf32>,
        %parallel_loop3A_400 = vector.shape_cast %parallel_loop3A_399 : vector<1x16xf32> to vector<16xf32>
        %parallel_loop3A_401 = arith.constant 10 : i32
        %parallel_loop3A_402 = arith.index_cast %parallel_loop3A_401 : i32 to index
        %parallel_loop3A_403 = arith.index_cast %parallel_loop3A_285 : i32 to index
        %parallel_loop3A_404 = tpu.vector_load %arg5[%parallel_loop3A_402, %parallel_loop3A_403] {strides = array<i32>} : memref<16x1024xf32, #tpu.memory_space<vmem>>, vector<1x16xf32>,
        %parallel_loop3A_405 = vector.shape_cast %parallel_loop3A_404 : vector<1x16xf32> to vector<16xf32>
        %parallel_loop3A_406 = vector.shape_cast %parallel_loop3A_400 : vector<16xf32> to vector<1x16xf32>
        tpu.vector_store %arg5[%parallel_loop3A_402, %parallel_loop3A_403], %parallel_loop3A_406 {add = true, strides = array<i32>} : memref<16x1024xf32, #tpu.memory_space<vmem>>, vector<1x16xf32>,
        %parallel_loop3A_407 = arith.constant 11 : i32
        %parallel_loop3A_408 = arith.index_cast %parallel_loop3A_407 : i32 to index
        %parallel_loop3A_409 = arith.index_cast %parallel_loop3A_285 : i32 to index
        %parallel_loop3A_410 = tpu.vector_load %arg10[%parallel_loop3A_408, %parallel_loop3A_409] {strides = array<i32>} : memref<16x1024xf32, #tpu.memory_space<vmem>>, vector<1x16xf32>,
        %parallel_loop3A_411 = vector.shape_cast %parallel_loop3A_410 : vector<1x16xf32> to vector<16xf32>
        %parallel_loop3A_412 = arith.constant 11 : i32
        %parallel_loop3A_413 = arith.index_cast %parallel_loop3A_412 : i32 to index
        %parallel_loop3A_414 = arith.index_cast %parallel_loop3A_285 : i32 to index
        %parallel_loop3A_415 = tpu.vector_load %arg5[%parallel_loop3A_413, %parallel_loop3A_414] {strides = array<i32>} : memref<16x1024xf32, #tpu.memory_space<vmem>>, vector<1x16xf32>,
        %parallel_loop3A_416 = vector.shape_cast %parallel_loop3A_415 : vector<1x16xf32> to vector<16xf32>
        %parallel_loop3A_417 = vector.shape_cast %parallel_loop3A_411 : vector<16xf32> to vector<1x16xf32>
        tpu.vector_store %arg5[%parallel_loop3A_413, %parallel_loop3A_414], %parallel_loop3A_417 {add = true, strides = array<i32>} : memref<16x1024xf32, #tpu.memory_space<vmem>>, vector<1x16xf32>,
        %parallel_loop3A_418 = arith.constant 12 : i32
        %parallel_loop3A_419 = arith.index_cast %parallel_loop3A_418 : i32 to index
        %parallel_loop3A_420 = arith.index_cast %parallel_loop3A_285 : i32 to index
        %parallel_loop3A_421 = tpu.vector_load %arg10[%parallel_loop3A_419, %parallel_loop3A_420] {strides = array<i32>} : memref<16x1024xf32, #tpu.memory_space<vmem>>, vector<1x16xf32>,
        %parallel_loop3A_422 = vector.shape_cast %parallel_loop3A_421 : vector<1x16xf32> to vector<16xf32>
        %parallel_loop3A_423 = arith.constant 12 : i32
        %parallel_loop3A_424 = arith.index_cast %parallel_loop3A_423 : i32 to index
        %parallel_loop3A_425 = arith.index_cast %parallel_loop3A_285 : i32 to index
        %parallel_loop3A_426 = tpu.vector_load %arg5[%parallel_loop3A_424, %parallel_loop3A_425] {strides = array<i32>} : memref<16x1024xf32, #tpu.memory_space<vmem>>, vector<1x16xf32>,
        %parallel_loop3A_427 = vector.shape_cast %parallel_loop3A_426 : vector<1x16xf32> to vector<16xf32>
        %parallel_loop3A_428 = vector.shape_cast %parallel_loop3A_422 : vector<16xf32> to vector<1x16xf32>
        tpu.vector_store %arg5[%parallel_loop3A_424, %parallel_loop3A_425], %parallel_loop3A_428 {add = true, strides = array<i32>} : memref<16x1024xf32, #tpu.memory_space<vmem>>, vector<1x16xf32>,
        %parallel_loop3A_429 = arith.constant 13 : i32
        %parallel_loop3A_430 = arith.index_cast %parallel_loop3A_429 : i32 to index
        %parallel_loop3A_431 = arith.index_cast %parallel_loop3A_285 : i32 to index
        %parallel_loop3A_432 = tpu.vector_load %arg10[%parallel_loop3A_430, %parallel_loop3A_431] {strides = array<i32>} : memref<16x1024xf32, #tpu.memory_space<vmem>>, vector<1x16xf32>,
        %parallel_loop3A_433 = vector.shape_cast %parallel_loop3A_432 : vector<1x16xf32> to vector<16xf32>
        %parallel_loop3A_434 = arith.constant 13 : i32
        %parallel_loop3A_435 = arith.index_cast %parallel_loop3A_434 : i32 to index
        %parallel_loop3A_436 = arith.index_cast %parallel_loop3A_285 : i32 to index
        %parallel_loop3A_437 = tpu.vector_load %arg5[%parallel_loop3A_435, %parallel_loop3A_436] {strides = array<i32>} : memref<16x1024xf32, #tpu.memory_space<vmem>>, vector<1x16xf32>,
        %parallel_loop3A_438 = vector.shape_cast %parallel_loop3A_437 : vector<1x16xf32> to vector<16xf32>
        %parallel_loop3A_439 = vector.shape_cast %parallel_loop3A_433 : vector<16xf32> to vector<1x16xf32>
        tpu.vector_store %arg5[%parallel_loop3A_435, %parallel_loop3A_436], %parallel_loop3A_439 {add = true, strides = array<i32>} : memref<16x1024xf32, #tpu.memory_space<vmem>>, vector<1x16xf32>,
        %parallel_loop3A_440 = arith.constant 14 : i32
        %parallel_loop3A_441 = arith.index_cast %parallel_loop3A_440 : i32 to index
        %parallel_loop3A_442 = arith.index_cast %parallel_loop3A_285 : i32 to index
        %parallel_loop3A_443 = tpu.vector_load %arg10[%parallel_loop3A_441, %parallel_loop3A_442] {strides = array<i32>} : memref<16x1024xf32, #tpu.memory_space<vmem>>, vector<1x16xf32>,
        %parallel_loop3A_444 = vector.shape_cast %parallel_loop3A_443 : vector<1x16xf32> to vector<16xf32>
        %parallel_loop3A_445 = arith.constant 14 : i32
        %parallel_loop3A_446 = arith.index_cast %parallel_loop3A_445 : i32 to index
        %parallel_loop3A_447 = arith.index_cast %parallel_loop3A_285 : i32 to index
        %parallel_loop3A_448 = tpu.vector_load %arg5[%parallel_loop3A_446, %parallel_loop3A_447] {strides = array<i32>} : memref<16x1024xf32, #tpu.memory_space<vmem>>, vector<1x16xf32>,
        %parallel_loop3A_449 = vector.shape_cast %parallel_loop3A_448 : vector<1x16xf32> to vector<16xf32>
        %parallel_loop3A_450 = vector.shape_cast %parallel_loop3A_444 : vector<16xf32> to vector<1x16xf32>
        tpu.vector_store %arg5[%parallel_loop3A_446, %parallel_loop3A_447], %parallel_loop3A_450 {add = true, strides = array<i32>} : memref<16x1024xf32, #tpu.memory_space<vmem>>, vector<1x16xf32>,
        %parallel_loop3A_451 = arith.constant 15 : i32
        %parallel_loop3A_452 = arith.index_cast %parallel_loop3A_451 : i32 to index
        %parallel_loop3A_453 = arith.index_cast %parallel_loop3A_285 : i32 to index
        %parallel_loop3A_454 = tpu.vector_load %arg10[%parallel_loop3A_452, %parallel_loop3A_453] {strides = array<i32>} : memref<16x1024xf32, #tpu.memory_space<vmem>>, vector<1x16xf32>,
        %parallel_loop3A_455 = vector.shape_cast %parallel_loop3A_454 : vector<1x16xf32> to vector<16xf32>
        %parallel_loop3A_456 = arith.constant 15 : i32
        %parallel_loop3A_457 = arith.index_cast %parallel_loop3A_456 : i32 to index
        %parallel_loop3A_458 = arith.index_cast %parallel_loop3A_285 : i32 to index
        %parallel_loop3A_459 = tpu.vector_load %arg5[%parallel_loop3A_457, %parallel_loop3A_458] {strides = array<i32>} : memref<16x1024xf32, #tpu.memory_space<vmem>>, vector<1x16xf32>,
        %parallel_loop3A_460 = vector.shape_cast %parallel_loop3A_459 : vector<1x16xf32> to vector<16xf32>
        %parallel_loop3A_461 = vector.shape_cast %parallel_loop3A_455 : vector<16xf32> to vector<1x16xf32>
        tpu.vector_store %arg5[%parallel_loop3A_457, %parallel_loop3A_458], %parallel_loop3A_461 {add = true, strides = array<i32>} : memref<16x1024xf32, #tpu.memory_space<vmem>>, vector<1x16xf32>,
      } {sc.loop_unroll_factor = 1 : i64, sc.parallel_access}
      %mul3A_188 = arith.constant 16 : i32
      %mul3A_189 = arith.muli %add3A_165, %mul3A_188 : i32
      %add3A_190 = arith.addi %mul3A_2, %mul3A_189 : i32
      %add3A_191 = arith.constant 0 : i32
      %add3A_192 = arith.addi %add3A_191, %add3A_190 : i32
      %dma_start3A_193 = arith.constant 0 : i32
      %dma_start3A_194 = tpu.memref_slice %arg4[%add3A_192, %dma_start3A_193] : memref<32768x1024xf32, #tpu.memory_space<hbm>> -> memref<16x1024xf32, #tpu.memory_space<hbm>>
      %dma_start3A_195 = arith.constant 0 : i32
      %dma_start3A_196 = tpu.memref_slice %arg4[%add3A_192, %dma_start3A_195] : memref<32768x1024xf32, #tpu.memory_space<hbm>> -> memref<16x1024xf32, #tpu.memory_space<hbm>>
      tpu.enqueue_dma source(%arg5 : memref<16x1024xf32, #tpu.memory_space<vmem>>) target(%dma_start3A_196 : memref<16x1024xf32, #tpu.memory_space<hbm>>) target_semaphore(%arg17 : memref<!tpu.dma_semaphore, #tpu.memory_space<semaphore_mem>>)
      %dma_wait3A_197 = arith.constant 0 : i32
      %dma_wait3A_198 = tpu.memref_slice %arg2[%mul3A_2, %dma_wait3A_197] : memref<32768x1024xf32, #tpu.memory_space<hbm>> -> memref<16x1024xf32, #tpu.memory_space<hbm>>
      %dma_wait3A_199 = arith.constant 0 : i32
      %dma_wait3A_200 = tpu.memref_slice %arg2[%mul3A_2, %dma_wait3A_199] : memref<32768x1024xf32, #tpu.memory_space<hbm>> -> memref<16x1024xf32, #tpu.memory_space<hbm>>
      tpu.wait_dma2 semaphore(%arg12 : memref<!tpu.dma_semaphore, #tpu.memory_space<semaphore_mem>>) src(%dma_wait3A_200 : memref<16x1024xf32, #tpu.memory_space<hbm>>) dst(%arg6 : memref<16x1024xf32, #tpu.memory_space<vmem>>)
      %add3A_201 = arith.constant 0 : i32
      %add3A_202 = arith.addi %add3A_165, %add3A_201 : i32
      %dma_wait3A_203 = arith.constant 0 : i32
      %dma_wait3A_204 = tpu.memref_slice %arg4[%mul3A_2, %dma_wait3A_203] : memref<32768x1024xf32, #tpu.memory_space<hbm>> -> memref<16x1024xf32, #tpu.memory_space<hbm>>
      %dma_wait3A_205 = arith.constant 0 : i32
      %dma_wait3A_206 = tpu.memref_slice %arg4[%mul3A_2, %dma_wait3A_205] : memref<32768x1024xf32, #tpu.memory_space<hbm>> -> memref<16x1024xf32, #tpu.memory_space<hbm>>
      tpu.wait_dma2 semaphore(%arg20 : memref<!tpu.dma_semaphore, #tpu.memory_space<semaphore_mem>>) src(%arg8 : memref<16x1024xf32, #tpu.memory_space<vmem>>) dst(%dma_wait3A_206 : memref<16x1024xf32, #tpu.memory_space<hbm>>)
      %lt3A_207 = arith.constant 16 : i32
      %lt3A_208 = arith.cmpi slt, %add3A_202, %lt3A_207 : i32
      %convert_element_type3A_209 = arith.extui %lt3A_208 : i1 to i32
      %cond3A_210 = arith.constant 0 : i32
      %cond3A_211 = arith.cmpi ne, %convert_element_type3A_209, %cond3A_210 : i32
      scf.if %cond3A_211 {
        %mul3A_285 = arith.constant 16 : i32
        %mul3A_286 = arith.muli %add3A_202, %mul3A_285 : i32
        %add3A_287 = arith.addi %mul3A_2, %mul3A_286 : i32
        %add3A_288 = arith.constant 24576 : i32
        %add3A_289 = arith.addi %add3A_288, %add3A_287 : i32
        %dma_start3A_290 = arith.constant 0 : i32
        %dma_start3A_291 = tpu.memref_slice %arg2[%add3A_289, %dma_start3A_290] : memref<32768x1024xf32, #tpu.memory_space<hbm>> -> memref<16x1024xf32, #tpu.memory_space<hbm>>
        %dma_start3A_292 = arith.constant 0 : i32
        %dma_start3A_293 = tpu.memref_slice %arg2[%add3A_289, %dma_start3A_292] : memref<32768x1024xf32, #tpu.memory_space<hbm>> -> memref<16x1024xf32, #tpu.memory_space<hbm>>
        tpu.enqueue_dma source(%dma_start3A_293 : memref<16x1024xf32, #tpu.memory_space<hbm>>) target(%arg8 : memref<16x1024xf32, #tpu.memory_space<vmem>>) target_semaphore(%arg14 : memref<!tpu.dma_semaphore, #tpu.memory_space<semaphore_mem>>)
      } else {
      }
      %parallel_loop3A_212 = arith.constant 0 : i32
      %parallel_loop3A_213 = arith.constant 1024 : i32
      %parallel_loop3A_214 = arith.constant 16 : i32
      scf.for %parallel_loop3A_285 = %parallel_loop3A_212 to %parallel_loop3A_213 step %parallel_loop3A_214  : i32 {
        %parallel_loop3A_286 = arith.constant 0 : i32
        %parallel_loop3A_287 = arith.index_cast %parallel_loop3A_286 : i32 to index
        %parallel_loop3A_288 = arith.index_cast %parallel_loop3A_285 : i32 to index
        %parallel_loop3A_289 = tpu.vector_load %arg10[%parallel_loop3A_287, %parallel_loop3A_288] {strides = array<i32>} : memref<16x1024xf32, #tpu.memory_space<vmem>>, vector<1x16xf32>,
        %parallel_loop3A_290 = vector.shape_cast %parallel_loop3A_289 : vector<1x16xf32> to vector<16xf32>
        %parallel_loop3A_291 = arith.constant 0 : i32
        %parallel_loop3A_292 = arith.index_cast %parallel_loop3A_291 : i32 to index
        %parallel_loop3A_293 = arith.index_cast %parallel_loop3A_285 : i32 to index
        %parallel_loop3A_294 = tpu.vector_load %arg6[%parallel_loop3A_292, %parallel_loop3A_293] {strides = array<i32>} : memref<16x1024xf32, #tpu.memory_space<vmem>>, vector<1x16xf32>,
        %parallel_loop3A_295 = vector.shape_cast %parallel_loop3A_294 : vector<1x16xf32> to vector<16xf32>
        %parallel_loop3A_296 = vector.shape_cast %parallel_loop3A_290 : vector<16xf32> to vector<1x16xf32>
        tpu.vector_store %arg6[%parallel_loop3A_292, %parallel_loop3A_293], %parallel_loop3A_296 {add = true, strides = array<i32>} : memref<16x1024xf32, #tpu.memory_space<vmem>>, vector<1x16xf32>,
        %parallel_loop3A_297 = arith.constant 1 : i32
        %parallel_loop3A_298 = arith.index_cast %parallel_loop3A_297 : i32 to index
        %parallel_loop3A_299 = arith.index_cast %parallel_loop3A_285 : i32 to index
        %parallel_loop3A_300 = tpu.vector_load %arg10[%parallel_loop3A_298, %parallel_loop3A_299] {strides = array<i32>} : memref<16x1024xf32, #tpu.memory_space<vmem>>, vector<1x16xf32>,
        %parallel_loop3A_301 = vector.shape_cast %parallel_loop3A_300 : vector<1x16xf32> to vector<16xf32>
        %parallel_loop3A_302 = arith.constant 1 : i32
        %parallel_loop3A_303 = arith.index_cast %parallel_loop3A_302 : i32 to index
        %parallel_loop3A_304 = arith.index_cast %parallel_loop3A_285 : i32 to index
        %parallel_loop3A_305 = tpu.vector_load %arg6[%parallel_loop3A_303, %parallel_loop3A_304] {strides = array<i32>} : memref<16x1024xf32, #tpu.memory_space<vmem>>, vector<1x16xf32>,
        %parallel_loop3A_306 = vector.shape_cast %parallel_loop3A_305 : vector<1x16xf32> to vector<16xf32>
        %parallel_loop3A_307 = vector.shape_cast %parallel_loop3A_301 : vector<16xf32> to vector<1x16xf32>
        tpu.vector_store %arg6[%parallel_loop3A_303, %parallel_loop3A_304], %parallel_loop3A_307 {add = true, strides = array<i32>} : memref<16x1024xf32, #tpu.memory_space<vmem>>, vector<1x16xf32>,
        %parallel_loop3A_308 = arith.constant 2 : i32
        %parallel_loop3A_309 = arith.index_cast %parallel_loop3A_308 : i32 to index
        %parallel_loop3A_310 = arith.index_cast %parallel_loop3A_285 : i32 to index
        %parallel_loop3A_311 = tpu.vector_load %arg10[%parallel_loop3A_309, %parallel_loop3A_310] {strides = array<i32>} : memref<16x1024xf32, #tpu.memory_space<vmem>>, vector<1x16xf32>,
        %parallel_loop3A_312 = vector.shape_cast %parallel_loop3A_311 : vector<1x16xf32> to vector<16xf32>
        %parallel_loop3A_313 = arith.constant 2 : i32
        %parallel_loop3A_314 = arith.index_cast %parallel_loop3A_313 : i32 to index
        %parallel_loop3A_315 = arith.index_cast %parallel_loop3A_285 : i32 to index
        %parallel_loop3A_316 = tpu.vector_load %arg6[%parallel_loop3A_314, %parallel_loop3A_315] {strides = array<i32>} : memref<16x1024xf32, #tpu.memory_space<vmem>>, vector<1x16xf32>,
        %parallel_loop3A_317 = vector.shape_cast %parallel_loop3A_316 : vector<1x16xf32> to vector<16xf32>
        %parallel_loop3A_318 = vector.shape_cast %parallel_loop3A_312 : vector<16xf32> to vector<1x16xf32>
        tpu.vector_store %arg6[%parallel_loop3A_314, %parallel_loop3A_315], %parallel_loop3A_318 {add = true, strides = array<i32>} : memref<16x1024xf32, #tpu.memory_space<vmem>>, vector<1x16xf32>,
        %parallel_loop3A_319 = arith.constant 3 : i32
        %parallel_loop3A_320 = arith.index_cast %parallel_loop3A_319 : i32 to index
        %parallel_loop3A_321 = arith.index_cast %parallel_loop3A_285 : i32 to index
        %parallel_loop3A_322 = tpu.vector_load %arg10[%parallel_loop3A_320, %parallel_loop3A_321] {strides = array<i32>} : memref<16x1024xf32, #tpu.memory_space<vmem>>, vector<1x16xf32>,
        %parallel_loop3A_323 = vector.shape_cast %parallel_loop3A_322 : vector<1x16xf32> to vector<16xf32>
        %parallel_loop3A_324 = arith.constant 3 : i32
        %parallel_loop3A_325 = arith.index_cast %parallel_loop3A_324 : i32 to index
        %parallel_loop3A_326 = arith.index_cast %parallel_loop3A_285 : i32 to index
        %parallel_loop3A_327 = tpu.vector_load %arg6[%parallel_loop3A_325, %parallel_loop3A_326] {strides = array<i32>} : memref<16x1024xf32, #tpu.memory_space<vmem>>, vector<1x16xf32>,
        %parallel_loop3A_328 = vector.shape_cast %parallel_loop3A_327 : vector<1x16xf32> to vector<16xf32>
        %parallel_loop3A_329 = vector.shape_cast %parallel_loop3A_323 : vector<16xf32> to vector<1x16xf32>
        tpu.vector_store %arg6[%parallel_loop3A_325, %parallel_loop3A_326], %parallel_loop3A_329 {add = true, strides = array<i32>} : memref<16x1024xf32, #tpu.memory_space<vmem>>, vector<1x16xf32>,
        %parallel_loop3A_330 = arith.constant 4 : i32
        %parallel_loop3A_331 = arith.index_cast %parallel_loop3A_330 : i32 to index
        %parallel_loop3A_332 = arith.index_cast %parallel_loop3A_285 : i32 to index
        %parallel_loop3A_333 = tpu.vector_load %arg10[%parallel_loop3A_331, %parallel_loop3A_332] {strides = array<i32>} : memref<16x1024xf32, #tpu.memory_space<vmem>>, vector<1x16xf32>,
        %parallel_loop3A_334 = vector.shape_cast %parallel_loop3A_333 : vector<1x16xf32> to vector<16xf32>
        %parallel_loop3A_335 = arith.constant 4 : i32
        %parallel_loop3A_336 = arith.index_cast %parallel_loop3A_335 : i32 to index
        %parallel_loop3A_337 = arith.index_cast %parallel_loop3A_285 : i32 to index
        %parallel_loop3A_338 = tpu.vector_load %arg6[%parallel_loop3A_336, %parallel_loop3A_337] {strides = array<i32>} : memref<16x1024xf32, #tpu.memory_space<vmem>>, vector<1x16xf32>,
        %parallel_loop3A_339 = vector.shape_cast %parallel_loop3A_338 : vector<1x16xf32> to vector<16xf32>
        %parallel_loop3A_340 = vector.shape_cast %parallel_loop3A_334 : vector<16xf32> to vector<1x16xf32>
        tpu.vector_store %arg6[%parallel_loop3A_336, %parallel_loop3A_337], %parallel_loop3A_340 {add = true, strides = array<i32>} : memref<16x1024xf32, #tpu.memory_space<vmem>>, vector<1x16xf32>,
        %parallel_loop3A_341 = arith.constant 5 : i32
        %parallel_loop3A_342 = arith.index_cast %parallel_loop3A_341 : i32 to index
        %parallel_loop3A_343 = arith.index_cast %parallel_loop3A_285 : i32 to index
        %parallel_loop3A_344 = tpu.vector_load %arg10[%parallel_loop3A_342, %parallel_loop3A_343] {strides = array<i32>} : memref<16x1024xf32, #tpu.memory_space<vmem>>, vector<1x16xf32>,
        %parallel_loop3A_345 = vector.shape_cast %parallel_loop3A_344 : vector<1x16xf32> to vector<16xf32>
        %parallel_loop3A_346 = arith.constant 5 : i32
        %parallel_loop3A_347 = arith.index_cast %parallel_loop3A_346 : i32 to index
        %parallel_loop3A_348 = arith.index_cast %parallel_loop3A_285 : i32 to index
        %parallel_loop3A_349 = tpu.vector_load %arg6[%parallel_loop3A_347, %parallel_loop3A_348] {strides = array<i32>} : memref<16x1024xf32, #tpu.memory_space<vmem>>, vector<1x16xf32>,
        %parallel_loop3A_350 = vector.shape_cast %parallel_loop3A_349 : vector<1x16xf32> to vector<16xf32>
        %parallel_loop3A_351 = vector.shape_cast %parallel_loop3A_345 : vector<16xf32> to vector<1x16xf32>
        tpu.vector_store %arg6[%parallel_loop3A_347, %parallel_loop3A_348], %parallel_loop3A_351 {add = true, strides = array<i32>} : memref<16x1024xf32, #tpu.memory_space<vmem>>, vector<1x16xf32>,
        %parallel_loop3A_352 = arith.constant 6 : i32
        %parallel_loop3A_353 = arith.index_cast %parallel_loop3A_352 : i32 to index
        %parallel_loop3A_354 = arith.index_cast %parallel_loop3A_285 : i32 to index
        %parallel_loop3A_355 = tpu.vector_load %arg10[%parallel_loop3A_353, %parallel_loop3A_354] {strides = array<i32>} : memref<16x1024xf32, #tpu.memory_space<vmem>>, vector<1x16xf32>,
        %parallel_loop3A_356 = vector.shape_cast %parallel_loop3A_355 : vector<1x16xf32> to vector<16xf32>
        %parallel_loop3A_357 = arith.constant 6 : i32
        %parallel_loop3A_358 = arith.index_cast %parallel_loop3A_357 : i32 to index
        %parallel_loop3A_359 = arith.index_cast %parallel_loop3A_285 : i32 to index
        %parallel_loop3A_360 = tpu.vector_load %arg6[%parallel_loop3A_358, %parallel_loop3A_359] {strides = array<i32>} : memref<16x1024xf32, #tpu.memory_space<vmem>>, vector<1x16xf32>,
        %parallel_loop3A_361 = vector.shape_cast %parallel_loop3A_360 : vector<1x16xf32> to vector<16xf32>
        %parallel_loop3A_362 = vector.shape_cast %parallel_loop3A_356 : vector<16xf32> to vector<1x16xf32>
        tpu.vector_store %arg6[%parallel_loop3A_358, %parallel_loop3A_359], %parallel_loop3A_362 {add = true, strides = array<i32>} : memref<16x1024xf32, #tpu.memory_space<vmem>>, vector<1x16xf32>,
        %parallel_loop3A_363 = arith.constant 7 : i32
        %parallel_loop3A_364 = arith.index_cast %parallel_loop3A_363 : i32 to index
        %parallel_loop3A_365 = arith.index_cast %parallel_loop3A_285 : i32 to index
        %parallel_loop3A_366 = tpu.vector_load %arg10[%parallel_loop3A_364, %parallel_loop3A_365] {strides = array<i32>} : memref<16x1024xf32, #tpu.memory_space<vmem>>, vector<1x16xf32>,
        %parallel_loop3A_367 = vector.shape_cast %parallel_loop3A_366 : vector<1x16xf32> to vector<16xf32>
        %parallel_loop3A_368 = arith.constant 7 : i32
        %parallel_loop3A_369 = arith.index_cast %parallel_loop3A_368 : i32 to index
        %parallel_loop3A_370 = arith.index_cast %parallel_loop3A_285 : i32 to index
        %parallel_loop3A_371 = tpu.vector_load %arg6[%parallel_loop3A_369, %parallel_loop3A_370] {strides = array<i32>} : memref<16x1024xf32, #tpu.memory_space<vmem>>, vector<1x16xf32>,
        %parallel_loop3A_372 = vector.shape_cast %parallel_loop3A_371 : vector<1x16xf32> to vector<16xf32>
        %parallel_loop3A_373 = vector.shape_cast %parallel_loop3A_367 : vector<16xf32> to vector<1x16xf32>
        tpu.vector_store %arg6[%parallel_loop3A_369, %parallel_loop3A_370], %parallel_loop3A_373 {add = true, strides = array<i32>} : memref<16x1024xf32, #tpu.memory_space<vmem>>, vector<1x16xf32>,
        %parallel_loop3A_374 = arith.constant 8 : i32
        %parallel_loop3A_375 = arith.index_cast %parallel_loop3A_374 : i32 to index
        %parallel_loop3A_376 = arith.index_cast %parallel_loop3A_285 : i32 to index
        %parallel_loop3A_377 = tpu.vector_load %arg10[%parallel_loop3A_375, %parallel_loop3A_376] {strides = array<i32>} : memref<16x1024xf32, #tpu.memory_space<vmem>>, vector<1x16xf32>,
        %parallel_loop3A_378 = vector.shape_cast %parallel_loop3A_377 : vector<1x16xf32> to vector<16xf32>
        %parallel_loop3A_379 = arith.constant 8 : i32
        %parallel_loop3A_380 = arith.index_cast %parallel_loop3A_379 : i32 to index
        %parallel_loop3A_381 = arith.index_cast %parallel_loop3A_285 : i32 to index
        %parallel_loop3A_382 = tpu.vector_load %arg6[%parallel_loop3A_380, %parallel_loop3A_381] {strides = array<i32>} : memref<16x1024xf32, #tpu.memory_space<vmem>>, vector<1x16xf32>,
        %parallel_loop3A_383 = vector.shape_cast %parallel_loop3A_382 : vector<1x16xf32> to vector<16xf32>
        %parallel_loop3A_384 = vector.shape_cast %parallel_loop3A_378 : vector<16xf32> to vector<1x16xf32>
        tpu.vector_store %arg6[%parallel_loop3A_380, %parallel_loop3A_381], %parallel_loop3A_384 {add = true, strides = array<i32>} : memref<16x1024xf32, #tpu.memory_space<vmem>>, vector<1x16xf32>,
        %parallel_loop3A_385 = arith.constant 9 : i32
        %parallel_loop3A_386 = arith.index_cast %parallel_loop3A_385 : i32 to index
        %parallel_loop3A_387 = arith.index_cast %parallel_loop3A_285 : i32 to index
        %parallel_loop3A_388 = tpu.vector_load %arg10[%parallel_loop3A_386, %parallel_loop3A_387] {strides = array<i32>} : memref<16x1024xf32, #tpu.memory_space<vmem>>, vector<1x16xf32>,
        %parallel_loop3A_389 = vector.shape_cast %parallel_loop3A_388 : vector<1x16xf32> to vector<16xf32>
        %parallel_loop3A_390 = arith.constant 9 : i32
        %parallel_loop3A_391 = arith.index_cast %parallel_loop3A_390 : i32 to index
        %parallel_loop3A_392 = arith.index_cast %parallel_loop3A_285 : i32 to index
        %parallel_loop3A_393 = tpu.vector_load %arg6[%parallel_loop3A_391, %parallel_loop3A_392] {strides = array<i32>} : memref<16x1024xf32, #tpu.memory_space<vmem>>, vector<1x16xf32>,
        %parallel_loop3A_394 = vector.shape_cast %parallel_loop3A_393 : vector<1x16xf32> to vector<16xf32>
        %parallel_loop3A_395 = vector.shape_cast %parallel_loop3A_389 : vector<16xf32> to vector<1x16xf32>
        tpu.vector_store %arg6[%parallel_loop3A_391, %parallel_loop3A_392], %parallel_loop3A_395 {add = true, strides = array<i32>} : memref<16x1024xf32, #tpu.memory_space<vmem>>, vector<1x16xf32>,
        %parallel_loop3A_396 = arith.constant 10 : i32
        %parallel_loop3A_397 = arith.index_cast %parallel_loop3A_396 : i32 to index
        %parallel_loop3A_398 = arith.index_cast %parallel_loop3A_285 : i32 to index
        %parallel_loop3A_399 = tpu.vector_load %arg10[%parallel_loop3A_397, %parallel_loop3A_398] {strides = array<i32>} : memref<16x1024xf32, #tpu.memory_space<vmem>>, vector<1x16xf32>,
        %parallel_loop3A_400 = vector.shape_cast %parallel_loop3A_399 : vector<1x16xf32> to vector<16xf32>
        %parallel_loop3A_401 = arith.constant 10 : i32
        %parallel_loop3A_402 = arith.index_cast %parallel_loop3A_401 : i32 to index
        %parallel_loop3A_403 = arith.index_cast %parallel_loop3A_285 : i32 to index
        %parallel_loop3A_404 = tpu.vector_load %arg6[%parallel_loop3A_402, %parallel_loop3A_403] {strides = array<i32>} : memref<16x1024xf32, #tpu.memory_space<vmem>>, vector<1x16xf32>,
        %parallel_loop3A_405 = vector.shape_cast %parallel_loop3A_404 : vector<1x16xf32> to vector<16xf32>
        %parallel_loop3A_406 = vector.shape_cast %parallel_loop3A_400 : vector<16xf32> to vector<1x16xf32>
        tpu.vector_store %arg6[%parallel_loop3A_402, %parallel_loop3A_403], %parallel_loop3A_406 {add = true, strides = array<i32>} : memref<16x1024xf32, #tpu.memory_space<vmem>>, vector<1x16xf32>,
        %parallel_loop3A_407 = arith.constant 11 : i32
        %parallel_loop3A_408 = arith.index_cast %parallel_loop3A_407 : i32 to index
        %parallel_loop3A_409 = arith.index_cast %parallel_loop3A_285 : i32 to index
        %parallel_loop3A_410 = tpu.vector_load %arg10[%parallel_loop3A_408, %parallel_loop3A_409] {strides = array<i32>} : memref<16x1024xf32, #tpu.memory_space<vmem>>, vector<1x16xf32>,
        %parallel_loop3A_411 = vector.shape_cast %parallel_loop3A_410 : vector<1x16xf32> to vector<16xf32>
        %parallel_loop3A_412 = arith.constant 11 : i32
        %parallel_loop3A_413 = arith.index_cast %parallel_loop3A_412 : i32 to index
        %parallel_loop3A_414 = arith.index_cast %parallel_loop3A_285 : i32 to index
        %parallel_loop3A_415 = tpu.vector_load %arg6[%parallel_loop3A_413, %parallel_loop3A_414] {strides = array<i32>} : memref<16x1024xf32, #tpu.memory_space<vmem>>, vector<1x16xf32>,
        %parallel_loop3A_416 = vector.shape_cast %parallel_loop3A_415 : vector<1x16xf32> to vector<16xf32>
        %parallel_loop3A_417 = vector.shape_cast %parallel_loop3A_411 : vector<16xf32> to vector<1x16xf32>
        tpu.vector_store %arg6[%parallel_loop3A_413, %parallel_loop3A_414], %parallel_loop3A_417 {add = true, strides = array<i32>} : memref<16x1024xf32, #tpu.memory_space<vmem>>, vector<1x16xf32>,
        %parallel_loop3A_418 = arith.constant 12 : i32
        %parallel_loop3A_419 = arith.index_cast %parallel_loop3A_418 : i32 to index
        %parallel_loop3A_420 = arith.index_cast %parallel_loop3A_285 : i32 to index
        %parallel_loop3A_421 = tpu.vector_load %arg10[%parallel_loop3A_419, %parallel_loop3A_420] {strides = array<i32>} : memref<16x1024xf32, #tpu.memory_space<vmem>>, vector<1x16xf32>,
        %parallel_loop3A_422 = vector.shape_cast %parallel_loop3A_421 : vector<1x16xf32> to vector<16xf32>
        %parallel_loop3A_423 = arith.constant 12 : i32
        %parallel_loop3A_424 = arith.index_cast %parallel_loop3A_423 : i32 to index
        %parallel_loop3A_425 = arith.index_cast %parallel_loop3A_285 : i32 to index
        %parallel_loop3A_426 = tpu.vector_load %arg6[%parallel_loop3A_424, %parallel_loop3A_425] {strides = array<i32>} : memref<16x1024xf32, #tpu.memory_space<vmem>>, vector<1x16xf32>,
        %parallel_loop3A_427 = vector.shape_cast %parallel_loop3A_426 : vector<1x16xf32> to vector<16xf32>
        %parallel_loop3A_428 = vector.shape_cast %parallel_loop3A_422 : vector<16xf32> to vector<1x16xf32>
        tpu.vector_store %arg6[%parallel_loop3A_424, %parallel_loop3A_425], %parallel_loop3A_428 {add = true, strides = array<i32>} : memref<16x1024xf32, #tpu.memory_space<vmem>>, vector<1x16xf32>,
        %parallel_loop3A_429 = arith.constant 13 : i32
        %parallel_loop3A_430 = arith.index_cast %parallel_loop3A_429 : i32 to index
        %parallel_loop3A_431 = arith.index_cast %parallel_loop3A_285 : i32 to index
        %parallel_loop3A_432 = tpu.vector_load %arg10[%parallel_loop3A_430, %parallel_loop3A_431] {strides = array<i32>} : memref<16x1024xf32, #tpu.memory_space<vmem>>, vector<1x16xf32>,
        %parallel_loop3A_433 = vector.shape_cast %parallel_loop3A_432 : vector<1x16xf32> to vector<16xf32>
        %parallel_loop3A_434 = arith.constant 13 : i32
        %parallel_loop3A_435 = arith.index_cast %parallel_loop3A_434 : i32 to index
        %parallel_loop3A_436 = arith.index_cast %parallel_loop3A_285 : i32 to index
        %parallel_loop3A_437 = tpu.vector_load %arg6[%parallel_loop3A_435, %parallel_loop3A_436] {strides = array<i32>} : memref<16x1024xf32, #tpu.memory_space<vmem>>, vector<1x16xf32>,
        %parallel_loop3A_438 = vector.shape_cast %parallel_loop3A_437 : vector<1x16xf32> to vector<16xf32>
        %parallel_loop3A_439 = vector.shape_cast %parallel_loop3A_433 : vector<16xf32> to vector<1x16xf32>
        tpu.vector_store %arg6[%parallel_loop3A_435, %parallel_loop3A_436], %parallel_loop3A_439 {add = true, strides = array<i32>} : memref<16x1024xf32, #tpu.memory_space<vmem>>, vector<1x16xf32>,
        %parallel_loop3A_440 = arith.constant 14 : i32
        %parallel_loop3A_441 = arith.index_cast %parallel_loop3A_440 : i32 to index
        %parallel_loop3A_442 = arith.index_cast %parallel_loop3A_285 : i32 to index
        %parallel_loop3A_443 = tpu.vector_load %arg10[%parallel_loop3A_441, %parallel_loop3A_442] {strides = array<i32>} : memref<16x1024xf32, #tpu.memory_space<vmem>>, vector<1x16xf32>,
        %parallel_loop3A_444 = vector.shape_cast %parallel_loop3A_443 : vector<1x16xf32> to vector<16xf32>
        %parallel_loop3A_445 = arith.constant 14 : i32
        %parallel_loop3A_446 = arith.index_cast %parallel_loop3A_445 : i32 to index
        %parallel_loop3A_447 = arith.index_cast %parallel_loop3A_285 : i32 to index
        %parallel_loop3A_448 = tpu.vector_load %arg6[%parallel_loop3A_446, %parallel_loop3A_447] {strides = array<i32>} : memref<16x1024xf32, #tpu.memory_space<vmem>>, vector<1x16xf32>,
        %parallel_loop3A_449 = vector.shape_cast %parallel_loop3A_448 : vector<1x16xf32> to vector<16xf32>
        %parallel_loop3A_450 = vector.shape_cast %parallel_loop3A_444 : vector<16xf32> to vector<1x16xf32>
        tpu.vector_store %arg6[%parallel_loop3A_446, %parallel_loop3A_447], %parallel_loop3A_450 {add = true, strides = array<i32>} : memref<16x1024xf32, #tpu.memory_space<vmem>>, vector<1x16xf32>,
        %parallel_loop3A_451 = arith.constant 15 : i32
        %parallel_loop3A_452 = arith.index_cast %parallel_loop3A_451 : i32 to index
        %parallel_loop3A_453 = arith.index_cast %parallel_loop3A_285 : i32 to index
        %parallel_loop3A_454 = tpu.vector_load %arg10[%parallel_loop3A_452, %parallel_loop3A_453] {strides = array<i32>} : memref<16x1024xf32, #tpu.memory_space<vmem>>, vector<1x16xf32>,
        %parallel_loop3A_455 = vector.shape_cast %parallel_loop3A_454 : vector<1x16xf32> to vector<16xf32>
        %parallel_loop3A_456 = arith.constant 15 : i32
        %parallel_loop3A_457 = arith.index_cast %parallel_loop3A_456 : i32 to index
        %parallel_loop3A_458 = arith.index_cast %parallel_loop3A_285 : i32 to index
        %parallel_loop3A_459 = tpu.vector_load %arg6[%parallel_loop3A_457, %parallel_loop3A_458] {strides = array<i32>} : memref<16x1024xf32, #tpu.memory_space<vmem>>, vector<1x16xf32>,
        %parallel_loop3A_460 = vector.shape_cast %parallel_loop3A_459 : vector<1x16xf32> to vector<16xf32>
        %parallel_loop3A_461 = vector.shape_cast %parallel_loop3A_455 : vector<16xf32> to vector<1x16xf32>
        tpu.vector_store %arg6[%parallel_loop3A_457, %parallel_loop3A_458], %parallel_loop3A_461 {add = true, strides = array<i32>} : memref<16x1024xf32, #tpu.memory_space<vmem>>, vector<1x16xf32>,
      } {sc.loop_unroll_factor = 1 : i64, sc.parallel_access}
      %mul3A_215 = arith.constant 16 : i32
      %mul3A_216 = arith.muli %add3A_165, %mul3A_215 : i32
      %add3A_217 = arith.addi %mul3A_2, %mul3A_216 : i32
      %add3A_218 = arith.constant 8192 : i32
      %add3A_219 = arith.addi %add3A_218, %add3A_217 : i32
      %dma_start3A_220 = arith.constant 0 : i32
      %dma_start3A_221 = tpu.memref_slice %arg4[%add3A_219, %dma_start3A_220] : memref<32768x1024xf32, #tpu.memory_space<hbm>> -> memref<16x1024xf32, #tpu.memory_space<hbm>>
      %dma_start3A_222 = arith.constant 0 : i32
      %dma_start3A_223 = tpu.memref_slice %arg4[%add3A_219, %dma_start3A_222] : memref<32768x1024xf32, #tpu.memory_space<hbm>> -> memref<16x1024xf32, #tpu.memory_space<hbm>>
      tpu.enqueue_dma source(%arg6 : memref<16x1024xf32, #tpu.memory_space<vmem>>) target(%dma_start3A_223 : memref<16x1024xf32, #tpu.memory_space<hbm>>) target_semaphore(%arg18 : memref<!tpu.dma_semaphore, #tpu.memory_space<semaphore_mem>>)
      %dma_wait3A_224 = arith.constant 0 : i32
      %dma_wait3A_225 = tpu.memref_slice %arg2[%mul3A_2, %dma_wait3A_224] : memref<32768x1024xf32, #tpu.memory_space<hbm>> -> memref<16x1024xf32, #tpu.memory_space<hbm>>
      %dma_wait3A_226 = arith.constant 0 : i32
      %dma_wait3A_227 = tpu.memref_slice %arg2[%mul3A_2, %dma_wait3A_226] : memref<32768x1024xf32, #tpu.memory_space<hbm>> -> memref<16x1024xf32, #tpu.memory_space<hbm>>
      tpu.wait_dma2 semaphore(%arg13 : memref<!tpu.dma_semaphore, #tpu.memory_space<semaphore_mem>>) src(%dma_wait3A_227 : memref<16x1024xf32, #tpu.memory_space<hbm>>) dst(%arg7 : memref<16x1024xf32, #tpu.memory_space<vmem>>)
      %add3A_228 = arith.constant 1 : i32
      %add3A_229 = arith.addi %add3A_165, %add3A_228 : i32
      %dma_wait3A_230 = arith.constant 0 : i32
      %dma_wait3A_231 = tpu.memref_slice %arg4[%mul3A_2, %dma_wait3A_230] : memref<32768x1024xf32, #tpu.memory_space<hbm>> -> memref<16x1024xf32, #tpu.memory_space<hbm>>
      %dma_wait3A_232 = arith.constant 0 : i32
      %dma_wait3A_233 = tpu.memref_slice %arg4[%mul3A_2, %dma_wait3A_232] : memref<32768x1024xf32, #tpu.memory_space<hbm>> -> memref<16x1024xf32, #tpu.memory_space<hbm>>
      tpu.wait_dma2 semaphore(%arg17 : memref<!tpu.dma_semaphore, #tpu.memory_space<semaphore_mem>>) src(%arg5 : memref<16x1024xf32, #tpu.memory_space<vmem>>) dst(%dma_wait3A_233 : memref<16x1024xf32, #tpu.memory_space<hbm>>)
      %lt3A_234 = arith.constant 16 : i32
      %lt3A_235 = arith.cmpi slt, %add3A_229, %lt3A_234 : i32
      %convert_element_type3A_236 = arith.extui %lt3A_235 : i1 to i32
      %cond3A_237 = arith.constant 0 : i32
      %cond3A_238 = arith.cmpi ne, %convert_element_type3A_236, %cond3A_237 : i32
      scf.if %cond3A_238 {
        %mul3A_285 = arith.constant 16 : i32
        %mul3A_286 = arith.muli %add3A_229, %mul3A_285 : i32
        %add3A_287 = arith.addi %mul3A_2, %mul3A_286 : i32
        %add3A_288 = arith.constant 0 : i32
        %add3A_289 = arith.addi %add3A_288, %add3A_287 : i32
        %dma_start3A_290 = arith.constant 0 : i32
        %dma_start3A_291 = tpu.memref_slice %arg2[%add3A_289, %dma_start3A_290] : memref<32768x1024xf32, #tpu.memory_space<hbm>> -> memref<16x1024xf32, #tpu.memory_space<hbm>>
        %dma_start3A_292 = arith.constant 0 : i32
        %dma_start3A_293 = tpu.memref_slice %arg2[%add3A_289, %dma_start3A_292] : memref<32768x1024xf32, #tpu.memory_space<hbm>> -> memref<16x1024xf32, #tpu.memory_space<hbm>>
        tpu.enqueue_dma source(%dma_start3A_293 : memref<16x1024xf32, #tpu.memory_space<hbm>>) target(%arg5 : memref<16x1024xf32, #tpu.memory_space<vmem>>) target_semaphore(%arg11 : memref<!tpu.dma_semaphore, #tpu.memory_space<semaphore_mem>>)
      } else {
      }
      %parallel_loop3A_239 = arith.constant 0 : i32
      %parallel_loop3A_240 = arith.constant 1024 : i32
      %parallel_loop3A_241 = arith.constant 16 : i32
      scf.for %parallel_loop3A_285 = %parallel_loop3A_239 to %parallel_loop3A_240 step %parallel_loop3A_241  : i32 {
        %parallel_loop3A_286 = arith.constant 0 : i32
        %parallel_loop3A_287 = arith.index_cast %parallel_loop3A_286 : i32 to index
        %parallel_loop3A_288 = arith.index_cast %parallel_loop3A_285 : i32 to index
        %parallel_loop3A_289 = tpu.vector_load %arg10[%parallel_loop3A_287, %parallel_loop3A_288] {strides = array<i32>} : memref<16x1024xf32, #tpu.memory_space<vmem>>, vector<1x16xf32>,
        %parallel_loop3A_290 = vector.shape_cast %parallel_loop3A_289 : vector<1x16xf32> to vector<16xf32>
        %parallel_loop3A_291 = arith.constant 0 : i32
        %parallel_loop3A_292 = arith.index_cast %parallel_loop3A_291 : i32 to index
        %parallel_loop3A_293 = arith.index_cast %parallel_loop3A_285 : i32 to index
        %parallel_loop3A_294 = tpu.vector_load %arg7[%parallel_loop3A_292, %parallel_loop3A_293] {strides = array<i32>} : memref<16x1024xf32, #tpu.memory_space<vmem>>, vector<1x16xf32>,
        %parallel_loop3A_295 = vector.shape_cast %parallel_loop3A_294 : vector<1x16xf32> to vector<16xf32>
        %parallel_loop3A_296 = vector.shape_cast %parallel_loop3A_290 : vector<16xf32> to vector<1x16xf32>
        tpu.vector_store %arg7[%parallel_loop3A_292, %parallel_loop3A_293], %parallel_loop3A_296 {add = true, strides = array<i32>} : memref<16x1024xf32, #tpu.memory_space<vmem>>, vector<1x16xf32>,
        %parallel_loop3A_297 = arith.constant 1 : i32
        %parallel_loop3A_298 = arith.index_cast %parallel_loop3A_297 : i32 to index
        %parallel_loop3A_299 = arith.index_cast %parallel_loop3A_285 : i32 to index
        %parallel_loop3A_300 = tpu.vector_load %arg10[%parallel_loop3A_298, %parallel_loop3A_299] {strides = array<i32>} : memref<16x1024xf32, #tpu.memory_space<vmem>>, vector<1x16xf32>,
        %parallel_loop3A_301 = vector.shape_cast %parallel_loop3A_300 : vector<1x16xf32> to vector<16xf32>
        %parallel_loop3A_302 = arith.constant 1 : i32
        %parallel_loop3A_303 = arith.index_cast %parallel_loop3A_302 : i32 to index
        %parallel_loop3A_304 = arith.index_cast %parallel_loop3A_285 : i32 to index
        %parallel_loop3A_305 = tpu.vector_load %arg7[%parallel_loop3A_303, %parallel_loop3A_304] {strides = array<i32>} : memref<16x1024xf32, #tpu.memory_space<vmem>>, vector<1x16xf32>,
        %parallel_loop3A_306 = vector.shape_cast %parallel_loop3A_305 : vector<1x16xf32> to vector<16xf32>
        %parallel_loop3A_307 = vector.shape_cast %parallel_loop3A_301 : vector<16xf32> to vector<1x16xf32>
        tpu.vector_store %arg7[%parallel_loop3A_303, %parallel_loop3A_304], %parallel_loop3A_307 {add = true, strides = array<i32>} : memref<16x1024xf32, #tpu.memory_space<vmem>>, vector<1x16xf32>,
        %parallel_loop3A_308 = arith.constant 2 : i32
        %parallel_loop3A_309 = arith.index_cast %parallel_loop3A_308 : i32 to index
        %parallel_loop3A_310 = arith.index_cast %parallel_loop3A_285 : i32 to index
        %parallel_loop3A_311 = tpu.vector_load %arg10[%parallel_loop3A_309, %parallel_loop3A_310] {strides = array<i32>} : memref<16x1024xf32, #tpu.memory_space<vmem>>, vector<1x16xf32>,
        %parallel_loop3A_312 = vector.shape_cast %parallel_loop3A_311 : vector<1x16xf32> to vector<16xf32>
        %parallel_loop3A_313 = arith.constant 2 : i32
        %parallel_loop3A_314 = arith.index_cast %parallel_loop3A_313 : i32 to index
        %parallel_loop3A_315 = arith.index_cast %parallel_loop3A_285 : i32 to index
        %parallel_loop3A_316 = tpu.vector_load %arg7[%parallel_loop3A_314, %parallel_loop3A_315] {strides = array<i32>} : memref<16x1024xf32, #tpu.memory_space<vmem>>, vector<1x16xf32>,
        %parallel_loop3A_317 = vector.shape_cast %parallel_loop3A_316 : vector<1x16xf32> to vector<16xf32>
        %parallel_loop3A_318 = vector.shape_cast %parallel_loop3A_312 : vector<16xf32> to vector<1x16xf32>
        tpu.vector_store %arg7[%parallel_loop3A_314, %parallel_loop3A_315], %parallel_loop3A_318 {add = true, strides = array<i32>} : memref<16x1024xf32, #tpu.memory_space<vmem>>, vector<1x16xf32>,
        %parallel_loop3A_319 = arith.constant 3 : i32
        %parallel_loop3A_320 = arith.index_cast %parallel_loop3A_319 : i32 to index
        %parallel_loop3A_321 = arith.index_cast %parallel_loop3A_285 : i32 to index
        %parallel_loop3A_322 = tpu.vector_load %arg10[%parallel_loop3A_320, %parallel_loop3A_321] {strides = array<i32>} : memref<16x1024xf32, #tpu.memory_space<vmem>>, vector<1x16xf32>,
        %parallel_loop3A_323 = vector.shape_cast %parallel_loop3A_322 : vector<1x16xf32> to vector<16xf32>
        %parallel_loop3A_324 = arith.constant 3 : i32
        %parallel_loop3A_325 = arith.index_cast %parallel_loop3A_324 : i32 to index
        %parallel_loop3A_326 = arith.index_cast %parallel_loop3A_285 : i32 to index
        %parallel_loop3A_327 = tpu.vector_load %arg7[%parallel_loop3A_325, %parallel_loop3A_326] {strides = array<i32>} : memref<16x1024xf32, #tpu.memory_space<vmem>>, vector<1x16xf32>,
        %parallel_loop3A_328 = vector.shape_cast %parallel_loop3A_327 : vector<1x16xf32> to vector<16xf32>
        %parallel_loop3A_329 = vector.shape_cast %parallel_loop3A_323 : vector<16xf32> to vector<1x16xf32>
        tpu.vector_store %arg7[%parallel_loop3A_325, %parallel_loop3A_326], %parallel_loop3A_329 {add = true, strides = array<i32>} : memref<16x1024xf32, #tpu.memory_space<vmem>>, vector<1x16xf32>,
        %parallel_loop3A_330 = arith.constant 4 : i32
        %parallel_loop3A_331 = arith.index_cast %parallel_loop3A_330 : i32 to index
        %parallel_loop3A_332 = arith.index_cast %parallel_loop3A_285 : i32 to index
        %parallel_loop3A_333 = tpu.vector_load %arg10[%parallel_loop3A_331, %parallel_loop3A_332] {strides = array<i32>} : memref<16x1024xf32, #tpu.memory_space<vmem>>, vector<1x16xf32>,
        %parallel_loop3A_334 = vector.shape_cast %parallel_loop3A_333 : vector<1x16xf32> to vector<16xf32>
        %parallel_loop3A_335 = arith.constant 4 : i32
        %parallel_loop3A_336 = arith.index_cast %parallel_loop3A_335 : i32 to index
        %parallel_loop3A_337 = arith.index_cast %parallel_loop3A_285 : i32 to index
        %parallel_loop3A_338 = tpu.vector_load %arg7[%parallel_loop3A_336, %parallel_loop3A_337] {strides = array<i32>} : memref<16x1024xf32, #tpu.memory_space<vmem>>, vector<1x16xf32>,
        %parallel_loop3A_339 = vector.shape_cast %parallel_loop3A_338 : vector<1x16xf32> to vector<16xf32>
        %parallel_loop3A_340 = vector.shape_cast %parallel_loop3A_334 : vector<16xf32> to vector<1x16xf32>
        tpu.vector_store %arg7[%parallel_loop3A_336, %parallel_loop3A_337], %parallel_loop3A_340 {add = true, strides = array<i32>} : memref<16x1024xf32, #tpu.memory_space<vmem>>, vector<1x16xf32>,
        %parallel_loop3A_341 = arith.constant 5 : i32
        %parallel_loop3A_342 = arith.index_cast %parallel_loop3A_341 : i32 to index
        %parallel_loop3A_343 = arith.index_cast %parallel_loop3A_285 : i32 to index
        %parallel_loop3A_344 = tpu.vector_load %arg10[%parallel_loop3A_342, %parallel_loop3A_343] {strides = array<i32>} : memref<16x1024xf32, #tpu.memory_space<vmem>>, vector<1x16xf32>,
        %parallel_loop3A_345 = vector.shape_cast %parallel_loop3A_344 : vector<1x16xf32> to vector<16xf32>
        %parallel_loop3A_346 = arith.constant 5 : i32
        %parallel_loop3A_347 = arith.index_cast %parallel_loop3A_346 : i32 to index
        %parallel_loop3A_348 = arith.index_cast %parallel_loop3A_285 : i32 to index
        %parallel_loop3A_349 = tpu.vector_load %arg7[%parallel_loop3A_347, %parallel_loop3A_348] {strides = array<i32>} : memref<16x1024xf32, #tpu.memory_space<vmem>>, vector<1x16xf32>,
        %parallel_loop3A_350 = vector.shape_cast %parallel_loop3A_349 : vector<1x16xf32> to vector<16xf32>
        %parallel_loop3A_351 = vector.shape_cast %parallel_loop3A_345 : vector<16xf32> to vector<1x16xf32>
        tpu.vector_store %arg7[%parallel_loop3A_347, %parallel_loop3A_348], %parallel_loop3A_351 {add = true, strides = array<i32>} : memref<16x1024xf32, #tpu.memory_space<vmem>>, vector<1x16xf32>,
        %parallel_loop3A_352 = arith.constant 6 : i32
        %parallel_loop3A_353 = arith.index_cast %parallel_loop3A_352 : i32 to index
        %parallel_loop3A_354 = arith.index_cast %parallel_loop3A_285 : i32 to index
        %parallel_loop3A_355 = tpu.vector_load %arg10[%parallel_loop3A_353, %parallel_loop3A_354] {strides = array<i32>} : memref<16x1024xf32, #tpu.memory_space<vmem>>, vector<1x16xf32>,
        %parallel_loop3A_356 = vector.shape_cast %parallel_loop3A_355 : vector<1x16xf32> to vector<16xf32>
        %parallel_loop3A_357 = arith.constant 6 : i32
        %parallel_loop3A_358 = arith.index_cast %parallel_loop3A_357 : i32 to index
        %parallel_loop3A_359 = arith.index_cast %parallel_loop3A_285 : i32 to index
        %parallel_loop3A_360 = tpu.vector_load %arg7[%parallel_loop3A_358, %parallel_loop3A_359] {strides = array<i32>} : memref<16x1024xf32, #tpu.memory_space<vmem>>, vector<1x16xf32>,
        %parallel_loop3A_361 = vector.shape_cast %parallel_loop3A_360 : vector<1x16xf32> to vector<16xf32>
        %parallel_loop3A_362 = vector.shape_cast %parallel_loop3A_356 : vector<16xf32> to vector<1x16xf32>
        tpu.vector_store %arg7[%parallel_loop3A_358, %parallel_loop3A_359], %parallel_loop3A_362 {add = true, strides = array<i32>} : memref<16x1024xf32, #tpu.memory_space<vmem>>, vector<1x16xf32>,
        %parallel_loop3A_363 = arith.constant 7 : i32
        %parallel_loop3A_364 = arith.index_cast %parallel_loop3A_363 : i32 to index
        %parallel_loop3A_365 = arith.index_cast %parallel_loop3A_285 : i32 to index
        %parallel_loop3A_366 = tpu.vector_load %arg10[%parallel_loop3A_364, %parallel_loop3A_365] {strides = array<i32>} : memref<16x1024xf32, #tpu.memory_space<vmem>>, vector<1x16xf32>,
        %parallel_loop3A_367 = vector.shape_cast %parallel_loop3A_366 : vector<1x16xf32> to vector<16xf32>
        %parallel_loop3A_368 = arith.constant 7 : i32
        %parallel_loop3A_369 = arith.index_cast %parallel_loop3A_368 : i32 to index
        %parallel_loop3A_370 = arith.index_cast %parallel_loop3A_285 : i32 to index
        %parallel_loop3A_371 = tpu.vector_load %arg7[%parallel_loop3A_369, %parallel_loop3A_370] {strides = array<i32>} : memref<16x1024xf32, #tpu.memory_space<vmem>>, vector<1x16xf32>,
        %parallel_loop3A_372 = vector.shape_cast %parallel_loop3A_371 : vector<1x16xf32> to vector<16xf32>
        %parallel_loop3A_373 = vector.shape_cast %parallel_loop3A_367 : vector<16xf32> to vector<1x16xf32>
        tpu.vector_store %arg7[%parallel_loop3A_369, %parallel_loop3A_370], %parallel_loop3A_373 {add = true, strides = array<i32>} : memref<16x1024xf32, #tpu.memory_space<vmem>>, vector<1x16xf32>,
        %parallel_loop3A_374 = arith.constant 8 : i32
        %parallel_loop3A_375 = arith.index_cast %parallel_loop3A_374 : i32 to index
        %parallel_loop3A_376 = arith.index_cast %parallel_loop3A_285 : i32 to index
        %parallel_loop3A_377 = tpu.vector_load %arg10[%parallel_loop3A_375, %parallel_loop3A_376] {strides = array<i32>} : memref<16x1024xf32, #tpu.memory_space<vmem>>, vector<1x16xf32>,
        %parallel_loop3A_378 = vector.shape_cast %parallel_loop3A_377 : vector<1x16xf32> to vector<16xf32>
        %parallel_loop3A_379 = arith.constant 8 : i32
        %parallel_loop3A_380 = arith.index_cast %parallel_loop3A_379 : i32 to index
        %parallel_loop3A_381 = arith.index_cast %parallel_loop3A_285 : i32 to index
        %parallel_loop3A_382 = tpu.vector_load %arg7[%parallel_loop3A_380, %parallel_loop3A_381] {strides = array<i32>} : memref<16x1024xf32, #tpu.memory_space<vmem>>, vector<1x16xf32>,
        %parallel_loop3A_383 = vector.shape_cast %parallel_loop3A_382 : vector<1x16xf32> to vector<16xf32>
        %parallel_loop3A_384 = vector.shape_cast %parallel_loop3A_378 : vector<16xf32> to vector<1x16xf32>
        tpu.vector_store %arg7[%parallel_loop3A_380, %parallel_loop3A_381], %parallel_loop3A_384 {add = true, strides = array<i32>} : memref<16x1024xf32, #tpu.memory_space<vmem>>, vector<1x16xf32>,
        %parallel_loop3A_385 = arith.constant 9 : i32
        %parallel_loop3A_386 = arith.index_cast %parallel_loop3A_385 : i32 to index
        %parallel_loop3A_387 = arith.index_cast %parallel_loop3A_285 : i32 to index
        %parallel_loop3A_388 = tpu.vector_load %arg10[%parallel_loop3A_386, %parallel_loop3A_387] {strides = array<i32>} : memref<16x1024xf32, #tpu.memory_space<vmem>>, vector<1x16xf32>,
        %parallel_loop3A_389 = vector.shape_cast %parallel_loop3A_388 : vector<1x16xf32> to vector<16xf32>
        %parallel_loop3A_390 = arith.constant 9 : i32
        %parallel_loop3A_391 = arith.index_cast %parallel_loop3A_390 : i32 to index
        %parallel_loop3A_392 = arith.index_cast %parallel_loop3A_285 : i32 to index
        %parallel_loop3A_393 = tpu.vector_load %arg7[%parallel_loop3A_391, %parallel_loop3A_392] {strides = array<i32>} : memref<16x1024xf32, #tpu.memory_space<vmem>>, vector<1x16xf32>,
        %parallel_loop3A_394 = vector.shape_cast %parallel_loop3A_393 : vector<1x16xf32> to vector<16xf32>
        %parallel_loop3A_395 = vector.shape_cast %parallel_loop3A_389 : vector<16xf32> to vector<1x16xf32>
        tpu.vector_store %arg7[%parallel_loop3A_391, %parallel_loop3A_392], %parallel_loop3A_395 {add = true, strides = array<i32>} : memref<16x1024xf32, #tpu.memory_space<vmem>>, vector<1x16xf32>,
        %parallel_loop3A_396 = arith.constant 10 : i32
        %parallel_loop3A_397 = arith.index_cast %parallel_loop3A_396 : i32 to index
        %parallel_loop3A_398 = arith.index_cast %parallel_loop3A_285 : i32 to index
        %parallel_loop3A_399 = tpu.vector_load %arg10[%parallel_loop3A_397, %parallel_loop3A_398] {strides = array<i32>} : memref<16x1024xf32, #tpu.memory_space<vmem>>, vector<1x16xf32>,
        %parallel_loop3A_400 = vector.shape_cast %parallel_loop3A_399 : vector<1x16xf32> to vector<16xf32>
        %parallel_loop3A_401 = arith.constant 10 : i32
        %parallel_loop3A_402 = arith.index_cast %parallel_loop3A_401 : i32 to index
        %parallel_loop3A_403 = arith.index_cast %parallel_loop3A_285 : i32 to index
        %parallel_loop3A_404 = tpu.vector_load %arg7[%parallel_loop3A_402, %parallel_loop3A_403] {strides = array<i32>} : memref<16x1024xf32, #tpu.memory_space<vmem>>, vector<1x16xf32>,
        %parallel_loop3A_405 = vector.shape_cast %parallel_loop3A_404 : vector<1x16xf32> to vector<16xf32>
        %parallel_loop3A_406 = vector.shape_cast %parallel_loop3A_400 : vector<16xf32> to vector<1x16xf32>
        tpu.vector_store %arg7[%parallel_loop3A_402, %parallel_loop3A_403], %parallel_loop3A_406 {add = true, strides = array<i32>} : memref<16x1024xf32, #tpu.memory_space<vmem>>, vector<1x16xf32>,
        %parallel_loop3A_407 = arith.constant 11 : i32
        %parallel_loop3A_408 = arith.index_cast %parallel_loop3A_407 : i32 to index
        %parallel_loop3A_409 = arith.index_cast %parallel_loop3A_285 : i32 to index
        %parallel_loop3A_410 = tpu.vector_load %arg10[%parallel_loop3A_408, %parallel_loop3A_409] {strides = array<i32>} : memref<16x1024xf32, #tpu.memory_space<vmem>>, vector<1x16xf32>,
        %parallel_loop3A_411 = vector.shape_cast %parallel_loop3A_410 : vector<1x16xf32> to vector<16xf32>
        %parallel_loop3A_412 = arith.constant 11 : i32
        %parallel_loop3A_413 = arith.index_cast %parallel_loop3A_412 : i32 to index
        %parallel_loop3A_414 = arith.index_cast %parallel_loop3A_285 : i32 to index
        %parallel_loop3A_415 = tpu.vector_load %arg7[%parallel_loop3A_413, %parallel_loop3A_414] {strides = array<i32>} : memref<16x1024xf32, #tpu.memory_space<vmem>>, vector<1x16xf32>,
        %parallel_loop3A_416 = vector.shape_cast %parallel_loop3A_415 : vector<1x16xf32> to vector<16xf32>
        %parallel_loop3A_417 = vector.shape_cast %parallel_loop3A_411 : vector<16xf32> to vector<1x16xf32>
        tpu.vector_store %arg7[%parallel_loop3A_413, %parallel_loop3A_414], %parallel_loop3A_417 {add = true, strides = array<i32>} : memref<16x1024xf32, #tpu.memory_space<vmem>>, vector<1x16xf32>,
        %parallel_loop3A_418 = arith.constant 12 : i32
        %parallel_loop3A_419 = arith.index_cast %parallel_loop3A_418 : i32 to index
        %parallel_loop3A_420 = arith.index_cast %parallel_loop3A_285 : i32 to index
        %parallel_loop3A_421 = tpu.vector_load %arg10[%parallel_loop3A_419, %parallel_loop3A_420] {strides = array<i32>} : memref<16x1024xf32, #tpu.memory_space<vmem>>, vector<1x16xf32>,
        %parallel_loop3A_422 = vector.shape_cast %parallel_loop3A_421 : vector<1x16xf32> to vector<16xf32>
        %parallel_loop3A_423 = arith.constant 12 : i32
        %parallel_loop3A_424 = arith.index_cast %parallel_loop3A_423 : i32 to index
        %parallel_loop3A_425 = arith.index_cast %parallel_loop3A_285 : i32 to index
        %parallel_loop3A_426 = tpu.vector_load %arg7[%parallel_loop3A_424, %parallel_loop3A_425] {strides = array<i32>} : memref<16x1024xf32, #tpu.memory_space<vmem>>, vector<1x16xf32>,
        %parallel_loop3A_427 = vector.shape_cast %parallel_loop3A_426 : vector<1x16xf32> to vector<16xf32>
        %parallel_loop3A_428 = vector.shape_cast %parallel_loop3A_422 : vector<16xf32> to vector<1x16xf32>
        tpu.vector_store %arg7[%parallel_loop3A_424, %parallel_loop3A_425], %parallel_loop3A_428 {add = true, strides = array<i32>} : memref<16x1024xf32, #tpu.memory_space<vmem>>, vector<1x16xf32>,
        %parallel_loop3A_429 = arith.constant 13 : i32
        %parallel_loop3A_430 = arith.index_cast %parallel_loop3A_429 : i32 to index
        %parallel_loop3A_431 = arith.index_cast %parallel_loop3A_285 : i32 to index
        %parallel_loop3A_432 = tpu.vector_load %arg10[%parallel_loop3A_430, %parallel_loop3A_431] {strides = array<i32>} : memref<16x1024xf32, #tpu.memory_space<vmem>>, vector<1x16xf32>,
        %parallel_loop3A_433 = vector.shape_cast %parallel_loop3A_432 : vector<1x16xf32> to vector<16xf32>
        %parallel_loop3A_434 = arith.constant 13 : i32
        %parallel_loop3A_435 = arith.index_cast %parallel_loop3A_434 : i32 to index
        %parallel_loop3A_436 = arith.index_cast %parallel_loop3A_285 : i32 to index
        %parallel_loop3A_437 = tpu.vector_load %arg7[%parallel_loop3A_435, %parallel_loop3A_436] {strides = array<i32>} : memref<16x1024xf32, #tpu.memory_space<vmem>>, vector<1x16xf32>,
        %parallel_loop3A_438 = vector.shape_cast %parallel_loop3A_437 : vector<1x16xf32> to vector<16xf32>
        %parallel_loop3A_439 = vector.shape_cast %parallel_loop3A_433 : vector<16xf32> to vector<1x16xf32>
        tpu.vector_store %arg7[%parallel_loop3A_435, %parallel_loop3A_436], %parallel_loop3A_439 {add = true, strides = array<i32>} : memref<16x1024xf32, #tpu.memory_space<vmem>>, vector<1x16xf32>,
        %parallel_loop3A_440 = arith.constant 14 : i32
        %parallel_loop3A_441 = arith.index_cast %parallel_loop3A_440 : i32 to index
        %parallel_loop3A_442 = arith.index_cast %parallel_loop3A_285 : i32 to index
        %parallel_loop3A_443 = tpu.vector_load %arg10[%parallel_loop3A_441, %parallel_loop3A_442] {strides = array<i32>} : memref<16x1024xf32, #tpu.memory_space<vmem>>, vector<1x16xf32>,
        %parallel_loop3A_444 = vector.shape_cast %parallel_loop3A_443 : vector<1x16xf32> to vector<16xf32>
        %parallel_loop3A_445 = arith.constant 14 : i32
        %parallel_loop3A_446 = arith.index_cast %parallel_loop3A_445 : i32 to index
        %parallel_loop3A_447 = arith.index_cast %parallel_loop3A_285 : i32 to index
        %parallel_loop3A_448 = tpu.vector_load %arg7[%parallel_loop3A_446, %parallel_loop3A_447] {strides = array<i32>} : memref<16x1024xf32, #tpu.memory_space<vmem>>, vector<1x16xf32>,
        %parallel_loop3A_449 = vector.shape_cast %parallel_loop3A_448 : vector<1x16xf32> to vector<16xf32>
        %parallel_loop3A_450 = vector.shape_cast %parallel_loop3A_444 : vector<16xf32> to vector<1x16xf32>
        tpu.vector_store %arg7[%parallel_loop3A_446, %parallel_loop3A_447], %parallel_loop3A_450 {add = true, strides = array<i32>} : memref<16x1024xf32, #tpu.memory_space<vmem>>, vector<1x16xf32>,
        %parallel_loop3A_451 = arith.constant 15 : i32
        %parallel_loop3A_452 = arith.index_cast %parallel_loop3A_451 : i32 to index
        %parallel_loop3A_453 = arith.index_cast %parallel_loop3A_285 : i32 to index
        %parallel_loop3A_454 = tpu.vector_load %arg10[%parallel_loop3A_452, %parallel_loop3A_453] {strides = array<i32>} : memref<16x1024xf32, #tpu.memory_space<vmem>>, vector<1x16xf32>,
        %parallel_loop3A_455 = vector.shape_cast %parallel_loop3A_454 : vector<1x16xf32> to vector<16xf32>
        %parallel_loop3A_456 = arith.constant 15 : i32
        %parallel_loop3A_457 = arith.index_cast %parallel_loop3A_456 : i32 to index
        %parallel_loop3A_458 = arith.index_cast %parallel_loop3A_285 : i32 to index
        %parallel_loop3A_459 = tpu.vector_load %arg7[%parallel_loop3A_457, %parallel_loop3A_458] {strides = array<i32>} : memref<16x1024xf32, #tpu.memory_space<vmem>>, vector<1x16xf32>,
        %parallel_loop3A_460 = vector.shape_cast %parallel_loop3A_459 : vector<1x16xf32> to vector<16xf32>
        %parallel_loop3A_461 = vector.shape_cast %parallel_loop3A_455 : vector<16xf32> to vector<1x16xf32>
        tpu.vector_store %arg7[%parallel_loop3A_457, %parallel_loop3A_458], %parallel_loop3A_461 {add = true, strides = array<i32>} : memref<16x1024xf32, #tpu.memory_space<vmem>>, vector<1x16xf32>,
      } {sc.loop_unroll_factor = 1 : i64, sc.parallel_access}
      %mul3A_242 = arith.constant 16 : i32
      %mul3A_243 = arith.muli %add3A_165, %mul3A_242 : i32
      %add3A_244 = arith.addi %mul3A_2, %mul3A_243 : i32
      %add3A_245 = arith.constant 16384 : i32
      %add3A_246 = arith.addi %add3A_245, %add3A_244 : i32
      %dma_start3A_247 = arith.constant 0 : i32
      %dma_start3A_248 = tpu.memref_slice %arg4[%add3A_246, %dma_start3A_247] : memref<32768x1024xf32, #tpu.memory_space<hbm>> -> memref<16x1024xf32, #tpu.memory_space<hbm>>
      %dma_start3A_249 = arith.constant 0 : i32
      %dma_start3A_250 = tpu.memref_slice %arg4[%add3A_246, %dma_start3A_249] : memref<32768x1024xf32, #tpu.memory_space<hbm>> -> memref<16x1024xf32, #tpu.memory_space<hbm>>
      tpu.enqueue_dma source(%arg7 : memref<16x1024xf32, #tpu.memory_space<vmem>>) target(%dma_start3A_250 : memref<16x1024xf32, #tpu.memory_space<hbm>>) target_semaphore(%arg19 : memref<!tpu.dma_semaphore, #tpu.memory_space<semaphore_mem>>)
      %dma_wait3A_251 = arith.constant 0 : i32
      %dma_wait3A_252 = tpu.memref_slice %arg2[%mul3A_2, %dma_wait3A_251] : memref<32768x1024xf32, #tpu.memory_space<hbm>> -> memref<16x1024xf32, #tpu.memory_space<hbm>>
      %dma_wait3A_253 = arith.constant 0 : i32
      %dma_wait3A_254 = tpu.memref_slice %arg2[%mul3A_2, %dma_wait3A_253] : memref<32768x1024xf32, #tpu.memory_space<hbm>> -> memref<16x1024xf32, #tpu.memory_space<hbm>>
      tpu.wait_dma2 semaphore(%arg14 : memref<!tpu.dma_semaphore, #tpu.memory_space<semaphore_mem>>) src(%dma_wait3A_254 : memref<16x1024xf32, #tpu.memory_space<hbm>>) dst(%arg8 : memref<16x1024xf32, #tpu.memory_space<vmem>>)
      %add3A_255 = arith.constant 1 : i32
      %add3A_256 = arith.addi %add3A_165, %add3A_255 : i32
      %dma_wait3A_257 = arith.constant 0 : i32
      %dma_wait3A_258 = tpu.memref_slice %arg4[%mul3A_2, %dma_wait3A_257] : memref<32768x1024xf32, #tpu.memory_space<hbm>> -> memref<16x1024xf32, #tpu.memory_space<hbm>>
      %dma_wait3A_259 = arith.constant 0 : i32
      %dma_wait3A_260 = tpu.memref_slice %arg4[%mul3A_2, %dma_wait3A_259] : memref<32768x1024xf32, #tpu.memory_space<hbm>> -> memref<16x1024xf32, #tpu.memory_space<hbm>>
      tpu.wait_dma2 semaphore(%arg18 : memref<!tpu.dma_semaphore, #tpu.memory_space<semaphore_mem>>) src(%arg6 : memref<16x1024xf32, #tpu.memory_space<vmem>>) dst(%dma_wait3A_260 : memref<16x1024xf32, #tpu.memory_space<hbm>>)
      %lt3A_261 = arith.constant 16 : i32
      %lt3A_262 = arith.cmpi slt, %add3A_256, %lt3A_261 : i32
      %convert_element_type3A_263 = arith.extui %lt3A_262 : i1 to i32
      %cond3A_264 = arith.constant 0 : i32
      %cond3A_265 = arith.cmpi ne, %convert_element_type3A_263, %cond3A_264 : i32
      scf.if %cond3A_265 {
        %mul3A_285 = arith.constant 16 : i32
        %mul3A_286 = arith.muli %add3A_256, %mul3A_285 : i32
        %add3A_287 = arith.addi %mul3A_2, %mul3A_286 : i32
        %add3A_288 = arith.constant 8192 : i32
        %add3A_289 = arith.addi %add3A_288, %add3A_287 : i32
        %dma_start3A_290 = arith.constant 0 : i32
        %dma_start3A_291 = tpu.memref_slice %arg2[%add3A_289, %dma_start3A_290] : memref<32768x1024xf32, #tpu.memory_space<hbm>> -> memref<16x1024xf32, #tpu.memory_space<hbm>>
        %dma_start3A_292 = arith.constant 0 : i32
        %dma_start3A_293 = tpu.memref_slice %arg2[%add3A_289, %dma_start3A_292] : memref<32768x1024xf32, #tpu.memory_space<hbm>> -> memref<16x1024xf32, #tpu.memory_space<hbm>>
        tpu.enqueue_dma source(%dma_start3A_293 : memref<16x1024xf32, #tpu.memory_space<hbm>>) target(%arg6 : memref<16x1024xf32, #tpu.memory_space<vmem>>) target_semaphore(%arg12 : memref<!tpu.dma_semaphore, #tpu.memory_space<semaphore_mem>>)
      } else {
      }
      %parallel_loop3A_266 = arith.constant 0 : i32
      %parallel_loop3A_267 = arith.constant 1024 : i32
      %parallel_loop3A_268 = arith.constant 16 : i32
      scf.for %parallel_loop3A_285 = %parallel_loop3A_266 to %parallel_loop3A_267 step %parallel_loop3A_268  : i32 {
        %parallel_loop3A_286 = arith.constant 0 : i32
        %parallel_loop3A_287 = arith.index_cast %parallel_loop3A_286 : i32 to index
        %parallel_loop3A_288 = arith.index_cast %parallel_loop3A_285 : i32 to index
        %parallel_loop3A_289 = tpu.vector_load %arg10[%parallel_loop3A_287, %parallel_loop3A_288] {strides = array<i32>} : memref<16x1024xf32, #tpu.memory_space<vmem>>, vector<1x16xf32>,
        %parallel_loop3A_290 = vector.shape_cast %parallel_loop3A_289 : vector<1x16xf32> to vector<16xf32>
        %parallel_loop3A_291 = arith.constant 0 : i32
        %parallel_loop3A_292 = arith.index_cast %parallel_loop3A_291 : i32 to index
        %parallel_loop3A_293 = arith.index_cast %parallel_loop3A_285 : i32 to index
        %parallel_loop3A_294 = tpu.vector_load %arg8[%parallel_loop3A_292, %parallel_loop3A_293] {strides = array<i32>} : memref<16x1024xf32, #tpu.memory_space<vmem>>, vector<1x16xf32>,
        %parallel_loop3A_295 = vector.shape_cast %parallel_loop3A_294 : vector<1x16xf32> to vector<16xf32>
        %parallel_loop3A_296 = vector.shape_cast %parallel_loop3A_290 : vector<16xf32> to vector<1x16xf32>
        tpu.vector_store %arg8[%parallel_loop3A_292, %parallel_loop3A_293], %parallel_loop3A_296 {add = true, strides = array<i32>} : memref<16x1024xf32, #tpu.memory_space<vmem>>, vector<1x16xf32>,
        %parallel_loop3A_297 = arith.constant 1 : i32
        %parallel_loop3A_298 = arith.index_cast %parallel_loop3A_297 : i32 to index
        %parallel_loop3A_299 = arith.index_cast %parallel_loop3A_285 : i32 to index
        %parallel_loop3A_300 = tpu.vector_load %arg10[%parallel_loop3A_298, %parallel_loop3A_299] {strides = array<i32>} : memref<16x1024xf32, #tpu.memory_space<vmem>>, vector<1x16xf32>,
        %parallel_loop3A_301 = vector.shape_cast %parallel_loop3A_300 : vector<1x16xf32> to vector<16xf32>
        %parallel_loop3A_302 = arith.constant 1 : i32
        %parallel_loop3A_303 = arith.index_cast %parallel_loop3A_302 : i32 to index
        %parallel_loop3A_304 = arith.index_cast %parallel_loop3A_285 : i32 to index
        %parallel_loop3A_305 = tpu.vector_load %arg8[%parallel_loop3A_303, %parallel_loop3A_304] {strides = array<i32>} : memref<16x1024xf32, #tpu.memory_space<vmem>>, vector<1x16xf32>,
        %parallel_loop3A_306 = vector.shape_cast %parallel_loop3A_305 : vector<1x16xf32> to vector<16xf32>
        %parallel_loop3A_307 = vector.shape_cast %parallel_loop3A_301 : vector<16xf32> to vector<1x16xf32>
        tpu.vector_store %arg8[%parallel_loop3A_303, %parallel_loop3A_304], %parallel_loop3A_307 {add = true, strides = array<i32>} : memref<16x1024xf32, #tpu.memory_space<vmem>>, vector<1x16xf32>,
        %parallel_loop3A_308 = arith.constant 2 : i32
        %parallel_loop3A_309 = arith.index_cast %parallel_loop3A_308 : i32 to index
        %parallel_loop3A_310 = arith.index_cast %parallel_loop3A_285 : i32 to index
        %parallel_loop3A_311 = tpu.vector_load %arg10[%parallel_loop3A_309, %parallel_loop3A_310] {strides = array<i32>} : memref<16x1024xf32, #tpu.memory_space<vmem>>, vector<1x16xf32>,
        %parallel_loop3A_312 = vector.shape_cast %parallel_loop3A_311 : vector<1x16xf32> to vector<16xf32>
        %parallel_loop3A_313 = arith.constant 2 : i32
        %parallel_loop3A_314 = arith.index_cast %parallel_loop3A_313 : i32 to index
        %parallel_loop3A_315 = arith.index_cast %parallel_loop3A_285 : i32 to index
        %parallel_loop3A_316 = tpu.vector_load %arg8[%parallel_loop3A_314, %parallel_loop3A_315] {strides = array<i32>} : memref<16x1024xf32, #tpu.memory_space<vmem>>, vector<1x16xf32>,
        %parallel_loop3A_317 = vector.shape_cast %parallel_loop3A_316 : vector<1x16xf32> to vector<16xf32>
        %parallel_loop3A_318 = vector.shape_cast %parallel_loop3A_312 : vector<16xf32> to vector<1x16xf32>
        tpu.vector_store %arg8[%parallel_loop3A_314, %parallel_loop3A_315], %parallel_loop3A_318 {add = true, strides = array<i32>} : memref<16x1024xf32, #tpu.memory_space<vmem>>, vector<1x16xf32>,
        %parallel_loop3A_319 = arith.constant 3 : i32
        %parallel_loop3A_320 = arith.index_cast %parallel_loop3A_319 : i32 to index
        %parallel_loop3A_321 = arith.index_cast %parallel_loop3A_285 : i32 to index
        %parallel_loop3A_322 = tpu.vector_load %arg10[%parallel_loop3A_320, %parallel_loop3A_321] {strides = array<i32>} : memref<16x1024xf32, #tpu.memory_space<vmem>>, vector<1x16xf32>,
        %parallel_loop3A_323 = vector.shape_cast %parallel_loop3A_322 : vector<1x16xf32> to vector<16xf32>
        %parallel_loop3A_324 = arith.constant 3 : i32
        %parallel_loop3A_325 = arith.index_cast %parallel_loop3A_324 : i32 to index
        %parallel_loop3A_326 = arith.index_cast %parallel_loop3A_285 : i32 to index
        %parallel_loop3A_327 = tpu.vector_load %arg8[%parallel_loop3A_325, %parallel_loop3A_326] {strides = array<i32>} : memref<16x1024xf32, #tpu.memory_space<vmem>>, vector<1x16xf32>,
        %parallel_loop3A_328 = vector.shape_cast %parallel_loop3A_327 : vector<1x16xf32> to vector<16xf32>
        %parallel_loop3A_329 = vector.shape_cast %parallel_loop3A_323 : vector<16xf32> to vector<1x16xf32>
        tpu.vector_store %arg8[%parallel_loop3A_325, %parallel_loop3A_326], %parallel_loop3A_329 {add = true, strides = array<i32>} : memref<16x1024xf32, #tpu.memory_space<vmem>>, vector<1x16xf32>,
        %parallel_loop3A_330 = arith.constant 4 : i32
        %parallel_loop3A_331 = arith.index_cast %parallel_loop3A_330 : i32 to index
        %parallel_loop3A_332 = arith.index_cast %parallel_loop3A_285 : i32 to index
        %parallel_loop3A_333 = tpu.vector_load %arg10[%parallel_loop3A_331, %parallel_loop3A_332] {strides = array<i32>} : memref<16x1024xf32, #tpu.memory_space<vmem>>, vector<1x16xf32>,
        %parallel_loop3A_334 = vector.shape_cast %parallel_loop3A_333 : vector<1x16xf32> to vector<16xf32>
        %parallel_loop3A_335 = arith.constant 4 : i32
        %parallel_loop3A_336 = arith.index_cast %parallel_loop3A_335 : i32 to index
        %parallel_loop3A_337 = arith.index_cast %parallel_loop3A_285 : i32 to index
        %parallel_loop3A_338 = tpu.vector_load %arg8[%parallel_loop3A_336, %parallel_loop3A_337] {strides = array<i32>} : memref<16x1024xf32, #tpu.memory_space<vmem>>, vector<1x16xf32>,
        %parallel_loop3A_339 = vector.shape_cast %parallel_loop3A_338 : vector<1x16xf32> to vector<16xf32>
        %parallel_loop3A_340 = vector.shape_cast %parallel_loop3A_334 : vector<16xf32> to vector<1x16xf32>
        tpu.vector_store %arg8[%parallel_loop3A_336, %parallel_loop3A_337], %parallel_loop3A_340 {add = true, strides = array<i32>} : memref<16x1024xf32, #tpu.memory_space<vmem>>, vector<1x16xf32>,
        %parallel_loop3A_341 = arith.constant 5 : i32
        %parallel_loop3A_342 = arith.index_cast %parallel_loop3A_341 : i32 to index
        %parallel_loop3A_343 = arith.index_cast %parallel_loop3A_285 : i32 to index
        %parallel_loop3A_344 = tpu.vector_load %arg10[%parallel_loop3A_342, %parallel_loop3A_343] {strides = array<i32>} : memref<16x1024xf32, #tpu.memory_space<vmem>>, vector<1x16xf32>,
        %parallel_loop3A_345 = vector.shape_cast %parallel_loop3A_344 : vector<1x16xf32> to vector<16xf32>
        %parallel_loop3A_346 = arith.constant 5 : i32
        %parallel_loop3A_347 = arith.index_cast %parallel_loop3A_346 : i32 to index
        %parallel_loop3A_348 = arith.index_cast %parallel_loop3A_285 : i32 to index
        %parallel_loop3A_349 = tpu.vector_load %arg8[%parallel_loop3A_347, %parallel_loop3A_348] {strides = array<i32>} : memref<16x1024xf32, #tpu.memory_space<vmem>>, vector<1x16xf32>,
        %parallel_loop3A_350 = vector.shape_cast %parallel_loop3A_349 : vector<1x16xf32> to vector<16xf32>
        %parallel_loop3A_351 = vector.shape_cast %parallel_loop3A_345 : vector<16xf32> to vector<1x16xf32>
        tpu.vector_store %arg8[%parallel_loop3A_347, %parallel_loop3A_348], %parallel_loop3A_351 {add = true, strides = array<i32>} : memref<16x1024xf32, #tpu.memory_space<vmem>>, vector<1x16xf32>,
        %parallel_loop3A_352 = arith.constant 6 : i32
        %parallel_loop3A_353 = arith.index_cast %parallel_loop3A_352 : i32 to index
        %parallel_loop3A_354 = arith.index_cast %parallel_loop3A_285 : i32 to index
        %parallel_loop3A_355 = tpu.vector_load %arg10[%parallel_loop3A_353, %parallel_loop3A_354] {strides = array<i32>} : memref<16x1024xf32, #tpu.memory_space<vmem>>, vector<1x16xf32>,
        %parallel_loop3A_356 = vector.shape_cast %parallel_loop3A_355 : vector<1x16xf32> to vector<16xf32>
        %parallel_loop3A_357 = arith.constant 6 : i32
        %parallel_loop3A_358 = arith.index_cast %parallel_loop3A_357 : i32 to index
        %parallel_loop3A_359 = arith.index_cast %parallel_loop3A_285 : i32 to index
        %parallel_loop3A_360 = tpu.vector_load %arg8[%parallel_loop3A_358, %parallel_loop3A_359] {strides = array<i32>} : memref<16x1024xf32, #tpu.memory_space<vmem>>, vector<1x16xf32>,
        %parallel_loop3A_361 = vector.shape_cast %parallel_loop3A_360 : vector<1x16xf32> to vector<16xf32>
        %parallel_loop3A_362 = vector.shape_cast %parallel_loop3A_356 : vector<16xf32> to vector<1x16xf32>
        tpu.vector_store %arg8[%parallel_loop3A_358, %parallel_loop3A_359], %parallel_loop3A_362 {add = true, strides = array<i32>} : memref<16x1024xf32, #tpu.memory_space<vmem>>, vector<1x16xf32>,
        %parallel_loop3A_363 = arith.constant 7 : i32
        %parallel_loop3A_364 = arith.index_cast %parallel_loop3A_363 : i32 to index
        %parallel_loop3A_365 = arith.index_cast %parallel_loop3A_285 : i32 to index
        %parallel_loop3A_366 = tpu.vector_load %arg10[%parallel_loop3A_364, %parallel_loop3A_365] {strides = array<i32>} : memref<16x1024xf32, #tpu.memory_space<vmem>>, vector<1x16xf32>,
        %parallel_loop3A_367 = vector.shape_cast %parallel_loop3A_366 : vector<1x16xf32> to vector<16xf32>
        %parallel_loop3A_368 = arith.constant 7 : i32
        %parallel_loop3A_369 = arith.index_cast %parallel_loop3A_368 : i32 to index
        %parallel_loop3A_370 = arith.index_cast %parallel_loop3A_285 : i32 to index
        %parallel_loop3A_371 = tpu.vector_load %arg8[%parallel_loop3A_369, %parallel_loop3A_370] {strides = array<i32>} : memref<16x1024xf32, #tpu.memory_space<vmem>>, vector<1x16xf32>,
        %parallel_loop3A_372 = vector.shape_cast %parallel_loop3A_371 : vector<1x16xf32> to vector<16xf32>
        %parallel_loop3A_373 = vector.shape_cast %parallel_loop3A_367 : vector<16xf32> to vector<1x16xf32>
        tpu.vector_store %arg8[%parallel_loop3A_369, %parallel_loop3A_370], %parallel_loop3A_373 {add = true, strides = array<i32>} : memref<16x1024xf32, #tpu.memory_space<vmem>>, vector<1x16xf32>,
        %parallel_loop3A_374 = arith.constant 8 : i32
        %parallel_loop3A_375 = arith.index_cast %parallel_loop3A_374 : i32 to index
        %parallel_loop3A_376 = arith.index_cast %parallel_loop3A_285 : i32 to index
        %parallel_loop3A_377 = tpu.vector_load %arg10[%parallel_loop3A_375, %parallel_loop3A_376] {strides = array<i32>} : memref<16x1024xf32, #tpu.memory_space<vmem>>, vector<1x16xf32>,
        %parallel_loop3A_378 = vector.shape_cast %parallel_loop3A_377 : vector<1x16xf32> to vector<16xf32>
        %parallel_loop3A_379 = arith.constant 8 : i32
        %parallel_loop3A_380 = arith.index_cast %parallel_loop3A_379 : i32 to index
        %parallel_loop3A_381 = arith.index_cast %parallel_loop3A_285 : i32 to index
        %parallel_loop3A_382 = tpu.vector_load %arg8[%parallel_loop3A_380, %parallel_loop3A_381] {strides = array<i32>} : memref<16x1024xf32, #tpu.memory_space<vmem>>, vector<1x16xf32>,
        %parallel_loop3A_383 = vector.shape_cast %parallel_loop3A_382 : vector<1x16xf32> to vector<16xf32>
        %parallel_loop3A_384 = vector.shape_cast %parallel_loop3A_378 : vector<16xf32> to vector<1x16xf32>
        tpu.vector_store %arg8[%parallel_loop3A_380, %parallel_loop3A_381], %parallel_loop3A_384 {add = true, strides = array<i32>} : memref<16x1024xf32, #tpu.memory_space<vmem>>, vector<1x16xf32>,
        %parallel_loop3A_385 = arith.constant 9 : i32
        %parallel_loop3A_386 = arith.index_cast %parallel_loop3A_385 : i32 to index
        %parallel_loop3A_387 = arith.index_cast %parallel_loop3A_285 : i32 to index
        %parallel_loop3A_388 = tpu.vector_load %arg10[%parallel_loop3A_386, %parallel_loop3A_387] {strides = array<i32>} : memref<16x1024xf32, #tpu.memory_space<vmem>>, vector<1x16xf32>,
        %parallel_loop3A_389 = vector.shape_cast %parallel_loop3A_388 : vector<1x16xf32> to vector<16xf32>
        %parallel_loop3A_390 = arith.constant 9 : i32
        %parallel_loop3A_391 = arith.index_cast %parallel_loop3A_390 : i32 to index
        %parallel_loop3A_392 = arith.index_cast %parallel_loop3A_285 : i32 to index
        %parallel_loop3A_393 = tpu.vector_load %arg8[%parallel_loop3A_391, %parallel_loop3A_392] {strides = array<i32>} : memref<16x1024xf32, #tpu.memory_space<vmem>>, vector<1x16xf32>,
        %parallel_loop3A_394 = vector.shape_cast %parallel_loop3A_393 : vector<1x16xf32> to vector<16xf32>
        %parallel_loop3A_395 = vector.shape_cast %parallel_loop3A_389 : vector<16xf32> to vector<1x16xf32>
        tpu.vector_store %arg8[%parallel_loop3A_391, %parallel_loop3A_392], %parallel_loop3A_395 {add = true, strides = array<i32>} : memref<16x1024xf32, #tpu.memory_space<vmem>>, vector<1x16xf32>,
        %parallel_loop3A_396 = arith.constant 10 : i32
        %parallel_loop3A_397 = arith.index_cast %parallel_loop3A_396 : i32 to index
        %parallel_loop3A_398 = arith.index_cast %parallel_loop3A_285 : i32 to index
        %parallel_loop3A_399 = tpu.vector_load %arg10[%parallel_loop3A_397, %parallel_loop3A_398] {strides = array<i32>} : memref<16x1024xf32, #tpu.memory_space<vmem>>, vector<1x16xf32>,
        %parallel_loop3A_400 = vector.shape_cast %parallel_loop3A_399 : vector<1x16xf32> to vector<16xf32>
        %parallel_loop3A_401 = arith.constant 10 : i32
        %parallel_loop3A_402 = arith.index_cast %parallel_loop3A_401 : i32 to index
        %parallel_loop3A_403 = arith.index_cast %parallel_loop3A_285 : i32 to index
        %parallel_loop3A_404 = tpu.vector_load %arg8[%parallel_loop3A_402, %parallel_loop3A_403] {strides = array<i32>} : memref<16x1024xf32, #tpu.memory_space<vmem>>, vector<1x16xf32>,
        %parallel_loop3A_405 = vector.shape_cast %parallel_loop3A_404 : vector<1x16xf32> to vector<16xf32>
        %parallel_loop3A_406 = vector.shape_cast %parallel_loop3A_400 : vector<16xf32> to vector<1x16xf32>
        tpu.vector_store %arg8[%parallel_loop3A_402, %parallel_loop3A_403], %parallel_loop3A_406 {add = true, strides = array<i32>} : memref<16x1024xf32, #tpu.memory_space<vmem>>, vector<1x16xf32>,
        %parallel_loop3A_407 = arith.constant 11 : i32
        %parallel_loop3A_408 = arith.index_cast %parallel_loop3A_407 : i32 to index
        %parallel_loop3A_409 = arith.index_cast %parallel_loop3A_285 : i32 to index
        %parallel_loop3A_410 = tpu.vector_load %arg10[%parallel_loop3A_408, %parallel_loop3A_409] {strides = array<i32>} : memref<16x1024xf32, #tpu.memory_space<vmem>>, vector<1x16xf32>,
        %parallel_loop3A_411 = vector.shape_cast %parallel_loop3A_410 : vector<1x16xf32> to vector<16xf32>
        %parallel_loop3A_412 = arith.constant 11 : i32
        %parallel_loop3A_413 = arith.index_cast %parallel_loop3A_412 : i32 to index
        %parallel_loop3A_414 = arith.index_cast %parallel_loop3A_285 : i32 to index
        %parallel_loop3A_415 = tpu.vector_load %arg8[%parallel_loop3A_413, %parallel_loop3A_414] {strides = array<i32>} : memref<16x1024xf32, #tpu.memory_space<vmem>>, vector<1x16xf32>,
        %parallel_loop3A_416 = vector.shape_cast %parallel_loop3A_415 : vector<1x16xf32> to vector<16xf32>
        %parallel_loop3A_417 = vector.shape_cast %parallel_loop3A_411 : vector<16xf32> to vector<1x16xf32>
        tpu.vector_store %arg8[%parallel_loop3A_413, %parallel_loop3A_414], %parallel_loop3A_417 {add = true, strides = array<i32>} : memref<16x1024xf32, #tpu.memory_space<vmem>>, vector<1x16xf32>,
        %parallel_loop3A_418 = arith.constant 12 : i32
        %parallel_loop3A_419 = arith.index_cast %parallel_loop3A_418 : i32 to index
        %parallel_loop3A_420 = arith.index_cast %parallel_loop3A_285 : i32 to index
        %parallel_loop3A_421 = tpu.vector_load %arg10[%parallel_loop3A_419, %parallel_loop3A_420] {strides = array<i32>} : memref<16x1024xf32, #tpu.memory_space<vmem>>, vector<1x16xf32>,
        %parallel_loop3A_422 = vector.shape_cast %parallel_loop3A_421 : vector<1x16xf32> to vector<16xf32>
        %parallel_loop3A_423 = arith.constant 12 : i32
        %parallel_loop3A_424 = arith.index_cast %parallel_loop3A_423 : i32 to index
        %parallel_loop3A_425 = arith.index_cast %parallel_loop3A_285 : i32 to index
        %parallel_loop3A_426 = tpu.vector_load %arg8[%parallel_loop3A_424, %parallel_loop3A_425] {strides = array<i32>} : memref<16x1024xf32, #tpu.memory_space<vmem>>, vector<1x16xf32>,
        %parallel_loop3A_427 = vector.shape_cast %parallel_loop3A_426 : vector<1x16xf32> to vector<16xf32>
        %parallel_loop3A_428 = vector.shape_cast %parallel_loop3A_422 : vector<16xf32> to vector<1x16xf32>
        tpu.vector_store %arg8[%parallel_loop3A_424, %parallel_loop3A_425], %parallel_loop3A_428 {add = true, strides = array<i32>} : memref<16x1024xf32, #tpu.memory_space<vmem>>, vector<1x16xf32>,
        %parallel_loop3A_429 = arith.constant 13 : i32
        %parallel_loop3A_430 = arith.index_cast %parallel_loop3A_429 : i32 to index
        %parallel_loop3A_431 = arith.index_cast %parallel_loop3A_285 : i32 to index
        %parallel_loop3A_432 = tpu.vector_load %arg10[%parallel_loop3A_430, %parallel_loop3A_431] {strides = array<i32>} : memref<16x1024xf32, #tpu.memory_space<vmem>>, vector<1x16xf32>,
        %parallel_loop3A_433 = vector.shape_cast %parallel_loop3A_432 : vector<1x16xf32> to vector<16xf32>
        %parallel_loop3A_434 = arith.constant 13 : i32
        %parallel_loop3A_435 = arith.index_cast %parallel_loop3A_434 : i32 to index
        %parallel_loop3A_436 = arith.index_cast %parallel_loop3A_285 : i32 to index
        %parallel_loop3A_437 = tpu.vector_load %arg8[%parallel_loop3A_435, %parallel_loop3A_436] {strides = array<i32>} : memref<16x1024xf32, #tpu.memory_space<vmem>>, vector<1x16xf32>,
        %parallel_loop3A_438 = vector.shape_cast %parallel_loop3A_437 : vector<1x16xf32> to vector<16xf32>
        %parallel_loop3A_439 = vector.shape_cast %parallel_loop3A_433 : vector<16xf32> to vector<1x16xf32>
        tpu.vector_store %arg8[%parallel_loop3A_435, %parallel_loop3A_436], %parallel_loop3A_439 {add = true, strides = array<i32>} : memref<16x1024xf32, #tpu.memory_space<vmem>>, vector<1x16xf32>,
        %parallel_loop3A_440 = arith.constant 14 : i32
        %parallel_loop3A_441 = arith.index_cast %parallel_loop3A_440 : i32 to index
        %parallel_loop3A_442 = arith.index_cast %parallel_loop3A_285 : i32 to index
        %parallel_loop3A_443 = tpu.vector_load %arg10[%parallel_loop3A_441, %parallel_loop3A_442] {strides = array<i32>} : memref<16x1024xf32, #tpu.memory_space<vmem>>, vector<1x16xf32>,
        %parallel_loop3A_444 = vector.shape_cast %parallel_loop3A_443 : vector<1x16xf32> to vector<16xf32>
        %parallel_loop3A_445 = arith.constant 14 : i32
        %parallel_loop3A_446 = arith.index_cast %parallel_loop3A_445 : i32 to index
        %parallel_loop3A_447 = arith.index_cast %parallel_loop3A_285 : i32 to index
        %parallel_loop3A_448 = tpu.vector_load %arg8[%parallel_loop3A_446, %parallel_loop3A_447] {strides = array<i32>} : memref<16x1024xf32, #tpu.memory_space<vmem>>, vector<1x16xf32>,
        %parallel_loop3A_449 = vector.shape_cast %parallel_loop3A_448 : vector<1x16xf32> to vector<16xf32>
        %parallel_loop3A_450 = vector.shape_cast %parallel_loop3A_444 : vector<16xf32> to vector<1x16xf32>
        tpu.vector_store %arg8[%parallel_loop3A_446, %parallel_loop3A_447], %parallel_loop3A_450 {add = true, strides = array<i32>} : memref<16x1024xf32, #tpu.memory_space<vmem>>, vector<1x16xf32>,
        %parallel_loop3A_451 = arith.constant 15 : i32
        %parallel_loop3A_452 = arith.index_cast %parallel_loop3A_451 : i32 to index
        %parallel_loop3A_453 = arith.index_cast %parallel_loop3A_285 : i32 to index
        %parallel_loop3A_454 = tpu.vector_load %arg10[%parallel_loop3A_452, %parallel_loop3A_453] {strides = array<i32>} : memref<16x1024xf32, #tpu.memory_space<vmem>>, vector<1x16xf32>,
        %parallel_loop3A_455 = vector.shape_cast %parallel_loop3A_454 : vector<1x16xf32> to vector<16xf32>
        %parallel_loop3A_456 = arith.constant 15 : i32
        %parallel_loop3A_457 = arith.index_cast %parallel_loop3A_456 : i32 to index
        %parallel_loop3A_458 = arith.index_cast %parallel_loop3A_285 : i32 to index
        %parallel_loop3A_459 = tpu.vector_load %arg8[%parallel_loop3A_457, %parallel_loop3A_458] {strides = array<i32>} : memref<16x1024xf32, #tpu.memory_space<vmem>>, vector<1x16xf32>,
        %parallel_loop3A_460 = vector.shape_cast %parallel_loop3A_459 : vector<1x16xf32> to vector<16xf32>
        %parallel_loop3A_461 = vector.shape_cast %parallel_loop3A_455 : vector<16xf32> to vector<1x16xf32>
        tpu.vector_store %arg8[%parallel_loop3A_457, %parallel_loop3A_458], %parallel_loop3A_461 {add = true, strides = array<i32>} : memref<16x1024xf32, #tpu.memory_space<vmem>>, vector<1x16xf32>,
      } {sc.loop_unroll_factor = 1 : i64, sc.parallel_access}
      %mul3A_269 = arith.constant 16 : i32
      %mul3A_270 = arith.muli %add3A_165, %mul3A_269 : i32
      %add3A_271 = arith.addi %mul3A_2, %mul3A_270 : i32
      %add3A_272 = arith.constant 24576 : i32
      %add3A_273 = arith.addi %add3A_272, %add3A_271 : i32
      %dma_start3A_274 = arith.constant 0 : i32
      %dma_start3A_275 = tpu.memref_slice %arg4[%add3A_273, %dma_start3A_274] : memref<32768x1024xf32, #tpu.memory_space<hbm>> -> memref<16x1024xf32, #tpu.memory_space<hbm>>
      %dma_start3A_276 = arith.constant 0 : i32
      %dma_start3A_277 = tpu.memref_slice %arg4[%add3A_273, %dma_start3A_276] : memref<32768x1024xf32, #tpu.memory_space<hbm>> -> memref<16x1024xf32, #tpu.memory_space<hbm>>
      tpu.enqueue_dma source(%arg8 : memref<16x1024xf32, #tpu.memory_space<vmem>>) target(%dma_start3A_277 : memref<16x1024xf32, #tpu.memory_space<hbm>>) target_semaphore(%arg20 : memref<!tpu.dma_semaphore, #tpu.memory_space<semaphore_mem>>)
      %add3A_278 = arith.constant 2 : i32
      %add3A_279 = arith.addi %add3A_165, %add3A_278 : i32
      %lt3A_280 = arith.constant 16 : i32
      %lt3A_281 = arith.cmpi slt, %add3A_279, %lt3A_280 : i32
      %convert_element_type3A_282 = arith.extui %lt3A_281 : i1 to i32
      %cond3A_283 = arith.constant 0 : i32
      %cond3A_284 = arith.cmpi ne, %convert_element_type3A_282, %cond3A_283 : i32
      scf.if %cond3A_284 {
        %add3A_285 = arith.constant 2 : i32
        %add3A_286 = arith.addi %add3A_165, %add3A_285 : i32
        %mul3A_287 = arith.constant 16 : i32
        %mul3A_288 = arith.muli %add3A_286, %mul3A_287 : i32
        %add3A_289 = arith.addi %mul3A_2, %mul3A_288 : i32
        %dma_start3A_290 = arith.constant 0 : i32
        %dma_start3A_291 = tpu.memref_slice %arg3[%add3A_289, %dma_start3A_290] : memref<8192x1024xf32, #tpu.memory_space<hbm>> -> memref<16x1024xf32, #tpu.memory_space<hbm>>
        %dma_start3A_292 = arith.constant 0 : i32
        %dma_start3A_293 = tpu.memref_slice %arg3[%add3A_289, %dma_start3A_292] : memref<8192x1024xf32, #tpu.memory_space<hbm>> -> memref<16x1024xf32, #tpu.memory_space<hbm>>
        tpu.enqueue_dma source(%dma_start3A_293 : memref<16x1024xf32, #tpu.memory_space<hbm>>) target(%arg10 : memref<16x1024xf32, #tpu.memory_space<vmem>>) target_semaphore(%arg16 : memref<!tpu.dma_semaphore, #tpu.memory_space<semaphore_mem>>)
      } else {
      }
    }
    %scan3A_33 = arith.constant 8 : i32
    %dma_wait3A = arith.constant 0 : i32
    %dma_wait3A_34 = tpu.memref_slice %arg4[%mul3A_2, %dma_wait3A] : memref<32768x1024xf32, #tpu.memory_space<hbm>> -> memref<16x1024xf32, #tpu.memory_space<hbm>>
    %dma_wait3A_35 = arith.constant 0 : i32
    %dma_wait3A_36 = tpu.memref_slice %arg4[%mul3A_2, %dma_wait3A_35] : memref<32768x1024xf32, #tpu.memory_space<hbm>> -> memref<16x1024xf32, #tpu.memory_space<hbm>>
    tpu.wait_dma2 semaphore(%arg19 : memref<!tpu.dma_semaphore, #tpu.memory_space<semaphore_mem>>) src(%arg7 : memref<16x1024xf32, #tpu.memory_space<vmem>>) dst(%dma_wait3A_36 : memref<16x1024xf32, #tpu.memory_space<hbm>>)
    %dma_wait3A_37 = arith.constant 0 : i32
    %dma_wait3A_38 = tpu.memref_slice %arg4[%mul3A_2, %dma_wait3A_37] : memref<32768x1024xf32, #tpu.memory_space<hbm>> -> memref<16x1024xf32, #tpu.memory_space<hbm>>
    %dma_wait3A_39 = arith.constant 0 : i32
    %dma_wait3A_40 = tpu.memref_slice %arg4[%mul3A_2, %dma_wait3A_39] : memref<32768x1024xf32, #tpu.memory_space<hbm>> -> memref<16x1024xf32, #tpu.memory_space<hbm>>
    tpu.wait_dma2 semaphore(%arg20 : memref<!tpu.dma_semaphore, #tpu.memory_space<semaphore_mem>>) src(%arg8 : memref<16x1024xf32, #tpu.memory_space<vmem>>) dst(%dma_wait3A_40 : memref<16x1024xf32, #tpu.memory_space<hbm>>)
    return
  }
}

</mosaic_0001>

<sc_bundles>
// kernel: kernel.3.cloned.1.call-start
scs
__scs_entry_jumppad:
0x0: {  	(pc) =	sbr.rel $0x88, $3  }
0x1: {  	(tag) =	ssettag $0x0;
	lr =	simm.s32 $0x1  }
0x2: {  	[smem:$0x3F9F] =	sst lr;
	_ =	strace $0xD0000000  }
0x3: {  	_ = 	snop  }
0x4: {  	_ = 	snop  }
0x5: {  	_ = 	snop  }
0x6: {  	_ = 	snop  }
0x7: {  	_ = 	snop  }
__scs_overlays_trampoline_lowered:
0x8: {  	[smem:$0x3FAE] =	sst s0  }
0x9: {  	[smem:$0x3FAF] =	sst s1  }
0xa: {  	[smem:$0x3FB0] =	sst s2  }
0xb: {  	[smem:$0x3FB1] =	sst s3  }
0xc: {  	[smem:$0x3FB2] =	sst s4  }
0xd: {  	[smem:$0x3FB3] =	sst s5  }
0xe: {  	[smem:$0x3FB4] =	sst s6  }
0xf: {  	[smem:$0x3FB5] =	sst s7  }
0x10: {  	[smem:$0x3FB6] =	sst s8  }
0x11: {  	[smem:$0x3FB7] =	sst s9;
	s0 =	simm.s32 @!p0 $0x0  }
0x12: {  	s1 =	sld [smem:$0x3F9D];
	s0 =	simm.s32 @p0 $0x1  }
0x13: {  	[smem:$0x3FB8] =	sst s0;
	s0 =	simm.s32 @!p1 $0x0  }
0x14: {  	s2 =	sld [smem:$0x3F9C];
	s0 =	simm.s32 @p1 $0x1  }
0x15: {  	[smem:$0x3FB9] =	sst s0;
	s0 =	simm.s32 @!p2 $0x0  }
0x16: {  	s3 =	sld [smem:$0x3FDB];
	s0 =	simm.s32 @p2 $0x1  }
0x17: {  	s4 =	simm.s32 $0x1BF5;
	[smem:$0x3FBB] =	sst s0  }
0x18: {  	s0 =	sld [smem:$0x3F9E];
	_ =	swait.ge [sflag:s4], $0x0  }
0x19: {  	s7 =	sld [smem:$0x3F9F]  }
0x1a: {  	s8 =	sadd.s32 $0xFFFFE003, lr  }
0x1b: {  	s9 =	sadd.s32 $0xFFFFFEF7, lr;
	s5 =	simm.s32 $0xFFFFFFFF;
	p2 =	slt.u32 s8, $0xFFFFF086  }
0x1c: {  	p1 =	slt.u32 s9, $0xF7A;
	s5 =	simm.s32 @!p2 $0x0  }
0x1d: {  	s5 =	simm.s32 @p1 $0x1;
	p0 =	seq.s32 s7, s2  }
0x1e: {  	s7 =	smul.u32 @!p0 $0xF7A, s2;
	p2 =	seq.s32 @!p0 s5, $0x0  }
0x1f: {  	s9 =	smul.u32 $0xF7A, s1;
	s8 =	simm.s32 @!p0 $0x1BF5;
	p2 =	por !p2, p0  }
0x20: {  	[sflag:s8] =	ssyncset.s32 @!p0 $0xFFFFF086;
	s6 =	sadd.s32 @!p0 s3, s7;
	s7 =	simm.s32 @!p0 $0x108  }
0x21: {  	s3 =	sadd.s32 s3, s9;
	s6 =	sadd.s32 @!p0 $0x88, s6;
	s7 =	simm.s32 @p2 $0x1082  }
0x22: {  	[simem:s7], [sflag:s8] =	dma.local @!p0 [hbm:s6], $0xF7A  }
0x23: {  	s9 =	sor.u32 $0xD0000000, s2;
	s6 =	simm.s32 $0x108;
	_ =	swait.ge @!p0 [sflag:s8], $0x0  }
0x24: {  	s3 =	sadd.s32 $0x88, s3;
	s6 =	simm.s32 @!p1 $0x1082;
	[sflag:s4] =	ssyncset.s32 $0xFFFFF086  }
0x25: {  	[simem:s6], [sflag:s4] =	dma.local [hbm:s3], $0xF7A  }
0x26: {  	[smem:$0x3F9F] =	sst s1;
	(tag) =	ssettag s2;
	_ =	strace s9  }
0x27: {  	s1 =	sld [smem:$0x3FAF]  }
0x28: {  	s2 =	sld [smem:$0x3FB0]  }
0x29: {  	s4 =	sld [smem:$0x3FB2]  }
0x2a: {  	p0 =	seq.s32 s5, $0x0;
	s5 =	sld [smem:$0x3FB3]  }
0x2b: {  	s6 =	sld [smem:$0x3FB4]  }
0x2c: {  	s7 =	sld [smem:$0x3FB5]  }
0x2d: {  	s3 =	simm.s32 $0x108;
	s8 =	sld [smem:$0x3FB6]  }
0x2e: {  	s3 =	simm.s32 @!p0 $0x1082;
	s9 =	sld [smem:$0x3FB7]  }
0x2f: {  	lr =	sadd.s32 s0, s3;
	s0 =	sld [smem:$0x3FAE]  }
0x30: {  	s3 =	sld [smem:$0x3FB1]  }
0x31: {  	[smem:$0x3FBA] =	sst s10  }
0x32: {  	s10 =	sld [smem:$0x3FB8];
	_ =	sdelay $0x3  }
0x33: {  	p0 =	seq.s32 s10, $0x1;
	s10 =	sld [smem:$0x3FBA];
	_ =	sdelay $0x3  }
0x34: {  	[smem:$0x3FBA] =	sst s10  }
0x35: {  	s10 =	sld [smem:$0x3FB9];
	_ =	sdelay $0x3  }
0x36: {  	p1 =	seq.s32 s10, $0x1;
	s10 =	sld [smem:$0x3FBA];
	_ =	sdelay $0x3  }
0x37: {  	[smem:$0x3FBA] =	sst s10  }
0x38: {  	s10 =	sld [smem:$0x3FBB]  }
0x39: {  	_ = 	snop;
	(pc) =	sbr.ind lr, $3  }
0x3a: {  	_ = 	snop  }
0x3b: {  	_ = 	snop  }
0x3c: {  	p2 =	seq.s32 s10, $0x1;
	s10 =	sld [smem:$0x3FBA]  }
0x3d: {  	_ =	shalt  }
0x3e: {  	_ =	shalt  }
0x3f: {  	_ =	shalt  }
0x40: {  	_ =	shalt  }
0x41: {  	_ =	shalt  }
0x42: {  	_ =	shalt  }
0x43: {  	_ =	shalt  }
0x44: {  	_ =	shalt  }
0x45: {  	_ =	shalt  }
0x46: {  	_ =	shalt  }
0x47: {  	_ =	shalt  }
0x48: {  	_ =	shalt  }
0x49: {  	_ =	shalt  }
0x4a: {  	_ =	shalt  }
0x4b: {  	_ =	shalt  }
0x4c: {  	_ =	shalt  }
0x4d: {  	_ =	shalt  }
0x4e: {  	_ =	shalt  }
0x4f: {  	_ =	shalt  }
0x50: {  	_ =	shalt  }
0x51: {  	_ =	shalt  }
0x52: {  	_ =	shalt  }
0x53: {  	_ =	shalt  }
0x54: {  	_ =	shalt  }
0x55: {  	_ =	shalt  }
0x56: {  	_ =	shalt  }
0x57: {  	_ =	shalt  }
0x58: {  	_ =	shalt  }
0x59: {  	_ =	shalt  }
0x5a: {  	_ =	shalt  }
0x5b: {  	_ =	shalt  }
0x5c: {  	_ =	shalt  }
0x5d: {  	_ =	shalt  }
0x5e: {  	_ =	shalt  }
0x5f: {  	_ =	shalt  }
0x60: {  	_ =	shalt  }
0x61: {  	_ =	shalt  }
0x62: {  	_ =	shalt  }
0x63: {  	_ =	shalt  }
0x64: {  	_ =	shalt  }
0x65: {  	_ =	shalt  }
0x66: {  	_ =	shalt  }
0x67: {  	_ =	shalt  }
0x68: {  	_ =	shalt  }
0x69: {  	_ =	shalt  }
0x6a: {  	_ =	shalt  }
0x6b: {  	_ =	shalt  }
0x6c: {  	_ =	shalt  }
0x6d: {  	_ =	shalt  }
0x6e: {  	_ =	shalt  }
0x6f: {  	_ =	shalt  }
0x70: {  	_ =	shalt  }
0x71: {  	_ =	shalt  }
0x72: {  	_ =	shalt  }
0x73: {  	_ =	shalt  }
0x74: {  	_ =	shalt  }
0x75: {  	_ =	shalt  }
0x76: {  	_ =	shalt  }
0x77: {  	_ =	shalt  }
0x78: {  	_ =	shalt  }
0x79: {  	_ =	shalt  }
0x7a: {  	_ =	shalt  }
0x7b: {  	_ =	shalt  }
0x7c: {  	_ =	shalt  }
0x7d: {  	_ =	shalt  }
0x7e: {  	_ =	shalt  }
0x7f: {  	_ =	shalt  }
0x80: {  	_ =	shalt  }
0x81: {  	_ =	shalt  }
0x82: {  	_ =	shalt  }
0x83: {  	_ =	shalt  }
0x84: {  	_ =	shalt  }
0x85: {  	_ =	shalt  }
0x86: {  	_ =	shalt  }
0x87: {  	_ =	shalt  }
.Lfunc_end0:
.L_simem_size_0:
called_computation_lowered:
.L_overlay_start_0:
0x88: {  	s2 =	sld [smem:$0x3FD9]  }
0x89: {  	s3 =	sld [smem:$0x3FFE];
	_ =	sdelay $0x1  }
0x8a: {  	s1 =	srdreg.scid  }
0x8b: {  	s0 =	sand.u32 $0x1, s1  }
0x8c: {  	s18 =	sshll.u32 s0, $0xA;
	s2 =	sadd.s32 s3, s2  }
0x8d: {  	s2 =	sadd.s32 s2, s18  }
0x8e: {  	[smem:$0x3FC6] =	sst s2  }
0x8f: {  	_ = 	snop  }
0x90: {  	s2 =	sld [smem:$0x3FC9]  }
0x91: {  	s19 =	sld [smem:$0x3FC8]  }
0x92: {  	s4 =	sld [smem:$0x3FD0];
	(tm) =	ssettm $0x1  }
0x93: {  	s5 =	sld [smem:$0x3FFB];
	_ =	sdelay $0x3  }
0x94: {  	_ =	strace s5  }
0x95: {  	s5 =	sld [smem:$0x3FFC];
	_ =	sdelay $0x3  }
0x96: {  	_ =	strace s5  }
0x97: {  	s5 =	sld [smem:$0x3FFD];
	_ =	sdelay $0x3  }
0x98: {  	_ =	strace s5  }
0x99: {  	_ =	strace $0x8FFFFFFF  }
0x9a: {  	s20 =	sld [smem:$0x3FDB];
	_ =	sdelay $0x1  }
0x9b: {  	s6 =	simm.s32 $_scs_section_size  }
0x9c: {  	s7 =	simm.s32 $_size__tile_overlayer_lowered;
	s8 =	simm.s32 $_tile_overlayer_lowered  }
0x9d: {  	s23 =	simm.s32 $0x1BFF;
	s22 =	sshll.u32 s8, $0x1;
	s5 =	sadd.s32 s6, s20  }
0x9e: {  	s9 =	simm.s32 $0x0;
	s21 =	sshll.u32 s7, $0x1;
	s7 =	sadd.s32 s22, s5  }
0x9f: {  	[timem:s9], [sflag:s23] =	dma.local [hbm:s7], s21  }
0xa0: {  	_ =	swait.ge [sflag:s23], s21  }
0xa1: {  	s6 =	ssub.s32 $0x0, s21;
	[sflag:s23] =	ssyncset.done $0x0  }
0xa2: {  	[sflag:s23] =	ssyncadd.s32 s6;
	_ =	sdelay $0x1  }
0xa3: {  	s24 =	simm.s32 $0x1B8B  }
0xa4: {  	_ =	swait.ge [sflag:s24], $0x1  }
0xa5: {  	[sflag:s24] =	ssyncset.done $0x0  }
0xa6: {  	s25 =	simm.s32 $0x1B8E;
	[sflag:s24] =	ssyncadd.s32 $0xFFFFFFFF  }
0xa7: {  	s26 =	simm.s32 $execute0_lowered;
	[smem:$0x3FD2] =	sst s25  }
0xa8: {  	s6 =	sshll.u32 s26, $0x1;
	_ =	strace $0x80000046;
	[dreg:$0x1] =	wrdreg $0xFFFFFFFF  }
0xa9: {  	s28 =	simm.s32 $_size_execute0_lowered;
	s5 =	sadd.s32 s5, s6;
	[dreg:$0x0] =	wrdreg $0x0  }
0xaa: {  	s6 =	sshll.u32 s28, $0x1;
	[dreg:$0x2] =	wrdreg s5  }
0xab: {  	[dreg:$0x3] =	wrdreg s6  }
0xac: {  	[dreg:$0x4] =	wrdreg $0xC0  }
0xad: {  	_ =	task [dreg:s9], $0x5FFFF  }
0xae: {  	[dreg:$0x1] =	wrdreg $0xFFFFFFFF  }
0xaf: {  	[dreg:$0x0] =	wrdreg $0x60  }
0xb0: {  	[dreg:$0x2] =	wrdreg s2  }
0xb1: {  	[dreg:$0x3] =	wrdreg s19  }
0xb2: {  	[dreg:$0x4] =	wrdreg s4  }
0xb3: {  	[dreg:$0x5] =	wrdreg $0x9  }
0xb4: {  	_ =	task.clear_ibuf [dreg:s9], $0x6FFFF;
	_ =	strace $0x90000046  }
0xb5: {  	s29 =	simm.s32 $0x9;
	_ =	strace $0x80000048  }
0xb6: {  	_ =	swait.ge [sflag:s29], $0x1  }
0xb7: {  	[sflag:s29] =	ssyncadd.s32 $0xFFFFFFFF  }
0xb8: {  	_ =	strace $0x90000048  }
0xb9: {  	_ =	sfence  }
0xba: {  	s30 =	sld [smem:$0x0];
	_ =	sdelay $0x2  }
0xbb: {  	s31 =	sshll.u32 s1, $0xD;
	s1 =	sshrl.u32 s1, $0x2  }
0xbc: {  	s3 =	sand.u32 $0x4000, s31;
	s1 =	sadd.s32 s1, s30  }
0xbd: {  	s0 =	sor.u32 s3, s0;
	s1 =	sshll.u32 s1, $0x11  }
0xbe: {  	s0 =	sor.u32 s1, s0  }
0xbf: {  	s0 =	sadd.s32 $0x8F2B, s0  }
0xc0: {  	[sflag:s0] =	ssyncadd.remote.s32 $0x1  }
0xc1: {  	_ =	sfence.sel $0xFFFF  }
0xc2: {  	[dreg:$0x0] =	wrdreg $0xFFFFFFFF;
	(pc) =	sbr.abs _section_cstart, $3  }
0xc3: {  	[dreg:$0x1] =	wrdreg $0xFFFFFFFF  }
0xc4: {  	_ =	task.clear_ibuf [dreg:s9], $0x2FFFF;
	_ =	strace $0x9FFFFFFF  }
0xc5: {  	(tm) =	ssettm $0x7FFFFFFF  }
tec
execute0_lowered:
.L_overlay_start_1:
0x0: {  	(tag) =	ssettag $0x1  }
0x1: {  	s31 =	rddreg [dreg:$0x0]  }
0x2: {  	s0 =	rddreg [dreg:$0x1]  }
0x3: {  	s2 =	rddreg [dreg:$0x2];
	s4 =	simm.s32 $0x0  }
0x4: {  	s1 =	srdreg.scid;
	s5 =	stileid.u32;
	s19 =	simm.s32 $0x1  }
0x5: {  	s21 =	simm.s32 $0x8000;
	s22 =	simm.s32 $0x2;
	s28 =	simm.s32 $0x8  }
0x6: {  	[smem:$0x7FF] =	sst s4;
	s1 =	sand.u32 $0x1, s1;
	s5 =	sshll.u32 s5, $0x10  }
0x7: {  	s24 =	sadd.s32 $0x100000, s31;
	s29 =	sadd.s32 $0x200000, s31;
	s12 =	sadd.s32 $0x100000, s2  }
0x8: {  	s13 =	sadd.s32 $0x200000, s2;
	s3 =	ssub.s32 $0x2, s1;
	s1 =	sshll.u32 s1, $0xF  }
0x9: {  	_ =	strace $0x80000047;
	[dreg:$0x5] =	wrdreg s24;
	s5 =	sor.u32 s1, s5  }
0xa: {  	[dreg:$0x9] =	wrdreg s29;
	s6 =	sshrl.u32 s3, $0x1;
	s26 =	sadd.s32 s31, s5  }
0xb: {  	s23 =	ssub.s32 s3, s6;
	s3 =	sadd.s32 s5, s24;
	[dreg:$0x7] =	wrdreg s26  }
.Ltmp0:
0xc: {  	s0 =	sadd.s32 s0, s5;
	[dreg:$0x8] =	wrdreg s3;
	(pc) =	sbr.rel .LBB2_1-.Ltmp0, $4  }
0xd: {  	s24 =	simm.s32 $0x3;
	s25 =	sadd.s32 $0x800, s0;
	[dreg:$0x4] =	wrdreg s0  }
0xe: {  	s0 =	sadd.s32 $0x1800, s0;
	s30 =	smax.u32 s23, $0x1;
	[dreg:$0x6] =	wrdreg s25  }
0xf: {  	s23 =	simm.s32 $0xC000;
	s26 =	simm.s32 $0x4;
	[dreg:$0xa] =	wrdreg s0  }
0x10: {  	s3 =	simm.s32 $0x0;
	[dreg:$0xb] =	wrdreg s30;
	s25 =	simm.s32 $0x7  }
.LBB2_20:
0x11: {  	s0 =	simm.s32 $0x9  }
0x12: {  	_ =	swait.ge [sflag:s0], $0x4000  }
0x13: {  	[sflag:s0] =	ssyncset.done $0x0  }
0x14: {  	s1 =	simm.s32 $0xA;
	[sflag:s0] =	ssyncadd.s32 $0xFFFFC000  }
0x15: {  	_ =	swait.ge [sflag:s1], $0x4000  }
0x16: {  	s3 =	rddreg [dreg:$0xc]  }
0x17: {  	s30 =	rddreg [dreg:$0xb];
	s3 =	sadd.s32 $0x1, s3  }
0x18: {  	p0 =	sne.s32 s3, s30  }
.Ltmp1:
0x19: {  	_ = 	snop;
	(pc) =	sbr.rel @!p0 .LBB2_21-.Ltmp1, $3  }
0x1a: {  	_ =	sdelay $0x1  }
0x1b: {  	[sflag:s1] =	ssyncset.done $0x0  }
0x1c: {  	[sflag:s1] =	ssyncadd.s32 $0xFFFFC000  }
.LBB2_1:
0x1d: {  	[dreg:$0xc] =	wrdreg s3  }
0x1e: {  	s0 =	rddreg [dreg:$0x4];
	s1 =	simm.s32 $0x10000  }
0x1f: {  	[tilespmem:s1], [sflag:$0x5] =	stream.linear.gather [hbm4b:s0+s4], $0x4000, $0x38;
	[tilespmem:$0x18000] =	vst v63  }
0x20: {  	s17 =	rddreg [dreg:$0x6];
	s18 =	simm.s32 $0x14000  }
0x21: {  	[tilespmem:s18], [sflag:$0x6] =	stream.linear.gather [hbm4b:s17+s4], $0x4000, $0x38;
	[tilespmem:$0x18000] =	vst v63  }
0x22: {  	s20 =	rddreg [dreg:$0x7]  }
0x23: {  	[tilespmem:s4], [sflag:$0x1] =	stream.linear.gather [hbm4b:s20+s4], $0x4000, $0x38;
	[tilespmem:$0x18000] =	vst v63  }
0x24: {  	s29 =	rddreg [dreg:$0x8];
	s30 =	simm.s32 $0x4000;
	s3 =	simm.s32 $0x0  }
0x25: {  	[tilespmem:s30], [sflag:$0x2] =	stream.linear.gather [hbm4b:s29+s4], $0x4000, $0x38;
	[tilespmem:$0x18000] =	vst v63  }
.LBB2_2:
0x26: {  	_ =	swait.ge [sflag:s19], $0x4000  }
0x27: {  	[sflag:s19] =	ssyncset.done $0x0  }
0x28: {  	s0 =	simm.s32 $0x5;
	[sflag:s19] =	ssyncadd.s32 $0xFFFFC000  }
0x29: {  	p0 =	seq.s32 s3, $0x0;
	_ =	swait.ge [sflag:s0], $0x4000  }
0x2a: {  	s16 =	sshll.u32 s3, $0xC;
	s6 =	simm.s32 $0x0;
	[sflag:s0] =	ssyncset.done $0x0  }
0x2b: {  	s7 =	simm.s32 $0x0;
	[sflag:s0] =	ssyncadd.s32 $0xFFFFC000;
	s0 =	simm.s32 @!p0 $0x9  }
0x2c: {  	s1 =	sor.u32 s16, s5;
	s20 =	sand.u32 $0x70, s7;
	_ =	swait.ge @!p0 [sflag:s0], $0x4000  }
0x2d: {  	s29 =	sand.u32 $0x1C00, s6;
	[sflag:s0] =	ssyncset.done @!p0 $0x0;
	s18 =	rddreg [dreg:$0x9]  }
0x2e: {  	[sflag:s0] =	ssyncadd.s32 @!p0 $0xFFFFC000;
	s0 =	sadd.s32 s1, s18;
	s1 =	sor.u32 s20, s29  }
0x2f: {  	[tilespmem:s21], [sflag:$0x3] =	stream.linear.gather [hbm4b:s0+s6], $0x4000, $0x38;
	[tilespmem:$0x18000] =	vst v63  }
0x30: {  	v0 =	vld [tilespmem:s1+$0x10000]  }
0x31: {  	v1 =	vld [tilespmem:s1+$0x10080];
	_ =	sdelay $0x3  }
0x32: {  	s0 =	sor.u32 $0x80, s1;
	[tilespmem:s1+$0x0] =	vst.add.f32.msk $0xffff, v0  }
0x33: {  	[tilespmem:s0+$0x0] =	vst.add.f32.msk $0xffff, v1  }
0x34: {  	v0 =	vld [tilespmem:s1+$0x10100];
	_ =	sdelay $0x3  }
0x35: {  	s30 =	sor.u32 $0x100, s1  }
0x36: {  	[tilespmem:s30+$0x0] =	vst.add.f32.msk $0xffff, v0  }
0x37: {  	v0 =	vld [tilespmem:s1+$0x10180];
	_ =	sdelay $0x3  }
0x38: {  	s8 =	sor.u32 $0x180, s1  }
0x39: {  	[tilespmem:s8+$0x0] =	vst.add.f32.msk $0xffff, v0  }
0x3a: {  	v0 =	vld [tilespmem:s1+$0x10200];
	_ =	sdelay $0x3  }
0x3b: {  	s9 =	sor.u32 $0x200, s1  }
0x3c: {  	[tilespmem:s9+$0x0] =	vst.add.f32.msk $0xffff, v0  }
0x3d: {  	v0 =	vld [tilespmem:s1+$0x10280]  }
0x3e: {  	s14 =	simm.s32 $0x80;
	s8 =	simm.s32 $0x10  }
0x3f: {  	s10 =	sand.u32 $0x70, s8;
	s9 =	sand.u32 $0x1C00, s14  }
0x40: {  	s0 =	sor.u32 s10, s9  }
0x41: {  	s11 =	sor.u32 $0x280, s1;
	v1 =	vld [tilespmem:s0+$0x10000]  }
0x42: {  	[tilespmem:s11+$0x0] =	vst.add.f32.msk $0xffff, v0  }
0x43: {  	v0 =	vld [tilespmem:s1+$0x10300];
	_ =	sdelay $0x1  }
0x44: {  	v2 =	vld [tilespmem:s0+$0x10080];
	_ =	sdelay $0x1  }
0x45: {  	s15 =	sor.u32 $0x300, s1;
	s10 =	sor.u32 s7, s6;
	[tilespmem:s0+$0x0] =	vst.add.f32.msk $0xffff, v1  }
0x46: {  	s6 =	sor.u32 $0x380, s10;
	[tilespmem:s15+$0x0] =	vst.add.f32.msk $0xffff, v0  }
0x47: {  	s17 =	sor.u32 $0x80, s0;
	v0 =	vld [tilespmem:s6+$0x10000]  }
0x48: {  	[tilespmem:s17+$0x0] =	vst.add.f32.msk $0xffff, v2  }
0x49: {  	v1 =	vld [tilespmem:s0+$0x10100];
	_ =	sdelay $0x2  }
0x4a: {  	[tilespmem:s6+$0x0] =	vst.add.f32.msk $0xffff, v0  }
0x4b: {  	s18 =	sor.u32 $0x100, s0;
	v0 =	vld [tilespmem:s1+$0x12000]  }
0x4c: {  	[tilespmem:s18+$0x0] =	vst.add.f32.msk $0xffff, v1  }
0x4d: {  	v1 =	vld [tilespmem:s0+$0x10180];
	_ =	sdelay $0x1  }
0x4e: {  	s20 =	sor.u32 $0x2000, s1  }
0x4f: {  	[tilespmem:s20+$0x0] =	vst.add.f32.msk $0xffff, v0  }
0x50: {  	s29 =	sor.u32 $0x180, s0;
	v0 =	vld [tilespmem:s1+$0x12080]  }
0x51: {  	[tilespmem:s29+$0x0] =	vst.add.f32.msk $0xffff, v1  }
0x52: {  	v1 =	vld [tilespmem:s0+$0x10200];
	_ =	sdelay $0x1  }
0x53: {  	s30 =	sor.u32 $0x2080, s1  }
0x54: {  	[tilespmem:s30+$0x0] =	vst.add.f32.msk $0xffff, v0  }
0x55: {  	s7 =	sor.u32 $0x200, s0;
	v0 =	vld [tilespmem:s1+$0x12100]  }
0x56: {  	s9 =	simm.s32 $0x20;
	s6 =	simm.s32 $0x100;
	[tilespmem:s7+$0x0] =	vst.add.f32.msk $0xffff, v1  }
0x57: {  	s11 =	sand.u32 $0x70, s9;
	s15 =	sand.u32 $0x1C00, s6;
	v1 =	vld [tilespmem:s0+$0x10280]  }
0x58: {  	s7 =	sor.u32 s11, s15  }
0x59: {  	s17 =	sor.u32 $0x2100, s1;
	v2 =	vld [tilespmem:s7+$0x10000]  }
0x5a: {  	[tilespmem:s17+$0x0] =	vst.add.f32.msk $0xffff, v0  }
0x5b: {  	s18 =	sor.u32 $0x280, s0;
	v0 =	vld [tilespmem:s1+$0x12180]  }
0x5c: {  	[tilespmem:s18+$0x0] =	vst.add.f32.msk $0xffff, v1  }
0x5d: {  	v1 =	vld [tilespmem:s0+$0x10300]  }
0x5e: {  	v3 =	vld [tilespmem:s7+$0x10080]  }
0x5f: {  	s20 =	sor.u32 $0x2180, s1;
	[tilespmem:s7+$0x0] =	vst.add.f32.msk $0xffff, v2  }
0x60: {  	[tilespmem:s20+$0x0] =	vst.add.f32.msk $0xffff, v0  }
0x61: {  	s8 =	sor.u32 s8, s14;
	s29 =	sor.u32 $0x300, s0;
	v0 =	vld [tilespmem:s1+$0x12200]  }
0x62: {  	s14 =	sor.u32 $0x380, s8;
	[tilespmem:s29+$0x0] =	vst.add.f32.msk $0xffff, v1  }
0x63: {  	s30 =	sor.u32 $0x80, s7;
	v1 =	vld [tilespmem:s14+$0x10000]  }
0x64: {  	[tilespmem:s30+$0x0] =	vst.add.f32.msk $0xffff, v3  }
0x65: {  	s11 =	sor.u32 $0x2200, s1;
	v2 =	vld [tilespmem:s7+$0x10100]  }
0x66: {  	[tilespmem:s11+$0x0] =	vst.add.f32.msk $0xffff, v0  }
0x67: {  	v0 =	vld [tilespmem:s1+$0x12280]  }
0x68: {  	[tilespmem:s14+$0x0] =	vst.add.f32.msk $0xffff, v1  }
0x69: {  	s17 =	sor.u32 $0x100, s7;
	v1 =	vld [tilespmem:s0+$0x12000]  }
0x6a: {  	[tilespmem:s17+$0x0] =	vst.add.f32.msk $0xffff, v2  }
0x6b: {  	s18 =	sor.u32 $0x2280, s1;
	v2 =	vld [tilespmem:s7+$0x10180]  }
0x6c: {  	[tilespmem:s18+$0x0] =	vst.add.f32.msk $0xffff, v0  }
0x6d: {  	s20 =	sor.u32 $0x2000, s0;
	v0 =	vld [tilespmem:s1+$0x12300]  }
0x6e: {  	[tilespmem:s20+$0x0] =	vst.add.f32.msk $0xffff, v1  }
0x6f: {  	s29 =	sor.u32 $0x180, s7;
	v1 =	vld [tilespmem:s0+$0x12080]  }
0x70: {  	[tilespmem:s29+$0x0] =	vst.add.f32.msk $0xffff, v2  }
0x71: {  	v2 =	vld [tilespmem:s7+$0x10200];
	s1 =	sor.u32 $0x2300, s1  }
0x72: {  	s14 =	sor.u32 $0x2380, s10;
	[tilespmem:s1+$0x0] =	vst.add.f32.msk $0xffff, v0  }
0x73: {  	s30 =	sor.u32 $0x2080, s0;
	v0 =	vld [tilespmem:s14+$0x10000]  }
0x74: {  	s15 =	sshll.u32 s3, $0x1;
	[tilespmem:s30+$0x0] =	vst.add.f32.msk $0xffff, v1  }
0x75: {  	s17 =	sor.u32 $0x200, s7;
	s10 =	simm.s32 $0x100;
	v1 =	vld [tilespmem:s0+$0x12100];
	s1 =	simm.s32 $0x20  }
.LBB2_3:
0x76: {  	s9 =	sadd.s32 $0x10, s9;
	[tilespmem:s17+$0x0] =	vst.add.f32.msk $0xffff, v2;
	s6 =	sadd.s32 $0x80, s6  }
0x77: {  	s17 =	sand.u32 $0x70, s9;
	s18 =	sand.u32 $0x1C00, s6;
	v2 =	vld [tilespmem:s7+$0x10280]  }
0x78: {  	s17 =	sor.u32 s17, s18;
	[tilespmem:s14+$0x0] =	vst.add.f32.msk $0xffff, v0  }
0x79: {  	s14 =	sor.u32 $0x2100, s0;
	v0 =	vld [tilespmem:s17+$0x10000]  }
0x7a: {  	[tilespmem:s14+$0x0] =	vst.add.f32.msk $0xffff, v1  }
0x7b: {  	s14 =	sor.u32 $0x280, s7;
	v1 =	vld [tilespmem:s0+$0x12180]  }
0x7c: {  	p1 =	slt.u32 s9, $0x3F0;
	[tilespmem:s14+$0x0] =	vst.add.f32.msk $0xffff, v2  }
0x7d: {  	v2 =	vld [tilespmem:s7+$0x10300]  }
0x7e: {  	v3 =	vld [tilespmem:s17+$0x10080]  }
0x7f: {  	s14 =	sor.u32 $0x2180, s0;
	[tilespmem:s17+$0x0] =	vst.add.f32.msk $0xffff, v0  }
0x80: {  	[tilespmem:s14+$0x0] =	vst.add.f32.msk $0xffff, v1  }
0x81: {  	s18 =	sor.u32 s1, s10;
	s1 =	smov.u32 s9;
	s14 =	sor.u32 $0x300, s7;
	v0 =	vld [tilespmem:s0+$0x12200]  }
0x82: {  	s10 =	smov.u32 s6;
	[tilespmem:s14+$0x0] =	vst.add.f32.msk $0xffff, v2;
	s14 =	sor.u32 $0x380, s18  }
0x83: {  	s20 =	sor.u32 $0x80, s17;
	v1 =	vld [tilespmem:s14+$0x10000]  }
0x84: {  	[tilespmem:s20+$0x0] =	vst.add.f32.msk $0xffff, v3  }
0x85: {  	s20 =	sor.u32 $0x2200, s0;
	v2 =	vld [tilespmem:s17+$0x10100]  }
0x86: {  	[tilespmem:s20+$0x0] =	vst.add.f32.msk $0xffff, v0  }
0x87: {  	v0 =	vld [tilespmem:s0+$0x12280]  }
0x88: {  	[tilespmem:s14+$0x0] =	vst.add.f32.msk $0xffff, v1  }
0x89: {  	s14 =	sor.u32 $0x100, s17;
	v1 =	vld [tilespmem:s7+$0x12000]  }
0x8a: {  	[tilespmem:s14+$0x0] =	vst.add.f32.msk $0xffff, v2  }
0x8b: {  	s14 =	sor.u32 $0x2280, s0;
	v2 =	vld [tilespmem:s17+$0x10180]  }
0x8c: {  	[tilespmem:s14+$0x0] =	vst.add.f32.msk $0xffff, v0  }
0x8d: {  	s14 =	sor.u32 $0x2000, s7;
	v0 =	vld [tilespmem:s0+$0x12300]  }
0x8e: {  	[tilespmem:s14+$0x0] =	vst.add.f32.msk $0xffff, v1  }
0x8f: {  	s14 =	sor.u32 $0x180, s17;
	v1 =	vld [tilespmem:s7+$0x12080]  }
0x90: {  	[tilespmem:s14+$0x0] =	vst.add.f32.msk $0xffff, v2  }
.Ltmp2:
0x91: {  	s14 =	sor.u32 $0x2300, s0;
	s0 =	smov.u32 s7;
	v2 =	vld [tilespmem:s17+$0x10200];
	(pc) =	sbr.rel @p1 .LBB2_3-.Ltmp2, $4  }
0x92: {  	s7 =	smov.u32 s17;
	[tilespmem:s14+$0x0] =	vst.add.f32.msk $0xffff, v0;
	s14 =	sor.u32 $0x2380, s8;
	s8 =	smov.u32 s18  }
0x93: {  	s17 =	sor.u32 $0x2080, s0;
	v0 =	vld [tilespmem:s14+$0x10000]  }
0x94: {  	[tilespmem:s17+$0x0] =	vst.add.f32.msk $0xffff, v1  }
0x95: {  	s17 =	sor.u32 $0x200, s7;
	v1 =	vld [tilespmem:s0+$0x12100]  }
0x96: {  	[tilespmem:s17+$0x0] =	vst.add.f32.msk $0xffff, v2  }
0x97: {  	v2 =	vld [tilespmem:s7+$0x10280];
	_ =	sdelay $0x3  }
0x98: {  	s6 =	sor.u32 $0x280, s7  }
0x99: {  	[tilespmem:s6+$0x0] =	vst.add.f32.msk $0xffff, v2  }
0x9a: {  	v2 =	vld [tilespmem:s7+$0x10300];
	_ =	sdelay $0x3  }
0x9b: {  	s9 =	sor.u32 $0x300, s7;
	s1 =	sor.u32 s1, s10  }
0x9c: {  	s11 =	sor.u32 $0x380, s1;
	[tilespmem:s9+$0x0] =	vst.add.f32.msk $0xffff, v2  }
0x9d: {  	v2 =	vld [tilespmem:s11+$0x10000];
	_ =	sdelay $0x4  }
0x9e: {  	[tilespmem:s11+$0x0] =	vst.add.f32.msk $0xffff, v2  }
0x9f: {  	v2 =	vld [tilespmem:s7+$0x12000];
	_ =	sdelay $0x3  }
0xa0: {  	s17 =	sor.u32 $0x2000, s7  }
0xa1: {  	[tilespmem:s17+$0x0] =	vst.add.f32.msk $0xffff, v2  }
0xa2: {  	v2 =	vld [tilespmem:s7+$0x12080];
	_ =	sdelay $0x3  }
0xa3: {  	s18 =	sor.u32 $0x2080, s7  }
0xa4: {  	[tilespmem:s18+$0x0] =	vst.add.f32.msk $0xffff, v2  }
0xa5: {  	v2 =	vld [tilespmem:s7+$0x12100];
	_ =	sdelay $0x1  }
0xa6: {  	s20 =	sor.u32 $0x2100, s0  }
0xa7: {  	[tilespmem:s20+$0x0] =	vst.add.f32.msk $0xffff, v1  }
0xa8: {  	s29 =	sor.u32 $0x2100, s7;
	v1 =	vld [tilespmem:s0+$0x12180]  }
0xa9: {  	[tilespmem:s29+$0x0] =	vst.add.f32.msk $0xffff, v2  }
0xaa: {  	v2 =	vld [tilespmem:s7+$0x12180];
	_ =	sdelay $0x1  }
0xab: {  	s30 =	sor.u32 $0x2180, s0  }
0xac: {  	[tilespmem:s30+$0x0] =	vst.add.f32.msk $0xffff, v1  }
0xad: {  	v1 =	vld [tilespmem:s0+$0x12200];
	s9 =	sor.u32 $0x2180, s7  }
0xae: {  	[tilespmem:s9+$0x0] =	vst.add.f32.msk $0xffff, v2  }
0xaf: {  	v2 =	vld [tilespmem:s7+$0x12200];
	_ =	sdelay $0x1  }
0xb0: {  	s10 =	sor.u32 $0x2200, s0  }
0xb1: {  	[tilespmem:s10+$0x0] =	vst.add.f32.msk $0xffff, v1  }
0xb2: {  	v1 =	vld [tilespmem:s0+$0x12280];
	s11 =	sor.u32 $0x2200, s7  }
0xb3: {  	[tilespmem:s11+$0x0] =	vst.add.f32.msk $0xffff, v2  }
0xb4: {  	v2 =	vld [tilespmem:s7+$0x12280];
	_ =	sdelay $0x1  }
0xb5: {  	s17 =	sor.u32 $0x2280, s0  }
0xb6: {  	[tilespmem:s17+$0x0] =	vst.add.f32.msk $0xffff, v1  }
0xb7: {  	v1 =	vld [tilespmem:s0+$0x12300];
	s18 =	sor.u32 $0x2280, s7  }
0xb8: {  	[tilespmem:s18+$0x0] =	vst.add.f32.msk $0xffff, v2  }
0xb9: {  	v2 =	vld [tilespmem:s7+$0x12300];
	_ =	sdelay $0x1  }
0xba: {  	s20 =	sor.u32 $0x2300, s0  }
0xbb: {  	[tilespmem:s20+$0x0] =	vst.add.f32.msk $0xffff, v1;
	s29 =	sor.u32 $0x2380, s8  }
0xbc: {  	s30 =	sor.u32 $0x2300, s7;
	v1 =	vld [tilespmem:s29+$0x10000]  }
0xbd: {  	s1 =	sor.u32 $0x2380, s1;
	[tilespmem:s30+$0x0] =	vst.add.f32.msk $0xffff, v2  }
0xbe: {  	v2 =	vld [tilespmem:s1+$0x10000];
	_ =	sdelay $0x2  }
0xbf: {  	[tilespmem:s14+$0x0] =	vst.add.f32.msk $0xffff, v0  }
0xc0: {  	s17 =	sadd.s32 s5, s16;
	[tilespmem:s29+$0x0] =	vst.add.f32.msk $0xffff, v1  }
0xc1: {  	s6 =	sadd.s32 s2, s17;
	[tilespmem:s1+$0x0] =	vst.add.f32.msk $0xffff, v2  }
0xc2: {  	[hbm4b:s6+s4] =	stream.linear.scatter [tilespmem:s4], [sflag:$0x7], $0x4000, $0x38;
	[tilespmem:$0x18000] =	vst v63  }
0xc3: {  	_ =	swait.ge [sflag:s22], $0x4000  }
0xc4: {  	[sflag:s22] =	ssyncset.done $0x0  }
0xc5: {  	s1 =	simm.s32 @!p0 $0xA;
	[sflag:s22] =	ssyncadd.s32 $0xFFFFC000  }
0xc6: {  	_ =	swait.ge @!p0 [sflag:s1], $0x4000  }
0xc7: {  	s0 =	sor.u32 $0x300000, s17;
	[sflag:s1] =	ssyncset.done @!p0 $0x0  }
0xc8: {  	s7 =	sadd.s32 s31, s0;
	s6 =	simm.s32 $0x0;
	[sflag:s1] =	ssyncadd.s32 @!p0 $0xFFFFC000  }
0xc9: {  	[tilespmem:s23], [sflag:$0x4] =	stream.linear.gather [hbm4b:s7+s6], $0x4000, $0x38;
	[tilespmem:$0x18000] =	vst v63  }
0xca: {  	s7 =	simm.s32 $0x0  }
0xcb: {  	s9 =	sand.u32 $0x1C00, s6;
	s8 =	sand.u32 $0x70, s7  }
0xcc: {  	s1 =	sor.u32 s8, s9  }
0xcd: {  	v0 =	vld [tilespmem:s1+$0x10000];
	_ =	sdelay $0x3  }
0xce: {  	s8 =	sor.u32 $0x4000, s1  }
0xcf: {  	[tilespmem:s8+$0x0] =	vst.add.f32.msk $0xffff, v0  }
0xd0: {  	v0 =	vld [tilespmem:s1+$0x10080];
	_ =	sdelay $0x3  }
0xd1: {  	s10 =	sor.u32 $0x4080, s1  }
0xd2: {  	[tilespmem:s10+$0x0] =	vst.add.f32.msk $0xffff, v0  }
0xd3: {  	v0 =	vld [tilespmem:s1+$0x10100];
	_ =	sdelay $0x3  }
0xd4: {  	s14 =	sor.u32 $0x4100, s1  }
0xd5: {  	[tilespmem:s14+$0x0] =	vst.add.f32.msk $0xffff, v0  }
0xd6: {  	v0 =	vld [tilespmem:s1+$0x10180];
	_ =	sdelay $0x3  }
0xd7: {  	s18 =	sor.u32 $0x4180, s1  }
0xd8: {  	[tilespmem:s18+$0x0] =	vst.add.f32.msk $0xffff, v0  }
0xd9: {  	v0 =	vld [tilespmem:s1+$0x10200];
	_ =	sdelay $0x3  }
0xda: {  	s20 =	sor.u32 $0x4200, s1  }
0xdb: {  	s18 =	simm.s32 $0x10;
	[tilespmem:s20+$0x0] =	vst.add.f32.msk $0xffff, v0;
	s20 =	simm.s32 $0x80  }
0xdc: {  	s29 =	sand.u32 $0x70, s18;
	s9 =	sand.u32 $0x1C00, s20;
	v0 =	vld [tilespmem:s1+$0x10280]  }
0xdd: {  	s8 =	sor.u32 s29, s9  }
0xde: {  	v1 =	vld [tilespmem:s8+$0x10000];
	_ =	sdelay $0x1  }
0xdf: {  	s30 =	sor.u32 $0x4280, s1  }
0xe0: {  	[tilespmem:s30+$0x0] =	vst.add.f32.msk $0xffff, v0  }
0xe1: {  	s11 =	smov.u32 s2;
	s2 =	sor.u32 $0x4000, s8;
	v0 =	vld [tilespmem:s1+$0x10300]  }
0xe2: {  	[tilespmem:s2+$0x0] =	vst.add.f32.msk $0xffff, v1  }
0xe3: {  	v1 =	vld [tilespmem:s8+$0x10080];
	_ =	sdelay $0x1  }
0xe4: {  	s6 =	sor.u32 s7, s6;
	s10 =	sor.u32 $0x4300, s1  }
0xe5: {  	s7 =	sor.u32 $0x380, s6;
	[tilespmem:s10+$0x0] =	vst.add.f32.msk $0xffff, v0  }
0xe6: {  	s14 =	sor.u32 $0x4080, s8;
	v0 =	vld [tilespmem:s7+$0x10000]  }
0xe7: {  	[tilespmem:s14+$0x0] =	vst.add.f32.msk $0xffff, v1  }
0xe8: {  	v1 =	vld [tilespmem:s8+$0x10100];
	_ =	sdelay $0x2  }
0xe9: {  	[tilespmem:s7+$0x4000] =	vst.add.f32.msk $0xffff, v0  }
0xea: {  	s29 =	sor.u32 $0x4100, s8;
	v0 =	vld [tilespmem:s1+$0x12000]  }
0xeb: {  	[tilespmem:s29+$0x0] =	vst.add.f32.msk $0xffff, v1  }
0xec: {  	v1 =	vld [tilespmem:s8+$0x10180];
	_ =	sdelay $0x1  }
0xed: {  	s30 =	sor.u32 $0x6000, s1  }
0xee: {  	[tilespmem:s30+$0x0] =	vst.add.f32.msk $0xffff, v0  }
0xef: {  	s2 =	sor.u32 $0x4180, s8;
	v0 =	vld [tilespmem:s1+$0x12080]  }
0xf0: {  	[tilespmem:s2+$0x0] =	vst.add.f32.msk $0xffff, v1  }
0xf1: {  	v1 =	vld [tilespmem:s8+$0x10200];
	_ =	sdelay $0x1  }
0xf2: {  	s9 =	sor.u32 $0x6080, s1  }
0xf3: {  	[tilespmem:s9+$0x0] =	vst.add.f32.msk $0xffff, v0  }
0xf4: {  	s10 =	sor.u32 $0x4200, s8;
	v0 =	vld [tilespmem:s1+$0x12100]  }
0xf5: {  	s9 =	simm.s32 $0x20;
	[tilespmem:s10+$0x0] =	vst.add.f32.msk $0xffff, v1;
	s10 =	simm.s32 $0x100  }
0xf6: {  	s14 =	sand.u32 $0x70, s9;
	s29 =	sand.u32 $0x1C00, s10;
	v1 =	vld [tilespmem:s8+$0x10280]  }
0xf7: {  	s14 =	sor.u32 s14, s29  }
0xf8: {  	s30 =	sor.u32 $0x6100, s1;
	v2 =	vld [tilespmem:s14+$0x10000]  }
0xf9: {  	[tilespmem:s30+$0x0] =	vst.add.f32.msk $0xffff, v0  }
0xfa: {  	s2 =	sor.u32 $0x4280, s8;
	v0 =	vld [tilespmem:s1+$0x12180]  }
0xfb: {  	[tilespmem:s2+$0x0] =	vst.add.f32.msk $0xffff, v1  }
0xfc: {  	s29 =	sor.u32 $0x4000, s14;
	v1 =	vld [tilespmem:s8+$0x10300]  }
0xfd: {  	[tilespmem:s29+$0x0] =	vst.add.f32.msk $0xffff, v2  }
0xfe: {  	s30 =	sor.u32 $0x6180, s1;
	v2 =	vld [tilespmem:s14+$0x10080]  }
0xff: {  	[tilespmem:s30+$0x0] =	vst.add.f32.msk $0xffff, v0  }
0x100: {  	s7 =	sor.u32 s18, s20;
	s29 =	sor.u32 $0x4300, s8;
	v0 =	vld [tilespmem:s1+$0x12200]  }
0x101: {  	s18 =	sor.u32 $0x380, s7;
	[tilespmem:s29+$0x0] =	vst.add.f32.msk $0xffff, v1  }
0x102: {  	s2 =	sor.u32 $0x4080, s14;
	v1 =	vld [tilespmem:s18+$0x10000]  }
0x103: {  	[tilespmem:s2+$0x0] =	vst.add.f32.msk $0xffff, v2  }
0x104: {  	s29 =	sor.u32 $0x6200, s1;
	v2 =	vld [tilespmem:s14+$0x10100]  }
0x105: {  	[tilespmem:s29+$0x0] =	vst.add.f32.msk $0xffff, v0  }
0x106: {  	v0 =	vld [tilespmem:s1+$0x12280]  }
0x107: {  	[tilespmem:s18+$0x4000] =	vst.add.f32.msk $0xffff, v1  }
0x108: {  	s30 =	sor.u32 $0x4100, s14;
	v1 =	vld [tilespmem:s8+$0x12000]  }
0x109: {  	[tilespmem:s30+$0x0] =	vst.add.f32.msk $0xffff, v2  }
0x10a: {  	s2 =	sor.u32 $0x6280, s1;
	v2 =	vld [tilespmem:s14+$0x10180]  }
0x10b: {  	[tilespmem:s2+$0x0] =	vst.add.f32.msk $0xffff, v0  }
0x10c: {  	s20 =	sor.u32 $0x6000, s8;
	v0 =	vld [tilespmem:s1+$0x12300]  }
0x10d: {  	[tilespmem:s20+$0x0] =	vst.add.f32.msk $0xffff, v1  }
0x10e: {  	s29 =	sor.u32 $0x4180, s14;
	v1 =	vld [tilespmem:s8+$0x12080]  }
0x10f: {  	[tilespmem:s29+$0x0] =	vst.add.f32.msk $0xffff, v2  }
0x110: {  	s1 =	sor.u32 $0x6300, s1;
	v2 =	vld [tilespmem:s14+$0x10200]  }
0x111: {  	s20 =	sor.u32 $0x2380, s6;
	[tilespmem:s1+$0x0] =	vst.add.f32.msk $0xffff, v0  }
0x112: {  	s30 =	sor.u32 $0x6080, s8;
	v0 =	vld [tilespmem:s20+$0x10000]  }
0x113: {  	[tilespmem:s30+$0x0] =	vst.add.f32.msk $0xffff, v1  }
0x114: {  	s18 =	sor.u32 $0x4200, s14;
	s6 =	simm.s32 $0x20;
	s1 =	simm.s32 $0x100;
	v1 =	vld [tilespmem:s8+$0x12100]  }
.LBB2_5:
0x115: {  	s9 =	sadd.s32 $0x10, s9;
	[tilespmem:s18+$0x0] =	vst.add.f32.msk $0xffff, v2;
	s10 =	sadd.s32 $0x80, s10  }
0x116: {  	s18 =	sand.u32 $0x70, s9;
	s29 =	sand.u32 $0x1C00, s10;
	p0 =	slt.u32 s9, $0x3F0;
	v2 =	vld [tilespmem:s14+$0x10280]  }
0x117: {  	s29 =	sor.u32 s18, s29;
	[tilespmem:s20+$0x4000] =	vst.add.f32.msk $0xffff, v0  }
0x118: {  	s18 =	sor.u32 $0x6100, s8;
	v0 =	vld [tilespmem:s29+$0x10000]  }
0x119: {  	[tilespmem:s18+$0x0] =	vst.add.f32.msk $0xffff, v1  }
0x11a: {  	s18 =	sor.u32 $0x4280, s14;
	v1 =	vld [tilespmem:s8+$0x12180]  }
0x11b: {  	[tilespmem:s18+$0x0] =	vst.add.f32.msk $0xffff, v2  }
0x11c: {  	s18 =	sor.u32 $0x4000, s29;
	v2 =	vld [tilespmem:s14+$0x10300]  }
0x11d: {  	[tilespmem:s18+$0x0] =	vst.add.f32.msk $0xffff, v0  }
0x11e: {  	s18 =	sor.u32 $0x6180, s8;
	v0 =	vld [tilespmem:s29+$0x10080]  }
0x11f: {  	[tilespmem:s18+$0x0] =	vst.add.f32.msk $0xffff, v1  }
0x120: {  	s30 =	sor.u32 s6, s1;
	s6 =	smov.u32 s9;
	s18 =	sor.u32 $0x4300, s14;
	v1 =	vld [tilespmem:s8+$0x12200]  }
0x121: {  	s1 =	smov.u32 s10;
	[tilespmem:s18+$0x0] =	vst.add.f32.msk $0xffff, v2;
	s18 =	sor.u32 $0x380, s30  }
0x122: {  	s20 =	sor.u32 $0x4080, s29;
	v2 =	vld [tilespmem:s18+$0x10000]  }
0x123: {  	[tilespmem:s20+$0x0] =	vst.add.f32.msk $0xffff, v0  }
0x124: {  	s20 =	sor.u32 $0x6200, s8;
	v0 =	vld [tilespmem:s29+$0x10100]  }
0x125: {  	[tilespmem:s20+$0x0] =	vst.add.f32.msk $0xffff, v1  }
0x126: {  	v1 =	vld [tilespmem:s8+$0x12280]  }
0x127: {  	[tilespmem:s18+$0x4000] =	vst.add.f32.msk $0xffff, v2  }
0x128: {  	s18 =	sor.u32 $0x4100, s29;
	v2 =	vld [tilespmem:s14+$0x12000]  }
0x129: {  	[tilespmem:s18+$0x0] =	vst.add.f32.msk $0xffff, v0  }
0x12a: {  	s18 =	sor.u32 $0x6280, s8;
	v0 =	vld [tilespmem:s29+$0x10180]  }
0x12b: {  	[tilespmem:s18+$0x0] =	vst.add.f32.msk $0xffff, v1  }
0x12c: {  	s18 =	sor.u32 $0x6000, s14;
	v1 =	vld [tilespmem:s8+$0x12300]  }
0x12d: {  	[tilespmem:s18+$0x0] =	vst.add.f32.msk $0xffff, v2  }
0x12e: {  	s18 =	sor.u32 $0x4180, s29;
	v3 =	vld [tilespmem:s14+$0x12080]  }
0x12f: {  	[tilespmem:s18+$0x0] =	vst.add.f32.msk $0xffff, v0  }
.Ltmp3:
0x130: {  	s18 =	sor.u32 $0x6300, s8;
	s8 =	smov.u32 s14;
	v2 =	vld [tilespmem:s29+$0x10200];
	(pc) =	sbr.rel @p0 .LBB2_5-.Ltmp3, $4  }
0x131: {  	s20 =	sor.u32 $0x2380, s7;
	s7 =	smov.u32 s30;
	s14 =	smov.u32 s29;
	[tilespmem:s18+$0x0] =	vst.add.f32.msk $0xffff, v1  }
0x132: {  	s18 =	sor.u32 $0x6080, s8;
	v0 =	vld [tilespmem:s20+$0x10000]  }
0x133: {  	[tilespmem:s18+$0x0] =	vst.add.f32.msk $0xffff, v3  }
0x134: {  	s18 =	sor.u32 $0x4200, s14;
	v1 =	vld [tilespmem:s8+$0x12100]  }
0x135: {  	[tilespmem:s18+$0x0] =	vst.add.f32.msk $0xffff, v2  }
0x136: {  	v2 =	vld [tilespmem:s14+$0x10280];
	_ =	sdelay $0x3  }
0x137: {  	s9 =	sor.u32 $0x4280, s14  }
0x138: {  	[tilespmem:s9+$0x0] =	vst.add.f32.msk $0xffff, v2  }
0x139: {  	v2 =	vld [tilespmem:s14+$0x10300];
	_ =	sdelay $0x3  }
0x13a: {  	s2 =	sor.u32 $0x4300, s14;
	s1 =	sor.u32 s6, s1  }
0x13b: {  	s6 =	sor.u32 $0x380, s1;
	[tilespmem:s2+$0x0] =	vst.add.f32.msk $0xffff, v2  }
0x13c: {  	v2 =	vld [tilespmem:s6+$0x10000];
	_ =	sdelay $0x4  }
0x13d: {  	[tilespmem:s6+$0x4000] =	vst.add.f32.msk $0xffff, v2  }
0x13e: {  	v2 =	vld [tilespmem:s14+$0x12000];
	_ =	sdelay $0x3  }
0x13f: {  	s9 =	sor.u32 $0x6000, s14  }
0x140: {  	[tilespmem:s9+$0x0] =	vst.add.f32.msk $0xffff, v2  }
0x141: {  	v2 =	vld [tilespmem:s14+$0x12080];
	_ =	sdelay $0x3  }
0x142: {  	s10 =	sor.u32 $0x6080, s14  }
0x143: {  	[tilespmem:s10+$0x0] =	vst.add.f32.msk $0xffff, v2  }
0x144: {  	v2 =	vld [tilespmem:s14+$0x12100];
	_ =	sdelay $0x1  }
0x145: {  	s18 =	sor.u32 $0x6100, s8  }
0x146: {  	[tilespmem:s18+$0x0] =	vst.add.f32.msk $0xffff, v1  }
0x147: {  	s30 =	sor.u32 $0x6100, s14;
	v1 =	vld [tilespmem:s8+$0x12180]  }
0x148: {  	[tilespmem:s30+$0x0] =	vst.add.f32.msk $0xffff, v2  }
0x149: {  	v2 =	vld [tilespmem:s14+$0x12180];
	_ =	sdelay $0x1  }
0x14a: {  	s2 =	sor.u32 $0x6180, s8  }
0x14b: {  	[tilespmem:s2+$0x0] =	vst.add.f32.msk $0xffff, v1  }
0x14c: {  	v1 =	vld [tilespmem:s8+$0x12200];
	s9 =	sor.u32 $0x6180, s14  }
0x14d: {  	[tilespmem:s9+$0x0] =	vst.add.f32.msk $0xffff, v2  }
0x14e: {  	v2 =	vld [tilespmem:s14+$0x12200];
	_ =	sdelay $0x1  }
0x14f: {  	s10 =	sor.u32 $0x6200, s8  }
0x150: {  	[tilespmem:s10+$0x0] =	vst.add.f32.msk $0xffff, v1  }
0x151: {  	s18 =	sor.u32 $0x6200, s14;
	v1 =	vld [tilespmem:s8+$0x12280]  }
0x152: {  	[tilespmem:s18+$0x0] =	vst.add.f32.msk $0xffff, v2  }
0x153: {  	v2 =	vld [tilespmem:s14+$0x12280];
	_ =	sdelay $0x1  }
0x154: {  	s30 =	sor.u32 $0x6280, s8  }
0x155: {  	[tilespmem:s30+$0x0] =	vst.add.f32.msk $0xffff, v1  }
0x156: {  	s2 =	sor.u32 $0x6280, s14;
	v1 =	vld [tilespmem:s8+$0x12300]  }
0x157: {  	[tilespmem:s2+$0x0] =	vst.add.f32.msk $0xffff, v2  }
0x158: {  	v2 =	vld [tilespmem:s14+$0x12300];
	_ =	sdelay $0x1  }
0x159: {  	s8 =	sor.u32 $0x6300, s8  }
0x15a: {  	s9 =	sor.u32 $0x2380, s7;
	[tilespmem:s8+$0x0] =	vst.add.f32.msk $0xffff, v1  }
0x15b: {  	s10 =	sor.u32 $0x6300, s14;
	v1 =	vld [tilespmem:s9+$0x10000]  }
0x15c: {  	s1 =	sor.u32 $0x2380, s1;
	[tilespmem:s10+$0x0] =	vst.add.f32.msk $0xffff, v2  }
0x15d: {  	v2 =	vld [tilespmem:s1+$0x10000];
	_ =	sdelay $0x2  }
0x15e: {  	[tilespmem:s20+$0x4000] =	vst.add.f32.msk $0xffff, v0  }
0x15f: {  	[tilespmem:s9+$0x4000] =	vst.add.f32.msk $0xffff, v1  }
0x160: {  	s6 =	simm.s32 $0x0;
	s2 =	simm.s32 $0x4000;
	s14 =	sadd.s32 s17, s12;
	[tilespmem:s1+$0x4000] =	vst.add.f32.msk $0xffff, v2  }
0x161: {  	[hbm4b:s14+s6] =	stream.linear.scatter [tilespmem:s2], [sflag:$0x8], $0x4000, $0x38;
	[tilespmem:$0x18000] =	vst v63  }
0x162: {  	_ =	swait.ge [sflag:s24], $0x4000  }
0x163: {  	[sflag:s24] =	ssyncset.done $0x0  }
0x164: {  	[sflag:s24] =	ssyncadd.s32 $0xFFFFC000  }
0x165: {  	s30 =	sand.u32 $0x1C00, s6;
	s18 =	sadd.s32 s16, s5;
	_ =	swait.ge [sflag:s25], $0x4000  }
0x166: {  	s7 =	simm.s32 $0x0;
	s8 =	sadd.s32 $0x800, s18;
	[sflag:s25] =	ssyncset.done $0x0  }
0x167: {  	s20 =	sand.u32 $0x70, s7;
	s1 =	sadd.s32 s31, s8;
	[sflag:s25] =	ssyncadd.s32 $0xFFFFC000  }
0x168: {  	[tilespmem:s6], [sflag:$0x1] =	stream.linear.gather [hbm4b:s1+s6], $0x4000, $0x38;
	[tilespmem:$0x18000] =	vst v63  }
0x169: {  	s1 =	sor.u32 s20, s30  }
0x16a: {  	v0 =	vld [tilespmem:s1+$0x10000];
	_ =	sdelay $0x3  }
0x16b: {  	s9 =	sor.u32 $0x8000, s1  }
0x16c: {  	[tilespmem:s9+$0x0] =	vst.add.f32.msk $0xffff, v0  }
0x16d: {  	v0 =	vld [tilespmem:s1+$0x10080];
	_ =	sdelay $0x3  }
0x16e: {  	s2 =	smov.u32 s31;
	s31 =	sor.u32 $0x8080, s1  }
0x16f: {  	[tilespmem:s31+$0x0] =	vst.add.f32.msk $0xffff, v0  }
0x170: {  	v0 =	vld [tilespmem:s1+$0x10100];
	_ =	sdelay $0x3  }
0x171: {  	s10 =	sor.u32 $0x8100, s1  }
0x172: {  	[tilespmem:s10+$0x0] =	vst.add.f32.msk $0xffff, v0  }
0x173: {  	v0 =	vld [tilespmem:s1+$0x10180];
	_ =	sdelay $0x3  }
0x174: {  	s14 =	sor.u32 $0x8180, s1  }
0x175: {  	[tilespmem:s14+$0x0] =	vst.add.f32.msk $0xffff, v0  }
0x176: {  	v0 =	vld [tilespmem:s1+$0x10200];
	_ =	sdelay $0x3  }
0x177: {  	s18 =	sor.u32 $0x8200, s1  }
0x178: {  	s20 =	simm.s32 $0x10;
	s9 =	simm.s32 $0x80;
	[tilespmem:s18+$0x0] =	vst.add.f32.msk $0xffff, v0  }
0x179: {  	s30 =	sand.u32 $0x1C00, s9;
	s10 =	sand.u32 $0x70, s20;
	v0 =	vld [tilespmem:s1+$0x10280]  }
0x17a: {  	s14 =	sor.u32 s10, s30  }
0x17b: {  	v1 =	vld [tilespmem:s14+$0x10000];
	_ =	sdelay $0x1  }
0x17c: {  	s31 =	sor.u32 $0x8280, s1  }
0x17d: {  	[tilespmem:s31+$0x0] =	vst.add.f32.msk $0xffff, v0  }
0x17e: {  	s18 =	sor.u32 $0x8000, s14;
	v0 =	vld [tilespmem:s1+$0x10300]  }
0x17f: {  	[tilespmem:s18+$0x0] =	vst.add.f32.msk $0xffff, v1  }
0x180: {  	v1 =	vld [tilespmem:s14+$0x10080];
	_ =	sdelay $0x1  }
0x181: {  	s30 =	sor.u32 $0x8300, s1;
	s18 =	sor.u32 s7, s6  }
0x182: {  	s6 =	sor.u32 $0x380, s18;
	[tilespmem:s30+$0x0] =	vst.add.f32.msk $0xffff, v0  }
0x183: {  	s31 =	sor.u32 $0x8080, s14;
	v0 =	vld [tilespmem:s6+$0x10000]  }
0x184: {  	[tilespmem:s31+$0x0] =	vst.add.f32.msk $0xffff, v1  }
0x185: {  	v1 =	vld [tilespmem:s14+$0x10100];
	_ =	sdelay $0x2  }
0x186: {  	[tilespmem:s6+$0x8000] =	vst.add.f32.msk $0xffff, v0  }
0x187: {  	s7 =	sor.u32 $0x8100, s14;
	v0 =	vld [tilespmem:s1+$0x12000]  }
0x188: {  	[tilespmem:s7+$0x0] =	vst.add.f32.msk $0xffff, v1  }
0x189: {  	v1 =	vld [tilespmem:s14+$0x10180];
	_ =	sdelay $0x1  }
0x18a: {  	s10 =	sor.u32 $0xA000, s1  }
0x18b: {  	[tilespmem:s10+$0x0] =	vst.add.f32.msk $0xffff, v0  }
0x18c: {  	s30 =	sor.u32 $0x8180, s14;
	v0 =	vld [tilespmem:s1+$0x12080]  }
0x18d: {  	[tilespmem:s30+$0x0] =	vst.add.f32.msk $0xffff, v1  }
0x18e: {  	v1 =	vld [tilespmem:s14+$0x10200];
	_ =	sdelay $0x1  }
0x18f: {  	s31 =	sor.u32 $0xA080, s1  }
0x190: {  	[tilespmem:s31+$0x0] =	vst.add.f32.msk $0xffff, v0  }
0x191: {  	s7 =	sor.u32 $0x8200, s14;
	v0 =	vld [tilespmem:s1+$0x12100]  }
0x192: {  	s6 =	simm.s32 $0x100;
	s10 =	simm.s32 $0x20;
	[tilespmem:s7+$0x0] =	vst.add.f32.msk $0xffff, v1  }
0x193: {  	s29 =	sand.u32 $0x1C00, s6;
	s30 =	sand.u32 $0x70, s10;
	v1 =	vld [tilespmem:s14+$0x10280]  }
0x194: {  	s7 =	sor.u32 s30, s29  }
0x195: {  	s29 =	sor.u32 $0xA100, s1;
	v2 =	vld [tilespmem:s7+$0x10000]  }
0x196: {  	[tilespmem:s29+$0x0] =	vst.add.f32.msk $0xffff, v0  }
0x197: {  	s29 =	sor.u32 $0x8280, s14;
	v0 =	vld [tilespmem:s1+$0x12180]  }
0x198: {  	[tilespmem:s29+$0x0] =	vst.add.f32.msk $0xffff, v1  }
0x199: {  	s29 =	sor.u32 $0x8000, s7;
	v1 =	vld [tilespmem:s14+$0x10300]  }
0x19a: {  	[tilespmem:s29+$0x0] =	vst.add.f32.msk $0xffff, v2  }
0x19b: {  	s29 =	sor.u32 $0xA180, s1;
	v2 =	vld [tilespmem:s7+$0x10080]  }
0x19c: {  	[tilespmem:s29+$0x0] =	vst.add.f32.msk $0xffff, v0  }
0x19d: {  	s9 =	sor.u32 s20, s9;
	s29 =	sor.u32 $0x8300, s14;
	v0 =	vld [tilespmem:s1+$0x12200]  }
0x19e: {  	s20 =	sor.u32 $0x380, s9;
	[tilespmem:s29+$0x0] =	vst.add.f32.msk $0xffff, v1  }
0x19f: {  	s29 =	sor.u32 $0x8080, s7;
	v1 =	vld [tilespmem:s20+$0x10000]  }
0x1a0: {  	[tilespmem:s29+$0x0] =	vst.add.f32.msk $0xffff, v2  }
0x1a1: {  	s29 =	sor.u32 $0xA200, s1;
	v2 =	vld [tilespmem:s7+$0x10100]  }
0x1a2: {  	[tilespmem:s29+$0x0] =	vst.add.f32.msk $0xffff, v0  }
0x1a3: {  	v0 =	vld [tilespmem:s1+$0x12280]  }
0x1a4: {  	[tilespmem:s20+$0x8000] =	vst.add.f32.msk $0xffff, v1  }
0x1a5: {  	s31 =	sor.u32 $0x8100, s7;
	v1 =	vld [tilespmem:s14+$0x12000]  }
0x1a6: {  	[tilespmem:s31+$0x0] =	vst.add.f32.msk $0xffff, v2  }
0x1a7: {  	s30 =	sor.u32 $0xA280, s1;
	v2 =	vld [tilespmem:s7+$0x10180]  }
0x1a8: {  	[tilespmem:s30+$0x0] =	vst.add.f32.msk $0xffff, v0  }
0x1a9: {  	s31 =	sor.u32 $0xA000, s14;
	v0 =	vld [tilespmem:s1+$0x12300]  }
0x1aa: {  	[tilespmem:s31+$0x0] =	vst.add.f32.msk $0xffff, v1  }
0x1ab: {  	s30 =	sor.u32 $0x8180, s7;
	v1 =	vld [tilespmem:s14+$0x12080]  }
0x1ac: {  	[tilespmem:s30+$0x0] =	vst.add.f32.msk $0xffff, v2  }
0x1ad: {  	s1 =	sor.u32 $0xA300, s1;
	v2 =	vld [tilespmem:s7+$0x10200]  }
0x1ae: {  	s29 =	sor.u32 $0x2380, s18;
	[tilespmem:s1+$0x0] =	vst.add.f32.msk $0xffff, v0  }
0x1af: {  	s31 =	sor.u32 $0xA080, s14;
	v0 =	vld [tilespmem:s29+$0x10000]  }
0x1b0: {  	[tilespmem:s31+$0x0] =	vst.add.f32.msk $0xffff, v1  }
0x1b1: {  	s18 =	sor.u32 $0x8200, s7;
	s20 =	simm.s32 $0x100;
	s1 =	simm.s32 $0x20;
	v1 =	vld [tilespmem:s14+$0x12100]  }
.LBB2_7:
0x1b2: {  	s10 =	sadd.s32 $0x10, s10;
	[tilespmem:s18+$0x0] =	vst.add.f32.msk $0xffff, v2;
	s6 =	sadd.s32 $0x80, s6  }
0x1b3: {  	s18 =	sand.u32 $0x70, s10;
	s30 =	sand.u32 $0x1C00, s6;
	p0 =	slt.u32 s10, $0x3F0;
	v2 =	vld [tilespmem:s7+$0x10280]  }
0x1b4: {  	s18 =	sor.u32 s18, s30;
	[tilespmem:s29+$0x8000] =	vst.add.f32.msk $0xffff, v0  }
0x1b5: {  	s29 =	sor.u32 $0xA100, s14;
	v0 =	vld [tilespmem:s18+$0x10000]  }
0x1b6: {  	[tilespmem:s29+$0x0] =	vst.add.f32.msk $0xffff, v1  }
0x1b7: {  	s29 =	sor.u32 $0x8280, s7;
	v1 =	vld [tilespmem:s14+$0x12180]  }
0x1b8: {  	[tilespmem:s29+$0x0] =	vst.add.f32.msk $0xffff, v2  }
0x1b9: {  	s29 =	sor.u32 $0x8000, s18;
	v2 =	vld [tilespmem:s7+$0x10300]  }
0x1ba: {  	[tilespmem:s29+$0x0] =	vst.add.f32.msk $0xffff, v0  }
0x1bb: {  	s29 =	sor.u32 $0xA180, s14;
	v0 =	vld [tilespmem:s18+$0x10080]  }
0x1bc: {  	[tilespmem:s29+$0x0] =	vst.add.f32.msk $0xffff, v1  }
0x1bd: {  	s30 =	sor.u32 s1, s20;
	s1 =	smov.u32 s10;
	s29 =	sor.u32 $0x8300, s7;
	v1 =	vld [tilespmem:s14+$0x12200]  }
0x1be: {  	s20 =	smov.u32 s6;
	[tilespmem:s29+$0x0] =	vst.add.f32.msk $0xffff, v2;
	s29 =	sor.u32 $0x380, s30  }
0x1bf: {  	s31 =	sor.u32 $0x8080, s18;
	v2 =	vld [tilespmem:s29+$0x10000]  }
0x1c0: {  	[tilespmem:s31+$0x0] =	vst.add.f32.msk $0xffff, v0  }
0x1c1: {  	s31 =	sor.u32 $0xA200, s14;
	v0 =	vld [tilespmem:s18+$0x10100]  }
0x1c2: {  	[tilespmem:s31+$0x0] =	vst.add.f32.msk $0xffff, v1  }
0x1c3: {  	v1 =	vld [tilespmem:s14+$0x12280]  }
0x1c4: {  	[tilespmem:s29+$0x8000] =	vst.add.f32.msk $0xffff, v2  }
0x1c5: {  	s29 =	sor.u32 $0x8100, s18;
	v2 =	vld [tilespmem:s7+$0x12000]  }
0x1c6: {  	[tilespmem:s29+$0x0] =	vst.add.f32.msk $0xffff, v0  }
0x1c7: {  	s29 =	sor.u32 $0xA280, s14;
	v0 =	vld [tilespmem:s18+$0x10180]  }
0x1c8: {  	[tilespmem:s29+$0x0] =	vst.add.f32.msk $0xffff, v1  }
0x1c9: {  	s29 =	sor.u32 $0xA000, s7;
	v1 =	vld [tilespmem:s14+$0x12300]  }
0x1ca: {  	[tilespmem:s29+$0x0] =	vst.add.f32.msk $0xffff, v2  }
0x1cb: {  	s29 =	sor.u32 $0x8180, s18;
	v3 =	vld [tilespmem:s7+$0x12080]  }
0x1cc: {  	[tilespmem:s29+$0x0] =	vst.add.f32.msk $0xffff, v0  }
.Ltmp4:
0x1cd: {  	s29 =	sor.u32 $0xA300, s14;
	s14 =	smov.u32 s7;
	v2 =	vld [tilespmem:s18+$0x10200];
	(pc) =	sbr.rel @p0 .LBB2_7-.Ltmp4, $4  }
0x1ce: {  	s7 =	smov.u32 s18;
	[tilespmem:s29+$0x0] =	vst.add.f32.msk $0xffff, v1;
	s29 =	sor.u32 $0x2380, s9;
	s9 =	smov.u32 s30  }
0x1cf: {  	s18 =	sor.u32 $0xA080, s14;
	v0 =	vld [tilespmem:s29+$0x10000]  }
0x1d0: {  	[tilespmem:s18+$0x0] =	vst.add.f32.msk $0xffff, v3  }
0x1d1: {  	s18 =	sor.u32 $0x8200, s7;
	v1 =	vld [tilespmem:s14+$0x12100]  }
0x1d2: {  	[tilespmem:s18+$0x0] =	vst.add.f32.msk $0xffff, v2  }
0x1d3: {  	v2 =	vld [tilespmem:s7+$0x10280];
	_ =	sdelay $0x3  }
0x1d4: {  	s6 =	sor.u32 $0x8280, s7  }
0x1d5: {  	[tilespmem:s6+$0x0] =	vst.add.f32.msk $0xffff, v2  }
0x1d6: {  	v2 =	vld [tilespmem:s7+$0x10300];
	_ =	sdelay $0x3  }
0x1d7: {  	s18 =	sor.u32 $0x8300, s7;
	s1 =	sor.u32 s1, s20  }
0x1d8: {  	s30 =	sor.u32 $0x380, s1;
	[tilespmem:s18+$0x0] =	vst.add.f32.msk $0xffff, v2  }
0x1d9: {  	v2 =	vld [tilespmem:s30+$0x10000];
	_ =	sdelay $0x4  }
0x1da: {  	[tilespmem:s30+$0x8000] =	vst.add.f32.msk $0xffff, v2  }
0x1db: {  	v2 =	vld [tilespmem:s7+$0x12000];
	_ =	sdelay $0x3  }
0x1dc: {  	s31 =	sor.u32 $0xA000, s7  }
0x1dd: {  	[tilespmem:s31+$0x0] =	vst.add.f32.msk $0xffff, v2  }
0x1de: {  	v2 =	vld [tilespmem:s7+$0x12080];
	_ =	sdelay $0x3  }
0x1df: {  	s10 =	sor.u32 $0xA080, s7  }
0x1e0: {  	[tilespmem:s10+$0x0] =	vst.add.f32.msk $0xffff, v2  }
0x1e1: {  	v2 =	vld [tilespmem:s7+$0x12100];
	_ =	sdelay $0x1  }
0x1e2: {  	s18 =	sor.u32 $0xA100, s14  }
0x1e3: {  	[tilespmem:s18+$0x0] =	vst.add.f32.msk $0xffff, v1  }
0x1e4: {  	s20 =	sor.u32 $0xA100, s7;
	v1 =	vld [tilespmem:s14+$0x12180]  }
0x1e5: {  	[tilespmem:s20+$0x0] =	vst.add.f32.msk $0xffff, v2  }
0x1e6: {  	v2 =	vld [tilespmem:s7+$0x12180];
	_ =	sdelay $0x1  }
0x1e7: {  	s30 =	sor.u32 $0xA180, s14  }
0x1e8: {  	[tilespmem:s30+$0x0] =	vst.add.f32.msk $0xffff, v1  }
0x1e9: {  	v1 =	vld [tilespmem:s14+$0x12200];
	s31 =	sor.u32 $0xA180, s7  }
0x1ea: {  	[tilespmem:s31+$0x0] =	vst.add.f32.msk $0xffff, v2  }
0x1eb: {  	v2 =	vld [tilespmem:s7+$0x12200];
	_ =	sdelay $0x1  }
0x1ec: {  	s10 =	sor.u32 $0xA200, s14  }
0x1ed: {  	[tilespmem:s10+$0x0] =	vst.add.f32.msk $0xffff, v1  }
0x1ee: {  	s18 =	sor.u32 $0xA200, s7;
	v1 =	vld [tilespmem:s14+$0x12280]  }
0x1ef: {  	[tilespmem:s18+$0x0] =	vst.add.f32.msk $0xffff, v2  }
0x1f0: {  	v2 =	vld [tilespmem:s7+$0x12280];
	_ =	sdelay $0x1  }
0x1f1: {  	s20 =	sor.u32 $0xA280, s14  }
0x1f2: {  	[tilespmem:s20+$0x0] =	vst.add.f32.msk $0xffff, v1  }
0x1f3: {  	s30 =	sor.u32 $0xA280, s7;
	v1 =	vld [tilespmem:s14+$0x12300]  }
0x1f4: {  	[tilespmem:s30+$0x0] =	vst.add.f32.msk $0xffff, v2  }
0x1f5: {  	v2 =	vld [tilespmem:s7+$0x12300];
	_ =	sdelay $0x1  }
0x1f6: {  	s31 =	sor.u32 $0xA300, s14  }
0x1f7: {  	s10 =	sor.u32 $0x2380, s9;
	[tilespmem:s31+$0x0] =	vst.add.f32.msk $0xffff, v1  }
0x1f8: {  	s14 =	sor.u32 $0xA300, s7;
	v1 =	vld [tilespmem:s10+$0x10000]  }
0x1f9: {  	s1 =	sor.u32 $0x2380, s1;
	[tilespmem:s14+$0x0] =	vst.add.f32.msk $0xffff, v2  }
0x1fa: {  	v2 =	vld [tilespmem:s1+$0x10000];
	_ =	sdelay $0x2  }
0x1fb: {  	[tilespmem:s29+$0x8000] =	vst.add.f32.msk $0xffff, v0  }
0x1fc: {  	[tilespmem:s10+$0x8000] =	vst.add.f32.msk $0xffff, v1  }
0x1fd: {  	s17 =	sadd.s32 s17, s13;
	s6 =	simm.s32 $0x0;
	[tilespmem:s1+$0x8000] =	vst.add.f32.msk $0xffff, v2  }
0x1fe: {  	[hbm4b:s17+s6] =	stream.linear.scatter [tilespmem:s21], [sflag:$0x9], $0x4000, $0x38;
	[tilespmem:$0x18000] =	vst v63  }
0x1ff: {  	_ =	swait.ge [sflag:s26], $0x4000  }
0x200: {  	[sflag:s26] =	ssyncset.done $0x0  }
0x201: {  	[sflag:s26] =	ssyncadd.s32 $0xFFFFC000  }
0x202: {  	s20 =	simm.s32 $0x4000;
	s30 =	sand.u32 $0x1C00, s6;
	_ =	swait.ge [sflag:s28], $0x4000  }
0x203: {  	s7 =	simm.s32 $0x0;
	[sflag:s28] =	ssyncset.done $0x0;
	s18 =	rddreg [dreg:$0x5]  }
0x204: {  	s29 =	sand.u32 $0x70, s7;
	[sflag:s28] =	ssyncadd.s32 $0xFFFFC000;
	s1 =	sadd.s32 s8, s18  }
0x205: {  	[tilespmem:s20], [sflag:$0x2] =	stream.linear.gather [hbm4b:s1+s6], $0x4000, $0x38;
	[tilespmem:$0x18000] =	vst v63  }
0x206: {  	s1 =	sor.u32 s29, s30  }
0x207: {  	v0 =	vld [tilespmem:s1+$0x10000];
	_ =	sdelay $0x3  }
0x208: {  	s9 =	sor.u32 $0xC000, s1  }
0x209: {  	[tilespmem:s9+$0x0] =	vst.add.f32.msk $0xffff, v0  }
0x20a: {  	v0 =	vld [tilespmem:s1+$0x10080];
	_ =	sdelay $0x3  }
0x20b: {  	s31 =	sor.u32 $0xC080, s1  }
0x20c: {  	[tilespmem:s31+$0x0] =	vst.add.f32.msk $0xffff, v0  }
0x20d: {  	v0 =	vld [tilespmem:s1+$0x10100];
	_ =	sdelay $0x3  }
0x20e: {  	s10 =	sor.u32 $0xC100, s1  }
0x20f: {  	[tilespmem:s10+$0x0] =	vst.add.f32.msk $0xffff, v0  }
0x210: {  	v0 =	vld [tilespmem:s1+$0x10180];
	_ =	sdelay $0x3  }
0x211: {  	s14 =	sor.u32 $0xC180, s1  }
0x212: {  	[tilespmem:s14+$0x0] =	vst.add.f32.msk $0xffff, v0  }
0x213: {  	v0 =	vld [tilespmem:s1+$0x10200];
	_ =	sdelay $0x3  }
0x214: {  	s17 =	sor.u32 $0xC200, s1  }
0x215: {  	s18 =	simm.s32 $0x10;
	s9 =	simm.s32 $0x80;
	[tilespmem:s17+$0x0] =	vst.add.f32.msk $0xffff, v0  }
0x216: {  	s20 =	sand.u32 $0x1C00, s9;
	s10 =	sand.u32 $0x70, s18;
	v0 =	vld [tilespmem:s1+$0x10280]  }
0x217: {  	s14 =	sor.u32 s10, s20  }
0x218: {  	v1 =	vld [tilespmem:s14+$0x10000];
	_ =	sdelay $0x1  }
0x219: {  	s29 =	sor.u32 $0xC280, s1  }
0x21a: {  	[tilespmem:s29+$0x0] =	vst.add.f32.msk $0xffff, v0  }
0x21b: {  	s30 =	sor.u32 $0xC000, s14;
	v0 =	vld [tilespmem:s1+$0x10300]  }
0x21c: {  	[tilespmem:s30+$0x0] =	vst.add.f32.msk $0xffff, v1  }
0x21d: {  	v1 =	vld [tilespmem:s14+$0x10080];
	_ =	sdelay $0x1  }
0x21e: {  	s31 =	sor.u32 $0xC300, s1;
	s17 =	sor.u32 s7, s6  }
0x21f: {  	s6 =	sor.u32 $0x380, s17;
	[tilespmem:s31+$0x0] =	vst.add.f32.msk $0xffff, v0  }
0x220: {  	s10 =	sor.u32 $0xC080, s14;
	v0 =	vld [tilespmem:s6+$0x10000]  }
0x221: {  	[tilespmem:s10+$0x0] =	vst.add.f32.msk $0xffff, v1  }
0x222: {  	v1 =	vld [tilespmem:s14+$0x10100];
	_ =	sdelay $0x2  }
0x223: {  	[tilespmem:s6+$0xC000] =	vst.add.f32.msk $0xffff, v0  }
0x224: {  	s20 =	sor.u32 $0xC100, s14;
	v0 =	vld [tilespmem:s1+$0x12000]  }
0x225: {  	[tilespmem:s20+$0x0] =	vst.add.f32.msk $0xffff, v1  }
0x226: {  	v1 =	vld [tilespmem:s14+$0x10180];
	_ =	sdelay $0x1  }
0x227: {  	s29 =	sor.u32 $0xE000, s1  }
0x228: {  	[tilespmem:s29+$0x0] =	vst.add.f32.msk $0xffff, v0  }
0x229: {  	s30 =	sor.u32 $0xC180, s14;
	v0 =	vld [tilespmem:s1+$0x12080]  }
0x22a: {  	[tilespmem:s30+$0x0] =	vst.add.f32.msk $0xffff, v1  }
0x22b: {  	v1 =	vld [tilespmem:s14+$0x10200];
	_ =	sdelay $0x1  }
0x22c: {  	s31 =	sor.u32 $0xE080, s1  }
0x22d: {  	[tilespmem:s31+$0x0] =	vst.add.f32.msk $0xffff, v0  }
0x22e: {  	s7 =	sor.u32 $0xC200, s14;
	v0 =	vld [tilespmem:s1+$0x12100]  }
0x22f: {  	s10 =	simm.s32 $0x20;
	s6 =	simm.s32 $0x100;
	[tilespmem:s7+$0x0] =	vst.add.f32.msk $0xffff, v1  }
0x230: {  	s20 =	sand.u32 $0x70, s10;
	s29 =	sand.u32 $0x1C00, s6;
	v1 =	vld [tilespmem:s14+$0x10280]  }
0x231: {  	s7 =	sor.u32 s20, s29  }
0x232: {  	s30 =	sor.u32 $0xE100, s1;
	v2 =	vld [tilespmem:s7+$0x10000]  }
0x233: {  	[tilespmem:s30+$0x0] =	vst.add.f32.msk $0xffff, v0  }
0x234: {  	s31 =	sor.u32 $0xC280, s14;
	v0 =	vld [tilespmem:s1+$0x12180]  }
0x235: {  	[tilespmem:s31+$0x0] =	vst.add.f32.msk $0xffff, v1  }
0x236: {  	s29 =	sor.u32 $0xC000, s7;
	v1 =	vld [tilespmem:s14+$0x10300]  }
0x237: {  	[tilespmem:s29+$0x0] =	vst.add.f32.msk $0xffff, v2  }
0x238: {  	v2 =	vld [tilespmem:s7+$0x10080];
	s30 =	sor.u32 $0xE180, s1  }
0x239: {  	[tilespmem:s30+$0x0] =	vst.add.f32.msk $0xffff, v0  }
0x23a: {  	s9 =	sor.u32 s18, s9;
	s31 =	sor.u32 $0xC300, s14;
	v0 =	vld [tilespmem:s1+$0x12200]  }
0x23b: {  	s18 =	sor.u32 $0x380, s9;
	[tilespmem:s31+$0x0] =	vst.add.f32.msk $0xffff, v1  }
0x23c: {  	s29 =	sor.u32 $0xC080, s7;
	v1 =	vld [tilespmem:s18+$0x10000]  }
0x23d: {  	[tilespmem:s29+$0x0] =	vst.add.f32.msk $0xffff, v2  }
0x23e: {  	v2 =	vld [tilespmem:s7+$0x10100];
	s30 =	sor.u32 $0xE200, s1  }
0x23f: {  	[tilespmem:s30+$0x0] =	vst.add.f32.msk $0xffff, v0  }
0x240: {  	v0 =	vld [tilespmem:s1+$0x12280]  }
0x241: {  	[tilespmem:s18+$0xC000] =	vst.add.f32.msk $0xffff, v1  }
0x242: {  	s31 =	sor.u32 $0xC100, s7;
	v1 =	vld [tilespmem:s14+$0x12000]  }
0x243: {  	[tilespmem:s31+$0x0] =	vst.add.f32.msk $0xffff, v2  }
0x244: {  	s20 =	sor.u32 $0xE280, s1;
	v2 =	vld [tilespmem:s7+$0x10180]  }
0x245: {  	[tilespmem:s20+$0x0] =	vst.add.f32.msk $0xffff, v0  }
0x246: {  	s29 =	sor.u32 $0xE000, s14;
	v0 =	vld [tilespmem:s1+$0x12300]  }
0x247: {  	[tilespmem:s29+$0x0] =	vst.add.f32.msk $0xffff, v1  }
0x248: {  	s30 =	sor.u32 $0xC180, s7;
	v1 =	vld [tilespmem:s14+$0x12080]  }
0x249: {  	[tilespmem:s30+$0x0] =	vst.add.f32.msk $0xffff, v2  }
0x24a: {  	v2 =	vld [tilespmem:s7+$0x10200];
	s1 =	sor.u32 $0xE300, s1  }
0x24b: {  	s20 =	sor.u32 $0x2380, s17;
	[tilespmem:s1+$0x0] =	vst.add.f32.msk $0xffff, v0  }
0x24c: {  	s31 =	sor.u32 $0xE080, s14;
	v0 =	vld [tilespmem:s20+$0x10000]  }
0x24d: {  	[tilespmem:s31+$0x0] =	vst.add.f32.msk $0xffff, v1  }
0x24e: {  	s18 =	sor.u32 $0xC200, s7;
	s17 =	simm.s32 $0x100;
	v1 =	vld [tilespmem:s14+$0x12100];
	s1 =	simm.s32 $0x20  }
.LBB2_9:
0x24f: {  	s10 =	sadd.s32 $0x10, s10;
	[tilespmem:s18+$0x0] =	vst.add.f32.msk $0xffff, v2;
	s6 =	sadd.s32 $0x80, s6  }
0x250: {  	s18 =	sand.u32 $0x70, s10;
	s29 =	sand.u32 $0x1C00, s6;
	p0 =	slt.u32 s10, $0x3F0;
	v2 =	vld [tilespmem:s7+$0x10280]  }
0x251: {  	s18 =	sor.u32 s18, s29;
	[tilespmem:s20+$0xC000] =	vst.add.f32.msk $0xffff, v0  }
0x252: {  	s20 =	sor.u32 $0xE100, s14;
	v0 =	vld [tilespmem:s18+$0x10000]  }
0x253: {  	[tilespmem:s20+$0x0] =	vst.add.f32.msk $0xffff, v1  }
0x254: {  	s20 =	sor.u32 $0xC280, s7;
	v1 =	vld [tilespmem:s14+$0x12180]  }
0x255: {  	[tilespmem:s20+$0x0] =	vst.add.f32.msk $0xffff, v2  }
0x256: {  	s20 =	sor.u32 $0xC000, s18;
	v2 =	vld [tilespmem:s7+$0x10300]  }
0x257: {  	[tilespmem:s20+$0x0] =	vst.add.f32.msk $0xffff, v0  }
0x258: {  	s20 =	sor.u32 $0xE180, s14;
	v0 =	vld [tilespmem:s18+$0x10080]  }
0x259: {  	[tilespmem:s20+$0x0] =	vst.add.f32.msk $0xffff, v1  }
0x25a: {  	s29 =	sor.u32 s1, s17;
	s1 =	smov.u32 s10;
	s20 =	sor.u32 $0xC300, s7;
	v1 =	vld [tilespmem:s14+$0x12200]  }
0x25b: {  	s17 =	smov.u32 s6;
	[tilespmem:s20+$0x0] =	vst.add.f32.msk $0xffff, v2;
	s20 =	sor.u32 $0x380, s29  }
0x25c: {  	s30 =	sor.u32 $0xC080, s18;
	v2 =	vld [tilespmem:s20+$0x10000]  }
0x25d: {  	[tilespmem:s30+$0x0] =	vst.add.f32.msk $0xffff, v0  }
0x25e: {  	s30 =	sor.u32 $0xE200, s14;
	v0 =	vld [tilespmem:s18+$0x10100]  }
0x25f: {  	[tilespmem:s30+$0x0] =	vst.add.f32.msk $0xffff, v1  }
0x260: {  	v1 =	vld [tilespmem:s14+$0x12280]  }
0x261: {  	[tilespmem:s20+$0xC000] =	vst.add.f32.msk $0xffff, v2  }
0x262: {  	s20 =	sor.u32 $0xC100, s18;
	v2 =	vld [tilespmem:s7+$0x12000]  }
0x263: {  	[tilespmem:s20+$0x0] =	vst.add.f32.msk $0xffff, v0  }
0x264: {  	s20 =	sor.u32 $0xE280, s14;
	v0 =	vld [tilespmem:s18+$0x10180]  }
0x265: {  	[tilespmem:s20+$0x0] =	vst.add.f32.msk $0xffff, v1  }
0x266: {  	s20 =	sor.u32 $0xE000, s7;
	v1 =	vld [tilespmem:s14+$0x12300]  }
0x267: {  	[tilespmem:s20+$0x0] =	vst.add.f32.msk $0xffff, v2  }
0x268: {  	s20 =	sor.u32 $0xC180, s18;
	v3 =	vld [tilespmem:s7+$0x12080]  }
0x269: {  	[tilespmem:s20+$0x0] =	vst.add.f32.msk $0xffff, v0  }
.Ltmp5:
0x26a: {  	s20 =	sor.u32 $0xE300, s14;
	s14 =	smov.u32 s7;
	v2 =	vld [tilespmem:s18+$0x10200];
	(pc) =	sbr.rel @p0 .LBB2_9-.Ltmp5, $4  }
0x26b: {  	s7 =	smov.u32 s18;
	[tilespmem:s20+$0x0] =	vst.add.f32.msk $0xffff, v1;
	s20 =	sor.u32 $0x2380, s9;
	s9 =	smov.u32 s29  }
0x26c: {  	s18 =	sor.u32 $0xE080, s14;
	v0 =	vld [tilespmem:s20+$0x10000]  }
0x26d: {  	[tilespmem:s18+$0x0] =	vst.add.f32.msk $0xffff, v3  }
0x26e: {  	s18 =	sor.u32 $0xC200, s7;
	v1 =	vld [tilespmem:s14+$0x12100]  }
0x26f: {  	[tilespmem:s18+$0x0] =	vst.add.f32.msk $0xffff, v2  }
0x270: {  	v2 =	vld [tilespmem:s7+$0x10280];
	_ =	sdelay $0x3  }
0x271: {  	s6 =	sor.u32 $0xC280, s7  }
0x272: {  	[tilespmem:s6+$0x0] =	vst.add.f32.msk $0xffff, v2  }
0x273: {  	v2 =	vld [tilespmem:s7+$0x10300];
	_ =	sdelay $0x3  }
0x274: {  	s10 =	sor.u32 $0xC300, s7;
	s1 =	sor.u32 s1, s17  }
0x275: {  	s17 =	sor.u32 $0x380, s1;
	[tilespmem:s10+$0x0] =	vst.add.f32.msk $0xffff, v2  }
0x276: {  	v2 =	vld [tilespmem:s17+$0x10000];
	_ =	sdelay $0x4  }
0x277: {  	[tilespmem:s17+$0xC000] =	vst.add.f32.msk $0xffff, v2  }
0x278: {  	v2 =	vld [tilespmem:s7+$0x12000];
	_ =	sdelay $0x3  }
0x279: {  	s18 =	sor.u32 $0xE000, s7  }
0x27a: {  	[tilespmem:s18+$0x0] =	vst.add.f32.msk $0xffff, v2  }
0x27b: {  	v2 =	vld [tilespmem:s7+$0x12080];
	_ =	sdelay $0x3  }
0x27c: {  	s29 =	sor.u32 $0xE080, s7  }
0x27d: {  	[tilespmem:s29+$0x0] =	vst.add.f32.msk $0xffff, v2  }
0x27e: {  	v2 =	vld [tilespmem:s7+$0x12100];
	_ =	sdelay $0x1  }
0x27f: {  	s30 =	sor.u32 $0xE100, s14  }
0x280: {  	[tilespmem:s30+$0x0] =	vst.add.f32.msk $0xffff, v1  }
0x281: {  	v1 =	vld [tilespmem:s14+$0x12180];
	s10 =	sor.u32 $0xE100, s7  }
0x282: {  	[tilespmem:s10+$0x0] =	vst.add.f32.msk $0xffff, v2  }
0x283: {  	v2 =	vld [tilespmem:s7+$0x12180];
	_ =	sdelay $0x1  }
0x284: {  	s17 =	sor.u32 $0xE180, s14  }
0x285: {  	[tilespmem:s17+$0x0] =	vst.add.f32.msk $0xffff, v1  }
0x286: {  	v1 =	vld [tilespmem:s14+$0x12200];
	s18 =	sor.u32 $0xE180, s7  }
0x287: {  	[tilespmem:s18+$0x0] =	vst.add.f32.msk $0xffff, v2  }
0x288: {  	v2 =	vld [tilespmem:s7+$0x12200];
	_ =	sdelay $0x1  }
0x289: {  	s29 =	sor.u32 $0xE200, s14  }
0x28a: {  	[tilespmem:s29+$0x0] =	vst.add.f32.msk $0xffff, v1  }
0x28b: {  	s30 =	sor.u32 $0xE200, s7;
	v1 =	vld [tilespmem:s14+$0x12280]  }
0x28c: {  	[tilespmem:s30+$0x0] =	vst.add.f32.msk $0xffff, v2  }
0x28d: {  	v2 =	vld [tilespmem:s7+$0x12280];
	_ =	sdelay $0x1  }
0x28e: {  	s10 =	sor.u32 $0xE280, s14  }
0x28f: {  	[tilespmem:s10+$0x0] =	vst.add.f32.msk $0xffff, v1  }
0x290: {  	s17 =	sor.u32 $0xE280, s7;
	v1 =	vld [tilespmem:s14+$0x12300]  }
0x291: {  	[tilespmem:s17+$0x0] =	vst.add.f32.msk $0xffff, v2  }
0x292: {  	v2 =	vld [tilespmem:s7+$0x12300];
	_ =	sdelay $0x1  }
0x293: {  	s18 =	sor.u32 $0xE300, s14  }
0x294: {  	s29 =	sor.u32 $0x2380, s9;
	[tilespmem:s18+$0x0] =	vst.add.f32.msk $0xffff, v1  }
0x295: {  	v1 =	vld [tilespmem:s29+$0x10000];
	s30 =	sor.u32 $0xE300, s7  }
0x296: {  	s1 =	sor.u32 $0x2380, s1;
	[tilespmem:s30+$0x0] =	vst.add.f32.msk $0xffff, v2  }
0x297: {  	v2 =	vld [tilespmem:s1+$0x10000];
	_ =	sdelay $0x2  }
0x298: {  	[tilespmem:s20+$0xC000] =	vst.add.f32.msk $0xffff, v0  }
0x299: {  	[tilespmem:s29+$0xC000] =	vst.add.f32.msk $0xffff, v1  }
0x29a: {  	s0 =	sadd.s32 s11, s0;
	[tilespmem:s1+$0xC000] =	vst.add.f32.msk $0xffff, v2  }
0x29b: {  	[hbm4b:s0+s4] =	stream.linear.scatter [tilespmem:s23], [sflag:$0xA], $0x4000, $0x38;
	[tilespmem:$0x18000] =	vst v63  }
0x29c: {  	p0 =	seq.s32 s3, $0x7;
	s0 =	sadd.s32 $0x2, s15  }
0x29d: {  	s15 =	sshll.u32 @!p0 s0, $0xB;
	s0 =	rddreg [dreg:$0x4]  }
0x29e: {  	s6 =	simm.s32 @!p0 $0x10000;
	s1 =	simm.s32 @!p0 $0x0;
	s0 =	sadd.s32 @!p0 s15, s0  }
0x29f: {  	[tilespmem:s6], [sflag:$0x5] =	stream.linear.gather @!p0 [hbm4b:s0+s1], $0x4000, $0x38;
	[tilespmem:$0x18000] =	vst v63  }
0x2a0: {  	_ =	swait.ge [sflag:s19], $0x4000  }
0x2a1: {  	[sflag:s19] =	ssyncset.done $0x0  }
0x2a2: {  	s7 =	simm.s32 $0x6;
	[sflag:s19] =	ssyncadd.s32 $0xFFFFC000  }
0x2a3: {  	_ =	swait.ge [sflag:s7], $0x4000  }
0x2a4: {  	[sflag:s7] =	ssyncset.done $0x0  }
0x2a5: {  	s9 =	simm.s32 $0x9;
	s6 =	simm.s32 $0x0;
	[sflag:s7] =	ssyncadd.s32 $0xFFFFC000  }
0x2a6: {  	s17 =	sand.u32 $0x1C00, s6;
	s7 =	simm.s32 $0x0;
	_ =	swait.ge [sflag:s9], $0x4000  }
0x2a7: {  	s14 =	sand.u32 $0x70, s7;
	[sflag:s9] =	ssyncset.done $0x0;
	s10 =	rddreg [dreg:$0x9]  }
0x2a8: {  	s1 =	sor.u32 s14, s17;
	[sflag:s9] =	ssyncadd.s32 $0xFFFFC000;
	s0 =	sadd.s32 s8, s10  }
0x2a9: {  	[tilespmem:s21], [sflag:$0x3] =	stream.linear.gather [hbm4b:s0+s6], $0x4000, $0x38;
	[tilespmem:$0x18000] =	vst v63  }
0x2aa: {  	v0 =	vld [tilespmem:s1+$0x14000]  }
0x2ab: {  	v1 =	vld [tilespmem:s1+$0x14080];
	_ =	sdelay $0x3  }
0x2ac: {  	s0 =	sor.u32 $0x80, s1;
	[tilespmem:s1+$0x0] =	vst.add.f32.msk $0xffff, v0  }
0x2ad: {  	[tilespmem:s0+$0x0] =	vst.add.f32.msk $0xffff, v1  }
0x2ae: {  	v0 =	vld [tilespmem:s1+$0x14100];
	_ =	sdelay $0x3  }
0x2af: {  	s18 =	sor.u32 $0x100, s1  }
0x2b0: {  	[tilespmem:s18+$0x0] =	vst.add.f32.msk $0xffff, v0  }
0x2b1: {  	v0 =	vld [tilespmem:s1+$0x14180];
	_ =	sdelay $0x3  }
0x2b2: {  	s20 =	sor.u32 $0x180, s1  }
0x2b3: {  	[tilespmem:s20+$0x0] =	vst.add.f32.msk $0xffff, v0  }
0x2b4: {  	v0 =	vld [tilespmem:s1+$0x14200];
	_ =	sdelay $0x3  }
0x2b5: {  	s29 =	sor.u32 $0x200, s1  }
0x2b6: {  	[tilespmem:s29+$0x0] =	vst.add.f32.msk $0xffff, v0  }
0x2b7: {  	v0 =	vld [tilespmem:s1+$0x14280]  }
0x2b8: {  	s17 =	simm.s32 $0x80;
	s9 =	simm.s32 $0x10  }
0x2b9: {  	s10 =	sand.u32 $0x1C00, s17;
	s30 =	sand.u32 $0x70, s9  }
0x2ba: {  	s0 =	sor.u32 s30, s10  }
0x2bb: {  	s14 =	sor.u32 $0x280, s1;
	v1 =	vld [tilespmem:s0+$0x14000]  }
0x2bc: {  	[tilespmem:s14+$0x0] =	vst.add.f32.msk $0xffff, v0  }
0x2bd: {  	v0 =	vld [tilespmem:s1+$0x14300];
	_ =	sdelay $0x1  }
0x2be: {  	v2 =	vld [tilespmem:s0+$0x14080];
	_ =	sdelay $0x1  }
0x2bf: {  	[tilespmem:s0+$0x0] =	vst.add.f32.msk $0xffff, v1;
	s18 =	sor.u32 $0x300, s1;
	s14 =	sor.u32 s7, s6  }
0x2c0: {  	s6 =	sor.u32 $0x380, s14;
	[tilespmem:s18+$0x0] =	vst.add.f32.msk $0xffff, v0  }
0x2c1: {  	s20 =	sor.u32 $0x80, s0;
	v0 =	vld [tilespmem:s6+$0x14000]  }
0x2c2: {  	[tilespmem:s20+$0x0] =	vst.add.f32.msk $0xffff, v2  }
0x2c3: {  	v1 =	vld [tilespmem:s0+$0x14100];
	_ =	sdelay $0x2  }
0x2c4: {  	[tilespmem:s6+$0x0] =	vst.add.f32.msk $0xffff, v0  }
0x2c5: {  	s29 =	sor.u32 $0x100, s0;
	v0 =	vld [tilespmem:s1+$0x16000]  }
0x2c6: {  	[tilespmem:s29+$0x0] =	vst.add.f32.msk $0xffff, v1  }
0x2c7: {  	v1 =	vld [tilespmem:s0+$0x14180];
	_ =	sdelay $0x1  }
0x2c8: {  	s30 =	sor.u32 $0x2000, s1  }
0x2c9: {  	[tilespmem:s30+$0x0] =	vst.add.f32.msk $0xffff, v0  }
0x2ca: {  	s7 =	sor.u32 $0x180, s0;
	v0 =	vld [tilespmem:s1+$0x16080]  }
0x2cb: {  	[tilespmem:s7+$0x0] =	vst.add.f32.msk $0xffff, v1  }
0x2cc: {  	v1 =	vld [tilespmem:s0+$0x14200];
	_ =	sdelay $0x1  }
0x2cd: {  	s10 =	sor.u32 $0x2080, s1  }
0x2ce: {  	[tilespmem:s10+$0x0] =	vst.add.f32.msk $0xffff, v0  }
0x2cf: {  	s18 =	sor.u32 $0x200, s0;
	v0 =	vld [tilespmem:s1+$0x16100]  }
0x2d0: {  	[tilespmem:s18+$0x0] =	vst.add.f32.msk $0xffff, v1;
	s6 =	simm.s32 $0x20;
	s10 =	simm.s32 $0x100  }
0x2d1: {  	v1 =	vld [tilespmem:s0+$0x14280];
	s20 =	sand.u32 $0x70, s6;
	s29 =	sand.u32 $0x1C00, s10  }
0x2d2: {  	s7 =	sor.u32 s20, s29  }
0x2d3: {  	s30 =	sor.u32 $0x2100, s1;
	v2 =	vld [tilespmem:s7+$0x14000]  }
0x2d4: {  	[tilespmem:s30+$0x0] =	vst.add.f32.msk $0xffff, v0  }
0x2d5: {  	s20 =	sor.u32 $0x280, s0;
	v0 =	vld [tilespmem:s1+$0x16180]  }
0x2d6: {  	[tilespmem:s20+$0x0] =	vst.add.f32.msk $0xffff, v1  }
0x2d7: {  	v1 =	vld [tilespmem:s0+$0x14300]  }
0x2d8: {  	v3 =	vld [tilespmem:s7+$0x14080]  }
0x2d9: {  	s29 =	sor.u32 $0x2180, s1;
	[tilespmem:s7+$0x0] =	vst.add.f32.msk $0xffff, v2  }
0x2da: {  	[tilespmem:s29+$0x0] =	vst.add.f32.msk $0xffff, v0  }
0x2db: {  	s9 =	sor.u32 s9, s17;
	s30 =	sor.u32 $0x300, s0;
	v0 =	vld [tilespmem:s1+$0x16200]  }
0x2dc: {  	s17 =	sor.u32 $0x380, s9;
	[tilespmem:s30+$0x0] =	vst.add.f32.msk $0xffff, v1  }
0x2dd: {  	s20 =	sor.u32 $0x80, s7;
	v1 =	vld [tilespmem:s17+$0x14000]  }
0x2de: {  	[tilespmem:s20+$0x0] =	vst.add.f32.msk $0xffff, v3  }
0x2df: {  	v2 =	vld [tilespmem:s7+$0x14100];
	s29 =	sor.u32 $0x2200, s1  }
0x2e0: {  	[tilespmem:s29+$0x0] =	vst.add.f32.msk $0xffff, v0  }
0x2e1: {  	v0 =	vld [tilespmem:s1+$0x16280]  }
0x2e2: {  	[tilespmem:s17+$0x0] =	vst.add.f32.msk $0xffff, v1  }
0x2e3: {  	s30 =	sor.u32 $0x100, s7;
	v1 =	vld [tilespmem:s0+$0x16000]  }
0x2e4: {  	[tilespmem:s30+$0x0] =	vst.add.f32.msk $0xffff, v2  }
0x2e5: {  	s18 =	sor.u32 $0x2280, s1;
	v2 =	vld [tilespmem:s7+$0x14180]  }
0x2e6: {  	[tilespmem:s18+$0x0] =	vst.add.f32.msk $0xffff, v0  }
0x2e7: {  	s20 =	sor.u32 $0x2000, s0;
	v0 =	vld [tilespmem:s1+$0x16300]  }
0x2e8: {  	[tilespmem:s20+$0x0] =	vst.add.f32.msk $0xffff, v1  }
0x2e9: {  	s29 =	sor.u32 $0x180, s7;
	v1 =	vld [tilespmem:s0+$0x16080]  }
0x2ea: {  	[tilespmem:s29+$0x0] =	vst.add.f32.msk $0xffff, v2  }
0x2eb: {  	v2 =	vld [tilespmem:s7+$0x14200];
	s1 =	sor.u32 $0x2300, s1  }
0x2ec: {  	s17 =	sor.u32 $0x2380, s14;
	[tilespmem:s1+$0x0] =	vst.add.f32.msk $0xffff, v0  }
0x2ed: {  	s30 =	sor.u32 $0x2080, s0;
	v0 =	vld [tilespmem:s17+$0x14000]  }
0x2ee: {  	s31 =	smov.u32 s2;
	[tilespmem:s30+$0x0] =	vst.add.f32.msk $0xffff, v1  }
0x2ef: {  	s14 =	simm.s32 $0x100;
	s18 =	sor.u32 $0x200, s7;
	v1 =	vld [tilespmem:s0+$0x16100];
	s1 =	simm.s32 $0x20  }
.LBB2_11:
0x2f0: {  	s6 =	sadd.s32 $0x10, s6;
	[tilespmem:s18+$0x0] =	vst.add.f32.msk $0xffff, v2;
	s10 =	sadd.s32 $0x80, s10  }
0x2f1: {  	s18 =	sand.u32 $0x70, s6;
	s20 =	sand.u32 $0x1C00, s10;
	v2 =	vld [tilespmem:s7+$0x14280]  }
0x2f2: {  	s18 =	sor.u32 s18, s20;
	[tilespmem:s17+$0x0] =	vst.add.f32.msk $0xffff, v0  }
0x2f3: {  	s17 =	sor.u32 $0x2100, s0;
	v0 =	vld [tilespmem:s18+$0x14000]  }
0x2f4: {  	[tilespmem:s17+$0x0] =	vst.add.f32.msk $0xffff, v1  }
0x2f5: {  	s17 =	sor.u32 $0x280, s7;
	v1 =	vld [tilespmem:s0+$0x16180]  }
0x2f6: {  	p1 =	slt.u32 s6, $0x3F0;
	[tilespmem:s17+$0x0] =	vst.add.f32.msk $0xffff, v2  }
0x2f7: {  	v2 =	vld [tilespmem:s7+$0x14300]  }
0x2f8: {  	v3 =	vld [tilespmem:s18+$0x14080]  }
0x2f9: {  	s17 =	sor.u32 $0x2180, s0;
	[tilespmem:s18+$0x0] =	vst.add.f32.msk $0xffff, v0  }
0x2fa: {  	[tilespmem:s17+$0x0] =	vst.add.f32.msk $0xffff, v1  }
0x2fb: {  	s20 =	sor.u32 s1, s14;
	s1 =	smov.u32 s6;
	s17 =	sor.u32 $0x300, s7;
	v0 =	vld [tilespmem:s0+$0x16200]  }
0x2fc: {  	s14 =	smov.u32 s10;
	[tilespmem:s17+$0x0] =	vst.add.f32.msk $0xffff, v2;
	s17 =	sor.u32 $0x380, s20  }
0x2fd: {  	s29 =	sor.u32 $0x80, s18;
	v1 =	vld [tilespmem:s17+$0x14000]  }
0x2fe: {  	[tilespmem:s29+$0x0] =	vst.add.f32.msk $0xffff, v3  }
0x2ff: {  	s29 =	sor.u32 $0x2200, s0;
	v2 =	vld [tilespmem:s18+$0x14100]  }
0x300: {  	[tilespmem:s29+$0x0] =	vst.add.f32.msk $0xffff, v0  }
0x301: {  	v0 =	vld [tilespmem:s0+$0x16280]  }
0x302: {  	[tilespmem:s17+$0x0] =	vst.add.f32.msk $0xffff, v1  }
0x303: {  	s17 =	sor.u32 $0x100, s18;
	v1 =	vld [tilespmem:s7+$0x16000]  }
0x304: {  	[tilespmem:s17+$0x0] =	vst.add.f32.msk $0xffff, v2  }
0x305: {  	s17 =	sor.u32 $0x2280, s0;
	v2 =	vld [tilespmem:s18+$0x14180]  }
0x306: {  	[tilespmem:s17+$0x0] =	vst.add.f32.msk $0xffff, v0  }
0x307: {  	s17 =	sor.u32 $0x2000, s7;
	v0 =	vld [tilespmem:s0+$0x16300]  }
0x308: {  	[tilespmem:s17+$0x0] =	vst.add.f32.msk $0xffff, v1  }
0x309: {  	s17 =	sor.u32 $0x180, s18;
	v1 =	vld [tilespmem:s7+$0x16080]  }
0x30a: {  	[tilespmem:s17+$0x0] =	vst.add.f32.msk $0xffff, v2  }
.Ltmp6:
0x30b: {  	s17 =	sor.u32 $0x2300, s0;
	s0 =	smov.u32 s7;
	v2 =	vld [tilespmem:s18+$0x14200];
	(pc) =	sbr.rel @p1 .LBB2_11-.Ltmp6, $4  }
0x30c: {  	s7 =	smov.u32 s18;
	[tilespmem:s17+$0x0] =	vst.add.f32.msk $0xffff, v0;
	s17 =	sor.u32 $0x2380, s9;
	s9 =	smov.u32 s20  }
0x30d: {  	s18 =	sor.u32 $0x2080, s0;
	v0 =	vld [tilespmem:s17+$0x14000]  }
0x30e: {  	[tilespmem:s18+$0x0] =	vst.add.f32.msk $0xffff, v1  }
0x30f: {  	s18 =	sor.u32 $0x200, s7;
	v1 =	vld [tilespmem:s0+$0x16100]  }
0x310: {  	[tilespmem:s18+$0x0] =	vst.add.f32.msk $0xffff, v2  }
0x311: {  	v2 =	vld [tilespmem:s7+$0x14280];
	_ =	sdelay $0x3  }
0x312: {  	s6 =	sor.u32 $0x280, s7  }
0x313: {  	[tilespmem:s6+$0x0] =	vst.add.f32.msk $0xffff, v2  }
0x314: {  	v2 =	vld [tilespmem:s7+$0x14300];
	_ =	sdelay $0x3  }
0x315: {  	s18 =	sor.u32 $0x300, s7;
	s1 =	sor.u32 s1, s14  }
0x316: {  	s20 =	sor.u32 $0x380, s1;
	[tilespmem:s18+$0x0] =	vst.add.f32.msk $0xffff, v2  }
0x317: {  	v2 =	vld [tilespmem:s20+$0x14000];
	_ =	sdelay $0x4  }
0x318: {  	[tilespmem:s20+$0x0] =	vst.add.f32.msk $0xffff, v2  }
0x319: {  	v2 =	vld [tilespmem:s7+$0x16000];
	_ =	sdelay $0x3  }
0x31a: {  	s29 =	sor.u32 $0x2000, s7  }
0x31b: {  	[tilespmem:s29+$0x0] =	vst.add.f32.msk $0xffff, v2  }
0x31c: {  	v2 =	vld [tilespmem:s7+$0x16080];
	_ =	sdelay $0x3  }
0x31d: {  	s30 =	sor.u32 $0x2080, s7  }
0x31e: {  	[tilespmem:s30+$0x0] =	vst.add.f32.msk $0xffff, v2  }
0x31f: {  	v2 =	vld [tilespmem:s7+$0x16100];
	_ =	sdelay $0x1  }
0x320: {  	s2 =	sor.u32 $0x2100, s0  }
0x321: {  	[tilespmem:s2+$0x0] =	vst.add.f32.msk $0xffff, v1  }
0x322: {  	s10 =	sor.u32 $0x2100, s7;
	v1 =	vld [tilespmem:s0+$0x16180]  }
0x323: {  	[tilespmem:s10+$0x0] =	vst.add.f32.msk $0xffff, v2  }
0x324: {  	v2 =	vld [tilespmem:s7+$0x16180];
	_ =	sdelay $0x1  }
0x325: {  	s14 =	sor.u32 $0x2180, s0  }
0x326: {  	[tilespmem:s14+$0x0] =	vst.add.f32.msk $0xffff, v1  }
0x327: {  	v1 =	vld [tilespmem:s0+$0x16200];
	s18 =	sor.u32 $0x2180, s7  }
0x328: {  	[tilespmem:s18+$0x0] =	vst.add.f32.msk $0xffff, v2  }
0x329: {  	v2 =	vld [tilespmem:s7+$0x16200];
	_ =	sdelay $0x1  }
0x32a: {  	s20 =	sor.u32 $0x2200, s0  }
0x32b: {  	[tilespmem:s20+$0x0] =	vst.add.f32.msk $0xffff, v1  }
0x32c: {  	v1 =	vld [tilespmem:s0+$0x16280];
	s29 =	sor.u32 $0x2200, s7  }
0x32d: {  	[tilespmem:s29+$0x0] =	vst.add.f32.msk $0xffff, v2  }
0x32e: {  	v2 =	vld [tilespmem:s7+$0x16280];
	_ =	sdelay $0x1  }
0x32f: {  	s30 =	sor.u32 $0x2280, s0  }
0x330: {  	[tilespmem:s30+$0x0] =	vst.add.f32.msk $0xffff, v1  }
0x331: {  	s2 =	sor.u32 $0x2280, s7;
	v1 =	vld [tilespmem:s0+$0x16300]  }
0x332: {  	[tilespmem:s2+$0x0] =	vst.add.f32.msk $0xffff, v2  }
0x333: {  	v2 =	vld [tilespmem:s7+$0x16300];
	_ =	sdelay $0x1  }
0x334: {  	s6 =	sor.u32 $0x2300, s0  }
0x335: {  	s9 =	sor.u32 $0x2380, s9;
	[tilespmem:s6+$0x0] =	vst.add.f32.msk $0xffff, v1  }
0x336: {  	s10 =	sor.u32 $0x2300, s7;
	v1 =	vld [tilespmem:s9+$0x14000]  }
0x337: {  	s1 =	sor.u32 $0x2380, s1;
	[tilespmem:s10+$0x0] =	vst.add.f32.msk $0xffff, v2  }
0x338: {  	v2 =	vld [tilespmem:s1+$0x14000];
	_ =	sdelay $0x2  }
0x339: {  	[tilespmem:s17+$0x0] =	vst.add.f32.msk $0xffff, v0  }
0x33a: {  	[tilespmem:s9+$0x0] =	vst.add.f32.msk $0xffff, v1  }
0x33b: {  	s14 =	sadd.s32 s11, s8;
	s6 =	simm.s32 $0x0;
	[tilespmem:s1+$0x0] =	vst.add.f32.msk $0xffff, v2  }
0x33c: {  	[hbm4b:s14+s6] =	stream.linear.scatter [tilespmem:s6], [sflag:$0x7], $0x4000, $0x38;
	[tilespmem:$0x18000] =	vst v63  }
0x33d: {  	_ =	swait.ge [sflag:s22], $0x4000  }
0x33e: {  	[sflag:s22] =	ssyncset.done $0x0  }
0x33f: {  	s17 =	simm.s32 $0xA;
	[sflag:s22] =	ssyncadd.s32 $0xFFFFC000  }
0x340: {  	s0 =	sor.u32 $0x300000, s8;
	s7 =	simm.s32 $0x0;
	_ =	swait.ge [sflag:s17], $0x4000  }
0x341: {  	s29 =	sand.u32 $0x1C00, s6;
	s20 =	sand.u32 $0x70, s7;
	[sflag:s17] =	ssyncset.done $0x0  }
0x342: {  	s18 =	sadd.s32 s31, s0;
	s1 =	sor.u32 s20, s29;
	[sflag:s17] =	ssyncadd.s32 $0xFFFFC000  }
0x343: {  	[tilespmem:s23], [sflag:$0x4] =	stream.linear.gather [hbm4b:s18+s6], $0x4000, $0x38;
	[tilespmem:$0x18000] =	vst v63  }
0x344: {  	v0 =	vld [tilespmem:s1+$0x14000];
	_ =	sdelay $0x3  }
0x345: {  	s9 =	sor.u32 $0x4000, s1  }
0x346: {  	[tilespmem:s9+$0x0] =	vst.add.f32.msk $0xffff, v0  }
0x347: {  	v0 =	vld [tilespmem:s1+$0x14080];
	_ =	sdelay $0x3  }
0x348: {  	s30 =	sor.u32 $0x4080, s1  }
0x349: {  	[tilespmem:s30+$0x0] =	vst.add.f32.msk $0xffff, v0  }
0x34a: {  	v0 =	vld [tilespmem:s1+$0x14100];
	_ =	sdelay $0x3  }
0x34b: {  	s10 =	sor.u32 $0x4100, s1  }
0x34c: {  	[tilespmem:s10+$0x0] =	vst.add.f32.msk $0xffff, v0  }
0x34d: {  	v0 =	vld [tilespmem:s1+$0x14180];
	_ =	sdelay $0x3  }
0x34e: {  	s2 =	smov.u32 s11;
	s11 =	sor.u32 $0x4180, s1  }
0x34f: {  	[tilespmem:s11+$0x0] =	vst.add.f32.msk $0xffff, v0  }
0x350: {  	v0 =	vld [tilespmem:s1+$0x14200];
	_ =	sdelay $0x3  }
0x351: {  	s14 =	sor.u32 $0x4200, s1  }
0x352: {  	s18 =	simm.s32 $0x10;
	s9 =	simm.s32 $0x80;
	[tilespmem:s14+$0x0] =	vst.add.f32.msk $0xffff, v0  }
0x353: {  	s17 =	sand.u32 $0x1C00, s9;
	s10 =	sand.u32 $0x70, s18;
	v0 =	vld [tilespmem:s1+$0x14280]  }
0x354: {  	s14 =	sor.u32 s10, s17  }
0x355: {  	v1 =	vld [tilespmem:s14+$0x14000];
	_ =	sdelay $0x1  }
0x356: {  	s20 =	sor.u32 $0x4280, s1  }
0x357: {  	[tilespmem:s20+$0x0] =	vst.add.f32.msk $0xffff, v0  }
0x358: {  	s29 =	sor.u32 $0x4000, s14;
	v0 =	vld [tilespmem:s1+$0x14300]  }
0x359: {  	[tilespmem:s29+$0x0] =	vst.add.f32.msk $0xffff, v1  }
0x35a: {  	v1 =	vld [tilespmem:s14+$0x14080];
	_ =	sdelay $0x1  }
0x35b: {  	s30 =	sor.u32 $0x4300, s1;
	s17 =	sor.u32 s7, s6  }
0x35c: {  	s6 =	sor.u32 $0x380, s17;
	[tilespmem:s30+$0x0] =	vst.add.f32.msk $0xffff, v0  }
0x35d: {  	s10 =	sor.u32 $0x4080, s14;
	v0 =	vld [tilespmem:s6+$0x14000]  }
0x35e: {  	[tilespmem:s10+$0x0] =	vst.add.f32.msk $0xffff, v1  }
0x35f: {  	v1 =	vld [tilespmem:s14+$0x14100];
	_ =	sdelay $0x2  }
0x360: {  	[tilespmem:s6+$0x4000] =	vst.add.f32.msk $0xffff, v0  }
0x361: {  	s11 =	sor.u32 $0x4100, s14;
	v0 =	vld [tilespmem:s1+$0x16000]  }
0x362: {  	[tilespmem:s11+$0x0] =	vst.add.f32.msk $0xffff, v1  }
0x363: {  	v1 =	vld [tilespmem:s14+$0x14180];
	_ =	sdelay $0x1  }
0x364: {  	s20 =	sor.u32 $0x6000, s1  }
0x365: {  	[tilespmem:s20+$0x0] =	vst.add.f32.msk $0xffff, v0  }
0x366: {  	s29 =	sor.u32 $0x4180, s14;
	v0 =	vld [tilespmem:s1+$0x16080]  }
0x367: {  	[tilespmem:s29+$0x0] =	vst.add.f32.msk $0xffff, v1  }
0x368: {  	v1 =	vld [tilespmem:s14+$0x14200];
	_ =	sdelay $0x1  }
0x369: {  	s30 =	sor.u32 $0x6080, s1  }
0x36a: {  	[tilespmem:s30+$0x0] =	vst.add.f32.msk $0xffff, v0  }
0x36b: {  	s7 =	sor.u32 $0x4200, s14;
	v0 =	vld [tilespmem:s1+$0x16100]  }
0x36c: {  	s10 =	simm.s32 $0x20;
	s6 =	simm.s32 $0x100;
	[tilespmem:s7+$0x0] =	vst.add.f32.msk $0xffff, v1  }
0x36d: {  	s11 =	sand.u32 $0x70, s10;
	s20 =	sand.u32 $0x1C00, s6;
	v1 =	vld [tilespmem:s14+$0x14280]  }
0x36e: {  	s7 =	sor.u32 s11, s20  }
0x36f: {  	s29 =	sor.u32 $0x6100, s1;
	v2 =	vld [tilespmem:s7+$0x14000]  }
0x370: {  	[tilespmem:s29+$0x0] =	vst.add.f32.msk $0xffff, v0  }
0x371: {  	s30 =	sor.u32 $0x4280, s14;
	v0 =	vld [tilespmem:s1+$0x16180]  }
0x372: {  	[tilespmem:s30+$0x0] =	vst.add.f32.msk $0xffff, v1  }
0x373: {  	s11 =	sor.u32 $0x4000, s7;
	v1 =	vld [tilespmem:s14+$0x14300]  }
0x374: {  	[tilespmem:s11+$0x0] =	vst.add.f32.msk $0xffff, v2  }
0x375: {  	s29 =	sor.u32 $0x6180, s1;
	v2 =	vld [tilespmem:s7+$0x14080]  }
0x376: {  	[tilespmem:s29+$0x0] =	vst.add.f32.msk $0xffff, v0  }
0x377: {  	s9 =	sor.u32 s18, s9;
	s30 =	sor.u32 $0x4300, s14;
	v0 =	vld [tilespmem:s1+$0x16200]  }
0x378: {  	s18 =	sor.u32 $0x380, s9;
	[tilespmem:s30+$0x0] =	vst.add.f32.msk $0xffff, v1  }
0x379: {  	s11 =	sor.u32 $0x4080, s7;
	v1 =	vld [tilespmem:s18+$0x14000]  }
0x37a: {  	[tilespmem:s11+$0x0] =	vst.add.f32.msk $0xffff, v2  }
0x37b: {  	s29 =	sor.u32 $0x6200, s1;
	v2 =	vld [tilespmem:s7+$0x14100]  }
0x37c: {  	[tilespmem:s29+$0x0] =	vst.add.f32.msk $0xffff, v0  }
0x37d: {  	v0 =	vld [tilespmem:s1+$0x16280]  }
0x37e: {  	[tilespmem:s18+$0x4000] =	vst.add.f32.msk $0xffff, v1  }
0x37f: {  	s30 =	sor.u32 $0x4100, s7;
	v1 =	vld [tilespmem:s14+$0x16000]  }
0x380: {  	[tilespmem:s30+$0x0] =	vst.add.f32.msk $0xffff, v2  }
0x381: {  	s11 =	sor.u32 $0x6280, s1;
	v2 =	vld [tilespmem:s7+$0x14180]  }
0x382: {  	[tilespmem:s11+$0x0] =	vst.add.f32.msk $0xffff, v0  }
0x383: {  	s20 =	sor.u32 $0x6000, s14;
	v0 =	vld [tilespmem:s1+$0x16300]  }
0x384: {  	[tilespmem:s20+$0x0] =	vst.add.f32.msk $0xffff, v1  }
0x385: {  	s29 =	sor.u32 $0x4180, s7;
	v1 =	vld [tilespmem:s14+$0x16080]  }
0x386: {  	[tilespmem:s29+$0x0] =	vst.add.f32.msk $0xffff, v2  }
0x387: {  	v2 =	vld [tilespmem:s7+$0x14200];
	s1 =	sor.u32 $0x6300, s1  }
0x388: {  	s20 =	sor.u32 $0x2380, s17;
	[tilespmem:s1+$0x0] =	vst.add.f32.msk $0xffff, v0  }
0x389: {  	s30 =	sor.u32 $0x6080, s14;
	v0 =	vld [tilespmem:s20+$0x14000]  }
0x38a: {  	[tilespmem:s30+$0x0] =	vst.add.f32.msk $0xffff, v1  }
0x38b: {  	s18 =	sor.u32 $0x4200, s7;
	s17 =	simm.s32 $0x100;
	s1 =	simm.s32 $0x20;
	v1 =	vld [tilespmem:s14+$0x16100]  }
.LBB2_13:
0x38c: {  	s10 =	sadd.s32 $0x10, s10;
	[tilespmem:s18+$0x0] =	vst.add.f32.msk $0xffff, v2;
	s6 =	sadd.s32 $0x80, s6  }
0x38d: {  	s18 =	sand.u32 $0x70, s10;
	s29 =	sand.u32 $0x1C00, s6;
	p1 =	slt.u32 s10, $0x3F0;
	v2 =	vld [tilespmem:s7+$0x14280]  }
0x38e: {  	s18 =	sor.u32 s18, s29;
	[tilespmem:s20+$0x4000] =	vst.add.f32.msk $0xffff, v0  }
0x38f: {  	s20 =	sor.u32 $0x6100, s14;
	v0 =	vld [tilespmem:s18+$0x14000]  }
0x390: {  	[tilespmem:s20+$0x0] =	vst.add.f32.msk $0xffff, v1  }
0x391: {  	s20 =	sor.u32 $0x4280, s7;
	v1 =	vld [tilespmem:s14+$0x16180]  }
0x392: {  	[tilespmem:s20+$0x0] =	vst.add.f32.msk $0xffff, v2  }
0x393: {  	s20 =	sor.u32 $0x4000, s18;
	v2 =	vld [tilespmem:s7+$0x14300]  }
0x394: {  	[tilespmem:s20+$0x0] =	vst.add.f32.msk $0xffff, v0  }
0x395: {  	s20 =	sor.u32 $0x6180, s14;
	v0 =	vld [tilespmem:s18+$0x14080]  }
0x396: {  	[tilespmem:s20+$0x0] =	vst.add.f32.msk $0xffff, v1  }
0x397: {  	s29 =	sor.u32 s1, s17;
	s1 =	smov.u32 s10;
	s20 =	sor.u32 $0x4300, s7;
	v1 =	vld [tilespmem:s14+$0x16200]  }
0x398: {  	s17 =	smov.u32 s6;
	[tilespmem:s20+$0x0] =	vst.add.f32.msk $0xffff, v2;
	s20 =	sor.u32 $0x380, s29  }
0x399: {  	s30 =	sor.u32 $0x4080, s18;
	v2 =	vld [tilespmem:s20+$0x14000]  }
0x39a: {  	[tilespmem:s30+$0x0] =	vst.add.f32.msk $0xffff, v0  }
0x39b: {  	s30 =	sor.u32 $0x6200, s14;
	v0 =	vld [tilespmem:s18+$0x14100]  }
0x39c: {  	[tilespmem:s30+$0x0] =	vst.add.f32.msk $0xffff, v1  }
0x39d: {  	v1 =	vld [tilespmem:s14+$0x16280]  }
0x39e: {  	[tilespmem:s20+$0x4000] =	vst.add.f32.msk $0xffff, v2  }
0x39f: {  	s20 =	sor.u32 $0x4100, s18;
	v2 =	vld [tilespmem:s7+$0x16000]  }
0x3a0: {  	[tilespmem:s20+$0x0] =	vst.add.f32.msk $0xffff, v0  }
0x3a1: {  	s20 =	sor.u32 $0x6280, s14;
	v0 =	vld [tilespmem:s18+$0x14180]  }
0x3a2: {  	[tilespmem:s20+$0x0] =	vst.add.f32.msk $0xffff, v1  }
0x3a3: {  	s20 =	sor.u32 $0x6000, s7;
	v1 =	vld [tilespmem:s14+$0x16300]  }
0x3a4: {  	[tilespmem:s20+$0x0] =	vst.add.f32.msk $0xffff, v2  }
0x3a5: {  	s20 =	sor.u32 $0x4180, s18;
	v3 =	vld [tilespmem:s7+$0x16080]  }
0x3a6: {  	[tilespmem:s20+$0x0] =	vst.add.f32.msk $0xffff, v0  }
.Ltmp7:
0x3a7: {  	s20 =	sor.u32 $0x6300, s14;
	s14 =	smov.u32 s7;
	v2 =	vld [tilespmem:s18+$0x14200];
	(pc) =	sbr.rel @p1 .LBB2_13-.Ltmp7, $4  }
0x3a8: {  	s7 =	smov.u32 s18;
	[tilespmem:s20+$0x0] =	vst.add.f32.msk $0xffff, v1;
	s20 =	sor.u32 $0x2380, s9;
	s9 =	smov.u32 s29  }
0x3a9: {  	s18 =	sor.u32 $0x6080, s14;
	v0 =	vld [tilespmem:s20+$0x14000]  }
0x3aa: {  	[tilespmem:s18+$0x0] =	vst.add.f32.msk $0xffff, v3  }
0x3ab: {  	s18 =	sor.u32 $0x4200, s7;
	v1 =	vld [tilespmem:s14+$0x16100]  }
0x3ac: {  	[tilespmem:s18+$0x0] =	vst.add.f32.msk $0xffff, v2  }
0x3ad: {  	v2 =	vld [tilespmem:s7+$0x14280];
	_ =	sdelay $0x3  }
0x3ae: {  	s6 =	sor.u32 $0x4280, s7  }
0x3af: {  	[tilespmem:s6+$0x0] =	vst.add.f32.msk $0xffff, v2  }
0x3b0: {  	v2 =	vld [tilespmem:s7+$0x14300];
	_ =	sdelay $0x3  }
0x3b1: {  	s30 =	sor.u32 $0x4300, s7;
	s1 =	sor.u32 s1, s17  }
0x3b2: {  	s10 =	sor.u32 $0x380, s1;
	[tilespmem:s30+$0x0] =	vst.add.f32.msk $0xffff, v2  }
0x3b3: {  	v2 =	vld [tilespmem:s10+$0x14000];
	_ =	sdelay $0x4  }
0x3b4: {  	[tilespmem:s10+$0x4000] =	vst.add.f32.msk $0xffff, v2  }
0x3b5: {  	v2 =	vld [tilespmem:s7+$0x16000];
	_ =	sdelay $0x3  }
0x3b6: {  	s11 =	sor.u32 $0x6000, s7  }
0x3b7: {  	[tilespmem:s11+$0x0] =	vst.add.f32.msk $0xffff, v2  }
0x3b8: {  	v2 =	vld [tilespmem:s7+$0x16080];
	_ =	sdelay $0x3  }
0x3b9: {  	s17 =	sor.u32 $0x6080, s7  }
0x3ba: {  	[tilespmem:s17+$0x0] =	vst.add.f32.msk $0xffff, v2  }
0x3bb: {  	v2 =	vld [tilespmem:s7+$0x16100];
	_ =	sdelay $0x1  }
0x3bc: {  	s18 =	sor.u32 $0x6100, s14  }
0x3bd: {  	[tilespmem:s18+$0x0] =	vst.add.f32.msk $0xffff, v1  }
0x3be: {  	s29 =	sor.u32 $0x6100, s7;
	v1 =	vld [tilespmem:s14+$0x16180]  }
0x3bf: {  	[tilespmem:s29+$0x0] =	vst.add.f32.msk $0xffff, v2  }
0x3c0: {  	v2 =	vld [tilespmem:s7+$0x16180];
	_ =	sdelay $0x1  }
0x3c1: {  	s30 =	sor.u32 $0x6180, s14  }
0x3c2: {  	[tilespmem:s30+$0x0] =	vst.add.f32.msk $0xffff, v1  }
0x3c3: {  	v1 =	vld [tilespmem:s14+$0x16200];
	s10 =	sor.u32 $0x6180, s7  }
0x3c4: {  	[tilespmem:s10+$0x0] =	vst.add.f32.msk $0xffff, v2  }
0x3c5: {  	v2 =	vld [tilespmem:s7+$0x16200];
	_ =	sdelay $0x1  }
0x3c6: {  	s11 =	sor.u32 $0x6200, s14  }
0x3c7: {  	[tilespmem:s11+$0x0] =	vst.add.f32.msk $0xffff, v1  }
0x3c8: {  	v1 =	vld [tilespmem:s14+$0x16280];
	s17 =	sor.u32 $0x6200, s7  }
0x3c9: {  	[tilespmem:s17+$0x0] =	vst.add.f32.msk $0xffff, v2  }
0x3ca: {  	v2 =	vld [tilespmem:s7+$0x16280];
	_ =	sdelay $0x1  }
0x3cb: {  	s18 =	sor.u32 $0x6280, s14  }
0x3cc: {  	[tilespmem:s18+$0x0] =	vst.add.f32.msk $0xffff, v1  }
0x3cd: {  	v1 =	vld [tilespmem:s14+$0x16300];
	s29 =	sor.u32 $0x6280, s7  }
0x3ce: {  	[tilespmem:s29+$0x0] =	vst.add.f32.msk $0xffff, v2  }
0x3cf: {  	v2 =	vld [tilespmem:s7+$0x16300];
	_ =	sdelay $0x1  }
0x3d0: {  	s30 =	sor.u32 $0x6300, s14  }
0x3d1: {  	s9 =	sor.u32 $0x2380, s9;
	[tilespmem:s30+$0x0] =	vst.add.f32.msk $0xffff, v1  }
0x3d2: {  	v1 =	vld [tilespmem:s9+$0x14000];
	s10 =	sor.u32 $0x6300, s7  }
0x3d3: {  	s1 =	sor.u32 $0x2380, s1;
	[tilespmem:s10+$0x0] =	vst.add.f32.msk $0xffff, v2  }
0x3d4: {  	v2 =	vld [tilespmem:s1+$0x14000];
	_ =	sdelay $0x2  }
0x3d5: {  	[tilespmem:s20+$0x4000] =	vst.add.f32.msk $0xffff, v0  }
0x3d6: {  	[tilespmem:s9+$0x4000] =	vst.add.f32.msk $0xffff, v1  }
0x3d7: {  	s11 =	sadd.s32 s8, s12;
	s14 =	simm.s32 $0x4000;
	[tilespmem:s1+$0x4000] =	vst.add.f32.msk $0xffff, v2  }
0x3d8: {  	[hbm4b:s11+s4] =	stream.linear.scatter [tilespmem:s14], [sflag:$0x8], $0x4000, $0x38;
	[tilespmem:$0x18000] =	vst v63  }
0x3d9: {  	_ =	swait.ge [sflag:s24], $0x4000  }
0x3da: {  	[sflag:s24] =	ssyncset.done $0x0  }
0x3db: {  	[sflag:s24] =	ssyncadd.s32 $0xFFFFC000  }
0x3dc: {  	_ =	swait.ge [sflag:s25], $0x4000  }
0x3dd: {  	[sflag:s25] =	ssyncset.done $0x0;
	s1 =	rddreg [dreg:$0x7]  }
0x3de: {  	s6 =	simm.s32 @!p0 $0x0;
	[sflag:s25] =	ssyncadd.s32 $0xFFFFC000;
	s1 =	sadd.s32 @!p0 s15, s1  }
0x3df: {  	[tilespmem:s6], [sflag:$0x1] =	stream.linear.gather @!p0 [hbm4b:s1+s6], $0x4000, $0x38;
	[tilespmem:$0x18000] =	vst v63  }
0x3e0: {  	s7 =	simm.s32 $0x0;
	s6 =	simm.s32 $0x0  }
0x3e1: {  	s17 =	sand.u32 $0x70, s7;
	s18 =	sand.u32 $0x1C00, s6  }
0x3e2: {  	s1 =	sor.u32 s17, s18  }
0x3e3: {  	v0 =	vld [tilespmem:s1+$0x14000];
	_ =	sdelay $0x3  }
0x3e4: {  	s9 =	sor.u32 $0x8000, s1  }
0x3e5: {  	[tilespmem:s9+$0x0] =	vst.add.f32.msk $0xffff, v0  }
0x3e6: {  	v0 =	vld [tilespmem:s1+$0x14080];
	_ =	sdelay $0x3  }
0x3e7: {  	s20 =	sor.u32 $0x8080, s1  }
0x3e8: {  	[tilespmem:s20+$0x0] =	vst.add.f32.msk $0xffff, v0  }
0x3e9: {  	v0 =	vld [tilespmem:s1+$0x14100];
	_ =	sdelay $0x3  }
0x3ea: {  	s29 =	sor.u32 $0x8100, s1  }
0x3eb: {  	[tilespmem:s29+$0x0] =	vst.add.f32.msk $0xffff, v0  }
0x3ec: {  	v0 =	vld [tilespmem:s1+$0x14180];
	_ =	sdelay $0x3  }
0x3ed: {  	s30 =	sor.u32 $0x8180, s1  }
0x3ee: {  	[tilespmem:s30+$0x0] =	vst.add.f32.msk $0xffff, v0  }
0x3ef: {  	v0 =	vld [tilespmem:s1+$0x14200];
	_ =	sdelay $0x3  }
0x3f0: {  	s10 =	sor.u32 $0x8200, s1  }
0x3f1: {  	s18 =	simm.s32 $0x10;
	s9 =	simm.s32 $0x80;
	[tilespmem:s10+$0x0] =	vst.add.f32.msk $0xffff, v0  }
0x3f2: {  	s11 =	sand.u32 $0x1C00, s9;
	s10 =	sand.u32 $0x70, s18;
	v0 =	vld [tilespmem:s1+$0x14280]  }
0x3f3: {  	s14 =	sor.u32 s10, s11  }
0x3f4: {  	v1 =	vld [tilespmem:s14+$0x14000];
	_ =	sdelay $0x1  }
0x3f5: {  	s17 =	sor.u32 $0x8280, s1  }
0x3f6: {  	[tilespmem:s17+$0x0] =	vst.add.f32.msk $0xffff, v0  }
0x3f7: {  	s20 =	sor.u32 $0x8000, s14;
	v0 =	vld [tilespmem:s1+$0x14300]  }
0x3f8: {  	[tilespmem:s20+$0x0] =	vst.add.f32.msk $0xffff, v1  }
0x3f9: {  	v1 =	vld [tilespmem:s14+$0x14080];
	_ =	sdelay $0x1  }
0x3fa: {  	s29 =	sor.u32 $0x8300, s1;
	s17 =	sor.u32 s7, s6  }
0x3fb: {  	s6 =	sor.u32 $0x380, s17;
	[tilespmem:s29+$0x0] =	vst.add.f32.msk $0xffff, v0  }
0x3fc: {  	s30 =	sor.u32 $0x8080, s14;
	v0 =	vld [tilespmem:s6+$0x14000]  }
0x3fd: {  	[tilespmem:s30+$0x0] =	vst.add.f32.msk $0xffff, v1  }
0x3fe: {  	v1 =	vld [tilespmem:s14+$0x14100];
	_ =	sdelay $0x2  }
0x3ff: {  	[tilespmem:s6+$0x8000] =	vst.add.f32.msk $0xffff, v0  }
0x400: {  	s7 =	sor.u32 $0x8100, s14;
	v0 =	vld [tilespmem:s1+$0x16000]  }
0x401: {  	[tilespmem:s7+$0x0] =	vst.add.f32.msk $0xffff, v1  }
0x402: {  	v1 =	vld [tilespmem:s14+$0x14180];
	_ =	sdelay $0x1  }
0x403: {  	s10 =	sor.u32 $0xA000, s1  }
0x404: {  	[tilespmem:s10+$0x0] =	vst.add.f32.msk $0xffff, v0  }
0x405: {  	s11 =	sor.u32 $0x8180, s14;
	v0 =	vld [tilespmem:s1+$0x16080]  }
0x406: {  	[tilespmem:s11+$0x0] =	vst.add.f32.msk $0xffff, v1  }
0x407: {  	v1 =	vld [tilespmem:s14+$0x14200];
	_ =	sdelay $0x1  }
0x408: {  	s20 =	sor.u32 $0xA080, s1  }
0x409: {  	[tilespmem:s20+$0x0] =	vst.add.f32.msk $0xffff, v0  }
0x40a: {  	s29 =	sor.u32 $0x8200, s14;
	v0 =	vld [tilespmem:s1+$0x16100]  }
0x40b: {  	s6 =	simm.s32 $0x100;
	s10 =	simm.s32 $0x20;
	[tilespmem:s29+$0x0] =	vst.add.f32.msk $0xffff, v1  }
0x40c: {  	s30 =	sand.u32 $0x70, s10;
	s11 =	sand.u32 $0x1C00, s6;
	v1 =	vld [tilespmem:s14+$0x14280]  }
0x40d: {  	s7 =	sor.u32 s30, s11  }
0x40e: {  	v2 =	vld [tilespmem:s7+$0x14000];
	s29 =	sor.u32 $0xA100, s1  }
0x40f: {  	[tilespmem:s29+$0x0] =	vst.add.f32.msk $0xffff, v0  }
0x410: {  	s30 =	sor.u32 $0x8280, s14;
	v0 =	vld [tilespmem:s1+$0x16180]  }
0x411: {  	[tilespmem:s30+$0x0] =	vst.add.f32.msk $0xffff, v1  }
0x412: {  	s11 =	sor.u32 $0x8000, s7;
	v1 =	vld [tilespmem:s14+$0x14300]  }
0x413: {  	[tilespmem:s11+$0x0] =	vst.add.f32.msk $0xffff, v2  }
0x414: {  	v2 =	vld [tilespmem:s7+$0x14080];
	s29 =	sor.u32 $0xA180, s1  }
0x415: {  	[tilespmem:s29+$0x0] =	vst.add.f32.msk $0xffff, v0  }
0x416: {  	s9 =	sor.u32 s18, s9;
	s30 =	sor.u32 $0x8300, s14;
	v0 =	vld [tilespmem:s1+$0x16200]  }
0x417: {  	s18 =	sor.u32 $0x380, s9;
	[tilespmem:s30+$0x0] =	vst.add.f32.msk $0xffff, v1  }
0x418: {  	s11 =	sor.u32 $0x8080, s7;
	v1 =	vld [tilespmem:s18+$0x14000]  }
0x419: {  	[tilespmem:s11+$0x0] =	vst.add.f32.msk $0xffff, v2  }
0x41a: {  	v2 =	vld [tilespmem:s7+$0x14100];
	s29 =	sor.u32 $0xA200, s1  }
0x41b: {  	[tilespmem:s29+$0x0] =	vst.add.f32.msk $0xffff, v0  }
0x41c: {  	v0 =	vld [tilespmem:s1+$0x16280]  }
0x41d: {  	[tilespmem:s18+$0x8000] =	vst.add.f32.msk $0xffff, v1  }
0x41e: {  	s30 =	sor.u32 $0x8100, s7;
	v1 =	vld [tilespmem:s14+$0x16000]  }
0x41f: {  	[tilespmem:s30+$0x0] =	vst.add.f32.msk $0xffff, v2  }
0x420: {  	s11 =	sor.u32 $0xA280, s1;
	v2 =	vld [tilespmem:s7+$0x14180]  }
0x421: {  	[tilespmem:s11+$0x0] =	vst.add.f32.msk $0xffff, v0  }
0x422: {  	s20 =	sor.u32 $0xA000, s14;
	v0 =	vld [tilespmem:s1+$0x16300]  }
0x423: {  	[tilespmem:s20+$0x0] =	vst.add.f32.msk $0xffff, v1  }
0x424: {  	s29 =	sor.u32 $0x8180, s7;
	v1 =	vld [tilespmem:s14+$0x16080]  }
0x425: {  	[tilespmem:s29+$0x0] =	vst.add.f32.msk $0xffff, v2  }
0x426: {  	v2 =	vld [tilespmem:s7+$0x14200];
	s1 =	sor.u32 $0xA300, s1  }
0x427: {  	s20 =	sor.u32 $0x2380, s17;
	[tilespmem:s1+$0x0] =	vst.add.f32.msk $0xffff, v0  }
0x428: {  	s30 =	sor.u32 $0xA080, s14;
	v0 =	vld [tilespmem:s20+$0x14000]  }
0x429: {  	[tilespmem:s30+$0x0] =	vst.add.f32.msk $0xffff, v1  }
0x42a: {  	s18 =	sor.u32 $0x8200, s7;
	s17 =	simm.s32 $0x100;
	s1 =	simm.s32 $0x20;
	v1 =	vld [tilespmem:s14+$0x16100]  }
.LBB2_15:
0x42b: {  	s10 =	sadd.s32 $0x10, s10;
	[tilespmem:s18+$0x0] =	vst.add.f32.msk $0xffff, v2;
	s6 =	sadd.s32 $0x80, s6  }
0x42c: {  	s18 =	sand.u32 $0x70, s10;
	s29 =	sand.u32 $0x1C00, s6;
	p1 =	slt.u32 s10, $0x3F0;
	v2 =	vld [tilespmem:s7+$0x14280]  }
0x42d: {  	s18 =	sor.u32 s18, s29;
	[tilespmem:s20+$0x8000] =	vst.add.f32.msk $0xffff, v0  }
0x42e: {  	s20 =	sor.u32 $0xA100, s14;
	v0 =	vld [tilespmem:s18+$0x14000]  }
0x42f: {  	[tilespmem:s20+$0x0] =	vst.add.f32.msk $0xffff, v1  }
0x430: {  	s20 =	sor.u32 $0x8280, s7;
	v1 =	vld [tilespmem:s14+$0x16180]  }
0x431: {  	[tilespmem:s20+$0x0] =	vst.add.f32.msk $0xffff, v2  }
0x432: {  	s20 =	sor.u32 $0x8000, s18;
	v2 =	vld [tilespmem:s7+$0x14300]  }
0x433: {  	[tilespmem:s20+$0x0] =	vst.add.f32.msk $0xffff, v0  }
0x434: {  	s20 =	sor.u32 $0xA180, s14;
	v0 =	vld [tilespmem:s18+$0x14080]  }
0x435: {  	[tilespmem:s20+$0x0] =	vst.add.f32.msk $0xffff, v1  }
0x436: {  	s29 =	sor.u32 s1, s17;
	s1 =	smov.u32 s10;
	s20 =	sor.u32 $0x8300, s7;
	v1 =	vld [tilespmem:s14+$0x16200]  }
0x437: {  	s17 =	smov.u32 s6;
	[tilespmem:s20+$0x0] =	vst.add.f32.msk $0xffff, v2;
	s20 =	sor.u32 $0x380, s29  }
0x438: {  	s30 =	sor.u32 $0x8080, s18;
	v2 =	vld [tilespmem:s20+$0x14000]  }
0x439: {  	[tilespmem:s30+$0x0] =	vst.add.f32.msk $0xffff, v0  }
0x43a: {  	s30 =	sor.u32 $0xA200, s14;
	v0 =	vld [tilespmem:s18+$0x14100]  }
0x43b: {  	[tilespmem:s30+$0x0] =	vst.add.f32.msk $0xffff, v1  }
0x43c: {  	v1 =	vld [tilespmem:s14+$0x16280]  }
0x43d: {  	[tilespmem:s20+$0x8000] =	vst.add.f32.msk $0xffff, v2  }
0x43e: {  	s20 =	sor.u32 $0x8100, s18;
	v2 =	vld [tilespmem:s7+$0x16000]  }
0x43f: {  	[tilespmem:s20+$0x0] =	vst.add.f32.msk $0xffff, v0  }
0x440: {  	s20 =	sor.u32 $0xA280, s14;
	v0 =	vld [tilespmem:s18+$0x14180]  }
0x441: {  	[tilespmem:s20+$0x0] =	vst.add.f32.msk $0xffff, v1  }
0x442: {  	s20 =	sor.u32 $0xA000, s7;
	v1 =	vld [tilespmem:s14+$0x16300]  }
0x443: {  	[tilespmem:s20+$0x0] =	vst.add.f32.msk $0xffff, v2  }
0x444: {  	s20 =	sor.u32 $0x8180, s18;
	v3 =	vld [tilespmem:s7+$0x16080]  }
0x445: {  	[tilespmem:s20+$0x0] =	vst.add.f32.msk $0xffff, v0  }
.Ltmp8:
0x446: {  	s20 =	sor.u32 $0xA300, s14;
	s14 =	smov.u32 s7;
	v2 =	vld [tilespmem:s18+$0x14200];
	(pc) =	sbr.rel @p1 .LBB2_15-.Ltmp8, $4  }
0x447: {  	s7 =	smov.u32 s18;
	[tilespmem:s20+$0x0] =	vst.add.f32.msk $0xffff, v1;
	s20 =	sor.u32 $0x2380, s9;
	s9 =	smov.u32 s29  }
0x448: {  	s18 =	sor.u32 $0xA080, s14;
	v0 =	vld [tilespmem:s20+$0x14000]  }
0x449: {  	[tilespmem:s18+$0x0] =	vst.add.f32.msk $0xffff, v3  }
0x44a: {  	s18 =	sor.u32 $0x8200, s7;
	v1 =	vld [tilespmem:s14+$0x16100]  }
0x44b: {  	[tilespmem:s18+$0x0] =	vst.add.f32.msk $0xffff, v2  }
0x44c: {  	v2 =	vld [tilespmem:s7+$0x14280];
	_ =	sdelay $0x3  }
0x44d: {  	s6 =	sor.u32 $0x8280, s7  }
0x44e: {  	[tilespmem:s6+$0x0] =	vst.add.f32.msk $0xffff, v2  }
0x44f: {  	v2 =	vld [tilespmem:s7+$0x14300];
	_ =	sdelay $0x3  }
0x450: {  	s18 =	sor.u32 $0x8300, s7;
	s1 =	sor.u32 s1, s17  }
0x451: {  	s29 =	sor.u32 $0x380, s1;
	[tilespmem:s18+$0x0] =	vst.add.f32.msk $0xffff, v2  }
0x452: {  	v2 =	vld [tilespmem:s29+$0x14000];
	_ =	sdelay $0x4  }
0x453: {  	[tilespmem:s29+$0x8000] =	vst.add.f32.msk $0xffff, v2  }
0x454: {  	v2 =	vld [tilespmem:s7+$0x16000];
	_ =	sdelay $0x3  }
0x455: {  	s30 =	sor.u32 $0xA000, s7  }
0x456: {  	[tilespmem:s30+$0x0] =	vst.add.f32.msk $0xffff, v2  }
0x457: {  	v2 =	vld [tilespmem:s7+$0x16080];
	_ =	sdelay $0x3  }
0x458: {  	s10 =	sor.u32 $0xA080, s7  }
0x459: {  	[tilespmem:s10+$0x0] =	vst.add.f32.msk $0xffff, v2  }
0x45a: {  	v2 =	vld [tilespmem:s7+$0x16100];
	_ =	sdelay $0x1  }
0x45b: {  	s11 =	sor.u32 $0xA100, s14  }
0x45c: {  	[tilespmem:s11+$0x0] =	vst.add.f32.msk $0xffff, v1  }
0x45d: {  	s17 =	sor.u32 $0xA100, s7;
	v1 =	vld [tilespmem:s14+$0x16180]  }
0x45e: {  	[tilespmem:s17+$0x0] =	vst.add.f32.msk $0xffff, v2  }
0x45f: {  	v2 =	vld [tilespmem:s7+$0x16180];
	_ =	sdelay $0x1  }
0x460: {  	s18 =	sor.u32 $0xA180, s14  }
0x461: {  	[tilespmem:s18+$0x0] =	vst.add.f32.msk $0xffff, v1  }
0x462: {  	v1 =	vld [tilespmem:s14+$0x16200];
	s29 =	sor.u32 $0xA180, s7  }
0x463: {  	[tilespmem:s29+$0x0] =	vst.add.f32.msk $0xffff, v2  }
0x464: {  	v2 =	vld [tilespmem:s7+$0x16200];
	_ =	sdelay $0x1  }
0x465: {  	s30 =	sor.u32 $0xA200, s14  }
0x466: {  	[tilespmem:s30+$0x0] =	vst.add.f32.msk $0xffff, v1  }
0x467: {  	v1 =	vld [tilespmem:s14+$0x16280];
	s10 =	sor.u32 $0xA200, s7  }
0x468: {  	[tilespmem:s10+$0x0] =	vst.add.f32.msk $0xffff, v2  }
0x469: {  	v2 =	vld [tilespmem:s7+$0x16280];
	_ =	sdelay $0x1  }
0x46a: {  	s11 =	sor.u32 $0xA280, s14  }
0x46b: {  	[tilespmem:s11+$0x0] =	vst.add.f32.msk $0xffff, v1  }
0x46c: {  	v1 =	vld [tilespmem:s14+$0x16300];
	s17 =	sor.u32 $0xA280, s7  }
0x46d: {  	[tilespmem:s17+$0x0] =	vst.add.f32.msk $0xffff, v2  }
0x46e: {  	v2 =	vld [tilespmem:s7+$0x16300];
	_ =	sdelay $0x1  }
0x46f: {  	s18 =	sor.u32 $0xA300, s14  }
0x470: {  	[tilespmem:s18+$0x0] =	vst.add.f32.msk $0xffff, v1;
	s29 =	sor.u32 $0x2380, s9  }
0x471: {  	s30 =	sor.u32 $0xA300, s7;
	v1 =	vld [tilespmem:s29+$0x14000]  }
0x472: {  	s1 =	sor.u32 $0x2380, s1;
	[tilespmem:s30+$0x0] =	vst.add.f32.msk $0xffff, v2  }
0x473: {  	v2 =	vld [tilespmem:s1+$0x14000];
	_ =	sdelay $0x2  }
0x474: {  	[tilespmem:s20+$0x8000] =	vst.add.f32.msk $0xffff, v0  }
0x475: {  	[tilespmem:s29+$0x8000] =	vst.add.f32.msk $0xffff, v1  }
0x476: {  	s6 =	sadd.s32 s8, s13;
	[tilespmem:s1+$0x8000] =	vst.add.f32.msk $0xffff, v2  }
0x477: {  	[hbm4b:s6+s4] =	stream.linear.scatter [tilespmem:s21], [sflag:$0x9], $0x4000, $0x38;
	[tilespmem:$0x18000] =	vst v63  }
0x478: {  	_ =	swait.ge [sflag:s26], $0x4000  }
0x479: {  	[sflag:s26] =	ssyncset.done $0x0  }
0x47a: {  	[sflag:s26] =	ssyncadd.s32 $0xFFFFC000  }
0x47b: {  	_ =	swait.ge [sflag:s28], $0x4000  }
0x47c: {  	s7 =	simm.s32 @!p0 $0x4000;
	[sflag:s28] =	ssyncset.done $0x0;
	s1 =	rddreg [dreg:$0x8]  }
0x47d: {  	s6 =	simm.s32 @!p0 $0x0;
	[sflag:s28] =	ssyncadd.s32 $0xFFFFC000;
	s1 =	sadd.s32 @!p0 s15, s1  }
0x47e: {  	[tilespmem:s7], [sflag:$0x2] =	stream.linear.gather @!p0 [hbm4b:s1+s6], $0x4000, $0x38;
	[tilespmem:$0x18000] =	vst v63  }
0x47f: {  	s30 =	simm.s32 $0x0;
	s7 =	simm.s32 $0x0  }
0x480: {  	s8 =	sand.u32 $0x70, s30;
	s9 =	sand.u32 $0x1C00, s7  }
0x481: {  	s1 =	sor.u32 s8, s9  }
0x482: {  	v0 =	vld [tilespmem:s1+$0x14000];
	_ =	sdelay $0x3  }
0x483: {  	s8 =	sor.u32 $0xC000, s1  }
0x484: {  	[tilespmem:s8+$0x0] =	vst.add.f32.msk $0xffff, v0  }
0x485: {  	v0 =	vld [tilespmem:s1+$0x14080];
	_ =	sdelay $0x3  }
0x486: {  	s10 =	sor.u32 $0xC080, s1  }
0x487: {  	[tilespmem:s10+$0x0] =	vst.add.f32.msk $0xffff, v0  }
0x488: {  	v0 =	vld [tilespmem:s1+$0x14100];
	_ =	sdelay $0x3  }
0x489: {  	s11 =	sor.u32 $0xC100, s1  }
0x48a: {  	[tilespmem:s11+$0x0] =	vst.add.f32.msk $0xffff, v0  }
0x48b: {  	v0 =	vld [tilespmem:s1+$0x14180];
	_ =	sdelay $0x3  }
0x48c: {  	s14 =	sor.u32 $0xC180, s1  }
0x48d: {  	[tilespmem:s14+$0x0] =	vst.add.f32.msk $0xffff, v0  }
0x48e: {  	v0 =	vld [tilespmem:s1+$0x14200];
	_ =	sdelay $0x3  }
0x48f: {  	s15 =	sor.u32 $0xC200, s1  }
0x490: {  	s9 =	simm.s32 $0x10;
	[tilespmem:s15+$0x0] =	vst.add.f32.msk $0xffff, v0;
	s15 =	simm.s32 $0x80  }
0x491: {  	s17 =	sand.u32 $0x70, s9;
	s10 =	sand.u32 $0x1C00, s15;
	v0 =	vld [tilespmem:s1+$0x14280]  }
0x492: {  	s8 =	sor.u32 s17, s10  }
0x493: {  	v1 =	vld [tilespmem:s8+$0x14000];
	_ =	sdelay $0x1  }
0x494: {  	s18 =	sor.u32 $0xC280, s1  }
0x495: {  	[tilespmem:s18+$0x0] =	vst.add.f32.msk $0xffff, v0  }
0x496: {  	s20 =	sor.u32 $0xC000, s8;
	v0 =	vld [tilespmem:s1+$0x14300]  }
0x497: {  	[tilespmem:s20+$0x0] =	vst.add.f32.msk $0xffff, v1  }
0x498: {  	v1 =	vld [tilespmem:s8+$0x14080];
	_ =	sdelay $0x1  }
0x499: {  	s29 =	sor.u32 $0xC300, s1;
	s14 =	sor.u32 s30, s7  }
0x49a: {  	s6 =	sor.u32 $0x380, s14;
	[tilespmem:s29+$0x0] =	vst.add.f32.msk $0xffff, v0  }
0x49b: {  	s30 =	sor.u32 $0xC080, s8;
	v0 =	vld [tilespmem:s6+$0x14000]  }
0x49c: {  	[tilespmem:s30+$0x0] =	vst.add.f32.msk $0xffff, v1  }
0x49d: {  	v1 =	vld [tilespmem:s8+$0x14100];
	_ =	sdelay $0x2  }
0x49e: {  	[tilespmem:s6+$0xC000] =	vst.add.f32.msk $0xffff, v0  }
0x49f: {  	s7 =	sor.u32 $0xC100, s8;
	v0 =	vld [tilespmem:s1+$0x16000]  }
0x4a0: {  	[tilespmem:s7+$0x0] =	vst.add.f32.msk $0xffff, v1  }
0x4a1: {  	v1 =	vld [tilespmem:s8+$0x14180];
	_ =	sdelay $0x1  }
0x4a2: {  	s10 =	sor.u32 $0xE000, s1  }
0x4a3: {  	[tilespmem:s10+$0x0] =	vst.add.f32.msk $0xffff, v0  }
0x4a4: {  	s11 =	sor.u32 $0xC180, s8;
	v0 =	vld [tilespmem:s1+$0x16080]  }
0x4a5: {  	[tilespmem:s11+$0x0] =	vst.add.f32.msk $0xffff, v1  }
0x4a6: {  	v1 =	vld [tilespmem:s8+$0x14200];
	_ =	sdelay $0x1  }
0x4a7: {  	s17 =	sor.u32 $0xE080, s1  }
0x4a8: {  	[tilespmem:s17+$0x0] =	vst.add.f32.msk $0xffff, v0  }
0x4a9: {  	s18 =	sor.u32 $0xC200, s8;
	v0 =	vld [tilespmem:s1+$0x16100]  }
0x4aa: {  	s6 =	simm.s32 $0x100;
	s10 =	simm.s32 $0x20;
	[tilespmem:s18+$0x0] =	vst.add.f32.msk $0xffff, v1  }
0x4ab: {  	s29 =	sand.u32 $0x1C00, s6;
	s20 =	sand.u32 $0x70, s10;
	v1 =	vld [tilespmem:s8+$0x14280]  }
0x4ac: {  	s7 =	sor.u32 s20, s29  }
0x4ad: {  	s30 =	sor.u32 $0xE100, s1;
	v2 =	vld [tilespmem:s7+$0x14000]  }
0x4ae: {  	[tilespmem:s30+$0x0] =	vst.add.f32.msk $0xffff, v0  }
0x4af: {  	s11 =	sor.u32 $0xC280, s8;
	v0 =	vld [tilespmem:s1+$0x16180]  }
0x4b0: {  	[tilespmem:s11+$0x0] =	vst.add.f32.msk $0xffff, v1  }
0x4b1: {  	s18 =	sor.u32 $0xC000, s7;
	v1 =	vld [tilespmem:s8+$0x14300]  }
0x4b2: {  	[tilespmem:s18+$0x0] =	vst.add.f32.msk $0xffff, v2  }
0x4b3: {  	s20 =	sor.u32 $0xE180, s1;
	v2 =	vld [tilespmem:s7+$0x14080]  }
0x4b4: {  	[tilespmem:s20+$0x0] =	vst.add.f32.msk $0xffff, v0  }
0x4b5: {  	s9 =	sor.u32 s9, s15;
	s29 =	sor.u32 $0xC300, s8;
	v0 =	vld [tilespmem:s1+$0x16200]  }
0x4b6: {  	s15 =	sor.u32 $0x380, s9;
	[tilespmem:s29+$0x0] =	vst.add.f32.msk $0xffff, v1  }
0x4b7: {  	s30 =	sor.u32 $0xC080, s7;
	v1 =	vld [tilespmem:s15+$0x14000]  }
0x4b8: {  	[tilespmem:s30+$0x0] =	vst.add.f32.msk $0xffff, v2  }
0x4b9: {  	s11 =	sor.u32 $0xE200, s1;
	v2 =	vld [tilespmem:s7+$0x14100]  }
0x4ba: {  	[tilespmem:s11+$0x0] =	vst.add.f32.msk $0xffff, v0  }
0x4bb: {  	v0 =	vld [tilespmem:s1+$0x16280]  }
0x4bc: {  	[tilespmem:s15+$0xC000] =	vst.add.f32.msk $0xffff, v1  }
0x4bd: {  	s17 =	sor.u32 $0xC100, s7;
	v1 =	vld [tilespmem:s8+$0x16000]  }
0x4be: {  	[tilespmem:s17+$0x0] =	vst.add.f32.msk $0xffff, v2  }
0x4bf: {  	s18 =	sor.u32 $0xE280, s1;
	v2 =	vld [tilespmem:s7+$0x14180]  }
0x4c0: {  	[tilespmem:s18+$0x0] =	vst.add.f32.msk $0xffff, v0  }
0x4c1: {  	s20 =	sor.u32 $0xE000, s8;
	v0 =	vld [tilespmem:s1+$0x16300]  }
0x4c2: {  	[tilespmem:s20+$0x0] =	vst.add.f32.msk $0xffff, v1  }
0x4c3: {  	s29 =	sor.u32 $0xC180, s7;
	v1 =	vld [tilespmem:s8+$0x16080]  }
0x4c4: {  	[tilespmem:s29+$0x0] =	vst.add.f32.msk $0xffff, v2  }
0x4c5: {  	v2 =	vld [tilespmem:s7+$0x14200];
	s1 =	sor.u32 $0xE300, s1  }
0x4c6: {  	s15 =	sor.u32 $0x2380, s14;
	[tilespmem:s1+$0x0] =	vst.add.f32.msk $0xffff, v0  }
0x4c7: {  	s30 =	sor.u32 $0xE080, s8;
	v0 =	vld [tilespmem:s15+$0x14000]  }
0x4c8: {  	[tilespmem:s30+$0x0] =	vst.add.f32.msk $0xffff, v1  }
0x4c9: {  	s17 =	sor.u32 $0xC200, s7;
	s14 =	simm.s32 $0x100;
	s1 =	simm.s32 $0x20;
	v1 =	vld [tilespmem:s8+$0x16100]  }
.LBB2_17:
0x4ca: {  	s10 =	sadd.s32 $0x10, s10;
	[tilespmem:s17+$0x0] =	vst.add.f32.msk $0xffff, v2;
	s6 =	sadd.s32 $0x80, s6  }
0x4cb: {  	s17 =	sand.u32 $0x70, s10;
	s18 =	sand.u32 $0x1C00, s6;
	p1 =	slt.u32 s10, $0x3F0;
	v2 =	vld [tilespmem:s7+$0x14280]  }
0x4cc: {  	s17 =	sor.u32 s17, s18;
	[tilespmem:s15+$0xC000] =	vst.add.f32.msk $0xffff, v0  }
0x4cd: {  	s15 =	sor.u32 $0xE100, s8;
	v0 =	vld [tilespmem:s17+$0x14000]  }
0x4ce: {  	[tilespmem:s15+$0x0] =	vst.add.f32.msk $0xffff, v1  }
0x4cf: {  	s15 =	sor.u32 $0xC280, s7;
	v1 =	vld [tilespmem:s8+$0x16180]  }
0x4d0: {  	[tilespmem:s15+$0x0] =	vst.add.f32.msk $0xffff, v2  }
0x4d1: {  	s15 =	sor.u32 $0xC000, s17;
	v2 =	vld [tilespmem:s7+$0x14300]  }
0x4d2: {  	[tilespmem:s15+$0x0] =	vst.add.f32.msk $0xffff, v0  }
0x4d3: {  	s15 =	sor.u32 $0xE180, s8;
	v0 =	vld [tilespmem:s17+$0x14080]  }
0x4d4: {  	[tilespmem:s15+$0x0] =	vst.add.f32.msk $0xffff, v1  }
0x4d5: {  	s18 =	sor.u32 s1, s14;
	s1 =	smov.u32 s10;
	s15 =	sor.u32 $0xC300, s7;
	v1 =	vld [tilespmem:s8+$0x16200]  }
0x4d6: {  	s14 =	smov.u32 s6;
	[tilespmem:s15+$0x0] =	vst.add.f32.msk $0xffff, v2;
	s15 =	sor.u32 $0x380, s18  }
0x4d7: {  	s20 =	sor.u32 $0xC080, s17;
	v2 =	vld [tilespmem:s15+$0x14000]  }
0x4d8: {  	[tilespmem:s20+$0x0] =	vst.add.f32.msk $0xffff, v0  }
0x4d9: {  	s20 =	sor.u32 $0xE200, s8;
	v0 =	vld [tilespmem:s17+$0x14100]  }
0x4da: {  	[tilespmem:s20+$0x0] =	vst.add.f32.msk $0xffff, v1  }
0x4db: {  	v1 =	vld [tilespmem:s8+$0x16280]  }
0x4dc: {  	[tilespmem:s15+$0xC000] =	vst.add.f32.msk $0xffff, v2  }
0x4dd: {  	s15 =	sor.u32 $0xC100, s17;
	v2 =	vld [tilespmem:s7+$0x16000]  }
0x4de: {  	[tilespmem:s15+$0x0] =	vst.add.f32.msk $0xffff, v0  }
0x4df: {  	s15 =	sor.u32 $0xE280, s8;
	v0 =	vld [tilespmem:s17+$0x14180]  }
0x4e0: {  	[tilespmem:s15+$0x0] =	vst.add.f32.msk $0xffff, v1  }
0x4e1: {  	s15 =	sor.u32 $0xE000, s7;
	v1 =	vld [tilespmem:s8+$0x16300]  }
0x4e2: {  	[tilespmem:s15+$0x0] =	vst.add.f32.msk $0xffff, v2  }
0x4e3: {  	s15 =	sor.u32 $0xC180, s17;
	v3 =	vld [tilespmem:s7+$0x16080]  }
0x4e4: {  	[tilespmem:s15+$0x0] =	vst.add.f32.msk $0xffff, v0  }
.Ltmp9:
0x4e5: {  	s15 =	sor.u32 $0xE300, s8;
	s8 =	smov.u32 s7;
	v2 =	vld [tilespmem:s17+$0x14200];
	(pc) =	sbr.rel @p1 .LBB2_17-.Ltmp9, $4  }
0x4e6: {  	s7 =	smov.u32 s17;
	[tilespmem:s15+$0x0] =	vst.add.f32.msk $0xffff, v1;
	s15 =	sor.u32 $0x2380, s9;
	s9 =	smov.u32 s18  }
0x4e7: {  	s17 =	sor.u32 $0xE080, s8;
	v0 =	vld [tilespmem:s15+$0x14000]  }
0x4e8: {  	[tilespmem:s17+$0x0] =	vst.add.f32.msk $0xffff, v3  }
0x4e9: {  	s17 =	sor.u32 $0xC200, s7;
	v1 =	vld [tilespmem:s8+$0x16100]  }
0x4ea: {  	[tilespmem:s17+$0x0] =	vst.add.f32.msk $0xffff, v2  }
0x4eb: {  	v2 =	vld [tilespmem:s7+$0x14280];
	_ =	sdelay $0x3  }
0x4ec: {  	s6 =	sor.u32 $0xC280, s7  }
0x4ed: {  	[tilespmem:s6+$0x0] =	vst.add.f32.msk $0xffff, v2  }
0x4ee: {  	v2 =	vld [tilespmem:s7+$0x14300];
	_ =	sdelay $0x3  }
0x4ef: {  	s11 =	sor.u32 $0xC300, s7;
	s1 =	sor.u32 s1, s14  }
0x4f0: {  	s14 =	sor.u32 $0x380, s1;
	[tilespmem:s11+$0x0] =	vst.add.f32.msk $0xffff, v2  }
0x4f1: {  	v2 =	vld [tilespmem:s14+$0x14000];
	_ =	sdelay $0x4  }
0x4f2: {  	[tilespmem:s14+$0xC000] =	vst.add.f32.msk $0xffff, v2  }
0x4f3: {  	v2 =	vld [tilespmem:s7+$0x16000];
	_ =	sdelay $0x3  }
0x4f4: {  	s17 =	sor.u32 $0xE000, s7  }
0x4f5: {  	[tilespmem:s17+$0x0] =	vst.add.f32.msk $0xffff, v2  }
0x4f6: {  	v2 =	vld [tilespmem:s7+$0x16080];
	_ =	sdelay $0x3  }
0x4f7: {  	s18 =	sor.u32 $0xE080, s7  }
0x4f8: {  	[tilespmem:s18+$0x0] =	vst.add.f32.msk $0xffff, v2  }
0x4f9: {  	v2 =	vld [tilespmem:s7+$0x16100];
	_ =	sdelay $0x1  }
0x4fa: {  	s20 =	sor.u32 $0xE100, s8  }
0x4fb: {  	[tilespmem:s20+$0x0] =	vst.add.f32.msk $0xffff, v1  }
0x4fc: {  	s29 =	sor.u32 $0xE100, s7;
	v1 =	vld [tilespmem:s8+$0x16180]  }
0x4fd: {  	[tilespmem:s29+$0x0] =	vst.add.f32.msk $0xffff, v2  }
0x4fe: {  	v2 =	vld [tilespmem:s7+$0x16180];
	_ =	sdelay $0x1  }
0x4ff: {  	s30 =	sor.u32 $0xE180, s8  }
0x500: {  	[tilespmem:s30+$0x0] =	vst.add.f32.msk $0xffff, v1  }
0x501: {  	s10 =	sor.u32 $0xE180, s7;
	v1 =	vld [tilespmem:s8+$0x16200]  }
0x502: {  	[tilespmem:s10+$0x0] =	vst.add.f32.msk $0xffff, v2  }
0x503: {  	v2 =	vld [tilespmem:s7+$0x16200];
	_ =	sdelay $0x1  }
0x504: {  	s11 =	sor.u32 $0xE200, s8  }
0x505: {  	[tilespmem:s11+$0x0] =	vst.add.f32.msk $0xffff, v1  }
0x506: {  	v1 =	vld [tilespmem:s8+$0x16280];
	s14 =	sor.u32 $0xE200, s7  }
0x507: {  	[tilespmem:s14+$0x0] =	vst.add.f32.msk $0xffff, v2  }
0x508: {  	v2 =	vld [tilespmem:s7+$0x16280];
	_ =	sdelay $0x1  }
0x509: {  	s17 =	sor.u32 $0xE280, s8  }
0x50a: {  	[tilespmem:s17+$0x0] =	vst.add.f32.msk $0xffff, v1  }
0x50b: {  	v1 =	vld [tilespmem:s8+$0x16300];
	s18 =	sor.u32 $0xE280, s7  }
0x50c: {  	[tilespmem:s18+$0x0] =	vst.add.f32.msk $0xffff, v2  }
0x50d: {  	v2 =	vld [tilespmem:s7+$0x16300];
	_ =	sdelay $0x1  }
0x50e: {  	s20 =	sor.u32 $0xE300, s8  }
0x50f: {  	[tilespmem:s20+$0x0] =	vst.add.f32.msk $0xffff, v1;
	s29 =	sor.u32 $0x2380, s9  }
0x510: {  	s30 =	sor.u32 $0xE300, s7;
	v1 =	vld [tilespmem:s29+$0x14000]  }
0x511: {  	s1 =	sor.u32 $0x2380, s1;
	[tilespmem:s30+$0x0] =	vst.add.f32.msk $0xffff, v2  }
0x512: {  	v2 =	vld [tilespmem:s1+$0x14000];
	_ =	sdelay $0x1  }
.Ltmp10:
0x513: {  	_ = 	snop;
	(pc) =	sbr.rel @p0 .LBB2_20-.Ltmp10, $4  }
0x514: {  	[tilespmem:s15+$0xC000] =	vst.add.f32.msk $0xffff, v0  }
0x515: {  	[tilespmem:s29+$0xC000] =	vst.add.f32.msk $0xffff, v1  }
0x516: {  	s0 =	sadd.s32 s2, s0;
	[tilespmem:s1+$0xC000] =	vst.add.f32.msk $0xffff, v2  }
0x517: {  	[hbm4b:s0+s4] =	stream.linear.scatter [tilespmem:s23], [sflag:$0xA], $0x4000, $0x38;
	[tilespmem:$0x18000] =	vst v63  }
.Ltmp11:
0x518: {  	(pc) =	sbr.rel .LBB2_2-.Ltmp11, $4  }
0x519: {  	_ = 	snop  }
0x51a: {  	s0 =	rddreg [dreg:$0xa]  }
0x51b: {  	s1 =	simm.s32 $0x14000;
	s3 =	sadd.s32 $0x1, s3;
	s0 =	sadd.s32 s16, s0  }
0x51c: {  	[tilespmem:s1], [sflag:$0x6] =	stream.linear.gather [hbm4b:s0+s4], $0x4000, $0x38;
	[tilespmem:$0x18000] =	vst v63  }
.LBB2_21:
0x51d: {  	_ =	sfence.sel $0x180000  }
0x51e: {  	[bflag:$0x0] =	sbarrier.arrive $0xFFFF  }
0x51f: {  	_ =	strace $0x90000047  }
0x520: {  	s0 =	stileid.u32;
	[bflag:$0x2] =	sbarrier.arrive $0xFFFF  }
0x521: {  	p0 =	sne.s32 s0, $0x0;
	s0 =	rddreg [dreg:$0x3]  }
0x522: {  	s0 =	sadd.s32 @!p0 $0x100000, s0  }
0x523: {  	[sflag:s0] =	ssyncadd.tile.s32 @!p0 $0x1;
	_ =	shalt  }
.Lfunc_end2:
_tile_overlayer_lowered:
.L_overlay_start_2:
0x524: {  	(tag) =	ssettag $0x2  }
0x525: {  	s0 =	rddreg [dreg:$0x0];
	s2 =	stileid.u32  }
0x526: {  	s1 =	rddreg [dreg:$0x1];
	p0 =	sne.s32 s2, $0x0  }
0x527: {  	s3 =	rddreg [dreg:$0x2];
	[bflag:$0x3] =	sbarrier.arrive $0xFFFF;
	s2 =	simm.s32 @!p0 $0x1C0B  }
0x528: {  	[timem:s3], [sflag:s2] =	dma.local @!p0 [hbm:s0], s1  }
0x529: {  	s0 =	simm.s32 @!p0 $0xB  }
0x52a: {  	_ =	swait.ge @!p0 [sflag:s0], s1  }
0x52b: {  	s1 =	ssub.s32 @!p0 $0x0, s1;
	[sflag:s0] =	ssyncset.done @!p0 $0x0  }
0x52c: {  	[sflag:s0] =	ssyncadd.s32 @!p0 s1  }
0x52d: {  	[bflag:$0x3] =	sbarrier.arrive $0xFFFF  }
0x52e: {  	_ =	shalt  }

</sc_bundles>
